<compile_context>
chip_gen: v7x
topology: tpu7x:2x2x1
jax: 0.10.2.dev20260603
libtpu: 0.0.44.dev20260713+nightly
codegen_flags: <defaults>
</compile_context>

<pallas_src>
import jax
import jax.numpy as jnp
from jax import lax
from jax.experimental import pallas as pl
from jax.experimental.pallas import tpu as pltpu
from jax.experimental.pallas import tpu_sc as plsc

N_NODES = 10000
N_INC = 320000
D = 128
NC = 2
NS = 16
NW = NC * NS
BINS = 5120
GARB = 128
ROWS = BINS + GARB
NPAD = 2 * BINS
BI = 80
CHUNK = N_INC // NS
NB = CHUNK // BI
STRIPE = ROWS // NS
HCHUNK = N_INC // NW
HNB = HCHUNK // BI
HSTRIPE = NPAD // NS
CW = 16

_mesh = plsc.VectorSubcoreMesh(core_axis_name="c", subcore_axis_name="s")


def _zero_fill_2d(buf, rows, width):
    z16 = jnp.zeros((16,), jnp.float32)

    def body(i, _):
        for k in range(width // 16):
            buf[i, pl.ds(k * 16, 16)] = z16
        return 0

    lax.fori_loop(0, rows, body, 0)


def _sc_aggregate(rows_hbm, widx_hbm, ridx_hbm, acc_out,
                  widx2d, ridx2d, rowbuf, rowbuf2, sem, sem2, acc_sp):
    c = lax.axis_index("c")
    s = lax.axis_index("s")
    lo = c * BINS

    _zero_fill_2d(rowbuf, BI, D)

    def zstripe(r, _):
        pltpu.sync_copy(rowbuf, acc_sp.at[pl.ds(s * STRIPE + r * BI, BI)])
        return 0

    lax.fori_loop(0, STRIPE // BI, zstripe, 0)
    tail = STRIPE - (STRIPE // BI) * BI
    toff = s * STRIPE + (STRIPE // BI) * BI
    if tail:
        pltpu.sync_copy(rowbuf.at[pl.ds(0, tail)],
                        acc_sp.at[pl.ds(toff, tail)])

    pltpu.sync_copy(widx_hbm.at[s], widx2d)
    pltpu.sync_copy(ridx_hbm.at[s], ridx2d)

    def remap(j, _):
        for k in range(BI // 16):
            idx = widx2d[j, pl.ds(k * 16, 16)]
            local = idx - lo
            oob = (local < 0) | (local >= BINS)
            garb = BINS + (idx & (GARB - 1))
            widx2d[j, pl.ds(k * 16, 16)] = jnp.where(oob, garb, local)
        return 0

    lax.fori_loop(0, NB, remap, 0)
    plsc.subcore_barrier()

    def step(g, _):
        j = 2 * g
        dga = pltpu.async_copy(rows_hbm.at[ridx2d.at[j]], rowbuf, sem)
        dgb = pltpu.async_copy(rows_hbm.at[ridx2d.at[j + 1]], rowbuf2, sem2)
        dga.wait()
        dgb.wait()
        dsa = pltpu.async_copy(rowbuf, acc_sp.at[widx2d.at[j]], sem,
                               add=True)
        dsb = pltpu.async_copy(rowbuf2, acc_sp.at[widx2d.at[j + 1]], sem2,
                               add=True)
        dsa.wait()
        dsb.wait()
        return 0

    lax.fori_loop(0, NB // 2, step, 0)
    plsc.subcore_barrier()

    def bounce(r, _):
        pltpu.sync_copy(acc_sp.at[pl.ds(s * STRIPE + r * BI, BI)], rowbuf)
        pltpu.sync_copy(rowbuf, acc_out.at[c, pl.ds(s * STRIPE + r * BI, BI)])
        return 0

    lax.fori_loop(0, STRIPE // BI, bounce, 0)
    if tail:
        pltpu.sync_copy(acc_sp.at[pl.ds(toff, tail)],
                        rowbuf.at[pl.ds(0, tail)])
        pltpu.sync_copy(rowbuf.at[pl.ds(0, tail)],
                        acc_out.at[c, pl.ds(toff, tail)])


_sc_pass = pl.kernel(
    _sc_aggregate,
    out_type=jax.ShapeDtypeStruct((NC, ROWS, D), jnp.float32),
    mesh=_mesh,
    scratch_types=(
        pltpu.VMEM((NB, BI), jnp.int32),
        pltpu.VMEM((NB, BI), jnp.int32),
        pltpu.VMEM((BI, D), jnp.float32),
        pltpu.VMEM((BI, D), jnp.float32),
        pltpu.SemaphoreType.DMA,
        pltpu.SemaphoreType.DMA,
        pltpu.VMEM_SHARED((ROWS, D), jnp.float32),
    ),
)


def _sc_hist(eidx_hbm, nidx_hbm, ecnt_out, ncnt_out,
             eidx2d, nidx2d, ones_v, ecnt_sp, ncnt_sp):
    c = lax.axis_index("c")
    s = lax.axis_index("s")
    w = c * NS + s

    _zero_fill_2d(ones_v, BI, CW)

    def zstripe(r, _):
        pltpu.sync_copy(ones_v, ecnt_sp.at[pl.ds(s * HSTRIPE + r * BI, BI)])
        pltpu.sync_copy(ones_v, ncnt_sp.at[pl.ds(s * HSTRIPE + r * BI, BI)])
        return 0

    lax.fori_loop(0, HSTRIPE // BI, zstripe, 0)

    o16 = jnp.ones((16,), jnp.float32)

    def fill(i, _):
        ones_v[i, pl.ds(0, 16)] = o16
        return 0

    lax.fori_loop(0, BI, fill, 0)

    pltpu.sync_copy(eidx_hbm.at[w], eidx2d)
    pltpu.sync_copy(nidx_hbm.at[w], nidx2d)
    plsc.subcore_barrier()

    def step(j, _):
        pltpu.sync_copy(ones_v, ecnt_sp.at[eidx2d.at[j]], add=True)
        pltpu.sync_copy(ones_v, ncnt_sp.at[nidx2d.at[j]], add=True)
        return 0

    lax.fori_loop(0, HNB, step, 0)
    plsc.subcore_barrier()

    def bounce(r, _):
        off = s * HSTRIPE + r * BI
        pltpu.sync_copy(ecnt_sp.at[pl.ds(off, BI)], ones_v)
        pltpu.sync_copy(ones_v, ecnt_out.at[c, pl.ds(off, BI)])
        pltpu.sync_copy(ncnt_sp.at[pl.ds(off, BI)], ones_v)
        pltpu.sync_copy(ones_v, ncnt_out.at[c, pl.ds(off, BI)])
        return 0

    lax.fori_loop(0, HSTRIPE // BI, bounce, 0)


_sc_hist_pass = pl.kernel(
    _sc_hist,
    out_type=(
        jax.ShapeDtypeStruct((NC, NPAD, CW), jnp.float32),
        jax.ShapeDtypeStruct((NC, NPAD, CW), jnp.float32),
    ),
    mesh=_mesh,
    scratch_types=(
        pltpu.VMEM((HNB, BI), jnp.int32),
        pltpu.VMEM((HNB, BI), jnp.int32),
        pltpu.VMEM((BI, CW), jnp.float32),
        pltpu.VMEM_SHARED((NPAD, CW), jnp.float32),
        pltpu.VMEM_SHARED((NPAD, CW), jnp.float32),
    ),
)


def _tc_combine_scale(s0, s1, c0, c1, w_ref, out_ref):
    ssum = jnp.concatenate([s0[:], s1[:]], axis=0)
    cnt = jnp.concatenate([c0[:], c1[:]], axis=0)
    inv = jnp.where(cnt > 0, 1.0 / jnp.maximum(cnt, 1.0), 0.0)
    m = lax.dot_general(ssum, w_ref[:], (((1,), (1,)), ((), ())),
                        preferred_element_type=jnp.float32)
    out_ref[:] = m * inv


def _tc_finalize(o0, o1, c0, c1, bias_ref, out_ref):
    t = jnp.concatenate([o0[:], o1[:]], axis=0)
    cnt = jnp.concatenate([c0[:], c1[:]], axis=0)
    inv = jnp.where(cnt > 0, 1.0 / jnp.maximum(cnt, 1.0), 0.0)
    t = t * inv + bias_ref[:]
    t = jnp.maximum(t, 0.0)
    rows = lax.broadcasted_iota(jnp.int32, (NPAD, D), 0)
    t = jnp.where(rows < N_NODES, t, 0.0)
    out_ref[:] = jnp.sum(t, axis=0, keepdims=True) * (1.0 / N_NODES)


def kernel(x_node_features, hyperedge_index, W, b):
    node_idx = hyperedge_index[0].astype(jnp.int32)
    edge_idx = hyperedge_index[1].astype(jnp.int32)
    nidx16 = node_idx.reshape(NS, NB, BI)
    eidx16 = edge_idx.reshape(NS, NB, BI)
    nidx32 = node_idx.reshape(NW, HNB, BI)
    eidx32 = edge_idx.reshape(NW, HNB, BI)

    ones_tab = jnp.ones((N_NODES, D), jnp.float32)
    ecnt = _sc_pass(ones_tab, eidx16, nidx16)
    ncnt = _sc_pass(ones_tab, nidx16, eidx16)

    s_part = _sc_pass(x_node_features, eidx16, nidx16)

    m2 = pl.pallas_call(
        _tc_combine_scale,
        out_shape=jax.ShapeDtypeStruct((NPAD, D), jnp.float32),
    )(s_part[0, :BINS], s_part[1, :BINS],
      ecnt[0, :BINS, 0:1], ecnt[1, :BINS, 0:1], W)

    o_part = _sc_pass(m2, nidx16, eidx16)

    out = pl.pallas_call(
        _tc_finalize,
        out_shape=jax.ShapeDtypeStruct((1, D), jnp.float32),
    )(o_part[0, :BINS], o_part[1, :BINS],
      ncnt[0, :BINS, 0:1], ncnt[1, :BINS, 0:1], b.reshape(1, D))
    return out.reshape(D)

# --- scband reference (transcript-rebuilt; emitter-appended) ---
"""Pipeline reference for scband-planetary-hypergraph-monitor-53523882443005 (READ-ONLY COPY).

The authoritative reference and input builder live on the scoring server;
editing this copy changes nothing except your own understanding.
"""

import jax, jax.numpy as jnp
import numpy as np

N_NODES = 10000
N_HYPEREDGES = 10000
N_INCIDENCES = 320000
D_IN = 128
D_OUT = 128


def setup_inputs(seed: int = 0) -> dict:
    key = jax.random.key(seed)
    k1, k2, k3, k4 = jax.random.split(key, 4)
    x_node_features = jax.random.normal(k1, (N_NODES, D_IN), dtype=jnp.float32)
    # row 0: node indices, row 1: hyperedge indices (both < 10000 here)
    hyperedge_index = jax.random.randint(k2, (2, N_INCIDENCES), 0, N_NODES)
    # HypergraphConv(128 -> 128) parameters: linear weight + output bias
    W = jax.random.normal(k3, (D_OUT, D_IN), dtype=jnp.float32) * (1.0 / np.sqrt(D_IN))
    b = jax.random.normal(k4, (D_OUT,), dtype=jnp.float32) * 0.01
    return {"x_node_features": x_node_features, "hyperedge_index": hyperedge_index, "W": W, "b": b}


def reference(x_node_features, hyperedge_index, W, b):
    node_idx = hyperedge_index[0]
    edge_idx = hyperedge_index[1]
    # x = lin(x)
    xw = x_node_features @ W.T
    ones = jnp.ones((N_INCIDENCES,), dtype=xw.dtype)
    # D: per-node incidence degree (hyperedge_weight = ones)
    D = jax.ops.segment_sum(ones, node_idx, num_segments=N_NODES)
    Dinv = jnp.where(D > 0, 1.0 / jnp.maximum(D, 1.0), 0.0)
    # B: per-hyperedge cardinality
    B = jax.ops.segment_sum(ones, edge_idx, num_segments=N_HYPEREDGES)
    Binv = jnp.where(B > 0, 1.0 / jnp.maximum(B, 1.0), 0.0)
    # node -> hyperedge: m_e = B_e^{-1} * sum_{j in e} xw_j
    m = jax.ops.segment_sum(jnp.take(xw, node_idx, axis=0), edge_idx, num_segments=N_HYPEREDGES)
    m = m * Binv[:, None]
    # hyperedge -> node: out_i = D_i^{-1} * sum_{e ni i} m_e
    out = jax.ops.segment_sum(jnp.take(m, edge_idx, axis=0), node_idx, num_segments=N_NODES)
    out = out * Dinv[:, None]
    out = out + b
    # F.relu then mean over nodes (dim 0)
    out = jax.nn.relu(out)
    return jnp.mean(out, axis=0)

if __name__ == "__main__":
    import jax
    _d = setup_inputs()
    print(jax.jit(kernel)(*tuple(_d.values())))

</pallas_src>

<mosaic_0001>
#map = affine_map<(d0, d1) -> (0, 0)>
#map1 = affine_map<(d0, d1) -> (0, 0, 0)>
module attributes {stable_mosaic.version = 14 : i64} {
  func.func @_sc_aggregate(%arg0: i32, %arg1: i32, %arg2: memref<10240x128xf32, #tpu.memory_space<hbm>>, %arg3: memref<16x250x80xi32, #tpu.memory_space<hbm>>, %arg4: memref<16x250x80xi32, #tpu.memory_space<hbm>>, %arg5: memref<2x5248x128xf32, #tpu.memory_space<hbm>>, %arg6: memref<250x80xi32, #tpu.memory_space<vmem>>, %arg7: memref<250x80xi32, #tpu.memory_space<vmem>>, %arg8: memref<80x128xf32, #tpu.memory_space<vmem>>, %arg9: memref<80x128xf32, #tpu.memory_space<vmem>>, %arg10: memref<!tpu.dma_semaphore, #tpu.memory_space<semaphore_mem>>, %arg11: memref<!tpu.dma_semaphore, #tpu.memory_space<semaphore_mem>>, %arg12: memref<5248x128xf32, #tpu.memory_space<vmem_shared>>) attributes {dimension_semantics = [#tpu.dimension_semantics<core_parallel>, #tpu.dimension_semantics<subcore_parallel>], iteration_bounds = array<i64: 2, 16>, scalar_prefetch = 0 : i64, scratch_operands = 7 : i64, tpu.core_type = #tpu.core_type<sc_vector_subcore>, window_params = [{transform_indices = #map}, {transform_indices = #map1}, {transform_indices = #map1}, {transform_indices = #map1}]} {
    %mul3A = arith.constant 5120 : i32
    %mul3A_0 = arith.muli %arg0, %mul3A : i32
    %broadcast_in_dim3A = arith.constant 0.000000e+00 : f32
    %broadcast_in_dim3A_1 = vector.broadcast %broadcast_in_dim3A : f32 to vector<16xf32>
    %scan3A = arith.constant 0 : i32
    %scan3A_2 = arith.constant 0 : i32
    %scan3A_3 = arith.constant 80 : i32
    %scan3A_4 = arith.addi %scan3A_2, %scan3A_3 : i32
    %scan3A_5 = arith.constant 1 : i32
    %scan3A_6 = scf.for %scan3A_40 = %scan3A_2 to %scan3A_4 step %scan3A_5 iter_args(%scan3A_41 = %scan3A) -> (i32)  : i32 {
      %swap3A = arith.index_cast %scan3A_40 : i32 to index
      %swap3A_42 = arith.constant 0 : index
      %swap3A_43 = tpu.vector_load %arg8[%swap3A, %swap3A_42] {strides = array<i32>} : memref<80x128xf32, #tpu.memory_space<vmem>>, vector<1x16xf32>,
      %swap3A_44 = vector.shape_cast %swap3A_43 : vector<1x16xf32> to vector<16xf32>
      %swap3A_45 = vector.shape_cast %broadcast_in_dim3A_1 : vector<16xf32> to vector<1x16xf32>
      tpu.vector_store %arg8[%swap3A, %swap3A_42], %swap3A_45 {strides = array<i32>} : memref<80x128xf32, #tpu.memory_space<vmem>>, vector<1x16xf32>,
      %swap3A_46 = arith.index_cast %scan3A_40 : i32 to index
      %swap3A_47 = arith.constant 16 : index
      %swap3A_48 = tpu.vector_load %arg8[%swap3A_46, %swap3A_47] {strides = array<i32>} : memref<80x128xf32, #tpu.memory_space<vmem>>, vector<1x16xf32>,
      %swap3A_49 = vector.shape_cast %swap3A_48 : vector<1x16xf32> to vector<16xf32>
      %swap3A_50 = vector.shape_cast %broadcast_in_dim3A_1 : vector<16xf32> to vector<1x16xf32>
      tpu.vector_store %arg8[%swap3A_46, %swap3A_47], %swap3A_50 {strides = array<i32>} : memref<80x128xf32, #tpu.memory_space<vmem>>, vector<1x16xf32>,
      %swap3A_51 = arith.index_cast %scan3A_40 : i32 to index
      %swap3A_52 = arith.constant 32 : index
      %swap3A_53 = tpu.vector_load %arg8[%swap3A_51, %swap3A_52] {strides = array<i32>} : memref<80x128xf32, #tpu.memory_space<vmem>>, vector<1x16xf32>,
      %swap3A_54 = vector.shape_cast %swap3A_53 : vector<1x16xf32> to vector<16xf32>
      %swap3A_55 = vector.shape_cast %broadcast_in_dim3A_1 : vector<16xf32> to vector<1x16xf32>
      tpu.vector_store %arg8[%swap3A_51, %swap3A_52], %swap3A_55 {strides = array<i32>} : memref<80x128xf32, #tpu.memory_space<vmem>>, vector<1x16xf32>,
      %swap3A_56 = arith.index_cast %scan3A_40 : i32 to index
      %swap3A_57 = arith.constant 48 : index
      %swap3A_58 = tpu.vector_load %arg8[%swap3A_56, %swap3A_57] {strides = array<i32>} : memref<80x128xf32, #tpu.memory_space<vmem>>, vector<1x16xf32>,
      %swap3A_59 = vector.shape_cast %swap3A_58 : vector<1x16xf32> to vector<16xf32>
      %swap3A_60 = vector.shape_cast %broadcast_in_dim3A_1 : vector<16xf32> to vector<1x16xf32>
      tpu.vector_store %arg8[%swap3A_56, %swap3A_57], %swap3A_60 {strides = array<i32>} : memref<80x128xf32, #tpu.memory_space<vmem>>, vector<1x16xf32>,
      %swap3A_61 = arith.index_cast %scan3A_40 : i32 to index
      %swap3A_62 = arith.constant 64 : index
      %swap3A_63 = tpu.vector_load %arg8[%swap3A_61, %swap3A_62] {strides = array<i32>} : memref<80x128xf32, #tpu.memory_space<vmem>>, vector<1x16xf32>,
      %swap3A_64 = vector.shape_cast %swap3A_63 : vector<1x16xf32> to vector<16xf32>
      %swap3A_65 = vector.shape_cast %broadcast_in_dim3A_1 : vector<16xf32> to vector<1x16xf32>
      tpu.vector_store %arg8[%swap3A_61, %swap3A_62], %swap3A_65 {strides = array<i32>} : memref<80x128xf32, #tpu.memory_space<vmem>>, vector<1x16xf32>,
      %swap3A_66 = arith.index_cast %scan3A_40 : i32 to index
      %swap3A_67 = arith.constant 80 : index
      %swap3A_68 = tpu.vector_load %arg8[%swap3A_66, %swap3A_67] {strides = array<i32>} : memref<80x128xf32, #tpu.memory_space<vmem>>, vector<1x16xf32>,
      %swap3A_69 = vector.shape_cast %swap3A_68 : vector<1x16xf32> to vector<16xf32>
      %swap3A_70 = vector.shape_cast %broadcast_in_dim3A_1 : vector<16xf32> to vector<1x16xf32>
      tpu.vector_store %arg8[%swap3A_66, %swap3A_67], %swap3A_70 {strides = array<i32>} : memref<80x128xf32, #tpu.memory_space<vmem>>, vector<1x16xf32>,
      %swap3A_71 = arith.index_cast %scan3A_40 : i32 to index
      %swap3A_72 = arith.constant 96 : index
      %swap3A_73 = tpu.vector_load %arg8[%swap3A_71, %swap3A_72] {strides = array<i32>} : memref<80x128xf32, #tpu.memory_space<vmem>>, vector<1x16xf32>,
      %swap3A_74 = vector.shape_cast %swap3A_73 : vector<1x16xf32> to vector<16xf32>
      %swap3A_75 = vector.shape_cast %broadcast_in_dim3A_1 : vector<16xf32> to vector<1x16xf32>
      tpu.vector_store %arg8[%swap3A_71, %swap3A_72], %swap3A_75 {strides = array<i32>} : memref<80x128xf32, #tpu.memory_space<vmem>>, vector<1x16xf32>,
      %swap3A_76 = arith.index_cast %scan3A_40 : i32 to index
      %swap3A_77 = arith.constant 112 : index
      %swap3A_78 = tpu.vector_load %arg8[%swap3A_76, %swap3A_77] {strides = array<i32>} : memref<80x128xf32, #tpu.memory_space<vmem>>, vector<1x16xf32>,
      %swap3A_79 = vector.shape_cast %swap3A_78 : vector<1x16xf32> to vector<16xf32>
      %swap3A_80 = vector.shape_cast %broadcast_in_dim3A_1 : vector<16xf32> to vector<1x16xf32>
      tpu.vector_store %arg8[%swap3A_76, %swap3A_77], %swap3A_80 {strides = array<i32>} : memref<80x128xf32, #tpu.memory_space<vmem>>, vector<1x16xf32>,
      %scan3A_81 = arith.constant 0 : i32
      scf.yield %scan3A_81 : i32
    }
    %scan3A_7 = arith.constant 80 : i32
    %scan3A_8 = arith.constant 0 : i32
    %scan3A_9 = arith.constant 0 : i32
    %scan3A_10 = arith.constant 4 : i32
    %scan3A_11 = arith.addi %scan3A_9, %scan3A_10 : i32
    %scan3A_12 = arith.constant 1 : i32
    %scan3A_13 = scf.for %scan3A_40 = %scan3A_9 to %scan3A_11 step %scan3A_12 iter_args(%scan3A_41 = %scan3A_8) -> (i32)  : i32 {
      %mul3A_42 = arith.constant 328 : i32
      %mul3A_43 = arith.muli %arg1, %mul3A_42 : i32
      %mul3A_44 = arith.constant 80 : i32
      %mul3A_45 = arith.muli %scan3A_40, %mul3A_44 : i32
      %add3A_46 = arith.addi %mul3A_43, %mul3A_45 : i32
      "tpu.region"() ({
        %run_scoped3A = tpu.sem_alloc : memref<!tpu.dma_semaphore, #tpu.memory_space<semaphore_mem>>
        %dma_start3A = arith.constant 0 : i32
        %dma_start3A_48 = tpu.memref_slice %arg12[%add3A_46, %dma_start3A] : memref<5248x128xf32, #tpu.memory_space<vmem_shared>> -> memref<80x128xf32, #tpu.memory_space<vmem_shared>>
        %dma_start3A_49 = arith.constant 0 : i32
        %dma_start3A_50 = tpu.memref_slice %arg12[%add3A_46, %dma_start3A_49] : memref<5248x128xf32, #tpu.memory_space<vmem_shared>> -> memref<80x128xf32, #tpu.memory_space<vmem_shared>>
        tpu.enqueue_dma source(%arg8 : memref<80x128xf32, #tpu.memory_space<vmem>>) target(%dma_start3A_50 : memref<80x128xf32, #tpu.memory_space<vmem_shared>>) target_semaphore(%run_scoped3A : memref<!tpu.dma_semaphore, #tpu.memory_space<semaphore_mem>>)
        %dma_wait3A = arith.constant 0 : i32
        %dma_wait3A_51 = tpu.memref_slice %arg12[%add3A_46, %dma_wait3A] : memref<5248x128xf32, #tpu.memory_space<vmem_shared>> -> memref<80x128xf32, #tpu.memory_space<vmem_shared>>
        %dma_wait3A_52 = arith.constant 0 : i32
        %dma_wait3A_53 = tpu.memref_slice %arg12[%add3A_46, %dma_wait3A_52] : memref<5248x128xf32, #tpu.memory_space<vmem_shared>> -> memref<80x128xf32, #tpu.memory_space<vmem_shared>>
        tpu.wait_dma2 semaphore(%run_scoped3A : memref<!tpu.dma_semaphore, #tpu.memory_space<semaphore_mem>>) src(%arg8 : memref<80x128xf32, #tpu.memory_space<vmem>>) dst(%dma_wait3A_53 : memref<80x128xf32, #tpu.memory_space<vmem_shared>>)
        tpu.yield
      }) : () -> ()
      %scan3A_47 = arith.constant 0 : i32
      scf.yield %scan3A_47 : i32
    }
    %scan3A_14 = arith.constant 4 : i32
    %mul3A_15 = arith.constant 328 : i32
    %mul3A_16 = arith.muli %arg1, %mul3A_15 : i32
    %add3A = arith.constant 320 : i32
    %add3A_17 = arith.addi %mul3A_16, %add3A : i32
    "tpu.region"() ({
      %run_scoped3A = tpu.sem_alloc : memref<!tpu.dma_semaphore, #tpu.memory_space<semaphore_mem>>
      %dma_start3A = arith.constant 0 : i32
      %dma_start3A_40 = arith.constant 0 : i32
      %dma_start3A_41 = tpu.memref_slice %arg8[%dma_start3A, %dma_start3A_40] : memref<80x128xf32, #tpu.memory_space<vmem>> -> memref<8x128xf32, #tpu.memory_space<vmem>>
      %dma_start3A_42 = arith.constant 0 : i32
      %dma_start3A_43 = tpu.memref_slice %arg12[%add3A_17, %dma_start3A_42] : memref<5248x128xf32, #tpu.memory_space<vmem_shared>> -> memref<8x128xf32, #tpu.memory_space<vmem_shared>>
      %dma_start3A_44 = arith.constant 0 : i32
      %dma_start3A_45 = tpu.memref_slice %arg12[%add3A_17, %dma_start3A_44] : memref<5248x128xf32, #tpu.memory_space<vmem_shared>> -> memref<8x128xf32, #tpu.memory_space<vmem_shared>>
      %dma_start3A_46 = arith.constant 0 : i32
      %dma_start3A_47 = arith.constant 0 : i32
      %dma_start3A_48 = tpu.memref_slice %arg8[%dma_start3A_46, %dma_start3A_47] : memref<80x128xf32, #tpu.memory_space<vmem>> -> memref<8x128xf32, #tpu.memory_space<vmem>>
      tpu.enqueue_dma source(%dma_start3A_48 : memref<8x128xf32, #tpu.memory_space<vmem>>) target(%dma_start3A_45 : memref<8x128xf32, #tpu.memory_space<vmem_shared>>) target_semaphore(%run_scoped3A : memref<!tpu.dma_semaphore, #tpu.memory_space<semaphore_mem>>)
      %dma_wait3A = arith.constant 0 : i32
      %dma_wait3A_49 = arith.constant 0 : i32
      %dma_wait3A_50 = tpu.memref_slice %arg8[%dma_wait3A, %dma_wait3A_49] : memref<80x128xf32, #tpu.memory_space<vmem>> -> memref<8x128xf32, #tpu.memory_space<vmem>>
      %dma_wait3A_51 = arith.constant 0 : i32
      %dma_wait3A_52 = tpu.memref_slice %arg12[%add3A_17, %dma_wait3A_51] : memref<5248x128xf32, #tpu.memory_space<vmem_shared>> -> memref<8x128xf32, #tpu.memory_space<vmem_shared>>
      %dma_wait3A_53 = arith.constant 0 : i32
      %dma_wait3A_54 = tpu.memref_slice %arg12[%add3A_17, %dma_wait3A_53] : memref<5248x128xf32, #tpu.memory_space<vmem_shared>> -> memref<8x128xf32, #tpu.memory_space<vmem_shared>>
      %dma_wait3A_55 = arith.constant 0 : i32
      %dma_wait3A_56 = arith.constant 0 : i32
      %dma_wait3A_57 = tpu.memref_slice %arg8[%dma_wait3A_55, %dma_wait3A_56] : memref<80x128xf32, #tpu.memory_space<vmem>> -> memref<8x128xf32, #tpu.memory_space<vmem>>
      tpu.wait_dma2 semaphore(%run_scoped3A : memref<!tpu.dma_semaphore, #tpu.memory_space<semaphore_mem>>) src(%dma_wait3A_57 : memref<8x128xf32, #tpu.memory_space<vmem>>) dst(%dma_wait3A_54 : memref<8x128xf32, #tpu.memory_space<vmem_shared>>)
      tpu.yield
    }) : () -> ()
    "tpu.region"() ({
      %run_scoped3A = tpu.sem_alloc : memref<!tpu.dma_semaphore, #tpu.memory_space<semaphore_mem>>
      %dma_start3A = arith.constant 0 : i32
      %dma_start3A_40 = arith.constant 0 : i32
      %dma_start3A_41 = tpu.memref_slice %arg3[%arg1, %dma_start3A, %dma_start3A_40] : memref<16x250x80xi32, #tpu.memory_space<hbm>> -> memref<1x250x80xi32, #tpu.memory_space<hbm>>
      %dma_start3A_42 = tpu.memref_squeeze %dma_start3A_41 : memref<1x250x80xi32, #tpu.memory_space<hbm>> -> memref<250x80xi32, #tpu.memory_space<hbm>>
      %dma_start3A_43 = arith.constant 0 : i32
      %dma_start3A_44 = arith.constant 0 : i32
      %dma_start3A_45 = tpu.memref_slice %arg3[%arg1, %dma_start3A_43, %dma_start3A_44] : memref<16x250x80xi32, #tpu.memory_space<hbm>> -> memref<1x250x80xi32, #tpu.memory_space<hbm>>
      %dma_start3A_46 = tpu.memref_squeeze %dma_start3A_45 : memref<1x250x80xi32, #tpu.memory_space<hbm>> -> memref<250x80xi32, #tpu.memory_space<hbm>>
      tpu.enqueue_dma source(%dma_start3A_46 : memref<250x80xi32, #tpu.memory_space<hbm>>) target(%arg6 : memref<250x80xi32, #tpu.memory_space<vmem>>) target_semaphore(%run_scoped3A : memref<!tpu.dma_semaphore, #tpu.memory_space<semaphore_mem>>)
      %dma_wait3A = arith.constant 0 : i32
      %dma_wait3A_47 = arith.constant 0 : i32
      %dma_wait3A_48 = tpu.memref_slice %arg3[%arg1, %dma_wait3A, %dma_wait3A_47] : memref<16x250x80xi32, #tpu.memory_space<hbm>> -> memref<1x250x80xi32, #tpu.memory_space<hbm>>
      %dma_wait3A_49 = tpu.memref_squeeze %dma_wait3A_48 : memref<1x250x80xi32, #tpu.memory_space<hbm>> -> memref<250x80xi32, #tpu.memory_space<hbm>>
      %dma_wait3A_50 = arith.constant 0 : i32
      %dma_wait3A_51 = arith.constant 0 : i32
      %dma_wait3A_52 = tpu.memref_slice %arg3[%arg1, %dma_wait3A_50, %dma_wait3A_51] : memref<16x250x80xi32, #tpu.memory_space<hbm>> -> memref<1x250x80xi32, #tpu.memory_space<hbm>>
      %dma_wait3A_53 = tpu.memref_squeeze %dma_wait3A_52 : memref<1x250x80xi32, #tpu.memory_space<hbm>> -> memref<250x80xi32, #tpu.memory_space<hbm>>
      tpu.wait_dma2 semaphore(%run_scoped3A : memref<!tpu.dma_semaphore, #tpu.memory_space<semaphore_mem>>) src(%dma_wait3A_53 : memref<250x80xi32, #tpu.memory_space<hbm>>) dst(%arg6 : memref<250x80xi32, #tpu.memory_space<vmem>>)
      tpu.yield
    }) : () -> ()
    "tpu.region"() ({
      %run_scoped3A = tpu.sem_alloc : memref<!tpu.dma_semaphore, #tpu.memory_space<semaphore_mem>>
      %dma_start3A = arith.constant 0 : i32
      %dma_start3A_40 = arith.constant 0 : i32
      %dma_start3A_41 = tpu.memref_slice %arg4[%arg1, %dma_start3A, %dma_start3A_40] : memref<16x250x80xi32, #tpu.memory_space<hbm>> -> memref<1x250x80xi32, #tpu.memory_space<hbm>>
      %dma_start3A_42 = tpu.memref_squeeze %dma_start3A_41 : memref<1x250x80xi32, #tpu.memory_space<hbm>> -> memref<250x80xi32, #tpu.memory_space<hbm>>
      %dma_start3A_43 = arith.constant 0 : i32
      %dma_start3A_44 = arith.constant 0 : i32
      %dma_start3A_45 = tpu.memref_slice %arg4[%arg1, %dma_start3A_43, %dma_start3A_44] : memref<16x250x80xi32, #tpu.memory_space<hbm>> -> memref<1x250x80xi32, #tpu.memory_space<hbm>>
      %dma_start3A_46 = tpu.memref_squeeze %dma_start3A_45 : memref<1x250x80xi32, #tpu.memory_space<hbm>> -> memref<250x80xi32, #tpu.memory_space<hbm>>
      tpu.enqueue_dma source(%dma_start3A_46 : memref<250x80xi32, #tpu.memory_space<hbm>>) target(%arg7 : memref<250x80xi32, #tpu.memory_space<vmem>>) target_semaphore(%run_scoped3A : memref<!tpu.dma_semaphore, #tpu.memory_space<semaphore_mem>>)
      %dma_wait3A = arith.constant 0 : i32
      %dma_wait3A_47 = arith.constant 0 : i32
      %dma_wait3A_48 = tpu.memref_slice %arg4[%arg1, %dma_wait3A, %dma_wait3A_47] : memref<16x250x80xi32, #tpu.memory_space<hbm>> -> memref<1x250x80xi32, #tpu.memory_space<hbm>>
      %dma_wait3A_49 = tpu.memref_squeeze %dma_wait3A_48 : memref<1x250x80xi32, #tpu.memory_space<hbm>> -> memref<250x80xi32, #tpu.memory_space<hbm>>
      %dma_wait3A_50 = arith.constant 0 : i32
      %dma_wait3A_51 = arith.constant 0 : i32
      %dma_wait3A_52 = tpu.memref_slice %arg4[%arg1, %dma_wait3A_50, %dma_wait3A_51] : memref<16x250x80xi32, #tpu.memory_space<hbm>> -> memref<1x250x80xi32, #tpu.memory_space<hbm>>
      %dma_wait3A_53 = tpu.memref_squeeze %dma_wait3A_52 : memref<1x250x80xi32, #tpu.memory_space<hbm>> -> memref<250x80xi32, #tpu.memory_space<hbm>>
      tpu.wait_dma2 semaphore(%run_scoped3A : memref<!tpu.dma_semaphore, #tpu.memory_space<semaphore_mem>>) src(%dma_wait3A_53 : memref<250x80xi32, #tpu.memory_space<hbm>>) dst(%arg7 : memref<250x80xi32, #tpu.memory_space<vmem>>)
      tpu.yield
    }) : () -> ()
    %scan3A_18 = arith.constant 0 : i32
    %scan3A_19 = arith.constant 0 : i32
    %scan3A_20 = arith.constant 250 : i32
    %scan3A_21 = arith.addi %scan3A_19, %scan3A_20 : i32
    %scan3A_22 = arith.constant 1 : i32
    %scan3A_23 = scf.for %scan3A_40 = %scan3A_19 to %scan3A_21 step %scan3A_22 iter_args(%scan3A_41 = %scan3A_18) -> (i32)  : i32 {
      %get3A = arith.index_cast %scan3A_40 : i32 to index
      %get3A_42 = arith.constant 0 : index
      %get3A_43 = tpu.vector_load %arg6[%get3A, %get3A_42] {strides = array<i32>} : memref<250x80xi32, #tpu.memory_space<vmem>>, vector<1x16xi32>,
      %get3A_44 = vector.shape_cast %get3A_43 : vector<1x16xi32> to vector<16xi32>
      %sub3A = vector.broadcast %mul3A_0 : i32 to vector<16xi32>
      %sub3A_45 = arith.subi %get3A_44, %sub3A : vector<16xi32>
      %lt3A = arith.constant 0 : i32
      %lt3A_46 = vector.broadcast %lt3A : i32 to vector<16xi32>
      %lt3A_47 = arith.cmpi slt, %sub3A_45, %lt3A_46 : vector<16xi32>
      %ge3A = arith.constant 5120 : i32
      %ge3A_48 = vector.broadcast %ge3A : i32 to vector<16xi32>
      %ge3A_49 = arith.cmpi sge, %sub3A_45, %ge3A_48 : vector<16xi32>
      %or3A = arith.ori %lt3A_47, %ge3A_49 : vector<16xi1>
      %and3A = arith.constant 127 : i32
      %and3A_50 = vector.broadcast %and3A : i32 to vector<16xi32>
      %and3A_51 = arith.andi %get3A_44, %and3A_50 : vector<16xi32>
      %add3A_52 = arith.constant 5120 : i32
      %add3A_53 = vector.broadcast %add3A_52 : i32 to vector<16xi32>
      %add3A_54 = arith.addi %add3A_53, %and3A_51 : vector<16xi32>
      %select_n3A = arith.select %or3A, %add3A_54, %sub3A_45 : vector<16xi1>, vector<16xi32>
      %swap3A = arith.index_cast %scan3A_40 : i32 to index
      %swap3A_55 = arith.constant 0 : index
      %swap3A_56 = tpu.vector_load %arg6[%swap3A, %swap3A_55] {strides = array<i32>} : memref<250x80xi32, #tpu.memory_space<vmem>>, vector<1x16xi32>,
      %swap3A_57 = vector.shape_cast %swap3A_56 : vector<1x16xi32> to vector<16xi32>
      %swap3A_58 = vector.shape_cast %select_n3A : vector<16xi32> to vector<1x16xi32>
      tpu.vector_store %arg6[%swap3A, %swap3A_55], %swap3A_58 {strides = array<i32>} : memref<250x80xi32, #tpu.memory_space<vmem>>, vector<1x16xi32>,
      %get3A_59 = arith.index_cast %scan3A_40 : i32 to index
      %get3A_60 = arith.constant 16 : index
      %get3A_61 = tpu.vector_load %arg6[%get3A_59, %get3A_60] {strides = array<i32>} : memref<250x80xi32, #tpu.memory_space<vmem>>, vector<1x16xi32>,
      %get3A_62 = vector.shape_cast %get3A_61 : vector<1x16xi32> to vector<16xi32>
      %sub3A_63 = vector.broadcast %mul3A_0 : i32 to vector<16xi32>
      %sub3A_64 = arith.subi %get3A_62, %sub3A_63 : vector<16xi32>
      %lt3A_65 = arith.constant 0 : i32
      %lt3A_66 = vector.broadcast %lt3A_65 : i32 to vector<16xi32>
      %lt3A_67 = arith.cmpi slt, %sub3A_64, %lt3A_66 : vector<16xi32>
      %ge3A_68 = arith.constant 5120 : i32
      %ge3A_69 = vector.broadcast %ge3A_68 : i32 to vector<16xi32>
      %ge3A_70 = arith.cmpi sge, %sub3A_64, %ge3A_69 : vector<16xi32>
      %or3A_71 = arith.ori %lt3A_67, %ge3A_70 : vector<16xi1>
      %and3A_72 = arith.constant 127 : i32
      %and3A_73 = vector.broadcast %and3A_72 : i32 to vector<16xi32>
      %and3A_74 = arith.andi %get3A_62, %and3A_73 : vector<16xi32>
      %add3A_75 = arith.constant 5120 : i32
      %add3A_76 = vector.broadcast %add3A_75 : i32 to vector<16xi32>
      %add3A_77 = arith.addi %add3A_76, %and3A_74 : vector<16xi32>
      %select_n3A_78 = arith.select %or3A_71, %add3A_77, %sub3A_64 : vector<16xi1>, vector<16xi32>
      %swap3A_79 = arith.index_cast %scan3A_40 : i32 to index
      %swap3A_80 = arith.constant 16 : index
      %swap3A_81 = tpu.vector_load %arg6[%swap3A_79, %swap3A_80] {strides = array<i32>} : memref<250x80xi32, #tpu.memory_space<vmem>>, vector<1x16xi32>,
      %swap3A_82 = vector.shape_cast %swap3A_81 : vector<1x16xi32> to vector<16xi32>
      %swap3A_83 = vector.shape_cast %select_n3A_78 : vector<16xi32> to vector<1x16xi32>
      tpu.vector_store %arg6[%swap3A_79, %swap3A_80], %swap3A_83 {strides = array<i32>} : memref<250x80xi32, #tpu.memory_space<vmem>>, vector<1x16xi32>,
      %get3A_84 = arith.index_cast %scan3A_40 : i32 to index
      %get3A_85 = arith.constant 32 : index
      %get3A_86 = tpu.vector_load %arg6[%get3A_84, %get3A_85] {strides = array<i32>} : memref<250x80xi32, #tpu.memory_space<vmem>>, vector<1x16xi32>,
      %get3A_87 = vector.shape_cast %get3A_86 : vector<1x16xi32> to vector<16xi32>
      %sub3A_88 = vector.broadcast %mul3A_0 : i32 to vector<16xi32>
      %sub3A_89 = arith.subi %get3A_87, %sub3A_88 : vector<16xi32>
      %lt3A_90 = arith.constant 0 : i32
      %lt3A_91 = vector.broadcast %lt3A_90 : i32 to vector<16xi32>
      %lt3A_92 = arith.cmpi slt, %sub3A_89, %lt3A_91 : vector<16xi32>
      %ge3A_93 = arith.constant 5120 : i32
      %ge3A_94 = vector.broadcast %ge3A_93 : i32 to vector<16xi32>
      %ge3A_95 = arith.cmpi sge, %sub3A_89, %ge3A_94 : vector<16xi32>
      %or3A_96 = arith.ori %lt3A_92, %ge3A_95 : vector<16xi1>
      %and3A_97 = arith.constant 127 : i32
      %and3A_98 = vector.broadcast %and3A_97 : i32 to vector<16xi32>
      %and3A_99 = arith.andi %get3A_87, %and3A_98 : vector<16xi32>
      %add3A_100 = arith.constant 5120 : i32
      %add3A_101 = vector.broadcast %add3A_100 : i32 to vector<16xi32>
      %add3A_102 = arith.addi %add3A_101, %and3A_99 : vector<16xi32>
      %select_n3A_103 = arith.select %or3A_96, %add3A_102, %sub3A_89 : vector<16xi1>, vector<16xi32>
      %swap3A_104 = arith.index_cast %scan3A_40 : i32 to index
      %swap3A_105 = arith.constant 32 : index
      %swap3A_106 = tpu.vector_load %arg6[%swap3A_104, %swap3A_105] {strides = array<i32>} : memref<250x80xi32, #tpu.memory_space<vmem>>, vector<1x16xi32>,
      %swap3A_107 = vector.shape_cast %swap3A_106 : vector<1x16xi32> to vector<16xi32>
      %swap3A_108 = vector.shape_cast %select_n3A_103 : vector<16xi32> to vector<1x16xi32>
      tpu.vector_store %arg6[%swap3A_104, %swap3A_105], %swap3A_108 {strides = array<i32>} : memref<250x80xi32, #tpu.memory_space<vmem>>, vector<1x16xi32>,
      %get3A_109 = arith.index_cast %scan3A_40 : i32 to index
      %get3A_110 = arith.constant 48 : index
      %get3A_111 = tpu.vector_load %arg6[%get3A_109, %get3A_110] {strides = array<i32>} : memref<250x80xi32, #tpu.memory_space<vmem>>, vector<1x16xi32>,
      %get3A_112 = vector.shape_cast %get3A_111 : vector<1x16xi32> to vector<16xi32>
      %sub3A_113 = vector.broadcast %mul3A_0 : i32 to vector<16xi32>
      %sub3A_114 = arith.subi %get3A_112, %sub3A_113 : vector<16xi32>
      %lt3A_115 = arith.constant 0 : i32
      %lt3A_116 = vector.broadcast %lt3A_115 : i32 to vector<16xi32>
      %lt3A_117 = arith.cmpi slt, %sub3A_114, %lt3A_116 : vector<16xi32>
      %ge3A_118 = arith.constant 5120 : i32
      %ge3A_119 = vector.broadcast %ge3A_118 : i32 to vector<16xi32>
      %ge3A_120 = arith.cmpi sge, %sub3A_114, %ge3A_119 : vector<16xi32>
      %or3A_121 = arith.ori %lt3A_117, %ge3A_120 : vector<16xi1>
      %and3A_122 = arith.constant 127 : i32
      %and3A_123 = vector.broadcast %and3A_122 : i32 to vector<16xi32>
      %and3A_124 = arith.andi %get3A_112, %and3A_123 : vector<16xi32>
      %add3A_125 = arith.constant 5120 : i32
      %add3A_126 = vector.broadcast %add3A_125 : i32 to vector<16xi32>
      %add3A_127 = arith.addi %add3A_126, %and3A_124 : vector<16xi32>
      %select_n3A_128 = arith.select %or3A_121, %add3A_127, %sub3A_114 : vector<16xi1>, vector<16xi32>
      %swap3A_129 = arith.index_cast %scan3A_40 : i32 to index
      %swap3A_130 = arith.constant 48 : index
      %swap3A_131 = tpu.vector_load %arg6[%swap3A_129, %swap3A_130] {strides = array<i32>} : memref<250x80xi32, #tpu.memory_space<vmem>>, vector<1x16xi32>,
      %swap3A_132 = vector.shape_cast %swap3A_131 : vector<1x16xi32> to vector<16xi32>
      %swap3A_133 = vector.shape_cast %select_n3A_128 : vector<16xi32> to vector<1x16xi32>
      tpu.vector_store %arg6[%swap3A_129, %swap3A_130], %swap3A_133 {strides = array<i32>} : memref<250x80xi32, #tpu.memory_space<vmem>>, vector<1x16xi32>,
      %get3A_134 = arith.index_cast %scan3A_40 : i32 to index
      %get3A_135 = arith.constant 64 : index
      %get3A_136 = tpu.vector_load %arg6[%get3A_134, %get3A_135] {strides = array<i32>} : memref<250x80xi32, #tpu.memory_space<vmem>>, vector<1x16xi32>,
      %get3A_137 = vector.shape_cast %get3A_136 : vector<1x16xi32> to vector<16xi32>
      %sub3A_138 = vector.broadcast %mul3A_0 : i32 to vector<16xi32>
      %sub3A_139 = arith.subi %get3A_137, %sub3A_138 : vector<16xi32>
      %lt3A_140 = arith.constant 0 : i32
      %lt3A_141 = vector.broadcast %lt3A_140 : i32 to vector<16xi32>
      %lt3A_142 = arith.cmpi slt, %sub3A_139, %lt3A_141 : vector<16xi32>
      %ge3A_143 = arith.constant 5120 : i32
      %ge3A_144 = vector.broadcast %ge3A_143 : i32 to vector<16xi32>
      %ge3A_145 = arith.cmpi sge, %sub3A_139, %ge3A_144 : vector<16xi32>
      %or3A_146 = arith.ori %lt3A_142, %ge3A_145 : vector<16xi1>
      %and3A_147 = arith.constant 127 : i32
      %and3A_148 = vector.broadcast %and3A_147 : i32 to vector<16xi32>
      %and3A_149 = arith.andi %get3A_137, %and3A_148 : vector<16xi32>
      %add3A_150 = arith.constant 5120 : i32
      %add3A_151 = vector.broadcast %add3A_150 : i32 to vector<16xi32>
      %add3A_152 = arith.addi %add3A_151, %and3A_149 : vector<16xi32>
      %select_n3A_153 = arith.select %or3A_146, %add3A_152, %sub3A_139 : vector<16xi1>, vector<16xi32>
      %swap3A_154 = arith.index_cast %scan3A_40 : i32 to index
      %swap3A_155 = arith.constant 64 : index
      %swap3A_156 = tpu.vector_load %arg6[%swap3A_154, %swap3A_155] {strides = array<i32>} : memref<250x80xi32, #tpu.memory_space<vmem>>, vector<1x16xi32>,
      %swap3A_157 = vector.shape_cast %swap3A_156 : vector<1x16xi32> to vector<16xi32>
      %swap3A_158 = vector.shape_cast %select_n3A_153 : vector<16xi32> to vector<1x16xi32>
      tpu.vector_store %arg6[%swap3A_154, %swap3A_155], %swap3A_158 {strides = array<i32>} : memref<250x80xi32, #tpu.memory_space<vmem>>, vector<1x16xi32>,
      %scan3A_159 = arith.constant 0 : i32
      scf.yield %scan3A_159 : i32
    }
    %scan3A_24 = arith.constant 250 : i32
    %barrier3A = arith.constant 0 : index
    tpu.barrier barrier_id(%barrier3A)
    %scan3A_25 = arith.constant 0 : i32
    %scan3A_26 = arith.constant 0 : i32
    %scan3A_27 = arith.constant 125 : i32
    %scan3A_28 = arith.addi %scan3A_26, %scan3A_27 : i32
    %scan3A_29 = arith.constant 1 : i32
    %scan3A_30 = scf.for %scan3A_40 = %scan3A_26 to %scan3A_28 step %scan3A_29 iter_args(%scan3A_41 = %scan3A_25) -> (i32)  : i32 {
      %mul3A_42 = arith.constant 2 : i32
      %mul3A_43 = arith.muli %mul3A_42, %scan3A_40 : i32
      %dma_start3A = arith.constant 0 : i32
      %dma_start3A_44 = tpu.memref_slice %arg7[%mul3A_43, %dma_start3A] : memref<250x80xi32, #tpu.memory_space<vmem>> -> memref<1x80xi32, #tpu.memory_space<vmem>>
      %dma_start3A_45 = tpu.memref_squeeze %dma_start3A_44 : memref<1x80xi32, #tpu.memory_space<vmem>> -> memref<80xi32, #tpu.memory_space<vmem>>
      %dma_start3A_46 = arith.constant 0 : i32
      %dma_start3A_47 = arith.constant 0 : i32
      %dma_start3A_48 = tpu.memref_slice %arg2[%dma_start3A_46, %dma_start3A_47] : memref<10240x128xf32, #tpu.memory_space<hbm>> -> memref<10240x128xf32, #tpu.memory_space<hbm>>
      tpu.enqueue_indirect_dma source(%dma_start3A_48 : memref<10240x128xf32, #tpu.memory_space<hbm>>) target(%arg8 : memref<80x128xf32, #tpu.memory_space<vmem>>) offsets(%dma_start3A_45 : memref<80xi32, #tpu.memory_space<vmem>>) semaphore(%arg10 : memref<!tpu.dma_semaphore, #tpu.memory_space<semaphore_mem>>)
      %add3A_49 = arith.constant 1 : i32
      %add3A_50 = arith.addi %mul3A_43, %add3A_49 : i32
      %dma_start3A_51 = arith.constant 0 : i32
      %dma_start3A_52 = tpu.memref_slice %arg7[%add3A_50, %dma_start3A_51] : memref<250x80xi32, #tpu.memory_space<vmem>> -> memref<1x80xi32, #tpu.memory_space<vmem>>
      %dma_start3A_53 = tpu.memref_squeeze %dma_start3A_52 : memref<1x80xi32, #tpu.memory_space<vmem>> -> memref<80xi32, #tpu.memory_space<vmem>>
      %dma_start3A_54 = arith.constant 0 : i32
      %dma_start3A_55 = arith.constant 0 : i32
      %dma_start3A_56 = tpu.memref_slice %arg2[%dma_start3A_54, %dma_start3A_55] : memref<10240x128xf32, #tpu.memory_space<hbm>> -> memref<10240x128xf32, #tpu.memory_space<hbm>>
      tpu.enqueue_indirect_dma source(%dma_start3A_56 : memref<10240x128xf32, #tpu.memory_space<hbm>>) target(%arg9 : memref<80x128xf32, #tpu.memory_space<vmem>>) offsets(%dma_start3A_53 : memref<80xi32, #tpu.memory_space<vmem>>) semaphore(%arg11 : memref<!tpu.dma_semaphore, #tpu.memory_space<semaphore_mem>>)
      %dma_wait3A = arith.constant 0 : i32
      %dma_wait3A_57 = tpu.memref_slice %arg7[%mul3A_43, %dma_wait3A] : memref<250x80xi32, #tpu.memory_space<vmem>> -> memref<1x80xi32, #tpu.memory_space<vmem>>
      %dma_wait3A_58 = tpu.memref_squeeze %dma_wait3A_57 : memref<1x80xi32, #tpu.memory_space<vmem>> -> memref<80xi32, #tpu.memory_space<vmem>>
      %dma_wait3A_59 = arith.constant 0 : i32
      %dma_wait3A_60 = arith.constant 0 : i32
      %dma_wait3A_61 = tpu.memref_slice %arg2[%dma_wait3A_59, %dma_wait3A_60] : memref<10240x128xf32, #tpu.memory_space<hbm>> -> memref<10240x128xf32, #tpu.memory_space<hbm>>
      tpu.wait_indirect_dma semaphore(%arg10 : memref<!tpu.dma_semaphore, #tpu.memory_space<semaphore_mem>>) src(%dma_wait3A_61 : memref<10240x128xf32, #tpu.memory_space<hbm>>) dst(%arg8 : memref<80x128xf32, #tpu.memory_space<vmem>>)
      %dma_wait3A_62 = arith.constant 0 : i32
      %dma_wait3A_63 = tpu.memref_slice %arg7[%add3A_50, %dma_wait3A_62] : memref<250x80xi32, #tpu.memory_space<vmem>> -> memref<1x80xi32, #tpu.memory_space<vmem>>
      %dma_wait3A_64 = tpu.memref_squeeze %dma_wait3A_63 : memref<1x80xi32, #tpu.memory_space<vmem>> -> memref<80xi32, #tpu.memory_space<vmem>>
      %dma_wait3A_65 = arith.constant 0 : i32
      %dma_wait3A_66 = arith.constant 0 : i32
      %dma_wait3A_67 = tpu.memref_slice %arg2[%dma_wait3A_65, %dma_wait3A_66] : memref<10240x128xf32, #tpu.memory_space<hbm>> -> memref<10240x128xf32, #tpu.memory_space<hbm>>
      tpu.wait_indirect_dma semaphore(%arg11 : memref<!tpu.dma_semaphore, #tpu.memory_space<semaphore_mem>>) src(%dma_wait3A_67 : memref<10240x128xf32, #tpu.memory_space<hbm>>) dst(%arg9 : memref<80x128xf32, #tpu.memory_space<vmem>>)
      %dma_start3A_68 = arith.constant 0 : i32
      %dma_start3A_69 = tpu.memref_slice %arg6[%mul3A_43, %dma_start3A_68] : memref<250x80xi32, #tpu.memory_space<vmem>> -> memref<1x80xi32, #tpu.memory_space<vmem>>
      %dma_start3A_70 = tpu.memref_squeeze %dma_start3A_69 : memref<1x80xi32, #tpu.memory_space<vmem>> -> memref<80xi32, #tpu.memory_space<vmem>>
      %dma_start3A_71 = arith.constant 0 : i32
      %dma_start3A_72 = arith.constant 0 : i32
      %dma_start3A_73 = tpu.memref_slice %arg12[%dma_start3A_71, %dma_start3A_72] : memref<5248x128xf32, #tpu.memory_space<vmem_shared>> -> memref<5248x128xf32, #tpu.memory_space<vmem_shared>>
      tpu.enqueue_indirect_dma source(%arg8 : memref<80x128xf32, #tpu.memory_space<vmem>>) target(%dma_start3A_73 : memref<5248x128xf32, #tpu.memory_space<vmem_shared>>) offsets(%dma_start3A_70 : memref<80xi32, #tpu.memory_space<vmem>>) semaphore(%arg10 : memref<!tpu.dma_semaphore, #tpu.memory_space<semaphore_mem>>) {add = true}
      %add3A_74 = arith.constant 1 : i32
      %add3A_75 = arith.addi %mul3A_43, %add3A_74 : i32
      %dma_start3A_76 = arith.constant 0 : i32
      %dma_start3A_77 = tpu.memref_slice %arg6[%add3A_75, %dma_start3A_76] : memref<250x80xi32, #tpu.memory_space<vmem>> -> memref<1x80xi32, #tpu.memory_space<vmem>>
      %dma_start3A_78 = tpu.memref_squeeze %dma_start3A_77 : memref<1x80xi32, #tpu.memory_space<vmem>> -> memref<80xi32, #tpu.memory_space<vmem>>
      %dma_start3A_79 = arith.constant 0 : i32
      %dma_start3A_80 = arith.constant 0 : i32
      %dma_start3A_81 = tpu.memref_slice %arg12[%dma_start3A_79, %dma_start3A_80] : memref<5248x128xf32, #tpu.memory_space<vmem_shared>> -> memref<5248x128xf32, #tpu.memory_space<vmem_shared>>
      tpu.enqueue_indirect_dma source(%arg9 : memref<80x128xf32, #tpu.memory_space<vmem>>) target(%dma_start3A_81 : memref<5248x128xf32, #tpu.memory_space<vmem_shared>>) offsets(%dma_start3A_78 : memref<80xi32, #tpu.memory_space<vmem>>) semaphore(%arg11 : memref<!tpu.dma_semaphore, #tpu.memory_space<semaphore_mem>>) {add = true}
      %dma_wait3A_82 = arith.constant 0 : i32
      %dma_wait3A_83 = tpu.memref_slice %arg6[%mul3A_43, %dma_wait3A_82] : memref<250x80xi32, #tpu.memory_space<vmem>> -> memref<1x80xi32, #tpu.memory_space<vmem>>
      %dma_wait3A_84 = tpu.memref_squeeze %dma_wait3A_83 : memref<1x80xi32, #tpu.memory_space<vmem>> -> memref<80xi32, #tpu.memory_space<vmem>>
      %dma_wait3A_85 = arith.constant 0 : i32
      %dma_wait3A_86 = arith.constant 0 : i32
      %dma_wait3A_87 = tpu.memref_slice %arg12[%dma_wait3A_85, %dma_wait3A_86] : memref<5248x128xf32, #tpu.memory_space<vmem_shared>> -> memref<5248x128xf32, #tpu.memory_space<vmem_shared>>
      tpu.wait_indirect_dma semaphore(%arg10 : memref<!tpu.dma_semaphore, #tpu.memory_space<semaphore_mem>>) src(%arg8 : memref<80x128xf32, #tpu.memory_space<vmem>>) dst(%dma_wait3A_87 : memref<5248x128xf32, #tpu.memory_space<vmem_shared>>)
      %dma_wait3A_88 = arith.constant 0 : i32
      %dma_wait3A_89 = tpu.memref_slice %arg6[%add3A_75, %dma_wait3A_88] : memref<250x80xi32, #tpu.memory_space<vmem>> -> memref<1x80xi32, #tpu.memory_space<vmem>>
      %dma_wait3A_90 = tpu.memref_squeeze %dma_wait3A_89 : memref<1x80xi32, #tpu.memory_space<vmem>> -> memref<80xi32, #tpu.memory_space<vmem>>
      %dma_wait3A_91 = arith.constant 0 : i32
      %dma_wait3A_92 = arith.constant 0 : i32
      %dma_wait3A_93 = tpu.memref_slice %arg12[%dma_wait3A_91, %dma_wait3A_92] : memref<5248x128xf32, #tpu.memory_space<vmem_shared>> -> memref<5248x128xf32, #tpu.memory_space<vmem_shared>>
      tpu.wait_indirect_dma semaphore(%arg11 : memref<!tpu.dma_semaphore, #tpu.memory_space<semaphore_mem>>) src(%arg9 : memref<80x128xf32, #tpu.memory_space<vmem>>) dst(%dma_wait3A_93 : memref<5248x128xf32, #tpu.memory_space<vmem_shared>>)
      %scan3A_94 = arith.constant 0 : i32
      scf.yield %scan3A_94 : i32
    }
    %scan3A_31 = arith.constant 125 : i32
    %barrier3A_32 = arith.constant 0 : index
    tpu.barrier barrier_id(%barrier3A_32)
    %scan3A_33 = arith.constant 0 : i32
    %scan3A_34 = arith.constant 0 : i32
    %scan3A_35 = arith.constant 4 : i32
    %scan3A_36 = arith.addi %scan3A_34, %scan3A_35 : i32
    %scan3A_37 = arith.constant 1 : i32
    %scan3A_38 = scf.for %scan3A_40 = %scan3A_34 to %scan3A_36 step %scan3A_37 iter_args(%scan3A_41 = %scan3A_33) -> (i32)  : i32 {
      %mul3A_42 = arith.constant 328 : i32
      %mul3A_43 = arith.muli %arg1, %mul3A_42 : i32
      %mul3A_44 = arith.constant 80 : i32
      %mul3A_45 = arith.muli %scan3A_40, %mul3A_44 : i32
      %add3A_46 = arith.addi %mul3A_43, %mul3A_45 : i32
      "tpu.region"() ({
        %run_scoped3A = tpu.sem_alloc : memref<!tpu.dma_semaphore, #tpu.memory_space<semaphore_mem>>
        %dma_start3A = arith.constant 0 : i32
        %dma_start3A_53 = tpu.memref_slice %arg12[%add3A_46, %dma_start3A] : memref<5248x128xf32, #tpu.memory_space<vmem_shared>> -> memref<80x128xf32, #tpu.memory_space<vmem_shared>>
        %dma_start3A_54 = arith.constant 0 : i32
        %dma_start3A_55 = tpu.memref_slice %arg12[%add3A_46, %dma_start3A_54] : memref<5248x128xf32, #tpu.memory_space<vmem_shared>> -> memref<80x128xf32, #tpu.memory_space<vmem_shared>>
        tpu.enqueue_dma source(%dma_start3A_55 : memref<80x128xf32, #tpu.memory_space<vmem_shared>>) target(%arg8 : memref<80x128xf32, #tpu.memory_space<vmem>>) target_semaphore(%run_scoped3A : memref<!tpu.dma_semaphore, #tpu.memory_space<semaphore_mem>>)
        %dma_wait3A = arith.constant 0 : i32
        %dma_wait3A_56 = tpu.memref_slice %arg12[%add3A_46, %dma_wait3A] : memref<5248x128xf32, #tpu.memory_space<vmem_shared>> -> memref<80x128xf32, #tpu.memory_space<vmem_shared>>
        %dma_wait3A_57 = arith.constant 0 : i32
        %dma_wait3A_58 = tpu.memref_slice %arg12[%add3A_46, %dma_wait3A_57] : memref<5248x128xf32, #tpu.memory_space<vmem_shared>> -> memref<80x128xf32, #tpu.memory_space<vmem_shared>>
        tpu.wait_dma2 semaphore(%run_scoped3A : memref<!tpu.dma_semaphore, #tpu.memory_space<semaphore_mem>>) src(%dma_wait3A_58 : memref<80x128xf32, #tpu.memory_space<vmem_shared>>) dst(%arg8 : memref<80x128xf32, #tpu.memory_space<vmem>>)
        tpu.yield
      }) : () -> ()
      %mul3A_47 = arith.constant 328 : i32
      %mul3A_48 = arith.muli %arg1, %mul3A_47 : i32
      %mul3A_49 = arith.constant 80 : i32
      %mul3A_50 = arith.muli %scan3A_40, %mul3A_49 : i32
      %add3A_51 = arith.addi %mul3A_48, %mul3A_50 : i32
      "tpu.region"() ({
        %run_scoped3A = tpu.sem_alloc : memref<!tpu.dma_semaphore, #tpu.memory_space<semaphore_mem>>
        %dma_start3A = arith.constant 0 : i32
        %dma_start3A_53 = tpu.memref_slice %arg5[%arg0, %add3A_51, %dma_start3A] : memref<2x5248x128xf32, #tpu.memory_space<hbm>> -> memref<1x80x128xf32, #tpu.memory_space<hbm>>
        %dma_start3A_54 = tpu.memref_squeeze %dma_start3A_53 : memref<1x80x128xf32, #tpu.memory_space<hbm>> -> memref<80x128xf32, #tpu.memory_space<hbm>>
        %dma_start3A_55 = arith.constant 0 : i32
        %dma_start3A_56 = tpu.memref_slice %arg5[%arg0, %add3A_51, %dma_start3A_55] : memref<2x5248x128xf32, #tpu.memory_space<hbm>> -> memref<1x80x128xf32, #tpu.memory_space<hbm>>
        %dma_start3A_57 = tpu.memref_squeeze %dma_start3A_56 : memref<1x80x128xf32, #tpu.memory_space<hbm>> -> memref<80x128xf32, #tpu.memory_space<hbm>>
        tpu.enqueue_dma source(%arg8 : memref<80x128xf32, #tpu.memory_space<vmem>>) target(%dma_start3A_57 : memref<80x128xf32, #tpu.memory_space<hbm>>) target_semaphore(%run_scoped3A : memref<!tpu.dma_semaphore, #tpu.memory_space<semaphore_mem>>)
        %dma_wait3A = arith.constant 0 : i32
        %dma_wait3A_58 = tpu.memref_slice %arg5[%arg0, %add3A_51, %dma_wait3A] : memref<2x5248x128xf32, #tpu.memory_space<hbm>> -> memref<1x80x128xf32, #tpu.memory_space<hbm>>
        %dma_wait3A_59 = tpu.memref_squeeze %dma_wait3A_58 : memref<1x80x128xf32, #tpu.memory_space<hbm>> -> memref<80x128xf32, #tpu.memory_space<hbm>>
        %dma_wait3A_60 = arith.constant 0 : i32
        %dma_wait3A_61 = tpu.memref_slice %arg5[%arg0, %add3A_51, %dma_wait3A_60] : memref<2x5248x128xf32, #tpu.memory_space<hbm>> -> memref<1x80x128xf32, #tpu.memory_space<hbm>>
        %dma_wait3A_62 = tpu.memref_squeeze %dma_wait3A_61 : memref<1x80x128xf32, #tpu.memory_space<hbm>> -> memref<80x128xf32, #tpu.memory_space<hbm>>
        tpu.wait_dma2 semaphore(%run_scoped3A : memref<!tpu.dma_semaphore, #tpu.memory_space<semaphore_mem>>) src(%arg8 : memref<80x128xf32, #tpu.memory_space<vmem>>) dst(%dma_wait3A_62 : memref<80x128xf32, #tpu.memory_space<hbm>>)
        tpu.yield
      }) : () -> ()
      %scan3A_52 = arith.constant 0 : i32
      scf.yield %scan3A_52 : i32
    }
    %scan3A_39 = arith.constant 4 : i32
    "tpu.region"() ({
      %run_scoped3A = tpu.sem_alloc : memref<!tpu.dma_semaphore, #tpu.memory_space<semaphore_mem>>
      %dma_start3A = arith.constant 0 : i32
      %dma_start3A_40 = arith.constant 0 : i32
      %dma_start3A_41 = tpu.memref_slice %arg8[%dma_start3A, %dma_start3A_40] : memref<80x128xf32, #tpu.memory_space<vmem>> -> memref<8x128xf32, #tpu.memory_space<vmem>>
      %dma_start3A_42 = arith.constant 0 : i32
      %dma_start3A_43 = tpu.memref_slice %arg12[%add3A_17, %dma_start3A_42] : memref<5248x128xf32, #tpu.memory_space<vmem_shared>> -> memref<8x128xf32, #tpu.memory_space<vmem_shared>>
      %dma_start3A_44 = arith.constant 0 : i32
      %dma_start3A_45 = arith.constant 0 : i32
      %dma_start3A_46 = tpu.memref_slice %arg8[%dma_start3A_44, %dma_start3A_45] : memref<80x128xf32, #tpu.memory_space<vmem>> -> memref<8x128xf32, #tpu.memory_space<vmem>>
      %dma_start3A_47 = arith.constant 0 : i32
      %dma_start3A_48 = tpu.memref_slice %arg12[%add3A_17, %dma_start3A_47] : memref<5248x128xf32, #tpu.memory_space<vmem_shared>> -> memref<8x128xf32, #tpu.memory_space<vmem_shared>>
      tpu.enqueue_dma source(%dma_start3A_48 : memref<8x128xf32, #tpu.memory_space<vmem_shared>>) target(%dma_start3A_46 : memref<8x128xf32, #tpu.memory_space<vmem>>) target_semaphore(%run_scoped3A : memref<!tpu.dma_semaphore, #tpu.memory_space<semaphore_mem>>)
      %dma_wait3A = arith.constant 0 : i32
      %dma_wait3A_49 = arith.constant 0 : i32
      %dma_wait3A_50 = tpu.memref_slice %arg8[%dma_wait3A, %dma_wait3A_49] : memref<80x128xf32, #tpu.memory_space<vmem>> -> memref<8x128xf32, #tpu.memory_space<vmem>>
      %dma_wait3A_51 = arith.constant 0 : i32
      %dma_wait3A_52 = tpu.memref_slice %arg12[%add3A_17, %dma_wait3A_51] : memref<5248x128xf32, #tpu.memory_space<vmem_shared>> -> memref<8x128xf32, #tpu.memory_space<vmem_shared>>
      %dma_wait3A_53 = arith.constant 0 : i32
      %dma_wait3A_54 = arith.constant 0 : i32
      %dma_wait3A_55 = tpu.memref_slice %arg8[%dma_wait3A_53, %dma_wait3A_54] : memref<80x128xf32, #tpu.memory_space<vmem>> -> memref<8x128xf32, #tpu.memory_space<vmem>>
      %dma_wait3A_56 = arith.constant 0 : i32
      %dma_wait3A_57 = tpu.memref_slice %arg12[%add3A_17, %dma_wait3A_56] : memref<5248x128xf32, #tpu.memory_space<vmem_shared>> -> memref<8x128xf32, #tpu.memory_space<vmem_shared>>
      tpu.wait_dma2 semaphore(%run_scoped3A : memref<!tpu.dma_semaphore, #tpu.memory_space<semaphore_mem>>) src(%dma_wait3A_57 : memref<8x128xf32, #tpu.memory_space<vmem_shared>>) dst(%dma_wait3A_55 : memref<8x128xf32, #tpu.memory_space<vmem>>)
      tpu.yield
    }) : () -> ()
    "tpu.region"() ({
      %run_scoped3A = tpu.sem_alloc : memref<!tpu.dma_semaphore, #tpu.memory_space<semaphore_mem>>
      %dma_start3A = arith.constant 0 : i32
      %dma_start3A_40 = arith.constant 0 : i32
      %dma_start3A_41 = tpu.memref_slice %arg8[%dma_start3A, %dma_start3A_40] : memref<80x128xf32, #tpu.memory_space<vmem>> -> memref<8x128xf32, #tpu.memory_space<vmem>>
      %dma_start3A_42 = arith.constant 0 : i32
      %dma_start3A_43 = tpu.memref_slice %arg5[%arg0, %add3A_17, %dma_start3A_42] : memref<2x5248x128xf32, #tpu.memory_space<hbm>> -> memref<1x8x128xf32, #tpu.memory_space<hbm>>
      %dma_start3A_44 = tpu.memref_squeeze %dma_start3A_43 : memref<1x8x128xf32, #tpu.memory_space<hbm>> -> memref<8x128xf32, #tpu.memory_space<hbm>>
      %dma_start3A_45 = arith.constant 0 : i32
      %dma_start3A_46 = tpu.memref_slice %arg5[%arg0, %add3A_17, %dma_start3A_45] : memref<2x5248x128xf32, #tpu.memory_space<hbm>> -> memref<1x8x128xf32, #tpu.memory_space<hbm>>
      %dma_start3A_47 = tpu.memref_squeeze %dma_start3A_46 : memref<1x8x128xf32, #tpu.memory_space<hbm>> -> memref<8x128xf32, #tpu.memory_space<hbm>>
      %dma_start3A_48 = arith.constant 0 : i32
      %dma_start3A_49 = arith.constant 0 : i32
      %dma_start3A_50 = tpu.memref_slice %arg8[%dma_start3A_48, %dma_start3A_49] : memref<80x128xf32, #tpu.memory_space<vmem>> -> memref<8x128xf32, #tpu.memory_space<vmem>>
      tpu.enqueue_dma source(%dma_start3A_50 : memref<8x128xf32, #tpu.memory_space<vmem>>) target(%dma_start3A_47 : memref<8x128xf32, #tpu.memory_space<hbm>>) target_semaphore(%run_scoped3A : memref<!tpu.dma_semaphore, #tpu.memory_space<semaphore_mem>>)
      %dma_wait3A = arith.constant 0 : i32
      %dma_wait3A_51 = arith.constant 0 : i32
      %dma_wait3A_52 = tpu.memref_slice %arg8[%dma_wait3A, %dma_wait3A_51] : memref<80x128xf32, #tpu.memory_space<vmem>> -> memref<8x128xf32, #tpu.memory_space<vmem>>
      %dma_wait3A_53 = arith.constant 0 : i32
      %dma_wait3A_54 = tpu.memref_slice %arg5[%arg0, %add3A_17, %dma_wait3A_53] : memref<2x5248x128xf32, #tpu.memory_space<hbm>> -> memref<1x8x128xf32, #tpu.memory_space<hbm>>
      %dma_wait3A_55 = tpu.memref_squeeze %dma_wait3A_54 : memref<1x8x128xf32, #tpu.memory_space<hbm>> -> memref<8x128xf32, #tpu.memory_space<hbm>>
      %dma_wait3A_56 = arith.constant 0 : i32
      %dma_wait3A_57 = tpu.memref_slice %arg5[%arg0, %add3A_17, %dma_wait3A_56] : memref<2x5248x128xf32, #tpu.memory_space<hbm>> -> memref<1x8x128xf32, #tpu.memory_space<hbm>>
      %dma_wait3A_58 = tpu.memref_squeeze %dma_wait3A_57 : memref<1x8x128xf32, #tpu.memory_space<hbm>> -> memref<8x128xf32, #tpu.memory_space<hbm>>
      %dma_wait3A_59 = arith.constant 0 : i32
      %dma_wait3A_60 = arith.constant 0 : i32
      %dma_wait3A_61 = tpu.memref_slice %arg8[%dma_wait3A_59, %dma_wait3A_60] : memref<80x128xf32, #tpu.memory_space<vmem>> -> memref<8x128xf32, #tpu.memory_space<vmem>>
      tpu.wait_dma2 semaphore(%run_scoped3A : memref<!tpu.dma_semaphore, #tpu.memory_space<semaphore_mem>>) src(%dma_wait3A_61 : memref<8x128xf32, #tpu.memory_space<vmem>>) dst(%dma_wait3A_58 : memref<8x128xf32, #tpu.memory_space<hbm>>)
      tpu.yield
    }) : () -> ()
    return
  }
}

#map = affine_map<(d0, d1) -> (0, 0)>
#map1 = affine_map<(d0, d1) -> (0, 0, 0)>
module attributes {stable_mosaic.version = 14 : i64} {
  func.func @_sc_aggregate(%arg0: i32, %arg1: i32, %arg2: memref<10000x128xf32, #tpu.memory_space<hbm>>, %arg3: memref<16x250x80xi32, #tpu.memory_space<hbm>>, %arg4: memref<16x250x80xi32, #tpu.memory_space<hbm>>, %arg5: memref<2x5248x128xf32, #tpu.memory_space<hbm>>, %arg6: memref<250x80xi32, #tpu.memory_space<vmem>>, %arg7: memref<250x80xi32, #tpu.memory_space<vmem>>, %arg8: memref<80x128xf32, #tpu.memory_space<vmem>>, %arg9: memref<80x128xf32, #tpu.memory_space<vmem>>, %arg10: memref<!tpu.dma_semaphore, #tpu.memory_space<semaphore_mem>>, %arg11: memref<!tpu.dma_semaphore, #tpu.memory_space<semaphore_mem>>, %arg12: memref<5248x128xf32, #tpu.memory_space<vmem_shared>>) attributes {dimension_semantics = [#tpu.dimension_semantics<core_parallel>, #tpu.dimension_semantics<subcore_parallel>], iteration_bounds = array<i64: 2, 16>, scalar_prefetch = 0 : i64, scratch_operands = 7 : i64, tpu.core_type = #tpu.core_type<sc_vector_subcore>, window_params = [{transform_indices = #map}, {transform_indices = #map1}, {transform_indices = #map1}, {transform_indices = #map1}]} {
    %mul3A = arith.constant 5120 : i32
    %mul3A_0 = arith.muli %arg0, %mul3A : i32
    %broadcast_in_dim3A = arith.constant 0.000000e+00 : f32
    %broadcast_in_dim3A_1 = vector.broadcast %broadcast_in_dim3A : f32 to vector<16xf32>
    %scan3A = arith.constant 0 : i32
    %scan3A_2 = arith.constant 0 : i32
    %scan3A_3 = arith.constant 80 : i32
    %scan3A_4 = arith.addi %scan3A_2, %scan3A_3 : i32
    %scan3A_5 = arith.constant 1 : i32
    %scan3A_6 = scf.for %scan3A_40 = %scan3A_2 to %scan3A_4 step %scan3A_5 iter_args(%scan3A_41 = %scan3A) -> (i32)  : i32 {
      %swap3A = arith.index_cast %scan3A_40 : i32 to index
      %swap3A_42 = arith.constant 0 : index
      %swap3A_43 = tpu.vector_load %arg8[%swap3A, %swap3A_42] {strides = array<i32>} : memref<80x128xf32, #tpu.memory_space<vmem>>, vector<1x16xf32>,
      %swap3A_44 = vector.shape_cast %swap3A_43 : vector<1x16xf32> to vector<16xf32>
      %swap3A_45 = vector.shape_cast %broadcast_in_dim3A_1 : vector<16xf32> to vector<1x16xf32>
      tpu.vector_store %arg8[%swap3A, %swap3A_42], %swap3A_45 {strides = array<i32>} : memref<80x128xf32, #tpu.memory_space<vmem>>, vector<1x16xf32>,
      %swap3A_46 = arith.index_cast %scan3A_40 : i32 to index
      %swap3A_47 = arith.constant 16 : index
      %swap3A_48 = tpu.vector_load %arg8[%swap3A_46, %swap3A_47] {strides = array<i32>} : memref<80x128xf32, #tpu.memory_space<vmem>>, vector<1x16xf32>,
      %swap3A_49 = vector.shape_cast %swap3A_48 : vector<1x16xf32> to vector<16xf32>
      %swap3A_50 = vector.shape_cast %broadcast_in_dim3A_1 : vector<16xf32> to vector<1x16xf32>
      tpu.vector_store %arg8[%swap3A_46, %swap3A_47], %swap3A_50 {strides = array<i32>} : memref<80x128xf32, #tpu.memory_space<vmem>>, vector<1x16xf32>,
      %swap3A_51 = arith.index_cast %scan3A_40 : i32 to index
      %swap3A_52 = arith.constant 32 : index
      %swap3A_53 = tpu.vector_load %arg8[%swap3A_51, %swap3A_52] {strides = array<i32>} : memref<80x128xf32, #tpu.memory_space<vmem>>, vector<1x16xf32>,
      %swap3A_54 = vector.shape_cast %swap3A_53 : vector<1x16xf32> to vector<16xf32>
      %swap3A_55 = vector.shape_cast %broadcast_in_dim3A_1 : vector<16xf32> to vector<1x16xf32>
      tpu.vector_store %arg8[%swap3A_51, %swap3A_52], %swap3A_55 {strides = array<i32>} : memref<80x128xf32, #tpu.memory_space<vmem>>, vector<1x16xf32>,
      %swap3A_56 = arith.index_cast %scan3A_40 : i32 to index
      %swap3A_57 = arith.constant 48 : index
      %swap3A_58 = tpu.vector_load %arg8[%swap3A_56, %swap3A_57] {strides = array<i32>} : memref<80x128xf32, #tpu.memory_space<vmem>>, vector<1x16xf32>,
      %swap3A_59 = vector.shape_cast %swap3A_58 : vector<1x16xf32> to vector<16xf32>
      %swap3A_60 = vector.shape_cast %broadcast_in_dim3A_1 : vector<16xf32> to vector<1x16xf32>
      tpu.vector_store %arg8[%swap3A_56, %swap3A_57], %swap3A_60 {strides = array<i32>} : memref<80x128xf32, #tpu.memory_space<vmem>>, vector<1x16xf32>,
      %swap3A_61 = arith.index_cast %scan3A_40 : i32 to index
      %swap3A_62 = arith.constant 64 : index
      %swap3A_63 = tpu.vector_load %arg8[%swap3A_61, %swap3A_62] {strides = array<i32>} : memref<80x128xf32, #tpu.memory_space<vmem>>, vector<1x16xf32>,
      %swap3A_64 = vector.shape_cast %swap3A_63 : vector<1x16xf32> to vector<16xf32>
      %swap3A_65 = vector.shape_cast %broadcast_in_dim3A_1 : vector<16xf32> to vector<1x16xf32>
      tpu.vector_store %arg8[%swap3A_61, %swap3A_62], %swap3A_65 {strides = array<i32>} : memref<80x128xf32, #tpu.memory_space<vmem>>, vector<1x16xf32>,
      %swap3A_66 = arith.index_cast %scan3A_40 : i32 to index
      %swap3A_67 = arith.constant 80 : index
      %swap3A_68 = tpu.vector_load %arg8[%swap3A_66, %swap3A_67] {strides = array<i32>} : memref<80x128xf32, #tpu.memory_space<vmem>>, vector<1x16xf32>,
      %swap3A_69 = vector.shape_cast %swap3A_68 : vector<1x16xf32> to vector<16xf32>
      %swap3A_70 = vector.shape_cast %broadcast_in_dim3A_1 : vector<16xf32> to vector<1x16xf32>
      tpu.vector_store %arg8[%swap3A_66, %swap3A_67], %swap3A_70 {strides = array<i32>} : memref<80x128xf32, #tpu.memory_space<vmem>>, vector<1x16xf32>,
      %swap3A_71 = arith.index_cast %scan3A_40 : i32 to index
      %swap3A_72 = arith.constant 96 : index
      %swap3A_73 = tpu.vector_load %arg8[%swap3A_71, %swap3A_72] {strides = array<i32>} : memref<80x128xf32, #tpu.memory_space<vmem>>, vector<1x16xf32>,
      %swap3A_74 = vector.shape_cast %swap3A_73 : vector<1x16xf32> to vector<16xf32>
      %swap3A_75 = vector.shape_cast %broadcast_in_dim3A_1 : vector<16xf32> to vector<1x16xf32>
      tpu.vector_store %arg8[%swap3A_71, %swap3A_72], %swap3A_75 {strides = array<i32>} : memref<80x128xf32, #tpu.memory_space<vmem>>, vector<1x16xf32>,
      %swap3A_76 = arith.index_cast %scan3A_40 : i32 to index
      %swap3A_77 = arith.constant 112 : index
      %swap3A_78 = tpu.vector_load %arg8[%swap3A_76, %swap3A_77] {strides = array<i32>} : memref<80x128xf32, #tpu.memory_space<vmem>>, vector<1x16xf32>,
      %swap3A_79 = vector.shape_cast %swap3A_78 : vector<1x16xf32> to vector<16xf32>
      %swap3A_80 = vector.shape_cast %broadcast_in_dim3A_1 : vector<16xf32> to vector<1x16xf32>
      tpu.vector_store %arg8[%swap3A_76, %swap3A_77], %swap3A_80 {strides = array<i32>} : memref<80x128xf32, #tpu.memory_space<vmem>>, vector<1x16xf32>,
      %scan3A_81 = arith.constant 0 : i32
      scf.yield %scan3A_81 : i32
    }
    %scan3A_7 = arith.constant 80 : i32
    %scan3A_8 = arith.constant 0 : i32
    %scan3A_9 = arith.constant 0 : i32
    %scan3A_10 = arith.constant 4 : i32
    %scan3A_11 = arith.addi %scan3A_9, %scan3A_10 : i32
    %scan3A_12 = arith.constant 1 : i32
    %scan3A_13 = scf.for %scan3A_40 = %scan3A_9 to %scan3A_11 step %scan3A_12 iter_args(%scan3A_41 = %scan3A_8) -> (i32)  : i32 {
      %mul3A_42 = arith.constant 328 : i32
      %mul3A_43 = arith.muli %arg1, %mul3A_42 : i32
      %mul3A_44 = arith.constant 80 : i32
      %mul3A_45 = arith.muli %scan3A_40, %mul3A_44 : i32
      %add3A_46 = arith.addi %mul3A_43, %mul3A_45 : i32
      "tpu.region"() ({
        %run_scoped3A = tpu.sem_alloc : memref<!tpu.dma_semaphore, #tpu.memory_space<semaphore_mem>>
        %dma_start3A = arith.constant 0 : i32
        %dma_start3A_48 = tpu.memref_slice %arg12[%add3A_46, %dma_start3A] : memref<5248x128xf32, #tpu.memory_space<vmem_shared>> -> memref<80x128xf32, #tpu.memory_space<vmem_shared>>
        %dma_start3A_49 = arith.constant 0 : i32
        %dma_start3A_50 = tpu.memref_slice %arg12[%add3A_46, %dma_start3A_49] : memref<5248x128xf32, #tpu.memory_space<vmem_shared>> -> memref<80x128xf32, #tpu.memory_space<vmem_shared>>
        tpu.enqueue_dma source(%arg8 : memref<80x128xf32, #tpu.memory_space<vmem>>) target(%dma_start3A_50 : memref<80x128xf32, #tpu.memory_space<vmem_shared>>) target_semaphore(%run_scoped3A : memref<!tpu.dma_semaphore, #tpu.memory_space<semaphore_mem>>)
        %dma_wait3A = arith.constant 0 : i32
        %dma_wait3A_51 = tpu.memref_slice %arg12[%add3A_46, %dma_wait3A] : memref<5248x128xf32, #tpu.memory_space<vmem_shared>> -> memref<80x128xf32, #tpu.memory_space<vmem_shared>>
        %dma_wait3A_52 = arith.constant 0 : i32
        %dma_wait3A_53 = tpu.memref_slice %arg12[%add3A_46, %dma_wait3A_52] : memref<5248x128xf32, #tpu.memory_space<vmem_shared>> -> memref<80x128xf32, #tpu.memory_space<vmem_shared>>
        tpu.wait_dma2 semaphore(%run_scoped3A : memref<!tpu.dma_semaphore, #tpu.memory_space<semaphore_mem>>) src(%arg8 : memref<80x128xf32, #tpu.memory_space<vmem>>) dst(%dma_wait3A_53 : memref<80x128xf32, #tpu.memory_space<vmem_shared>>)
        tpu.yield
      }) : () -> ()
      %scan3A_47 = arith.constant 0 : i32
      scf.yield %scan3A_47 : i32
    }
    %scan3A_14 = arith.constant 4 : i32
    %mul3A_15 = arith.constant 328 : i32
    %mul3A_16 = arith.muli %arg1, %mul3A_15 : i32
    %add3A = arith.constant 320 : i32
    %add3A_17 = arith.addi %mul3A_16, %add3A : i32
    "tpu.region"() ({
      %run_scoped3A = tpu.sem_alloc : memref<!tpu.dma_semaphore, #tpu.memory_space<semaphore_mem>>
      %dma_start3A = arith.constant 0 : i32
      %dma_start3A_40 = arith.constant 0 : i32
      %dma_start3A_41 = tpu.memref_slice %arg8[%dma_start3A, %dma_start3A_40] : memref<80x128xf32, #tpu.memory_space<vmem>> -> memref<8x128xf32, #tpu.memory_space<vmem>>
      %dma_start3A_42 = arith.constant 0 : i32
      %dma_start3A_43 = tpu.memref_slice %arg12[%add3A_17, %dma_start3A_42] : memref<5248x128xf32, #tpu.memory_space<vmem_shared>> -> memref<8x128xf32, #tpu.memory_space<vmem_shared>>
      %dma_start3A_44 = arith.constant 0 : i32
      %dma_start3A_45 = tpu.memref_slice %arg12[%add3A_17, %dma_start3A_44] : memref<5248x128xf32, #tpu.memory_space<vmem_shared>> -> memref<8x128xf32, #tpu.memory_space<vmem_shared>>
      %dma_start3A_46 = arith.constant 0 : i32
      %dma_start3A_47 = arith.constant 0 : i32
      %dma_start3A_48 = tpu.memref_slice %arg8[%dma_start3A_46, %dma_start3A_47] : memref<80x128xf32, #tpu.memory_space<vmem>> -> memref<8x128xf32, #tpu.memory_space<vmem>>
      tpu.enqueue_dma source(%dma_start3A_48 : memref<8x128xf32, #tpu.memory_space<vmem>>) target(%dma_start3A_45 : memref<8x128xf32, #tpu.memory_space<vmem_shared>>) target_semaphore(%run_scoped3A : memref<!tpu.dma_semaphore, #tpu.memory_space<semaphore_mem>>)
      %dma_wait3A = arith.constant 0 : i32
      %dma_wait3A_49 = arith.constant 0 : i32
      %dma_wait3A_50 = tpu.memref_slice %arg8[%dma_wait3A, %dma_wait3A_49] : memref<80x128xf32, #tpu.memory_space<vmem>> -> memref<8x128xf32, #tpu.memory_space<vmem>>
      %dma_wait3A_51 = arith.constant 0 : i32
      %dma_wait3A_52 = tpu.memref_slice %arg12[%add3A_17, %dma_wait3A_51] : memref<5248x128xf32, #tpu.memory_space<vmem_shared>> -> memref<8x128xf32, #tpu.memory_space<vmem_shared>>
      %dma_wait3A_53 = arith.constant 0 : i32
      %dma_wait3A_54 = tpu.memref_slice %arg12[%add3A_17, %dma_wait3A_53] : memref<5248x128xf32, #tpu.memory_space<vmem_shared>> -> memref<8x128xf32, #tpu.memory_space<vmem_shared>>
      %dma_wait3A_55 = arith.constant 0 : i32
      %dma_wait3A_56 = arith.constant 0 : i32
      %dma_wait3A_57 = tpu.memref_slice %arg8[%dma_wait3A_55, %dma_wait3A_56] : memref<80x128xf32, #tpu.memory_space<vmem>> -> memref<8x128xf32, #tpu.memory_space<vmem>>
      tpu.wait_dma2 semaphore(%run_scoped3A : memref<!tpu.dma_semaphore, #tpu.memory_space<semaphore_mem>>) src(%dma_wait3A_57 : memref<8x128xf32, #tpu.memory_space<vmem>>) dst(%dma_wait3A_54 : memref<8x128xf32, #tpu.memory_space<vmem_shared>>)
      tpu.yield
    }) : () -> ()
    "tpu.region"() ({
      %run_scoped3A = tpu.sem_alloc : memref<!tpu.dma_semaphore, #tpu.memory_space<semaphore_mem>>
      %dma_start3A = arith.constant 0 : i32
      %dma_start3A_40 = arith.constant 0 : i32
      %dma_start3A_41 = tpu.memref_slice %arg3[%arg1, %dma_start3A, %dma_start3A_40] : memref<16x250x80xi32, #tpu.memory_space<hbm>> -> memref<1x250x80xi32, #tpu.memory_space<hbm>>
      %dma_start3A_42 = tpu.memref_squeeze %dma_start3A_41 : memref<1x250x80xi32, #tpu.memory_space<hbm>> -> memref<250x80xi32, #tpu.memory_space<hbm>>
      %dma_start3A_43 = arith.constant 0 : i32
      %dma_start3A_44 = arith.constant 0 : i32
      %dma_start3A_45 = tpu.memref_slice %arg3[%arg1, %dma_start3A_43, %dma_start3A_44] : memref<16x250x80xi32, #tpu.memory_space<hbm>> -> memref<1x250x80xi32, #tpu.memory_space<hbm>>
      %dma_start3A_46 = tpu.memref_squeeze %dma_start3A_45 : memref<1x250x80xi32, #tpu.memory_space<hbm>> -> memref<250x80xi32, #tpu.memory_space<hbm>>
      tpu.enqueue_dma source(%dma_start3A_46 : memref<250x80xi32, #tpu.memory_space<hbm>>) target(%arg6 : memref<250x80xi32, #tpu.memory_space<vmem>>) target_semaphore(%run_scoped3A : memref<!tpu.dma_semaphore, #tpu.memory_space<semaphore_mem>>)
      %dma_wait3A = arith.constant 0 : i32
      %dma_wait3A_47 = arith.constant 0 : i32
      %dma_wait3A_48 = tpu.memref_slice %arg3[%arg1, %dma_wait3A, %dma_wait3A_47] : memref<16x250x80xi32, #tpu.memory_space<hbm>> -> memref<1x250x80xi32, #tpu.memory_space<hbm>>
      %dma_wait3A_49 = tpu.memref_squeeze %dma_wait3A_48 : memref<1x250x80xi32, #tpu.memory_space<hbm>> -> memref<250x80xi32, #tpu.memory_space<hbm>>
      %dma_wait3A_50 = arith.constant 0 : i32
      %dma_wait3A_51 = arith.constant 0 : i32
      %dma_wait3A_52 = tpu.memref_slice %arg3[%arg1, %dma_wait3A_50, %dma_wait3A_51] : memref<16x250x80xi32, #tpu.memory_space<hbm>> -> memref<1x250x80xi32, #tpu.memory_space<hbm>>
      %dma_wait3A_53 = tpu.memref_squeeze %dma_wait3A_52 : memref<1x250x80xi32, #tpu.memory_space<hbm>> -> memref<250x80xi32, #tpu.memory_space<hbm>>
      tpu.wait_dma2 semaphore(%run_scoped3A : memref<!tpu.dma_semaphore, #tpu.memory_space<semaphore_mem>>) src(%dma_wait3A_53 : memref<250x80xi32, #tpu.memory_space<hbm>>) dst(%arg6 : memref<250x80xi32, #tpu.memory_space<vmem>>)
      tpu.yield
    }) : () -> ()
    "tpu.region"() ({
      %run_scoped3A = tpu.sem_alloc : memref<!tpu.dma_semaphore, #tpu.memory_space<semaphore_mem>>
      %dma_start3A = arith.constant 0 : i32
      %dma_start3A_40 = arith.constant 0 : i32
      %dma_start3A_41 = tpu.memref_slice %arg4[%arg1, %dma_start3A, %dma_start3A_40] : memref<16x250x80xi32, #tpu.memory_space<hbm>> -> memref<1x250x80xi32, #tpu.memory_space<hbm>>
      %dma_start3A_42 = tpu.memref_squeeze %dma_start3A_41 : memref<1x250x80xi32, #tpu.memory_space<hbm>> -> memref<250x80xi32, #tpu.memory_space<hbm>>
      %dma_start3A_43 = arith.constant 0 : i32
      %dma_start3A_44 = arith.constant 0 : i32
      %dma_start3A_45 = tpu.memref_slice %arg4[%arg1, %dma_start3A_43, %dma_start3A_44] : memref<16x250x80xi32, #tpu.memory_space<hbm>> -> memref<1x250x80xi32, #tpu.memory_space<hbm>>
      %dma_start3A_46 = tpu.memref_squeeze %dma_start3A_45 : memref<1x250x80xi32, #tpu.memory_space<hbm>> -> memref<250x80xi32, #tpu.memory_space<hbm>>
      tpu.enqueue_dma source(%dma_start3A_46 : memref<250x80xi32, #tpu.memory_space<hbm>>) target(%arg7 : memref<250x80xi32, #tpu.memory_space<vmem>>) target_semaphore(%run_scoped3A : memref<!tpu.dma_semaphore, #tpu.memory_space<semaphore_mem>>)
      %dma_wait3A = arith.constant 0 : i32
      %dma_wait3A_47 = arith.constant 0 : i32
      %dma_wait3A_48 = tpu.memref_slice %arg4[%arg1, %dma_wait3A, %dma_wait3A_47] : memref<16x250x80xi32, #tpu.memory_space<hbm>> -> memref<1x250x80xi32, #tpu.memory_space<hbm>>
      %dma_wait3A_49 = tpu.memref_squeeze %dma_wait3A_48 : memref<1x250x80xi32, #tpu.memory_space<hbm>> -> memref<250x80xi32, #tpu.memory_space<hbm>>
      %dma_wait3A_50 = arith.constant 0 : i32
      %dma_wait3A_51 = arith.constant 0 : i32
      %dma_wait3A_52 = tpu.memref_slice %arg4[%arg1, %dma_wait3A_50, %dma_wait3A_51] : memref<16x250x80xi32, #tpu.memory_space<hbm>> -> memref<1x250x80xi32, #tpu.memory_space<hbm>>
      %dma_wait3A_53 = tpu.memref_squeeze %dma_wait3A_52 : memref<1x250x80xi32, #tpu.memory_space<hbm>> -> memref<250x80xi32, #tpu.memory_space<hbm>>
      tpu.wait_dma2 semaphore(%run_scoped3A : memref<!tpu.dma_semaphore, #tpu.memory_space<semaphore_mem>>) src(%dma_wait3A_53 : memref<250x80xi32, #tpu.memory_space<hbm>>) dst(%arg7 : memref<250x80xi32, #tpu.memory_space<vmem>>)
      tpu.yield
    }) : () -> ()
    %scan3A_18 = arith.constant 0 : i32
    %scan3A_19 = arith.constant 0 : i32
    %scan3A_20 = arith.constant 250 : i32
    %scan3A_21 = arith.addi %scan3A_19, %scan3A_20 : i32
    %scan3A_22 = arith.constant 1 : i32
    %scan3A_23 = scf.for %scan3A_40 = %scan3A_19 to %scan3A_21 step %scan3A_22 iter_args(%scan3A_41 = %scan3A_18) -> (i32)  : i32 {
      %get3A = arith.index_cast %scan3A_40 : i32 to index
      %get3A_42 = arith.constant 0 : index
      %get3A_43 = tpu.vector_load %arg6[%get3A, %get3A_42] {strides = array<i32>} : memref<250x80xi32, #tpu.memory_space<vmem>>, vector<1x16xi32>,
      %get3A_44 = vector.shape_cast %get3A_43 : vector<1x16xi32> to vector<16xi32>
      %sub3A = vector.broadcast %mul3A_0 : i32 to vector<16xi32>
      %sub3A_45 = arith.subi %get3A_44, %sub3A : vector<16xi32>
      %lt3A = arith.constant 0 : i32
      %lt3A_46 = vector.broadcast %lt3A : i32 to vector<16xi32>
      %lt3A_47 = arith.cmpi slt, %sub3A_45, %lt3A_46 : vector<16xi32>
      %ge3A = arith.constant 5120 : i32
      %ge3A_48 = vector.broadcast %ge3A : i32 to vector<16xi32>
      %ge3A_49 = arith.cmpi sge, %sub3A_45, %ge3A_48 : vector<16xi32>
      %or3A = arith.ori %lt3A_47, %ge3A_49 : vector<16xi1>
      %and3A = arith.constant 127 : i32
      %and3A_50 = vector.broadcast %and3A : i32 to vector<16xi32>
      %and3A_51 = arith.andi %get3A_44, %and3A_50 : vector<16xi32>
      %add3A_52 = arith.constant 5120 : i32
      %add3A_53 = vector.broadcast %add3A_52 : i32 to vector<16xi32>
      %add3A_54 = arith.addi %add3A_53, %and3A_51 : vector<16xi32>
      %select_n3A = arith.select %or3A, %add3A_54, %sub3A_45 : vector<16xi1>, vector<16xi32>
      %swap3A = arith.index_cast %scan3A_40 : i32 to index
      %swap3A_55 = arith.constant 0 : index
      %swap3A_56 = tpu.vector_load %arg6[%swap3A, %swap3A_55] {strides = array<i32>} : memref<250x80xi32, #tpu.memory_space<vmem>>, vector<1x16xi32>,
      %swap3A_57 = vector.shape_cast %swap3A_56 : vector<1x16xi32> to vector<16xi32>
      %swap3A_58 = vector.shape_cast %select_n3A : vector<16xi32> to vector<1x16xi32>
      tpu.vector_store %arg6[%swap3A, %swap3A_55], %swap3A_58 {strides = array<i32>} : memref<250x80xi32, #tpu.memory_space<vmem>>, vector<1x16xi32>,
      %get3A_59 = arith.index_cast %scan3A_40 : i32 to index
      %get3A_60 = arith.constant 16 : index
      %get3A_61 = tpu.vector_load %arg6[%get3A_59, %get3A_60] {strides = array<i32>} : memref<250x80xi32, #tpu.memory_space<vmem>>, vector<1x16xi32>,
      %get3A_62 = vector.shape_cast %get3A_61 : vector<1x16xi32> to vector<16xi32>
      %sub3A_63 = vector.broadcast %mul3A_0 : i32 to vector<16xi32>
      %sub3A_64 = arith.subi %get3A_62, %sub3A_63 : vector<16xi32>
      %lt3A_65 = arith.constant 0 : i32
      %lt3A_66 = vector.broadcast %lt3A_65 : i32 to vector<16xi32>
      %lt3A_67 = arith.cmpi slt, %sub3A_64, %lt3A_66 : vector<16xi32>
      %ge3A_68 = arith.constant 5120 : i32
      %ge3A_69 = vector.broadcast %ge3A_68 : i32 to vector<16xi32>
      %ge3A_70 = arith.cmpi sge, %sub3A_64, %ge3A_69 : vector<16xi32>
      %or3A_71 = arith.ori %lt3A_67, %ge3A_70 : vector<16xi1>
      %and3A_72 = arith.constant 127 : i32
      %and3A_73 = vector.broadcast %and3A_72 : i32 to vector<16xi32>
      %and3A_74 = arith.andi %get3A_62, %and3A_73 : vector<16xi32>
      %add3A_75 = arith.constant 5120 : i32
      %add3A_76 = vector.broadcast %add3A_75 : i32 to vector<16xi32>
      %add3A_77 = arith.addi %add3A_76, %and3A_74 : vector<16xi32>
      %select_n3A_78 = arith.select %or3A_71, %add3A_77, %sub3A_64 : vector<16xi1>, vector<16xi32>
      %swap3A_79 = arith.index_cast %scan3A_40 : i32 to index
      %swap3A_80 = arith.constant 16 : index
      %swap3A_81 = tpu.vector_load %arg6[%swap3A_79, %swap3A_80] {strides = array<i32>} : memref<250x80xi32, #tpu.memory_space<vmem>>, vector<1x16xi32>,
      %swap3A_82 = vector.shape_cast %swap3A_81 : vector<1x16xi32> to vector<16xi32>
      %swap3A_83 = vector.shape_cast %select_n3A_78 : vector<16xi32> to vector<1x16xi32>
      tpu.vector_store %arg6[%swap3A_79, %swap3A_80], %swap3A_83 {strides = array<i32>} : memref<250x80xi32, #tpu.memory_space<vmem>>, vector<1x16xi32>,
      %get3A_84 = arith.index_cast %scan3A_40 : i32 to index
      %get3A_85 = arith.constant 32 : index
      %get3A_86 = tpu.vector_load %arg6[%get3A_84, %get3A_85] {strides = array<i32>} : memref<250x80xi32, #tpu.memory_space<vmem>>, vector<1x16xi32>,
      %get3A_87 = vector.shape_cast %get3A_86 : vector<1x16xi32> to vector<16xi32>
      %sub3A_88 = vector.broadcast %mul3A_0 : i32 to vector<16xi32>
      %sub3A_89 = arith.subi %get3A_87, %sub3A_88 : vector<16xi32>
      %lt3A_90 = arith.constant 0 : i32
      %lt3A_91 = vector.broadcast %lt3A_90 : i32 to vector<16xi32>
      %lt3A_92 = arith.cmpi slt, %sub3A_89, %lt3A_91 : vector<16xi32>
      %ge3A_93 = arith.constant 5120 : i32
      %ge3A_94 = vector.broadcast %ge3A_93 : i32 to vector<16xi32>
      %ge3A_95 = arith.cmpi sge, %sub3A_89, %ge3A_94 : vector<16xi32>
      %or3A_96 = arith.ori %lt3A_92, %ge3A_95 : vector<16xi1>
      %and3A_97 = arith.constant 127 : i32
      %and3A_98 = vector.broadcast %and3A_97 : i32 to vector<16xi32>
      %and3A_99 = arith.andi %get3A_87, %and3A_98 : vector<16xi32>
      %add3A_100 = arith.constant 5120 : i32
      %add3A_101 = vector.broadcast %add3A_100 : i32 to vector<16xi32>
      %add3A_102 = arith.addi %add3A_101, %and3A_99 : vector<16xi32>
      %select_n3A_103 = arith.select %or3A_96, %add3A_102, %sub3A_89 : vector<16xi1>, vector<16xi32>
      %swap3A_104 = arith.index_cast %scan3A_40 : i32 to index
      %swap3A_105 = arith.constant 32 : index
      %swap3A_106 = tpu.vector_load %arg6[%swap3A_104, %swap3A_105] {strides = array<i32>} : memref<250x80xi32, #tpu.memory_space<vmem>>, vector<1x16xi32>,
      %swap3A_107 = vector.shape_cast %swap3A_106 : vector<1x16xi32> to vector<16xi32>
      %swap3A_108 = vector.shape_cast %select_n3A_103 : vector<16xi32> to vector<1x16xi32>
      tpu.vector_store %arg6[%swap3A_104, %swap3A_105], %swap3A_108 {strides = array<i32>} : memref<250x80xi32, #tpu.memory_space<vmem>>, vector<1x16xi32>,
      %get3A_109 = arith.index_cast %scan3A_40 : i32 to index
      %get3A_110 = arith.constant 48 : index
      %get3A_111 = tpu.vector_load %arg6[%get3A_109, %get3A_110] {strides = array<i32>} : memref<250x80xi32, #tpu.memory_space<vmem>>, vector<1x16xi32>,
      %get3A_112 = vector.shape_cast %get3A_111 : vector<1x16xi32> to vector<16xi32>
      %sub3A_113 = vector.broadcast %mul3A_0 : i32 to vector<16xi32>
      %sub3A_114 = arith.subi %get3A_112, %sub3A_113 : vector<16xi32>
      %lt3A_115 = arith.constant 0 : i32
      %lt3A_116 = vector.broadcast %lt3A_115 : i32 to vector<16xi32>
      %lt3A_117 = arith.cmpi slt, %sub3A_114, %lt3A_116 : vector<16xi32>
      %ge3A_118 = arith.constant 5120 : i32
      %ge3A_119 = vector.broadcast %ge3A_118 : i32 to vector<16xi32>
      %ge3A_120 = arith.cmpi sge, %sub3A_114, %ge3A_119 : vector<16xi32>
      %or3A_121 = arith.ori %lt3A_117, %ge3A_120 : vector<16xi1>
      %and3A_122 = arith.constant 127 : i32
      %and3A_123 = vector.broadcast %and3A_122 : i32 to vector<16xi32>
      %and3A_124 = arith.andi %get3A_112, %and3A_123 : vector<16xi32>
      %add3A_125 = arith.constant 5120 : i32
      %add3A_126 = vector.broadcast %add3A_125 : i32 to vector<16xi32>
      %add3A_127 = arith.addi %add3A_126, %and3A_124 : vector<16xi32>
      %select_n3A_128 = arith.select %or3A_121, %add3A_127, %sub3A_114 : vector<16xi1>, vector<16xi32>
      %swap3A_129 = arith.index_cast %scan3A_40 : i32 to index
      %swap3A_130 = arith.constant 48 : index
      %swap3A_131 = tpu.vector_load %arg6[%swap3A_129, %swap3A_130] {strides = array<i32>} : memref<250x80xi32, #tpu.memory_space<vmem>>, vector<1x16xi32>,
      %swap3A_132 = vector.shape_cast %swap3A_131 : vector<1x16xi32> to vector<16xi32>
      %swap3A_133 = vector.shape_cast %select_n3A_128 : vector<16xi32> to vector<1x16xi32>
      tpu.vector_store %arg6[%swap3A_129, %swap3A_130], %swap3A_133 {strides = array<i32>} : memref<250x80xi32, #tpu.memory_space<vmem>>, vector<1x16xi32>,
      %get3A_134 = arith.index_cast %scan3A_40 : i32 to index
      %get3A_135 = arith.constant 64 : index
      %get3A_136 = tpu.vector_load %arg6[%get3A_134, %get3A_135] {strides = array<i32>} : memref<250x80xi32, #tpu.memory_space<vmem>>, vector<1x16xi32>,
      %get3A_137 = vector.shape_cast %get3A_136 : vector<1x16xi32> to vector<16xi32>
      %sub3A_138 = vector.broadcast %mul3A_0 : i32 to vector<16xi32>
      %sub3A_139 = arith.subi %get3A_137, %sub3A_138 : vector<16xi32>
      %lt3A_140 = arith.constant 0 : i32
      %lt3A_141 = vector.broadcast %lt3A_140 : i32 to vector<16xi32>
      %lt3A_142 = arith.cmpi slt, %sub3A_139, %lt3A_141 : vector<16xi32>
      %ge3A_143 = arith.constant 5120 : i32
      %ge3A_144 = vector.broadcast %ge3A_143 : i32 to vector<16xi32>
      %ge3A_145 = arith.cmpi sge, %sub3A_139, %ge3A_144 : vector<16xi32>
      %or3A_146 = arith.ori %lt3A_142, %ge3A_145 : vector<16xi1>
      %and3A_147 = arith.constant 127 : i32
      %and3A_148 = vector.broadcast %and3A_147 : i32 to vector<16xi32>
      %and3A_149 = arith.andi %get3A_137, %and3A_148 : vector<16xi32>
      %add3A_150 = arith.constant 5120 : i32
      %add3A_151 = vector.broadcast %add3A_150 : i32 to vector<16xi32>
      %add3A_152 = arith.addi %add3A_151, %and3A_149 : vector<16xi32>
      %select_n3A_153 = arith.select %or3A_146, %add3A_152, %sub3A_139 : vector<16xi1>, vector<16xi32>
      %swap3A_154 = arith.index_cast %scan3A_40 : i32 to index
      %swap3A_155 = arith.constant 64 : index
      %swap3A_156 = tpu.vector_load %arg6[%swap3A_154, %swap3A_155] {strides = array<i32>} : memref<250x80xi32, #tpu.memory_space<vmem>>, vector<1x16xi32>,
      %swap3A_157 = vector.shape_cast %swap3A_156 : vector<1x16xi32> to vector<16xi32>
      %swap3A_158 = vector.shape_cast %select_n3A_153 : vector<16xi32> to vector<1x16xi32>
      tpu.vector_store %arg6[%swap3A_154, %swap3A_155], %swap3A_158 {strides = array<i32>} : memref<250x80xi32, #tpu.memory_space<vmem>>, vector<1x16xi32>,
      %scan3A_159 = arith.constant 0 : i32
      scf.yield %scan3A_159 : i32
    }
    %scan3A_24 = arith.constant 250 : i32
    %barrier3A = arith.constant 0 : index
    tpu.barrier barrier_id(%barrier3A)
    %scan3A_25 = arith.constant 0 : i32
    %scan3A_26 = arith.constant 0 : i32
    %scan3A_27 = arith.constant 125 : i32
    %scan3A_28 = arith.addi %scan3A_26, %scan3A_27 : i32
    %scan3A_29 = arith.constant 1 : i32
    %scan3A_30 = scf.for %scan3A_40 = %scan3A_26 to %scan3A_28 step %scan3A_29 iter_args(%scan3A_41 = %scan3A_25) -> (i32)  : i32 {
      %mul3A_42 = arith.constant 2 : i32
      %mul3A_43 = arith.muli %mul3A_42, %scan3A_40 : i32
      %dma_start3A = arith.constant 0 : i32
      %dma_start3A_44 = tpu.memref_slice %arg7[%mul3A_43, %dma_start3A] : memref<250x80xi32, #tpu.memory_space<vmem>> -> memref<1x80xi32, #tpu.memory_space<vmem>>
      %dma_start3A_45 = tpu.memref_squeeze %dma_start3A_44 : memref<1x80xi32, #tpu.memory_space<vmem>> -> memref<80xi32, #tpu.memory_space<vmem>>
      %dma_start3A_46 = arith.constant 0 : i32
      %dma_start3A_47 = arith.constant 0 : i32
      %dma_start3A_48 = tpu.memref_slice %arg2[%dma_start3A_46, %dma_start3A_47] : memref<10000x128xf32, #tpu.memory_space<hbm>> -> memref<10000x128xf32, #tpu.memory_space<hbm>>
      tpu.enqueue_indirect_dma source(%dma_start3A_48 : memref<10000x128xf32, #tpu.memory_space<hbm>>) target(%arg8 : memref<80x128xf32, #tpu.memory_space<vmem>>) offsets(%dma_start3A_45 : memref<80xi32, #tpu.memory_space<vmem>>) semaphore(%arg10 : memref<!tpu.dma_semaphore, #tpu.memory_space<semaphore_mem>>)
      %add3A_49 = arith.constant 1 : i32
      %add3A_50 = arith.addi %mul3A_43, %add3A_49 : i32
      %dma_start3A_51 = arith.constant 0 : i32
      %dma_start3A_52 = tpu.memref_slice %arg7[%add3A_50, %dma_start3A_51] : memref<250x80xi32, #tpu.memory_space<vmem>> -> memref<1x80xi32, #tpu.memory_space<vmem>>
      %dma_start3A_53 = tpu.memref_squeeze %dma_start3A_52 : memref<1x80xi32, #tpu.memory_space<vmem>> -> memref<80xi32, #tpu.memory_space<vmem>>
      %dma_start3A_54 = arith.constant 0 : i32
      %dma_start3A_55 = arith.constant 0 : i32
      %dma_start3A_56 = tpu.memref_slice %arg2[%dma_start3A_54, %dma_start3A_55] : memref<10000x128xf32, #tpu.memory_space<hbm>> -> memref<10000x128xf32, #tpu.memory_space<hbm>>
      tpu.enqueue_indirect_dma source(%dma_start3A_56 : memref<10000x128xf32, #tpu.memory_space<hbm>>) target(%arg9 : memref<80x128xf32, #tpu.memory_space<vmem>>) offsets(%dma_start3A_53 : memref<80xi32, #tpu.memory_space<vmem>>) semaphore(%arg11 : memref<!tpu.dma_semaphore, #tpu.memory_space<semaphore_mem>>)
      %dma_wait3A = arith.constant 0 : i32
      %dma_wait3A_57 = tpu.memref_slice %arg7[%mul3A_43, %dma_wait3A] : memref<250x80xi32, #tpu.memory_space<vmem>> -> memref<1x80xi32, #tpu.memory_space<vmem>>
      %dma_wait3A_58 = tpu.memref_squeeze %dma_wait3A_57 : memref<1x80xi32, #tpu.memory_space<vmem>> -> memref<80xi32, #tpu.memory_space<vmem>>
      %dma_wait3A_59 = arith.constant 0 : i32
      %dma_wait3A_60 = arith.constant 0 : i32
      %dma_wait3A_61 = tpu.memref_slice %arg2[%dma_wait3A_59, %dma_wait3A_60] : memref<10000x128xf32, #tpu.memory_space<hbm>> -> memref<10000x128xf32, #tpu.memory_space<hbm>>
      tpu.wait_indirect_dma semaphore(%arg10 : memref<!tpu.dma_semaphore, #tpu.memory_space<semaphore_mem>>) src(%dma_wait3A_61 : memref<10000x128xf32, #tpu.memory_space<hbm>>) dst(%arg8 : memref<80x128xf32, #tpu.memory_space<vmem>>)
      %dma_wait3A_62 = arith.constant 0 : i32
      %dma_wait3A_63 = tpu.memref_slice %arg7[%add3A_50, %dma_wait3A_62] : memref<250x80xi32, #tpu.memory_space<vmem>> -> memref<1x80xi32, #tpu.memory_space<vmem>>
      %dma_wait3A_64 = tpu.memref_squeeze %dma_wait3A_63 : memref<1x80xi32, #tpu.memory_space<vmem>> -> memref<80xi32, #tpu.memory_space<vmem>>
      %dma_wait3A_65 = arith.constant 0 : i32
      %dma_wait3A_66 = arith.constant 0 : i32
      %dma_wait3A_67 = tpu.memref_slice %arg2[%dma_wait3A_65, %dma_wait3A_66] : memref<10000x128xf32, #tpu.memory_space<hbm>> -> memref<10000x128xf32, #tpu.memory_space<hbm>>
      tpu.wait_indirect_dma semaphore(%arg11 : memref<!tpu.dma_semaphore, #tpu.memory_space<semaphore_mem>>) src(%dma_wait3A_67 : memref<10000x128xf32, #tpu.memory_space<hbm>>) dst(%arg9 : memref<80x128xf32, #tpu.memory_space<vmem>>)
      %dma_start3A_68 = arith.constant 0 : i32
      %dma_start3A_69 = tpu.memref_slice %arg6[%mul3A_43, %dma_start3A_68] : memref<250x80xi32, #tpu.memory_space<vmem>> -> memref<1x80xi32, #tpu.memory_space<vmem>>
      %dma_start3A_70 = tpu.memref_squeeze %dma_start3A_69 : memref<1x80xi32, #tpu.memory_space<vmem>> -> memref<80xi32, #tpu.memory_space<vmem>>
      %dma_start3A_71 = arith.constant 0 : i32
      %dma_start3A_72 = arith.constant 0 : i32
      %dma_start3A_73 = tpu.memref_slice %arg12[%dma_start3A_71, %dma_start3A_72] : memref<5248x128xf32, #tpu.memory_space<vmem_shared>> -> memref<5248x128xf32, #tpu.memory_space<vmem_shared>>
      tpu.enqueue_indirect_dma source(%arg8 : memref<80x128xf32, #tpu.memory_space<vmem>>) target(%dma_start3A_73 : memref<5248x128xf32, #tpu.memory_space<vmem_shared>>) offsets(%dma_start3A_70 : memref<80xi32, #tpu.memory_space<vmem>>) semaphore(%arg10 : memref<!tpu.dma_semaphore, #tpu.memory_space<semaphore_mem>>) {add = true}
      %add3A_74 = arith.constant 1 : i32
      %add3A_75 = arith.addi %mul3A_43, %add3A_74 : i32
      %dma_start3A_76 = arith.constant 0 : i32
      %dma_start3A_77 = tpu.memref_slice %arg6[%add3A_75, %dma_start3A_76] : memref<250x80xi32, #tpu.memory_space<vmem>> -> memref<1x80xi32, #tpu.memory_space<vmem>>
      %dma_start3A_78 = tpu.memref_squeeze %dma_start3A_77 : memref<1x80xi32, #tpu.memory_space<vmem>> -> memref<80xi32, #tpu.memory_space<vmem>>
      %dma_start3A_79 = arith.constant 0 : i32
      %dma_start3A_80 = arith.constant 0 : i32
      %dma_start3A_81 = tpu.memref_slice %arg12[%dma_start3A_79, %dma_start3A_80] : memref<5248x128xf32, #tpu.memory_space<vmem_shared>> -> memref<5248x128xf32, #tpu.memory_space<vmem_shared>>
      tpu.enqueue_indirect_dma source(%arg9 : memref<80x128xf32, #tpu.memory_space<vmem>>) target(%dma_start3A_81 : memref<5248x128xf32, #tpu.memory_space<vmem_shared>>) offsets(%dma_start3A_78 : memref<80xi32, #tpu.memory_space<vmem>>) semaphore(%arg11 : memref<!tpu.dma_semaphore, #tpu.memory_space<semaphore_mem>>) {add = true}
      %dma_wait3A_82 = arith.constant 0 : i32
      %dma_wait3A_83 = tpu.memref_slice %arg6[%mul3A_43, %dma_wait3A_82] : memref<250x80xi32, #tpu.memory_space<vmem>> -> memref<1x80xi32, #tpu.memory_space<vmem>>
      %dma_wait3A_84 = tpu.memref_squeeze %dma_wait3A_83 : memref<1x80xi32, #tpu.memory_space<vmem>> -> memref<80xi32, #tpu.memory_space<vmem>>
      %dma_wait3A_85 = arith.constant 0 : i32
      %dma_wait3A_86 = arith.constant 0 : i32
      %dma_wait3A_87 = tpu.memref_slice %arg12[%dma_wait3A_85, %dma_wait3A_86] : memref<5248x128xf32, #tpu.memory_space<vmem_shared>> -> memref<5248x128xf32, #tpu.memory_space<vmem_shared>>
      tpu.wait_indirect_dma semaphore(%arg10 : memref<!tpu.dma_semaphore, #tpu.memory_space<semaphore_mem>>) src(%arg8 : memref<80x128xf32, #tpu.memory_space<vmem>>) dst(%dma_wait3A_87 : memref<5248x128xf32, #tpu.memory_space<vmem_shared>>)
      %dma_wait3A_88 = arith.constant 0 : i32
      %dma_wait3A_89 = tpu.memref_slice %arg6[%add3A_75, %dma_wait3A_88] : memref<250x80xi32, #tpu.memory_space<vmem>> -> memref<1x80xi32, #tpu.memory_space<vmem>>
      %dma_wait3A_90 = tpu.memref_squeeze %dma_wait3A_89 : memref<1x80xi32, #tpu.memory_space<vmem>> -> memref<80xi32, #tpu.memory_space<vmem>>
      %dma_wait3A_91 = arith.constant 0 : i32
      %dma_wait3A_92 = arith.constant 0 : i32
      %dma_wait3A_93 = tpu.memref_slice %arg12[%dma_wait3A_91, %dma_wait3A_92] : memref<5248x128xf32, #tpu.memory_space<vmem_shared>> -> memref<5248x128xf32, #tpu.memory_space<vmem_shared>>
      tpu.wait_indirect_dma semaphore(%arg11 : memref<!tpu.dma_semaphore, #tpu.memory_space<semaphore_mem>>) src(%arg9 : memref<80x128xf32, #tpu.memory_space<vmem>>) dst(%dma_wait3A_93 : memref<5248x128xf32, #tpu.memory_space<vmem_shared>>)
      %scan3A_94 = arith.constant 0 : i32
      scf.yield %scan3A_94 : i32
    }
    %scan3A_31 = arith.constant 125 : i32
    %barrier3A_32 = arith.constant 0 : index
    tpu.barrier barrier_id(%barrier3A_32)
    %scan3A_33 = arith.constant 0 : i32
    %scan3A_34 = arith.constant 0 : i32
    %scan3A_35 = arith.constant 4 : i32
    %scan3A_36 = arith.addi %scan3A_34, %scan3A_35 : i32
    %scan3A_37 = arith.constant 1 : i32
    %scan3A_38 = scf.for %scan3A_40 = %scan3A_34 to %scan3A_36 step %scan3A_37 iter_args(%scan3A_41 = %scan3A_33) -> (i32)  : i32 {
      %mul3A_42 = arith.constant 328 : i32
      %mul3A_43 = arith.muli %arg1, %mul3A_42 : i32
      %mul3A_44 = arith.constant 80 : i32
      %mul3A_45 = arith.muli %scan3A_40, %mul3A_44 : i32
      %add3A_46 = arith.addi %mul3A_43, %mul3A_45 : i32
      "tpu.region"() ({
        %run_scoped3A = tpu.sem_alloc : memref<!tpu.dma_semaphore, #tpu.memory_space<semaphore_mem>>
        %dma_start3A = arith.constant 0 : i32
        %dma_start3A_53 = tpu.memref_slice %arg12[%add3A_46, %dma_start3A] : memref<5248x128xf32, #tpu.memory_space<vmem_shared>> -> memref<80x128xf32, #tpu.memory_space<vmem_shared>>
        %dma_start3A_54 = arith.constant 0 : i32
        %dma_start3A_55 = tpu.memref_slice %arg12[%add3A_46, %dma_start3A_54] : memref<5248x128xf32, #tpu.memory_space<vmem_shared>> -> memref<80x128xf32, #tpu.memory_space<vmem_shared>>
        tpu.enqueue_dma source(%dma_start3A_55 : memref<80x128xf32, #tpu.memory_space<vmem_shared>>) target(%arg8 : memref<80x128xf32, #tpu.memory_space<vmem>>) target_semaphore(%run_scoped3A : memref<!tpu.dma_semaphore, #tpu.memory_space<semaphore_mem>>)
        %dma_wait3A = arith.constant 0 : i32
        %dma_wait3A_56 = tpu.memref_slice %arg12[%add3A_46, %dma_wait3A] : memref<5248x128xf32, #tpu.memory_space<vmem_shared>> -> memref<80x128xf32, #tpu.memory_space<vmem_shared>>
        %dma_wait3A_57 = arith.constant 0 : i32
        %dma_wait3A_58 = tpu.memref_slice %arg12[%add3A_46, %dma_wait3A_57] : memref<5248x128xf32, #tpu.memory_space<vmem_shared>> -> memref<80x128xf32, #tpu.memory_space<vmem_shared>>
        tpu.wait_dma2 semaphore(%run_scoped3A : memref<!tpu.dma_semaphore, #tpu.memory_space<semaphore_mem>>) src(%dma_wait3A_58 : memref<80x128xf32, #tpu.memory_space<vmem_shared>>) dst(%arg8 : memref<80x128xf32, #tpu.memory_space<vmem>>)
        tpu.yield
      }) : () -> ()
      %mul3A_47 = arith.constant 328 : i32
      %mul3A_48 = arith.muli %arg1, %mul3A_47 : i32
      %mul3A_49 = arith.constant 80 : i32
      %mul3A_50 = arith.muli %scan3A_40, %mul3A_49 : i32
      %add3A_51 = arith.addi %mul3A_48, %mul3A_50 : i32
      "tpu.region"() ({
        %run_scoped3A = tpu.sem_alloc : memref<!tpu.dma_semaphore, #tpu.memory_space<semaphore_mem>>
        %dma_start3A = arith.constant 0 : i32
        %dma_start3A_53 = tpu.memref_slice %arg5[%arg0, %add3A_51, %dma_start3A] : memref<2x5248x128xf32, #tpu.memory_space<hbm>> -> memref<1x80x128xf32, #tpu.memory_space<hbm>>
        %dma_start3A_54 = tpu.memref_squeeze %dma_start3A_53 : memref<1x80x128xf32, #tpu.memory_space<hbm>> -> memref<80x128xf32, #tpu.memory_space<hbm>>
        %dma_start3A_55 = arith.constant 0 : i32
        %dma_start3A_56 = tpu.memref_slice %arg5[%arg0, %add3A_51, %dma_start3A_55] : memref<2x5248x128xf32, #tpu.memory_space<hbm>> -> memref<1x80x128xf32, #tpu.memory_space<hbm>>
        %dma_start3A_57 = tpu.memref_squeeze %dma_start3A_56 : memref<1x80x128xf32, #tpu.memory_space<hbm>> -> memref<80x128xf32, #tpu.memory_space<hbm>>
        tpu.enqueue_dma source(%arg8 : memref<80x128xf32, #tpu.memory_space<vmem>>) target(%dma_start3A_57 : memref<80x128xf32, #tpu.memory_space<hbm>>) target_semaphore(%run_scoped3A : memref<!tpu.dma_semaphore, #tpu.memory_space<semaphore_mem>>)
        %dma_wait3A = arith.constant 0 : i32
        %dma_wait3A_58 = tpu.memref_slice %arg5[%arg0, %add3A_51, %dma_wait3A] : memref<2x5248x128xf32, #tpu.memory_space<hbm>> -> memref<1x80x128xf32, #tpu.memory_space<hbm>>
        %dma_wait3A_59 = tpu.memref_squeeze %dma_wait3A_58 : memref<1x80x128xf32, #tpu.memory_space<hbm>> -> memref<80x128xf32, #tpu.memory_space<hbm>>
        %dma_wait3A_60 = arith.constant 0 : i32
        %dma_wait3A_61 = tpu.memref_slice %arg5[%arg0, %add3A_51, %dma_wait3A_60] : memref<2x5248x128xf32, #tpu.memory_space<hbm>> -> memref<1x80x128xf32, #tpu.memory_space<hbm>>
        %dma_wait3A_62 = tpu.memref_squeeze %dma_wait3A_61 : memref<1x80x128xf32, #tpu.memory_space<hbm>> -> memref<80x128xf32, #tpu.memory_space<hbm>>
        tpu.wait_dma2 semaphore(%run_scoped3A : memref<!tpu.dma_semaphore, #tpu.memory_space<semaphore_mem>>) src(%arg8 : memref<80x128xf32, #tpu.memory_space<vmem>>) dst(%dma_wait3A_62 : memref<80x128xf32, #tpu.memory_space<hbm>>)
        tpu.yield
      }) : () -> ()
      %scan3A_52 = arith.constant 0 : i32
      scf.yield %scan3A_52 : i32
    }
    %scan3A_39 = arith.constant 4 : i32
    "tpu.region"() ({
      %run_scoped3A = tpu.sem_alloc : memref<!tpu.dma_semaphore, #tpu.memory_space<semaphore_mem>>
      %dma_start3A = arith.constant 0 : i32
      %dma_start3A_40 = arith.constant 0 : i32
      %dma_start3A_41 = tpu.memref_slice %arg8[%dma_start3A, %dma_start3A_40] : memref<80x128xf32, #tpu.memory_space<vmem>> -> memref<8x128xf32, #tpu.memory_space<vmem>>
      %dma_start3A_42 = arith.constant 0 : i32
      %dma_start3A_43 = tpu.memref_slice %arg12[%add3A_17, %dma_start3A_42] : memref<5248x128xf32, #tpu.memory_space<vmem_shared>> -> memref<8x128xf32, #tpu.memory_space<vmem_shared>>
      %dma_start3A_44 = arith.constant 0 : i32
      %dma_start3A_45 = arith.constant 0 : i32
      %dma_start3A_46 = tpu.memref_slice %arg8[%dma_start3A_44, %dma_start3A_45] : memref<80x128xf32, #tpu.memory_space<vmem>> -> memref<8x128xf32, #tpu.memory_space<vmem>>
      %dma_start3A_47 = arith.constant 0 : i32
      %dma_start3A_48 = tpu.memref_slice %arg12[%add3A_17, %dma_start3A_47] : memref<5248x128xf32, #tpu.memory_space<vmem_shared>> -> memref<8x128xf32, #tpu.memory_space<vmem_shared>>
      tpu.enqueue_dma source(%dma_start3A_48 : memref<8x128xf32, #tpu.memory_space<vmem_shared>>) target(%dma_start3A_46 : memref<8x128xf32, #tpu.memory_space<vmem>>) target_semaphore(%run_scoped3A : memref<!tpu.dma_semaphore, #tpu.memory_space<semaphore_mem>>)
      %dma_wait3A = arith.constant 0 : i32
      %dma_wait3A_49 = arith.constant 0 : i32
      %dma_wait3A_50 = tpu.memref_slice %arg8[%dma_wait3A, %dma_wait3A_49] : memref<80x128xf32, #tpu.memory_space<vmem>> -> memref<8x128xf32, #tpu.memory_space<vmem>>
      %dma_wait3A_51 = arith.constant 0 : i32
      %dma_wait3A_52 = tpu.memref_slice %arg12[%add3A_17, %dma_wait3A_51] : memref<5248x128xf32, #tpu.memory_space<vmem_shared>> -> memref<8x128xf32, #tpu.memory_space<vmem_shared>>
      %dma_wait3A_53 = arith.constant 0 : i32
      %dma_wait3A_54 = arith.constant 0 : i32
      %dma_wait3A_55 = tpu.memref_slice %arg8[%dma_wait3A_53, %dma_wait3A_54] : memref<80x128xf32, #tpu.memory_space<vmem>> -> memref<8x128xf32, #tpu.memory_space<vmem>>
      %dma_wait3A_56 = arith.constant 0 : i32
      %dma_wait3A_57 = tpu.memref_slice %arg12[%add3A_17, %dma_wait3A_56] : memref<5248x128xf32, #tpu.memory_space<vmem_shared>> -> memref<8x128xf32, #tpu.memory_space<vmem_shared>>
      tpu.wait_dma2 semaphore(%run_scoped3A : memref<!tpu.dma_semaphore, #tpu.memory_space<semaphore_mem>>) src(%dma_wait3A_57 : memref<8x128xf32, #tpu.memory_space<vmem_shared>>) dst(%dma_wait3A_55 : memref<8x128xf32, #tpu.memory_space<vmem>>)
      tpu.yield
    }) : () -> ()
    "tpu.region"() ({
      %run_scoped3A = tpu.sem_alloc : memref<!tpu.dma_semaphore, #tpu.memory_space<semaphore_mem>>
      %dma_start3A = arith.constant 0 : i32
      %dma_start3A_40 = arith.constant 0 : i32
      %dma_start3A_41 = tpu.memref_slice %arg8[%dma_start3A, %dma_start3A_40] : memref<80x128xf32, #tpu.memory_space<vmem>> -> memref<8x128xf32, #tpu.memory_space<vmem>>
      %dma_start3A_42 = arith.constant 0 : i32
      %dma_start3A_43 = tpu.memref_slice %arg5[%arg0, %add3A_17, %dma_start3A_42] : memref<2x5248x128xf32, #tpu.memory_space<hbm>> -> memref<1x8x128xf32, #tpu.memory_space<hbm>>
      %dma_start3A_44 = tpu.memref_squeeze %dma_start3A_43 : memref<1x8x128xf32, #tpu.memory_space<hbm>> -> memref<8x128xf32, #tpu.memory_space<hbm>>
      %dma_start3A_45 = arith.constant 0 : i32
      %dma_start3A_46 = tpu.memref_slice %arg5[%arg0, %add3A_17, %dma_start3A_45] : memref<2x5248x128xf32, #tpu.memory_space<hbm>> -> memref<1x8x128xf32, #tpu.memory_space<hbm>>
      %dma_start3A_47 = tpu.memref_squeeze %dma_start3A_46 : memref<1x8x128xf32, #tpu.memory_space<hbm>> -> memref<8x128xf32, #tpu.memory_space<hbm>>
      %dma_start3A_48 = arith.constant 0 : i32
      %dma_start3A_49 = arith.constant 0 : i32
      %dma_start3A_50 = tpu.memref_slice %arg8[%dma_start3A_48, %dma_start3A_49] : memref<80x128xf32, #tpu.memory_space<vmem>> -> memref<8x128xf32, #tpu.memory_space<vmem>>
      tpu.enqueue_dma source(%dma_start3A_50 : memref<8x128xf32, #tpu.memory_space<vmem>>) target(%dma_start3A_47 : memref<8x128xf32, #tpu.memory_space<hbm>>) target_semaphore(%run_scoped3A : memref<!tpu.dma_semaphore, #tpu.memory_space<semaphore_mem>>)
      %dma_wait3A = arith.constant 0 : i32
      %dma_wait3A_51 = arith.constant 0 : i32
      %dma_wait3A_52 = tpu.memref_slice %arg8[%dma_wait3A, %dma_wait3A_51] : memref<80x128xf32, #tpu.memory_space<vmem>> -> memref<8x128xf32, #tpu.memory_space<vmem>>
      %dma_wait3A_53 = arith.constant 0 : i32
      %dma_wait3A_54 = tpu.memref_slice %arg5[%arg0, %add3A_17, %dma_wait3A_53] : memref<2x5248x128xf32, #tpu.memory_space<hbm>> -> memref<1x8x128xf32, #tpu.memory_space<hbm>>
      %dma_wait3A_55 = tpu.memref_squeeze %dma_wait3A_54 : memref<1x8x128xf32, #tpu.memory_space<hbm>> -> memref<8x128xf32, #tpu.memory_space<hbm>>
      %dma_wait3A_56 = arith.constant 0 : i32
      %dma_wait3A_57 = tpu.memref_slice %arg5[%arg0, %add3A_17, %dma_wait3A_56] : memref<2x5248x128xf32, #tpu.memory_space<hbm>> -> memref<1x8x128xf32, #tpu.memory_space<hbm>>
      %dma_wait3A_58 = tpu.memref_squeeze %dma_wait3A_57 : memref<1x8x128xf32, #tpu.memory_space<hbm>> -> memref<8x128xf32, #tpu.memory_space<hbm>>
      %dma_wait3A_59 = arith.constant 0 : i32
      %dma_wait3A_60 = arith.constant 0 : i32
      %dma_wait3A_61 = tpu.memref_slice %arg8[%dma_wait3A_59, %dma_wait3A_60] : memref<80x128xf32, #tpu.memory_space<vmem>> -> memref<8x128xf32, #tpu.memory_space<vmem>>
      tpu.wait_dma2 semaphore(%run_scoped3A : memref<!tpu.dma_semaphore, #tpu.memory_space<semaphore_mem>>) src(%dma_wait3A_61 : memref<8x128xf32, #tpu.memory_space<vmem>>) dst(%dma_wait3A_58 : memref<8x128xf32, #tpu.memory_space<hbm>>)
      tpu.yield
    }) : () -> ()
    return
  }
}

#map = affine_map<(d0, d1) -> (0, 0)>
#map1 = affine_map<(d0, d1) -> (0, 0, 0)>
module attributes {stable_mosaic.version = 14 : i64} {
  func.func @_sc_aggregate(%arg0: i32, %arg1: i32, %arg2: memref<10000x128xf32, #tpu.memory_space<hbm>>, %arg3: memref<16x250x80xi32, #tpu.memory_space<hbm>>, %arg4: memref<16x250x80xi32, #tpu.memory_space<hbm>>, %arg5: memref<2x5248x128xf32, #tpu.memory_space<hbm>>, %arg6: memref<250x80xi32, #tpu.memory_space<vmem>>, %arg7: memref<250x80xi32, #tpu.memory_space<vmem>>, %arg8: memref<80x128xf32, #tpu.memory_space<vmem>>, %arg9: memref<80x128xf32, #tpu.memory_space<vmem>>, %arg10: memref<!tpu.dma_semaphore, #tpu.memory_space<semaphore_mem>>, %arg11: memref<!tpu.dma_semaphore, #tpu.memory_space<semaphore_mem>>, %arg12: memref<5248x128xf32, #tpu.memory_space<vmem_shared>>) attributes {dimension_semantics = [#tpu.dimension_semantics<core_parallel>, #tpu.dimension_semantics<subcore_parallel>], iteration_bounds = array<i64: 2, 16>, scalar_prefetch = 0 : i64, scratch_operands = 7 : i64, tpu.core_type = #tpu.core_type<sc_vector_subcore>, window_params = [{transform_indices = #map}, {transform_indices = #map1}, {transform_indices = #map1}, {transform_indices = #map1}]} {
    %mul3A = arith.constant 5120 : i32
    %mul3A_0 = arith.muli %arg0, %mul3A : i32
    %broadcast_in_dim3A = arith.constant 0.000000e+00 : f32
    %broadcast_in_dim3A_1 = vector.broadcast %broadcast_in_dim3A : f32 to vector<16xf32>
    %scan3A = arith.constant 0 : i32
    %scan3A_2 = arith.constant 0 : i32
    %scan3A_3 = arith.constant 80 : i32
    %scan3A_4 = arith.addi %scan3A_2, %scan3A_3 : i32
    %scan3A_5 = arith.constant 1 : i32
    %scan3A_6 = scf.for %scan3A_40 = %scan3A_2 to %scan3A_4 step %scan3A_5 iter_args(%scan3A_41 = %scan3A) -> (i32)  : i32 {
      %swap3A = arith.index_cast %scan3A_40 : i32 to index
      %swap3A_42 = arith.constant 0 : index
      %swap3A_43 = tpu.vector_load %arg8[%swap3A, %swap3A_42] {strides = array<i32>} : memref<80x128xf32, #tpu.memory_space<vmem>>, vector<1x16xf32>,
      %swap3A_44 = vector.shape_cast %swap3A_43 : vector<1x16xf32> to vector<16xf32>
      %swap3A_45 = vector.shape_cast %broadcast_in_dim3A_1 : vector<16xf32> to vector<1x16xf32>
      tpu.vector_store %arg8[%swap3A, %swap3A_42], %swap3A_45 {strides = array<i32>} : memref<80x128xf32, #tpu.memory_space<vmem>>, vector<1x16xf32>,
      %swap3A_46 = arith.index_cast %scan3A_40 : i32 to index
      %swap3A_47 = arith.constant 16 : index
      %swap3A_48 = tpu.vector_load %arg8[%swap3A_46, %swap3A_47] {strides = array<i32>} : memref<80x128xf32, #tpu.memory_space<vmem>>, vector<1x16xf32>,
      %swap3A_49 = vector.shape_cast %swap3A_48 : vector<1x16xf32> to vector<16xf32>
      %swap3A_50 = vector.shape_cast %broadcast_in_dim3A_1 : vector<16xf32> to vector<1x16xf32>
      tpu.vector_store %arg8[%swap3A_46, %swap3A_47], %swap3A_50 {strides = array<i32>} : memref<80x128xf32, #tpu.memory_space<vmem>>, vector<1x16xf32>,
      %swap3A_51 = arith.index_cast %scan3A_40 : i32 to index
      %swap3A_52 = arith.constant 32 : index
      %swap3A_53 = tpu.vector_load %arg8[%swap3A_51, %swap3A_52] {strides = array<i32>} : memref<80x128xf32, #tpu.memory_space<vmem>>, vector<1x16xf32>,
      %swap3A_54 = vector.shape_cast %swap3A_53 : vector<1x16xf32> to vector<16xf32>
      %swap3A_55 = vector.shape_cast %broadcast_in_dim3A_1 : vector<16xf32> to vector<1x16xf32>
      tpu.vector_store %arg8[%swap3A_51, %swap3A_52], %swap3A_55 {strides = array<i32>} : memref<80x128xf32, #tpu.memory_space<vmem>>, vector<1x16xf32>,
      %swap3A_56 = arith.index_cast %scan3A_40 : i32 to index
      %swap3A_57 = arith.constant 48 : index
      %swap3A_58 = tpu.vector_load %arg8[%swap3A_56, %swap3A_57] {strides = array<i32>} : memref<80x128xf32, #tpu.memory_space<vmem>>, vector<1x16xf32>,
      %swap3A_59 = vector.shape_cast %swap3A_58 : vector<1x16xf32> to vector<16xf32>
      %swap3A_60 = vector.shape_cast %broadcast_in_dim3A_1 : vector<16xf32> to vector<1x16xf32>
      tpu.vector_store %arg8[%swap3A_56, %swap3A_57], %swap3A_60 {strides = array<i32>} : memref<80x128xf32, #tpu.memory_space<vmem>>, vector<1x16xf32>,
      %swap3A_61 = arith.index_cast %scan3A_40 : i32 to index
      %swap3A_62 = arith.constant 64 : index
      %swap3A_63 = tpu.vector_load %arg8[%swap3A_61, %swap3A_62] {strides = array<i32>} : memref<80x128xf32, #tpu.memory_space<vmem>>, vector<1x16xf32>,
      %swap3A_64 = vector.shape_cast %swap3A_63 : vector<1x16xf32> to vector<16xf32>
      %swap3A_65 = vector.shape_cast %broadcast_in_dim3A_1 : vector<16xf32> to vector<1x16xf32>
      tpu.vector_store %arg8[%swap3A_61, %swap3A_62], %swap3A_65 {strides = array<i32>} : memref<80x128xf32, #tpu.memory_space<vmem>>, vector<1x16xf32>,
      %swap3A_66 = arith.index_cast %scan3A_40 : i32 to index
      %swap3A_67 = arith.constant 80 : index
      %swap3A_68 = tpu.vector_load %arg8[%swap3A_66, %swap3A_67] {strides = array<i32>} : memref<80x128xf32, #tpu.memory_space<vmem>>, vector<1x16xf32>,
      %swap3A_69 = vector.shape_cast %swap3A_68 : vector<1x16xf32> to vector<16xf32>
      %swap3A_70 = vector.shape_cast %broadcast_in_dim3A_1 : vector<16xf32> to vector<1x16xf32>
      tpu.vector_store %arg8[%swap3A_66, %swap3A_67], %swap3A_70 {strides = array<i32>} : memref<80x128xf32, #tpu.memory_space<vmem>>, vector<1x16xf32>,
      %swap3A_71 = arith.index_cast %scan3A_40 : i32 to index
      %swap3A_72 = arith.constant 96 : index
      %swap3A_73 = tpu.vector_load %arg8[%swap3A_71, %swap3A_72] {strides = array<i32>} : memref<80x128xf32, #tpu.memory_space<vmem>>, vector<1x16xf32>,
      %swap3A_74 = vector.shape_cast %swap3A_73 : vector<1x16xf32> to vector<16xf32>
      %swap3A_75 = vector.shape_cast %broadcast_in_dim3A_1 : vector<16xf32> to vector<1x16xf32>
      tpu.vector_store %arg8[%swap3A_71, %swap3A_72], %swap3A_75 {strides = array<i32>} : memref<80x128xf32, #tpu.memory_space<vmem>>, vector<1x16xf32>,
      %swap3A_76 = arith.index_cast %scan3A_40 : i32 to index
      %swap3A_77 = arith.constant 112 : index
      %swap3A_78 = tpu.vector_load %arg8[%swap3A_76, %swap3A_77] {strides = array<i32>} : memref<80x128xf32, #tpu.memory_space<vmem>>, vector<1x16xf32>,
      %swap3A_79 = vector.shape_cast %swap3A_78 : vector<1x16xf32> to vector<16xf32>
      %swap3A_80 = vector.shape_cast %broadcast_in_dim3A_1 : vector<16xf32> to vector<1x16xf32>
      tpu.vector_store %arg8[%swap3A_76, %swap3A_77], %swap3A_80 {strides = array<i32>} : memref<80x128xf32, #tpu.memory_space<vmem>>, vector<1x16xf32>,
      %scan3A_81 = arith.constant 0 : i32
      scf.yield %scan3A_81 : i32
    }
    %scan3A_7 = arith.constant 80 : i32
    %scan3A_8 = arith.constant 0 : i32
    %scan3A_9 = arith.constant 0 : i32
    %scan3A_10 = arith.constant 4 : i32
    %scan3A_11 = arith.addi %scan3A_9, %scan3A_10 : i32
    %scan3A_12 = arith.constant 1 : i32
    %scan3A_13 = scf.for %scan3A_40 = %scan3A_9 to %scan3A_11 step %scan3A_12 iter_args(%scan3A_41 = %scan3A_8) -> (i32)  : i32 {
      %mul3A_42 = arith.constant 328 : i32
      %mul3A_43 = arith.muli %arg1, %mul3A_42 : i32
      %mul3A_44 = arith.constant 80 : i32
      %mul3A_45 = arith.muli %scan3A_40, %mul3A_44 : i32
      %add3A_46 = arith.addi %mul3A_43, %mul3A_45 : i32
      "tpu.region"() ({
        %run_scoped3A = tpu.sem_alloc : memref<!tpu.dma_semaphore, #tpu.memory_space<semaphore_mem>>
        %dma_start3A = arith.constant 0 : i32
        %dma_start3A_48 = tpu.memref_slice %arg12[%add3A_46, %dma_start3A] : memref<5248x128xf32, #tpu.memory_space<vmem_shared>> -> memref<80x128xf32, #tpu.memory_space<vmem_shared>>
        %dma_start3A_49 = arith.constant 0 : i32
        %dma_start3A_50 = tpu.memref_slice %arg12[%add3A_46, %dma_start3A_49] : memref<5248x128xf32, #tpu.memory_space<vmem_shared>> -> memref<80x128xf32, #tpu.memory_space<vmem_shared>>
        tpu.enqueue_dma source(%arg8 : memref<80x128xf32, #tpu.memory_space<vmem>>) target(%dma_start3A_50 : memref<80x128xf32, #tpu.memory_space<vmem_shared>>) target_semaphore(%run_scoped3A : memref<!tpu.dma_semaphore, #tpu.memory_space<semaphore_mem>>)
        %dma_wait3A = arith.constant 0 : i32
        %dma_wait3A_51 = tpu.memref_slice %arg12[%add3A_46, %dma_wait3A] : memref<5248x128xf32, #tpu.memory_space<vmem_shared>> -> memref<80x128xf32, #tpu.memory_space<vmem_shared>>
        %dma_wait3A_52 = arith.constant 0 : i32
        %dma_wait3A_53 = tpu.memref_slice %arg12[%add3A_46, %dma_wait3A_52] : memref<5248x128xf32, #tpu.memory_space<vmem_shared>> -> memref<80x128xf32, #tpu.memory_space<vmem_shared>>
        tpu.wait_dma2 semaphore(%run_scoped3A : memref<!tpu.dma_semaphore, #tpu.memory_space<semaphore_mem>>) src(%arg8 : memref<80x128xf32, #tpu.memory_space<vmem>>) dst(%dma_wait3A_53 : memref<80x128xf32, #tpu.memory_space<vmem_shared>>)
        tpu.yield
      }) : () -> ()
      %scan3A_47 = arith.constant 0 : i32
      scf.yield %scan3A_47 : i32
    }
    %scan3A_14 = arith.constant 4 : i32
    %mul3A_15 = arith.constant 328 : i32
    %mul3A_16 = arith.muli %arg1, %mul3A_15 : i32
    %add3A = arith.constant 320 : i32
    %add3A_17 = arith.addi %mul3A_16, %add3A : i32
    "tpu.region"() ({
      %run_scoped3A = tpu.sem_alloc : memref<!tpu.dma_semaphore, #tpu.memory_space<semaphore_mem>>
      %dma_start3A = arith.constant 0 : i32
      %dma_start3A_40 = arith.constant 0 : i32
      %dma_start3A_41 = tpu.memref_slice %arg8[%dma_start3A, %dma_start3A_40] : memref<80x128xf32, #tpu.memory_space<vmem>> -> memref<8x128xf32, #tpu.memory_space<vmem>>
      %dma_start3A_42 = arith.constant 0 : i32
      %dma_start3A_43 = tpu.memref_slice %arg12[%add3A_17, %dma_start3A_42] : memref<5248x128xf32, #tpu.memory_space<vmem_shared>> -> memref<8x128xf32, #tpu.memory_space<vmem_shared>>
      %dma_start3A_44 = arith.constant 0 : i32
      %dma_start3A_45 = tpu.memref_slice %arg12[%add3A_17, %dma_start3A_44] : memref<5248x128xf32, #tpu.memory_space<vmem_shared>> -> memref<8x128xf32, #tpu.memory_space<vmem_shared>>
      %dma_start3A_46 = arith.constant 0 : i32
      %dma_start3A_47 = arith.constant 0 : i32
      %dma_start3A_48 = tpu.memref_slice %arg8[%dma_start3A_46, %dma_start3A_47] : memref<80x128xf32, #tpu.memory_space<vmem>> -> memref<8x128xf32, #tpu.memory_space<vmem>>
      tpu.enqueue_dma source(%dma_start3A_48 : memref<8x128xf32, #tpu.memory_space<vmem>>) target(%dma_start3A_45 : memref<8x128xf32, #tpu.memory_space<vmem_shared>>) target_semaphore(%run_scoped3A : memref<!tpu.dma_semaphore, #tpu.memory_space<semaphore_mem>>)
      %dma_wait3A = arith.constant 0 : i32
      %dma_wait3A_49 = arith.constant 0 : i32
      %dma_wait3A_50 = tpu.memref_slice %arg8[%dma_wait3A, %dma_wait3A_49] : memref<80x128xf32, #tpu.memory_space<vmem>> -> memref<8x128xf32, #tpu.memory_space<vmem>>
      %dma_wait3A_51 = arith.constant 0 : i32
      %dma_wait3A_52 = tpu.memref_slice %arg12[%add3A_17, %dma_wait3A_51] : memref<5248x128xf32, #tpu.memory_space<vmem_shared>> -> memref<8x128xf32, #tpu.memory_space<vmem_shared>>
      %dma_wait3A_53 = arith.constant 0 : i32
      %dma_wait3A_54 = tpu.memref_slice %arg12[%add3A_17, %dma_wait3A_53] : memref<5248x128xf32, #tpu.memory_space<vmem_shared>> -> memref<8x128xf32, #tpu.memory_space<vmem_shared>>
      %dma_wait3A_55 = arith.constant 0 : i32
      %dma_wait3A_56 = arith.constant 0 : i32
      %dma_wait3A_57 = tpu.memref_slice %arg8[%dma_wait3A_55, %dma_wait3A_56] : memref<80x128xf32, #tpu.memory_space<vmem>> -> memref<8x128xf32, #tpu.memory_space<vmem>>
      tpu.wait_dma2 semaphore(%run_scoped3A : memref<!tpu.dma_semaphore, #tpu.memory_space<semaphore_mem>>) src(%dma_wait3A_57 : memref<8x128xf32, #tpu.memory_space<vmem>>) dst(%dma_wait3A_54 : memref<8x128xf32, #tpu.memory_space<vmem_shared>>)
      tpu.yield
    }) : () -> ()
    "tpu.region"() ({
      %run_scoped3A = tpu.sem_alloc : memref<!tpu.dma_semaphore, #tpu.memory_space<semaphore_mem>>
      %dma_start3A = arith.constant 0 : i32
      %dma_start3A_40 = arith.constant 0 : i32
      %dma_start3A_41 = tpu.memref_slice %arg3[%arg1, %dma_start3A, %dma_start3A_40] : memref<16x250x80xi32, #tpu.memory_space<hbm>> -> memref<1x250x80xi32, #tpu.memory_space<hbm>>
      %dma_start3A_42 = tpu.memref_squeeze %dma_start3A_41 : memref<1x250x80xi32, #tpu.memory_space<hbm>> -> memref<250x80xi32, #tpu.memory_space<hbm>>
      %dma_start3A_43 = arith.constant 0 : i32
      %dma_start3A_44 = arith.constant 0 : i32
      %dma_start3A_45 = tpu.memref_slice %arg3[%arg1, %dma_start3A_43, %dma_start3A_44] : memref<16x250x80xi32, #tpu.memory_space<hbm>> -> memref<1x250x80xi32, #tpu.memory_space<hbm>>
      %dma_start3A_46 = tpu.memref_squeeze %dma_start3A_45 : memref<1x250x80xi32, #tpu.memory_space<hbm>> -> memref<250x80xi32, #tpu.memory_space<hbm>>
      tpu.enqueue_dma source(%dma_start3A_46 : memref<250x80xi32, #tpu.memory_space<hbm>>) target(%arg6 : memref<250x80xi32, #tpu.memory_space<vmem>>) target_semaphore(%run_scoped3A : memref<!tpu.dma_semaphore, #tpu.memory_space<semaphore_mem>>)
      %dma_wait3A = arith.constant 0 : i32
      %dma_wait3A_47 = arith.constant 0 : i32
      %dma_wait3A_48 = tpu.memref_slice %arg3[%arg1, %dma_wait3A, %dma_wait3A_47] : memref<16x250x80xi32, #tpu.memory_space<hbm>> -> memref<1x250x80xi32, #tpu.memory_space<hbm>>
      %dma_wait3A_49 = tpu.memref_squeeze %dma_wait3A_48 : memref<1x250x80xi32, #tpu.memory_space<hbm>> -> memref<250x80xi32, #tpu.memory_space<hbm>>
      %dma_wait3A_50 = arith.constant 0 : i32
      %dma_wait3A_51 = arith.constant 0 : i32
      %dma_wait3A_52 = tpu.memref_slice %arg3[%arg1, %dma_wait3A_50, %dma_wait3A_51] : memref<16x250x80xi32, #tpu.memory_space<hbm>> -> memref<1x250x80xi32, #tpu.memory_space<hbm>>
      %dma_wait3A_53 = tpu.memref_squeeze %dma_wait3A_52 : memref<1x250x80xi32, #tpu.memory_space<hbm>> -> memref<250x80xi32, #tpu.memory_space<hbm>>
      tpu.wait_dma2 semaphore(%run_scoped3A : memref<!tpu.dma_semaphore, #tpu.memory_space<semaphore_mem>>) src(%dma_wait3A_53 : memref<250x80xi32, #tpu.memory_space<hbm>>) dst(%arg6 : memref<250x80xi32, #tpu.memory_space<vmem>>)
      tpu.yield
    }) : () -> ()
    "tpu.region"() ({
      %run_scoped3A = tpu.sem_alloc : memref<!tpu.dma_semaphore, #tpu.memory_space<semaphore_mem>>
      %dma_start3A = arith.constant 0 : i32
      %dma_start3A_40 = arith.constant 0 : i32
      %dma_start3A_41 = tpu.memref_slice %arg4[%arg1, %dma_start3A, %dma_start3A_40] : memref<16x250x80xi32, #tpu.memory_space<hbm>> -> memref<1x250x80xi32, #tpu.memory_space<hbm>>
      %dma_start3A_42 = tpu.memref_squeeze %dma_start3A_41 : memref<1x250x80xi32, #tpu.memory_space<hbm>> -> memref<250x80xi32, #tpu.memory_space<hbm>>
      %dma_start3A_43 = arith.constant 0 : i32
      %dma_start3A_44 = arith.constant 0 : i32
      %dma_start3A_45 = tpu.memref_slice %arg4[%arg1, %dma_start3A_43, %dma_start3A_44] : memref<16x250x80xi32, #tpu.memory_space<hbm>> -> memref<1x250x80xi32, #tpu.memory_space<hbm>>
      %dma_start3A_46 = tpu.memref_squeeze %dma_start3A_45 : memref<1x250x80xi32, #tpu.memory_space<hbm>> -> memref<250x80xi32, #tpu.memory_space<hbm>>
      tpu.enqueue_dma source(%dma_start3A_46 : memref<250x80xi32, #tpu.memory_space<hbm>>) target(%arg7 : memref<250x80xi32, #tpu.memory_space<vmem>>) target_semaphore(%run_scoped3A : memref<!tpu.dma_semaphore, #tpu.memory_space<semaphore_mem>>)
      %dma_wait3A = arith.constant 0 : i32
      %dma_wait3A_47 = arith.constant 0 : i32
      %dma_wait3A_48 = tpu.memref_slice %arg4[%arg1, %dma_wait3A, %dma_wait3A_47] : memref<16x250x80xi32, #tpu.memory_space<hbm>> -> memref<1x250x80xi32, #tpu.memory_space<hbm>>
      %dma_wait3A_49 = tpu.memref_squeeze %dma_wait3A_48 : memref<1x250x80xi32, #tpu.memory_space<hbm>> -> memref<250x80xi32, #tpu.memory_space<hbm>>
      %dma_wait3A_50 = arith.constant 0 : i32
      %dma_wait3A_51 = arith.constant 0 : i32
      %dma_wait3A_52 = tpu.memref_slice %arg4[%arg1, %dma_wait3A_50, %dma_wait3A_51] : memref<16x250x80xi32, #tpu.memory_space<hbm>> -> memref<1x250x80xi32, #tpu.memory_space<hbm>>
      %dma_wait3A_53 = tpu.memref_squeeze %dma_wait3A_52 : memref<1x250x80xi32, #tpu.memory_space<hbm>> -> memref<250x80xi32, #tpu.memory_space<hbm>>
      tpu.wait_dma2 semaphore(%run_scoped3A : memref<!tpu.dma_semaphore, #tpu.memory_space<semaphore_mem>>) src(%dma_wait3A_53 : memref<250x80xi32, #tpu.memory_space<hbm>>) dst(%arg7 : memref<250x80xi32, #tpu.memory_space<vmem>>)
      tpu.yield
    }) : () -> ()
    %scan3A_18 = arith.constant 0 : i32
    %scan3A_19 = arith.constant 0 : i32
    %scan3A_20 = arith.constant 250 : i32
    %scan3A_21 = arith.addi %scan3A_19, %scan3A_20 : i32
    %scan3A_22 = arith.constant 1 : i32
    %scan3A_23 = scf.for %scan3A_40 = %scan3A_19 to %scan3A_21 step %scan3A_22 iter_args(%scan3A_41 = %scan3A_18) -> (i32)  : i32 {
      %get3A = arith.index_cast %scan3A_40 : i32 to index
      %get3A_42 = arith.constant 0 : index
      %get3A_43 = tpu.vector_load %arg6[%get3A, %get3A_42] {strides = array<i32>} : memref<250x80xi32, #tpu.memory_space<vmem>>, vector<1x16xi32>,
      %get3A_44 = vector.shape_cast %get3A_43 : vector<1x16xi32> to vector<16xi32>
      %sub3A = vector.broadcast %mul3A_0 : i32 to vector<16xi32>
      %sub3A_45 = arith.subi %get3A_44, %sub3A : vector<16xi32>
      %lt3A = arith.constant 0 : i32
      %lt3A_46 = vector.broadcast %lt3A : i32 to vector<16xi32>
      %lt3A_47 = arith.cmpi slt, %sub3A_45, %lt3A_46 : vector<16xi32>
      %ge3A = arith.constant 5120 : i32
      %ge3A_48 = vector.broadcast %ge3A : i32 to vector<16xi32>
      %ge3A_49 = arith.cmpi sge, %sub3A_45, %ge3A_48 : vector<16xi32>
      %or3A = arith.ori %lt3A_47, %ge3A_49 : vector<16xi1>
      %and3A = arith.constant 127 : i32
      %and3A_50 = vector.broadcast %and3A : i32 to vector<16xi32>
      %and3A_51 = arith.andi %get3A_44, %and3A_50 : vector<16xi32>
      %add3A_52 = arith.constant 5120 : i32
      %add3A_53 = vector.broadcast %add3A_52 : i32 to vector<16xi32>
      %add3A_54 = arith.addi %add3A_53, %and3A_51 : vector<16xi32>
      %select_n3A = arith.select %or3A, %add3A_54, %sub3A_45 : vector<16xi1>, vector<16xi32>
      %swap3A = arith.index_cast %scan3A_40 : i32 to index
      %swap3A_55 = arith.constant 0 : index
      %swap3A_56 = tpu.vector_load %arg6[%swap3A, %swap3A_55] {strides = array<i32>} : memref<250x80xi32, #tpu.memory_space<vmem>>, vector<1x16xi32>,
      %swap3A_57 = vector.shape_cast %swap3A_56 : vector<1x16xi32> to vector<16xi32>
      %swap3A_58 = vector.shape_cast %select_n3A : vector<16xi32> to vector<1x16xi32>
      tpu.vector_store %arg6[%swap3A, %swap3A_55], %swap3A_58 {strides = array<i32>} : memref<250x80xi32, #tpu.memory_space<vmem>>, vector<1x16xi32>,
      %get3A_59 = arith.index_cast %scan3A_40 : i32 to index
      %get3A_60 = arith.constant 16 : index
      %get3A_61 = tpu.vector_load %arg6[%get3A_59, %get3A_60] {strides = array<i32>} : memref<250x80xi32, #tpu.memory_space<vmem>>, vector<1x16xi32>,
      %get3A_62 = vector.shape_cast %get3A_61 : vector<1x16xi32> to vector<16xi32>
      %sub3A_63 = vector.broadcast %mul3A_0 : i32 to vector<16xi32>
      %sub3A_64 = arith.subi %get3A_62, %sub3A_63 : vector<16xi32>
      %lt3A_65 = arith.constant 0 : i32
      %lt3A_66 = vector.broadcast %lt3A_65 : i32 to vector<16xi32>
      %lt3A_67 = arith.cmpi slt, %sub3A_64, %lt3A_66 : vector<16xi32>
      %ge3A_68 = arith.constant 5120 : i32
      %ge3A_69 = vector.broadcast %ge3A_68 : i32 to vector<16xi32>
      %ge3A_70 = arith.cmpi sge, %sub3A_64, %ge3A_69 : vector<16xi32>
      %or3A_71 = arith.ori %lt3A_67, %ge3A_70 : vector<16xi1>
      %and3A_72 = arith.constant 127 : i32
      %and3A_73 = vector.broadcast %and3A_72 : i32 to vector<16xi32>
      %and3A_74 = arith.andi %get3A_62, %and3A_73 : vector<16xi32>
      %add3A_75 = arith.constant 5120 : i32
      %add3A_76 = vector.broadcast %add3A_75 : i32 to vector<16xi32>
      %add3A_77 = arith.addi %add3A_76, %and3A_74 : vector<16xi32>
      %select_n3A_78 = arith.select %or3A_71, %add3A_77, %sub3A_64 : vector<16xi1>, vector<16xi32>
      %swap3A_79 = arith.index_cast %scan3A_40 : i32 to index
      %swap3A_80 = arith.constant 16 : index
      %swap3A_81 = tpu.vector_load %arg6[%swap3A_79, %swap3A_80] {strides = array<i32>} : memref<250x80xi32, #tpu.memory_space<vmem>>, vector<1x16xi32>,
      %swap3A_82 = vector.shape_cast %swap3A_81 : vector<1x16xi32> to vector<16xi32>
      %swap3A_83 = vector.shape_cast %select_n3A_78 : vector<16xi32> to vector<1x16xi32>
      tpu.vector_store %arg6[%swap3A_79, %swap3A_80], %swap3A_83 {strides = array<i32>} : memref<250x80xi32, #tpu.memory_space<vmem>>, vector<1x16xi32>,
      %get3A_84 = arith.index_cast %scan3A_40 : i32 to index
      %get3A_85 = arith.constant 32 : index
      %get3A_86 = tpu.vector_load %arg6[%get3A_84, %get3A_85] {strides = array<i32>} : memref<250x80xi32, #tpu.memory_space<vmem>>, vector<1x16xi32>,
      %get3A_87 = vector.shape_cast %get3A_86 : vector<1x16xi32> to vector<16xi32>
      %sub3A_88 = vector.broadcast %mul3A_0 : i32 to vector<16xi32>
      %sub3A_89 = arith.subi %get3A_87, %sub3A_88 : vector<16xi32>
      %lt3A_90 = arith.constant 0 : i32
      %lt3A_91 = vector.broadcast %lt3A_90 : i32 to vector<16xi32>
      %lt3A_92 = arith.cmpi slt, %sub3A_89, %lt3A_91 : vector<16xi32>
      %ge3A_93 = arith.constant 5120 : i32
      %ge3A_94 = vector.broadcast %ge3A_93 : i32 to vector<16xi32>
      %ge3A_95 = arith.cmpi sge, %sub3A_89, %ge3A_94 : vector<16xi32>
      %or3A_96 = arith.ori %lt3A_92, %ge3A_95 : vector<16xi1>
      %and3A_97 = arith.constant 127 : i32
      %and3A_98 = vector.broadcast %and3A_97 : i32 to vector<16xi32>
      %and3A_99 = arith.andi %get3A_87, %and3A_98 : vector<16xi32>
      %add3A_100 = arith.constant 5120 : i32
      %add3A_101 = vector.broadcast %add3A_100 : i32 to vector<16xi32>
      %add3A_102 = arith.addi %add3A_101, %and3A_99 : vector<16xi32>
      %select_n3A_103 = arith.select %or3A_96, %add3A_102, %sub3A_89 : vector<16xi1>, vector<16xi32>
      %swap3A_104 = arith.index_cast %scan3A_40 : i32 to index
      %swap3A_105 = arith.constant 32 : index
      %swap3A_106 = tpu.vector_load %arg6[%swap3A_104, %swap3A_105] {strides = array<i32>} : memref<250x80xi32, #tpu.memory_space<vmem>>, vector<1x16xi32>,
      %swap3A_107 = vector.shape_cast %swap3A_106 : vector<1x16xi32> to vector<16xi32>
      %swap3A_108 = vector.shape_cast %select_n3A_103 : vector<16xi32> to vector<1x16xi32>
      tpu.vector_store %arg6[%swap3A_104, %swap3A_105], %swap3A_108 {strides = array<i32>} : memref<250x80xi32, #tpu.memory_space<vmem>>, vector<1x16xi32>,
      %get3A_109 = arith.index_cast %scan3A_40 : i32 to index
      %get3A_110 = arith.constant 48 : index
      %get3A_111 = tpu.vector_load %arg6[%get3A_109, %get3A_110] {strides = array<i32>} : memref<250x80xi32, #tpu.memory_space<vmem>>, vector<1x16xi32>,
      %get3A_112 = vector.shape_cast %get3A_111 : vector<1x16xi32> to vector<16xi32>
      %sub3A_113 = vector.broadcast %mul3A_0 : i32 to vector<16xi32>
      %sub3A_114 = arith.subi %get3A_112, %sub3A_113 : vector<16xi32>
      %lt3A_115 = arith.constant 0 : i32
      %lt3A_116 = vector.broadcast %lt3A_115 : i32 to vector<16xi32>
      %lt3A_117 = arith.cmpi slt, %sub3A_114, %lt3A_116 : vector<16xi32>
      %ge3A_118 = arith.constant 5120 : i32
      %ge3A_119 = vector.broadcast %ge3A_118 : i32 to vector<16xi32>
      %ge3A_120 = arith.cmpi sge, %sub3A_114, %ge3A_119 : vector<16xi32>
      %or3A_121 = arith.ori %lt3A_117, %ge3A_120 : vector<16xi1>
      %and3A_122 = arith.constant 127 : i32
      %and3A_123 = vector.broadcast %and3A_122 : i32 to vector<16xi32>
      %and3A_124 = arith.andi %get3A_112, %and3A_123 : vector<16xi32>
      %add3A_125 = arith.constant 5120 : i32
      %add3A_126 = vector.broadcast %add3A_125 : i32 to vector<16xi32>
      %add3A_127 = arith.addi %add3A_126, %and3A_124 : vector<16xi32>
      %select_n3A_128 = arith.select %or3A_121, %add3A_127, %sub3A_114 : vector<16xi1>, vector<16xi32>
      %swap3A_129 = arith.index_cast %scan3A_40 : i32 to index
      %swap3A_130 = arith.constant 48 : index
      %swap3A_131 = tpu.vector_load %arg6[%swap3A_129, %swap3A_130] {strides = array<i32>} : memref<250x80xi32, #tpu.memory_space<vmem>>, vector<1x16xi32>,
      %swap3A_132 = vector.shape_cast %swap3A_131 : vector<1x16xi32> to vector<16xi32>
      %swap3A_133 = vector.shape_cast %select_n3A_128 : vector<16xi32> to vector<1x16xi32>
      tpu.vector_store %arg6[%swap3A_129, %swap3A_130], %swap3A_133 {strides = array<i32>} : memref<250x80xi32, #tpu.memory_space<vmem>>, vector<1x16xi32>,
      %get3A_134 = arith.index_cast %scan3A_40 : i32 to index
      %get3A_135 = arith.constant 64 : index
      %get3A_136 = tpu.vector_load %arg6[%get3A_134, %get3A_135] {strides = array<i32>} : memref<250x80xi32, #tpu.memory_space<vmem>>, vector<1x16xi32>,
      %get3A_137 = vector.shape_cast %get3A_136 : vector<1x16xi32> to vector<16xi32>
      %sub3A_138 = vector.broadcast %mul3A_0 : i32 to vector<16xi32>
      %sub3A_139 = arith.subi %get3A_137, %sub3A_138 : vector<16xi32>
      %lt3A_140 = arith.constant 0 : i32
      %lt3A_141 = vector.broadcast %lt3A_140 : i32 to vector<16xi32>
      %lt3A_142 = arith.cmpi slt, %sub3A_139, %lt3A_141 : vector<16xi32>
      %ge3A_143 = arith.constant 5120 : i32
      %ge3A_144 = vector.broadcast %ge3A_143 : i32 to vector<16xi32>
      %ge3A_145 = arith.cmpi sge, %sub3A_139, %ge3A_144 : vector<16xi32>
      %or3A_146 = arith.ori %lt3A_142, %ge3A_145 : vector<16xi1>
      %and3A_147 = arith.constant 127 : i32
      %and3A_148 = vector.broadcast %and3A_147 : i32 to vector<16xi32>
      %and3A_149 = arith.andi %get3A_137, %and3A_148 : vector<16xi32>
      %add3A_150 = arith.constant 5120 : i32
      %add3A_151 = vector.broadcast %add3A_150 : i32 to vector<16xi32>
      %add3A_152 = arith.addi %add3A_151, %and3A_149 : vector<16xi32>
      %select_n3A_153 = arith.select %or3A_146, %add3A_152, %sub3A_139 : vector<16xi1>, vector<16xi32>
      %swap3A_154 = arith.index_cast %scan3A_40 : i32 to index
      %swap3A_155 = arith.constant 64 : index
      %swap3A_156 = tpu.vector_load %arg6[%swap3A_154, %swap3A_155] {strides = array<i32>} : memref<250x80xi32, #tpu.memory_space<vmem>>, vector<1x16xi32>,
      %swap3A_157 = vector.shape_cast %swap3A_156 : vector<1x16xi32> to vector<16xi32>
      %swap3A_158 = vector.shape_cast %select_n3A_153 : vector<16xi32> to vector<1x16xi32>
      tpu.vector_store %arg6[%swap3A_154, %swap3A_155], %swap3A_158 {strides = array<i32>} : memref<250x80xi32, #tpu.memory_space<vmem>>, vector<1x16xi32>,
      %scan3A_159 = arith.constant 0 : i32
      scf.yield %scan3A_159 : i32
    }
    %scan3A_24 = arith.constant 250 : i32
    %barrier3A = arith.constant 0 : index
    tpu.barrier barrier_id(%barrier3A)
    %scan3A_25 = arith.constant 0 : i32
    %scan3A_26 = arith.constant 0 : i32
    %scan3A_27 = arith.constant 125 : i32
    %scan3A_28 = arith.addi %scan3A_26, %scan3A_27 : i32
    %scan3A_29 = arith.constant 1 : i32
    %scan3A_30 = scf.for %scan3A_40 = %scan3A_26 to %scan3A_28 step %scan3A_29 iter_args(%scan3A_41 = %scan3A_25) -> (i32)  : i32 {
      %mul3A_42 = arith.constant 2 : i32
      %mul3A_43 = arith.muli %mul3A_42, %scan3A_40 : i32
      %dma_start3A = arith.constant 0 : i32
      %dma_start3A_44 = tpu.memref_slice %arg7[%mul3A_43, %dma_start3A] : memref<250x80xi32, #tpu.memory_space<vmem>> -> memref<1x80xi32, #tpu.memory_space<vmem>>
      %dma_start3A_45 = tpu.memref_squeeze %dma_start3A_44 : memref<1x80xi32, #tpu.memory_space<vmem>> -> memref<80xi32, #tpu.memory_space<vmem>>
      %dma_start3A_46 = arith.constant 0 : i32
      %dma_start3A_47 = arith.constant 0 : i32
      %dma_start3A_48 = tpu.memref_slice %arg2[%dma_start3A_46, %dma_start3A_47] : memref<10000x128xf32, #tpu.memory_space<hbm>> -> memref<10000x128xf32, #tpu.memory_space<hbm>>
      tpu.enqueue_indirect_dma source(%dma_start3A_48 : memref<10000x128xf32, #tpu.memory_space<hbm>>) target(%arg8 : memref<80x128xf32, #tpu.memory_space<vmem>>) offsets(%dma_start3A_45 : memref<80xi32, #tpu.memory_space<vmem>>) semaphore(%arg10 : memref<!tpu.dma_semaphore, #tpu.memory_space<semaphore_mem>>)
      %add3A_49 = arith.constant 1 : i32
      %add3A_50 = arith.addi %mul3A_43, %add3A_49 : i32
      %dma_start3A_51 = arith.constant 0 : i32
      %dma_start3A_52 = tpu.memref_slice %arg7[%add3A_50, %dma_start3A_51] : memref<250x80xi32, #tpu.memory_space<vmem>> -> memref<1x80xi32, #tpu.memory_space<vmem>>
      %dma_start3A_53 = tpu.memref_squeeze %dma_start3A_52 : memref<1x80xi32, #tpu.memory_space<vmem>> -> memref<80xi32, #tpu.memory_space<vmem>>
      %dma_start3A_54 = arith.constant 0 : i32
      %dma_start3A_55 = arith.constant 0 : i32
      %dma_start3A_56 = tpu.memref_slice %arg2[%dma_start3A_54, %dma_start3A_55] : memref<10000x128xf32, #tpu.memory_space<hbm>> -> memref<10000x128xf32, #tpu.memory_space<hbm>>
      tpu.enqueue_indirect_dma source(%dma_start3A_56 : memref<10000x128xf32, #tpu.memory_space<hbm>>) target(%arg9 : memref<80x128xf32, #tpu.memory_space<vmem>>) offsets(%dma_start3A_53 : memref<80xi32, #tpu.memory_space<vmem>>) semaphore(%arg11 : memref<!tpu.dma_semaphore, #tpu.memory_space<semaphore_mem>>)
      %dma_wait3A = arith.constant 0 : i32
      %dma_wait3A_57 = tpu.memref_slice %arg7[%mul3A_43, %dma_wait3A] : memref<250x80xi32, #tpu.memory_space<vmem>> -> memref<1x80xi32, #tpu.memory_space<vmem>>
      %dma_wait3A_58 = tpu.memref_squeeze %dma_wait3A_57 : memref<1x80xi32, #tpu.memory_space<vmem>> -> memref<80xi32, #tpu.memory_space<vmem>>
      %dma_wait3A_59 = arith.constant 0 : i32
      %dma_wait3A_60 = arith.constant 0 : i32
      %dma_wait3A_61 = tpu.memref_slice %arg2[%dma_wait3A_59, %dma_wait3A_60] : memref<10000x128xf32, #tpu.memory_space<hbm>> -> memref<10000x128xf32, #tpu.memory_space<hbm>>
      tpu.wait_indirect_dma semaphore(%arg10 : memref<!tpu.dma_semaphore, #tpu.memory_space<semaphore_mem>>) src(%dma_wait3A_61 : memref<10000x128xf32, #tpu.memory_space<hbm>>) dst(%arg8 : memref<80x128xf32, #tpu.memory_space<vmem>>)
      %dma_wait3A_62 = arith.constant 0 : i32
      %dma_wait3A_63 = tpu.memref_slice %arg7[%add3A_50, %dma_wait3A_62] : memref<250x80xi32, #tpu.memory_space<vmem>> -> memref<1x80xi32, #tpu.memory_space<vmem>>
      %dma_wait3A_64 = tpu.memref_squeeze %dma_wait3A_63 : memref<1x80xi32, #tpu.memory_space<vmem>> -> memref<80xi32, #tpu.memory_space<vmem>>
      %dma_wait3A_65 = arith.constant 0 : i32
      %dma_wait3A_66 = arith.constant 0 : i32
      %dma_wait3A_67 = tpu.memref_slice %arg2[%dma_wait3A_65, %dma_wait3A_66] : memref<10000x128xf32, #tpu.memory_space<hbm>> -> memref<10000x128xf32, #tpu.memory_space<hbm>>
      tpu.wait_indirect_dma semaphore(%arg11 : memref<!tpu.dma_semaphore, #tpu.memory_space<semaphore_mem>>) src(%dma_wait3A_67 : memref<10000x128xf32, #tpu.memory_space<hbm>>) dst(%arg9 : memref<80x128xf32, #tpu.memory_space<vmem>>)
      %dma_start3A_68 = arith.constant 0 : i32
      %dma_start3A_69 = tpu.memref_slice %arg6[%mul3A_43, %dma_start3A_68] : memref<250x80xi32, #tpu.memory_space<vmem>> -> memref<1x80xi32, #tpu.memory_space<vmem>>
      %dma_start3A_70 = tpu.memref_squeeze %dma_start3A_69 : memref<1x80xi32, #tpu.memory_space<vmem>> -> memref<80xi32, #tpu.memory_space<vmem>>
      %dma_start3A_71 = arith.constant 0 : i32
      %dma_start3A_72 = arith.constant 0 : i32
      %dma_start3A_73 = tpu.memref_slice %arg12[%dma_start3A_71, %dma_start3A_72] : memref<5248x128xf32, #tpu.memory_space<vmem_shared>> -> memref<5248x128xf32, #tpu.memory_space<vmem_shared>>
      tpu.enqueue_indirect_dma source(%arg8 : memref<80x128xf32, #tpu.memory_space<vmem>>) target(%dma_start3A_73 : memref<5248x128xf32, #tpu.memory_space<vmem_shared>>) offsets(%dma_start3A_70 : memref<80xi32, #tpu.memory_space<vmem>>) semaphore(%arg10 : memref<!tpu.dma_semaphore, #tpu.memory_space<semaphore_mem>>) {add = true}
      %add3A_74 = arith.constant 1 : i32
      %add3A_75 = arith.addi %mul3A_43, %add3A_74 : i32
      %dma_start3A_76 = arith.constant 0 : i32
      %dma_start3A_77 = tpu.memref_slice %arg6[%add3A_75, %dma_start3A_76] : memref<250x80xi32, #tpu.memory_space<vmem>> -> memref<1x80xi32, #tpu.memory_space<vmem>>
      %dma_start3A_78 = tpu.memref_squeeze %dma_start3A_77 : memref<1x80xi32, #tpu.memory_space<vmem>> -> memref<80xi32, #tpu.memory_space<vmem>>
      %dma_start3A_79 = arith.constant 0 : i32
      %dma_start3A_80 = arith.constant 0 : i32
      %dma_start3A_81 = tpu.memref_slice %arg12[%dma_start3A_79, %dma_start3A_80] : memref<5248x128xf32, #tpu.memory_space<vmem_shared>> -> memref<5248x128xf32, #tpu.memory_space<vmem_shared>>
      tpu.enqueue_indirect_dma source(%arg9 : memref<80x128xf32, #tpu.memory_space<vmem>>) target(%dma_start3A_81 : memref<5248x128xf32, #tpu.memory_space<vmem_shared>>) offsets(%dma_start3A_78 : memref<80xi32, #tpu.memory_space<vmem>>) semaphore(%arg11 : memref<!tpu.dma_semaphore, #tpu.memory_space<semaphore_mem>>) {add = true}
      %dma_wait3A_82 = arith.constant 0 : i32
      %dma_wait3A_83 = tpu.memref_slice %arg6[%mul3A_43, %dma_wait3A_82] : memref<250x80xi32, #tpu.memory_space<vmem>> -> memref<1x80xi32, #tpu.memory_space<vmem>>
      %dma_wait3A_84 = tpu.memref_squeeze %dma_wait3A_83 : memref<1x80xi32, #tpu.memory_space<vmem>> -> memref<80xi32, #tpu.memory_space<vmem>>
      %dma_wait3A_85 = arith.constant 0 : i32
      %dma_wait3A_86 = arith.constant 0 : i32
      %dma_wait3A_87 = tpu.memref_slice %arg12[%dma_wait3A_85, %dma_wait3A_86] : memref<5248x128xf32, #tpu.memory_space<vmem_shared>> -> memref<5248x128xf32, #tpu.memory_space<vmem_shared>>
      tpu.wait_indirect_dma semaphore(%arg10 : memref<!tpu.dma_semaphore, #tpu.memory_space<semaphore_mem>>) src(%arg8 : memref<80x128xf32, #tpu.memory_space<vmem>>) dst(%dma_wait3A_87 : memref<5248x128xf32, #tpu.memory_space<vmem_shared>>)
      %dma_wait3A_88 = arith.constant 0 : i32
      %dma_wait3A_89 = tpu.memref_slice %arg6[%add3A_75, %dma_wait3A_88] : memref<250x80xi32, #tpu.memory_space<vmem>> -> memref<1x80xi32, #tpu.memory_space<vmem>>
      %dma_wait3A_90 = tpu.memref_squeeze %dma_wait3A_89 : memref<1x80xi32, #tpu.memory_space<vmem>> -> memref<80xi32, #tpu.memory_space<vmem>>
      %dma_wait3A_91 = arith.constant 0 : i32
      %dma_wait3A_92 = arith.constant 0 : i32
      %dma_wait3A_93 = tpu.memref_slice %arg12[%dma_wait3A_91, %dma_wait3A_92] : memref<5248x128xf32, #tpu.memory_space<vmem_shared>> -> memref<5248x128xf32, #tpu.memory_space<vmem_shared>>
      tpu.wait_indirect_dma semaphore(%arg11 : memref<!tpu.dma_semaphore, #tpu.memory_space<semaphore_mem>>) src(%arg9 : memref<80x128xf32, #tpu.memory_space<vmem>>) dst(%dma_wait3A_93 : memref<5248x128xf32, #tpu.memory_space<vmem_shared>>)
      %scan3A_94 = arith.constant 0 : i32
      scf.yield %scan3A_94 : i32
    }
    %scan3A_31 = arith.constant 125 : i32
    %barrier3A_32 = arith.constant 0 : index
    tpu.barrier barrier_id(%barrier3A_32)
    %scan3A_33 = arith.constant 0 : i32
    %scan3A_34 = arith.constant 0 : i32
    %scan3A_35 = arith.constant 4 : i32
    %scan3A_36 = arith.addi %scan3A_34, %scan3A_35 : i32
    %scan3A_37 = arith.constant 1 : i32
    %scan3A_38 = scf.for %scan3A_40 = %scan3A_34 to %scan3A_36 step %scan3A_37 iter_args(%scan3A_41 = %scan3A_33) -> (i32)  : i32 {
      %mul3A_42 = arith.constant 328 : i32
      %mul3A_43 = arith.muli %arg1, %mul3A_42 : i32
      %mul3A_44 = arith.constant 80 : i32
      %mul3A_45 = arith.muli %scan3A_40, %mul3A_44 : i32
      %add3A_46 = arith.addi %mul3A_43, %mul3A_45 : i32
      "tpu.region"() ({
        %run_scoped3A = tpu.sem_alloc : memref<!tpu.dma_semaphore, #tpu.memory_space<semaphore_mem>>
        %dma_start3A = arith.constant 0 : i32
        %dma_start3A_53 = tpu.memref_slice %arg12[%add3A_46, %dma_start3A] : memref<5248x128xf32, #tpu.memory_space<vmem_shared>> -> memref<80x128xf32, #tpu.memory_space<vmem_shared>>
        %dma_start3A_54 = arith.constant 0 : i32
        %dma_start3A_55 = tpu.memref_slice %arg12[%add3A_46, %dma_start3A_54] : memref<5248x128xf32, #tpu.memory_space<vmem_shared>> -> memref<80x128xf32, #tpu.memory_space<vmem_shared>>
        tpu.enqueue_dma source(%dma_start3A_55 : memref<80x128xf32, #tpu.memory_space<vmem_shared>>) target(%arg8 : memref<80x128xf32, #tpu.memory_space<vmem>>) target_semaphore(%run_scoped3A : memref<!tpu.dma_semaphore, #tpu.memory_space<semaphore_mem>>)
        %dma_wait3A = arith.constant 0 : i32
        %dma_wait3A_56 = tpu.memref_slice %arg12[%add3A_46, %dma_wait3A] : memref<5248x128xf32, #tpu.memory_space<vmem_shared>> -> memref<80x128xf32, #tpu.memory_space<vmem_shared>>
        %dma_wait3A_57 = arith.constant 0 : i32
        %dma_wait3A_58 = tpu.memref_slice %arg12[%add3A_46, %dma_wait3A_57] : memref<5248x128xf32, #tpu.memory_space<vmem_shared>> -> memref<80x128xf32, #tpu.memory_space<vmem_shared>>
        tpu.wait_dma2 semaphore(%run_scoped3A : memref<!tpu.dma_semaphore, #tpu.memory_space<semaphore_mem>>) src(%dma_wait3A_58 : memref<80x128xf32, #tpu.memory_space<vmem_shared>>) dst(%arg8 : memref<80x128xf32, #tpu.memory_space<vmem>>)
        tpu.yield
      }) : () -> ()
      %mul3A_47 = arith.constant 328 : i32
      %mul3A_48 = arith.muli %arg1, %mul3A_47 : i32
      %mul3A_49 = arith.constant 80 : i32
      %mul3A_50 = arith.muli %scan3A_40, %mul3A_49 : i32
      %add3A_51 = arith.addi %mul3A_48, %mul3A_50 : i32
      "tpu.region"() ({
        %run_scoped3A = tpu.sem_alloc : memref<!tpu.dma_semaphore, #tpu.memory_space<semaphore_mem>>
        %dma_start3A = arith.constant 0 : i32
        %dma_start3A_53 = tpu.memref_slice %arg5[%arg0, %add3A_51, %dma_start3A] : memref<2x5248x128xf32, #tpu.memory_space<hbm>> -> memref<1x80x128xf32, #tpu.memory_space<hbm>>
        %dma_start3A_54 = tpu.memref_squeeze %dma_start3A_53 : memref<1x80x128xf32, #tpu.memory_space<hbm>> -> memref<80x128xf32, #tpu.memory_space<hbm>>
        %dma_start3A_55 = arith.constant 0 : i32
        %dma_start3A_56 = tpu.memref_slice %arg5[%arg0, %add3A_51, %dma_start3A_55] : memref<2x5248x128xf32, #tpu.memory_space<hbm>> -> memref<1x80x128xf32, #tpu.memory_space<hbm>>
        %dma_start3A_57 = tpu.memref_squeeze %dma_start3A_56 : memref<1x80x128xf32, #tpu.memory_space<hbm>> -> memref<80x128xf32, #tpu.memory_space<hbm>>
        tpu.enqueue_dma source(%arg8 : memref<80x128xf32, #tpu.memory_space<vmem>>) target(%dma_start3A_57 : memref<80x128xf32, #tpu.memory_space<hbm>>) target_semaphore(%run_scoped3A : memref<!tpu.dma_semaphore, #tpu.memory_space<semaphore_mem>>)
        %dma_wait3A = arith.constant 0 : i32
        %dma_wait3A_58 = tpu.memref_slice %arg5[%arg0, %add3A_51, %dma_wait3A] : memref<2x5248x128xf32, #tpu.memory_space<hbm>> -> memref<1x80x128xf32, #tpu.memory_space<hbm>>
        %dma_wait3A_59 = tpu.memref_squeeze %dma_wait3A_58 : memref<1x80x128xf32, #tpu.memory_space<hbm>> -> memref<80x128xf32, #tpu.memory_space<hbm>>
        %dma_wait3A_60 = arith.constant 0 : i32
        %dma_wait3A_61 = tpu.memref_slice %arg5[%arg0, %add3A_51, %dma_wait3A_60] : memref<2x5248x128xf32, #tpu.memory_space<hbm>> -> memref<1x80x128xf32, #tpu.memory_space<hbm>>
        %dma_wait3A_62 = tpu.memref_squeeze %dma_wait3A_61 : memref<1x80x128xf32, #tpu.memory_space<hbm>> -> memref<80x128xf32, #tpu.memory_space<hbm>>
        tpu.wait_dma2 semaphore(%run_scoped3A : memref<!tpu.dma_semaphore, #tpu.memory_space<semaphore_mem>>) src(%arg8 : memref<80x128xf32, #tpu.memory_space<vmem>>) dst(%dma_wait3A_62 : memref<80x128xf32, #tpu.memory_space<hbm>>)
        tpu.yield
      }) : () -> ()
      %scan3A_52 = arith.constant 0 : i32
      scf.yield %scan3A_52 : i32
    }
    %scan3A_39 = arith.constant 4 : i32
    "tpu.region"() ({
      %run_scoped3A = tpu.sem_alloc : memref<!tpu.dma_semaphore, #tpu.memory_space<semaphore_mem>>
      %dma_start3A = arith.constant 0 : i32
      %dma_start3A_40 = arith.constant 0 : i32
      %dma_start3A_41 = tpu.memref_slice %arg8[%dma_start3A, %dma_start3A_40] : memref<80x128xf32, #tpu.memory_space<vmem>> -> memref<8x128xf32, #tpu.memory_space<vmem>>
      %dma_start3A_42 = arith.constant 0 : i32
      %dma_start3A_43 = tpu.memref_slice %arg12[%add3A_17, %dma_start3A_42] : memref<5248x128xf32, #tpu.memory_space<vmem_shared>> -> memref<8x128xf32, #tpu.memory_space<vmem_shared>>
      %dma_start3A_44 = arith.constant 0 : i32
      %dma_start3A_45 = arith.constant 0 : i32
      %dma_start3A_46 = tpu.memref_slice %arg8[%dma_start3A_44, %dma_start3A_45] : memref<80x128xf32, #tpu.memory_space<vmem>> -> memref<8x128xf32, #tpu.memory_space<vmem>>
      %dma_start3A_47 = arith.constant 0 : i32
      %dma_start3A_48 = tpu.memref_slice %arg12[%add3A_17, %dma_start3A_47] : memref<5248x128xf32, #tpu.memory_space<vmem_shared>> -> memref<8x128xf32, #tpu.memory_space<vmem_shared>>
      tpu.enqueue_dma source(%dma_start3A_48 : memref<8x128xf32, #tpu.memory_space<vmem_shared>>) target(%dma_start3A_46 : memref<8x128xf32, #tpu.memory_space<vmem>>) target_semaphore(%run_scoped3A : memref<!tpu.dma_semaphore, #tpu.memory_space<semaphore_mem>>)
      %dma_wait3A = arith.constant 0 : i32
      %dma_wait3A_49 = arith.constant 0 : i32
      %dma_wait3A_50 = tpu.memref_slice %arg8[%dma_wait3A, %dma_wait3A_49] : memref<80x128xf32, #tpu.memory_space<vmem>> -> memref<8x128xf32, #tpu.memory_space<vmem>>
      %dma_wait3A_51 = arith.constant 0 : i32
      %dma_wait3A_52 = tpu.memref_slice %arg12[%add3A_17, %dma_wait3A_51] : memref<5248x128xf32, #tpu.memory_space<vmem_shared>> -> memref<8x128xf32, #tpu.memory_space<vmem_shared>>
      %dma_wait3A_53 = arith.constant 0 : i32
      %dma_wait3A_54 = arith.constant 0 : i32
      %dma_wait3A_55 = tpu.memref_slice %arg8[%dma_wait3A_53, %dma_wait3A_54] : memref<80x128xf32, #tpu.memory_space<vmem>> -> memref<8x128xf32, #tpu.memory_space<vmem>>
      %dma_wait3A_56 = arith.constant 0 : i32
      %dma_wait3A_57 = tpu.memref_slice %arg12[%add3A_17, %dma_wait3A_56] : memref<5248x128xf32, #tpu.memory_space<vmem_shared>> -> memref<8x128xf32, #tpu.memory_space<vmem_shared>>
      tpu.wait_dma2 semaphore(%run_scoped3A : memref<!tpu.dma_semaphore, #tpu.memory_space<semaphore_mem>>) src(%dma_wait3A_57 : memref<8x128xf32, #tpu.memory_space<vmem_shared>>) dst(%dma_wait3A_55 : memref<8x128xf32, #tpu.memory_space<vmem>>)
      tpu.yield
    }) : () -> ()
    "tpu.region"() ({
      %run_scoped3A = tpu.sem_alloc : memref<!tpu.dma_semaphore, #tpu.memory_space<semaphore_mem>>
      %dma_start3A = arith.constant 0 : i32
      %dma_start3A_40 = arith.constant 0 : i32
      %dma_start3A_41 = tpu.memref_slice %arg8[%dma_start3A, %dma_start3A_40] : memref<80x128xf32, #tpu.memory_space<vmem>> -> memref<8x128xf32, #tpu.memory_space<vmem>>
      %dma_start3A_42 = arith.constant 0 : i32
      %dma_start3A_43 = tpu.memref_slice %arg5[%arg0, %add3A_17, %dma_start3A_42] : memref<2x5248x128xf32, #tpu.memory_space<hbm>> -> memref<1x8x128xf32, #tpu.memory_space<hbm>>
      %dma_start3A_44 = tpu.memref_squeeze %dma_start3A_43 : memref<1x8x128xf32, #tpu.memory_space<hbm>> -> memref<8x128xf32, #tpu.memory_space<hbm>>
      %dma_start3A_45 = arith.constant 0 : i32
      %dma_start3A_46 = tpu.memref_slice %arg5[%arg0, %add3A_17, %dma_start3A_45] : memref<2x5248x128xf32, #tpu.memory_space<hbm>> -> memref<1x8x128xf32, #tpu.memory_space<hbm>>
      %dma_start3A_47 = tpu.memref_squeeze %dma_start3A_46 : memref<1x8x128xf32, #tpu.memory_space<hbm>> -> memref<8x128xf32, #tpu.memory_space<hbm>>
      %dma_start3A_48 = arith.constant 0 : i32
      %dma_start3A_49 = arith.constant 0 : i32
      %dma_start3A_50 = tpu.memref_slice %arg8[%dma_start3A_48, %dma_start3A_49] : memref<80x128xf32, #tpu.memory_space<vmem>> -> memref<8x128xf32, #tpu.memory_space<vmem>>
      tpu.enqueue_dma source(%dma_start3A_50 : memref<8x128xf32, #tpu.memory_space<vmem>>) target(%dma_start3A_47 : memref<8x128xf32, #tpu.memory_space<hbm>>) target_semaphore(%run_scoped3A : memref<!tpu.dma_semaphore, #tpu.memory_space<semaphore_mem>>)
      %dma_wait3A = arith.constant 0 : i32
      %dma_wait3A_51 = arith.constant 0 : i32
      %dma_wait3A_52 = tpu.memref_slice %arg8[%dma_wait3A, %dma_wait3A_51] : memref<80x128xf32, #tpu.memory_space<vmem>> -> memref<8x128xf32, #tpu.memory_space<vmem>>
      %dma_wait3A_53 = arith.constant 0 : i32
      %dma_wait3A_54 = tpu.memref_slice %arg5[%arg0, %add3A_17, %dma_wait3A_53] : memref<2x5248x128xf32, #tpu.memory_space<hbm>> -> memref<1x8x128xf32, #tpu.memory_space<hbm>>
      %dma_wait3A_55 = tpu.memref_squeeze %dma_wait3A_54 : memref<1x8x128xf32, #tpu.memory_space<hbm>> -> memref<8x128xf32, #tpu.memory_space<hbm>>
      %dma_wait3A_56 = arith.constant 0 : i32
      %dma_wait3A_57 = tpu.memref_slice %arg5[%arg0, %add3A_17, %dma_wait3A_56] : memref<2x5248x128xf32, #tpu.memory_space<hbm>> -> memref<1x8x128xf32, #tpu.memory_space<hbm>>
      %dma_wait3A_58 = tpu.memref_squeeze %dma_wait3A_57 : memref<1x8x128xf32, #tpu.memory_space<hbm>> -> memref<8x128xf32, #tpu.memory_space<hbm>>
      %dma_wait3A_59 = arith.constant 0 : i32
      %dma_wait3A_60 = arith.constant 0 : i32
      %dma_wait3A_61 = tpu.memref_slice %arg8[%dma_wait3A_59, %dma_wait3A_60] : memref<80x128xf32, #tpu.memory_space<vmem>> -> memref<8x128xf32, #tpu.memory_space<vmem>>
      tpu.wait_dma2 semaphore(%run_scoped3A : memref<!tpu.dma_semaphore, #tpu.memory_space<semaphore_mem>>) src(%dma_wait3A_61 : memref<8x128xf32, #tpu.memory_space<vmem>>) dst(%dma_wait3A_58 : memref<8x128xf32, #tpu.memory_space<hbm>>)
      tpu.yield
    }) : () -> ()
    return
  }
}

#map = affine_map<(d0, d1) -> (0, 0)>
#map1 = affine_map<(d0, d1) -> (0, 0, 0)>
module attributes {stable_mosaic.version = 14 : i64} {
  func.func @_sc_aggregate(%arg0: i32, %arg1: i32, %arg2: memref<10000x128xf32, #tpu.memory_space<hbm>>, %arg3: memref<16x250x80xi32, #tpu.memory_space<hbm>>, %arg4: memref<16x250x80xi32, #tpu.memory_space<hbm>>, %arg5: memref<2x5248x128xf32, #tpu.memory_space<hbm>>, %arg6: memref<250x80xi32, #tpu.memory_space<vmem>>, %arg7: memref<250x80xi32, #tpu.memory_space<vmem>>, %arg8: memref<80x128xf32, #tpu.memory_space<vmem>>, %arg9: memref<80x128xf32, #tpu.memory_space<vmem>>, %arg10: memref<!tpu.dma_semaphore, #tpu.memory_space<semaphore_mem>>, %arg11: memref<!tpu.dma_semaphore, #tpu.memory_space<semaphore_mem>>, %arg12: memref<5248x128xf32, #tpu.memory_space<vmem_shared>>) attributes {dimension_semantics = [#tpu.dimension_semantics<core_parallel>, #tpu.dimension_semantics<subcore_parallel>], iteration_bounds = array<i64: 2, 16>, scalar_prefetch = 0 : i64, scratch_operands = 7 : i64, tpu.core_type = #tpu.core_type<sc_vector_subcore>, window_params = [{transform_indices = #map}, {transform_indices = #map1}, {transform_indices = #map1}, {transform_indices = #map1}]} {
    %mul3A = arith.constant 5120 : i32
    %mul3A_0 = arith.muli %arg0, %mul3A : i32
    %broadcast_in_dim3A = arith.constant 0.000000e+00 : f32
    %broadcast_in_dim3A_1 = vector.broadcast %broadcast_in_dim3A : f32 to vector<16xf32>
    %scan3A = arith.constant 0 : i32
    %scan3A_2 = arith.constant 0 : i32
    %scan3A_3 = arith.constant 80 : i32
    %scan3A_4 = arith.addi %scan3A_2, %scan3A_3 : i32
    %scan3A_5 = arith.constant 1 : i32
    %scan3A_6 = scf.for %scan3A_40 = %scan3A_2 to %scan3A_4 step %scan3A_5 iter_args(%scan3A_41 = %scan3A) -> (i32)  : i32 {
      %swap3A = arith.index_cast %scan3A_40 : i32 to index
      %swap3A_42 = arith.constant 0 : index
      %swap3A_43 = tpu.vector_load %arg8[%swap3A, %swap3A_42] {strides = array<i32>} : memref<80x128xf32, #tpu.memory_space<vmem>>, vector<1x16xf32>,
      %swap3A_44 = vector.shape_cast %swap3A_43 : vector<1x16xf32> to vector<16xf32>
      %swap3A_45 = vector.shape_cast %broadcast_in_dim3A_1 : vector<16xf32> to vector<1x16xf32>
      tpu.vector_store %arg8[%swap3A, %swap3A_42], %swap3A_45 {strides = array<i32>} : memref<80x128xf32, #tpu.memory_space<vmem>>, vector<1x16xf32>,
      %swap3A_46 = arith.index_cast %scan3A_40 : i32 to index
      %swap3A_47 = arith.constant 16 : index
      %swap3A_48 = tpu.vector_load %arg8[%swap3A_46, %swap3A_47] {strides = array<i32>} : memref<80x128xf32, #tpu.memory_space<vmem>>, vector<1x16xf32>,
      %swap3A_49 = vector.shape_cast %swap3A_48 : vector<1x16xf32> to vector<16xf32>
      %swap3A_50 = vector.shape_cast %broadcast_in_dim3A_1 : vector<16xf32> to vector<1x16xf32>
      tpu.vector_store %arg8[%swap3A_46, %swap3A_47], %swap3A_50 {strides = array<i32>} : memref<80x128xf32, #tpu.memory_space<vmem>>, vector<1x16xf32>,
      %swap3A_51 = arith.index_cast %scan3A_40 : i32 to index
      %swap3A_52 = arith.constant 32 : index
      %swap3A_53 = tpu.vector_load %arg8[%swap3A_51, %swap3A_52] {strides = array<i32>} : memref<80x128xf32, #tpu.memory_space<vmem>>, vector<1x16xf32>,
      %swap3A_54 = vector.shape_cast %swap3A_53 : vector<1x16xf32> to vector<16xf32>
      %swap3A_55 = vector.shape_cast %broadcast_in_dim3A_1 : vector<16xf32> to vector<1x16xf32>
      tpu.vector_store %arg8[%swap3A_51, %swap3A_52], %swap3A_55 {strides = array<i32>} : memref<80x128xf32, #tpu.memory_space<vmem>>, vector<1x16xf32>,
      %swap3A_56 = arith.index_cast %scan3A_40 : i32 to index
      %swap3A_57 = arith.constant 48 : index
      %swap3A_58 = tpu.vector_load %arg8[%swap3A_56, %swap3A_57] {strides = array<i32>} : memref<80x128xf32, #tpu.memory_space<vmem>>, vector<1x16xf32>,
      %swap3A_59 = vector.shape_cast %swap3A_58 : vector<1x16xf32> to vector<16xf32>
      %swap3A_60 = vector.shape_cast %broadcast_in_dim3A_1 : vector<16xf32> to vector<1x16xf32>
      tpu.vector_store %arg8[%swap3A_56, %swap3A_57], %swap3A_60 {strides = array<i32>} : memref<80x128xf32, #tpu.memory_space<vmem>>, vector<1x16xf32>,
      %swap3A_61 = arith.index_cast %scan3A_40 : i32 to index
      %swap3A_62 = arith.constant 64 : index
      %swap3A_63 = tpu.vector_load %arg8[%swap3A_61, %swap3A_62] {strides = array<i32>} : memref<80x128xf32, #tpu.memory_space<vmem>>, vector<1x16xf32>,
      %swap3A_64 = vector.shape_cast %swap3A_63 : vector<1x16xf32> to vector<16xf32>
      %swap3A_65 = vector.shape_cast %broadcast_in_dim3A_1 : vector<16xf32> to vector<1x16xf32>
      tpu.vector_store %arg8[%swap3A_61, %swap3A_62], %swap3A_65 {strides = array<i32>} : memref<80x128xf32, #tpu.memory_space<vmem>>, vector<1x16xf32>,
      %swap3A_66 = arith.index_cast %scan3A_40 : i32 to index
      %swap3A_67 = arith.constant 80 : index
      %swap3A_68 = tpu.vector_load %arg8[%swap3A_66, %swap3A_67] {strides = array<i32>} : memref<80x128xf32, #tpu.memory_space<vmem>>, vector<1x16xf32>,
      %swap3A_69 = vector.shape_cast %swap3A_68 : vector<1x16xf32> to vector<16xf32>
      %swap3A_70 = vector.shape_cast %broadcast_in_dim3A_1 : vector<16xf32> to vector<1x16xf32>
      tpu.vector_store %arg8[%swap3A_66, %swap3A_67], %swap3A_70 {strides = array<i32>} : memref<80x128xf32, #tpu.memory_space<vmem>>, vector<1x16xf32>,
      %swap3A_71 = arith.index_cast %scan3A_40 : i32 to index
      %swap3A_72 = arith.constant 96 : index
      %swap3A_73 = tpu.vector_load %arg8[%swap3A_71, %swap3A_72] {strides = array<i32>} : memref<80x128xf32, #tpu.memory_space<vmem>>, vector<1x16xf32>,
      %swap3A_74 = vector.shape_cast %swap3A_73 : vector<1x16xf32> to vector<16xf32>
      %swap3A_75 = vector.shape_cast %broadcast_in_dim3A_1 : vector<16xf32> to vector<1x16xf32>
      tpu.vector_store %arg8[%swap3A_71, %swap3A_72], %swap3A_75 {strides = array<i32>} : memref<80x128xf32, #tpu.memory_space<vmem>>, vector<1x16xf32>,
      %swap3A_76 = arith.index_cast %scan3A_40 : i32 to index
      %swap3A_77 = arith.constant 112 : index
      %swap3A_78 = tpu.vector_load %arg8[%swap3A_76, %swap3A_77] {strides = array<i32>} : memref<80x128xf32, #tpu.memory_space<vmem>>, vector<1x16xf32>,
      %swap3A_79 = vector.shape_cast %swap3A_78 : vector<1x16xf32> to vector<16xf32>
      %swap3A_80 = vector.shape_cast %broadcast_in_dim3A_1 : vector<16xf32> to vector<1x16xf32>
      tpu.vector_store %arg8[%swap3A_76, %swap3A_77], %swap3A_80 {strides = array<i32>} : memref<80x128xf32, #tpu.memory_space<vmem>>, vector<1x16xf32>,
      %scan3A_81 = arith.constant 0 : i32
      scf.yield %scan3A_81 : i32
    }
    %scan3A_7 = arith.constant 80 : i32
    %scan3A_8 = arith.constant 0 : i32
    %scan3A_9 = arith.constant 0 : i32
    %scan3A_10 = arith.constant 4 : i32
    %scan3A_11 = arith.addi %scan3A_9, %scan3A_10 : i32
    %scan3A_12 = arith.constant 1 : i32
    %scan3A_13 = scf.for %scan3A_40 = %scan3A_9 to %scan3A_11 step %scan3A_12 iter_args(%scan3A_41 = %scan3A_8) -> (i32)  : i32 {
      %mul3A_42 = arith.constant 328 : i32
      %mul3A_43 = arith.muli %arg1, %mul3A_42 : i32
      %mul3A_44 = arith.constant 80 : i32
      %mul3A_45 = arith.muli %scan3A_40, %mul3A_44 : i32
      %add3A_46 = arith.addi %mul3A_43, %mul3A_45 : i32
      "tpu.region"() ({
        %run_scoped3A = tpu.sem_alloc : memref<!tpu.dma_semaphore, #tpu.memory_space<semaphore_mem>>
        %dma_start3A = arith.constant 0 : i32
        %dma_start3A_48 = tpu.memref_slice %arg12[%add3A_46, %dma_start3A] : memref<5248x128xf32, #tpu.memory_space<vmem_shared>> -> memref<80x128xf32, #tpu.memory_space<vmem_shared>>
        %dma_start3A_49 = arith.constant 0 : i32
        %dma_start3A_50 = tpu.memref_slice %arg12[%add3A_46, %dma_start3A_49] : memref<5248x128xf32, #tpu.memory_space<vmem_shared>> -> memref<80x128xf32, #tpu.memory_space<vmem_shared>>
        tpu.enqueue_dma source(%arg8 : memref<80x128xf32, #tpu.memory_space<vmem>>) target(%dma_start3A_50 : memref<80x128xf32, #tpu.memory_space<vmem_shared>>) target_semaphore(%run_scoped3A : memref<!tpu.dma_semaphore, #tpu.memory_space<semaphore_mem>>)
        %dma_wait3A = arith.constant 0 : i32
        %dma_wait3A_51 = tpu.memref_slice %arg12[%add3A_46, %dma_wait3A] : memref<5248x128xf32, #tpu.memory_space<vmem_shared>> -> memref<80x128xf32, #tpu.memory_space<vmem_shared>>
        %dma_wait3A_52 = arith.constant 0 : i32
        %dma_wait3A_53 = tpu.memref_slice %arg12[%add3A_46, %dma_wait3A_52] : memref<5248x128xf32, #tpu.memory_space<vmem_shared>> -> memref<80x128xf32, #tpu.memory_space<vmem_shared>>
        tpu.wait_dma2 semaphore(%run_scoped3A : memref<!tpu.dma_semaphore, #tpu.memory_space<semaphore_mem>>) src(%arg8 : memref<80x128xf32, #tpu.memory_space<vmem>>) dst(%dma_wait3A_53 : memref<80x128xf32, #tpu.memory_space<vmem_shared>>)
        tpu.yield
      }) : () -> ()
      %scan3A_47 = arith.constant 0 : i32
      scf.yield %scan3A_47 : i32
    }
    %scan3A_14 = arith.constant 4 : i32
    %mul3A_15 = arith.constant 328 : i32
    %mul3A_16 = arith.muli %arg1, %mul3A_15 : i32
    %add3A = arith.constant 320 : i32
    %add3A_17 = arith.addi %mul3A_16, %add3A : i32
    "tpu.region"() ({
      %run_scoped3A = tpu.sem_alloc : memref<!tpu.dma_semaphore, #tpu.memory_space<semaphore_mem>>
      %dma_start3A = arith.constant 0 : i32
      %dma_start3A_40 = arith.constant 0 : i32
      %dma_start3A_41 = tpu.memref_slice %arg8[%dma_start3A, %dma_start3A_40] : memref<80x128xf32, #tpu.memory_space<vmem>> -> memref<8x128xf32, #tpu.memory_space<vmem>>
      %dma_start3A_42 = arith.constant 0 : i32
      %dma_start3A_43 = tpu.memref_slice %arg12[%add3A_17, %dma_start3A_42] : memref<5248x128xf32, #tpu.memory_space<vmem_shared>> -> memref<8x128xf32, #tpu.memory_space<vmem_shared>>
      %dma_start3A_44 = arith.constant 0 : i32
      %dma_start3A_45 = tpu.memref_slice %arg12[%add3A_17, %dma_start3A_44] : memref<5248x128xf32, #tpu.memory_space<vmem_shared>> -> memref<8x128xf32, #tpu.memory_space<vmem_shared>>
      %dma_start3A_46 = arith.constant 0 : i32
      %dma_start3A_47 = arith.constant 0 : i32
      %dma_start3A_48 = tpu.memref_slice %arg8[%dma_start3A_46, %dma_start3A_47] : memref<80x128xf32, #tpu.memory_space<vmem>> -> memref<8x128xf32, #tpu.memory_space<vmem>>
      tpu.enqueue_dma source(%dma_start3A_48 : memref<8x128xf32, #tpu.memory_space<vmem>>) target(%dma_start3A_45 : memref<8x128xf32, #tpu.memory_space<vmem_shared>>) target_semaphore(%run_scoped3A : memref<!tpu.dma_semaphore, #tpu.memory_space<semaphore_mem>>)
      %dma_wait3A = arith.constant 0 : i32
      %dma_wait3A_49 = arith.constant 0 : i32
      %dma_wait3A_50 = tpu.memref_slice %arg8[%dma_wait3A, %dma_wait3A_49] : memref<80x128xf32, #tpu.memory_space<vmem>> -> memref<8x128xf32, #tpu.memory_space<vmem>>
      %dma_wait3A_51 = arith.constant 0 : i32
      %dma_wait3A_52 = tpu.memref_slice %arg12[%add3A_17, %dma_wait3A_51] : memref<5248x128xf32, #tpu.memory_space<vmem_shared>> -> memref<8x128xf32, #tpu.memory_space<vmem_shared>>
      %dma_wait3A_53 = arith.constant 0 : i32
      %dma_wait3A_54 = tpu.memref_slice %arg12[%add3A_17, %dma_wait3A_53] : memref<5248x128xf32, #tpu.memory_space<vmem_shared>> -> memref<8x128xf32, #tpu.memory_space<vmem_shared>>
      %dma_wait3A_55 = arith.constant 0 : i32
      %dma_wait3A_56 = arith.constant 0 : i32
      %dma_wait3A_57 = tpu.memref_slice %arg8[%dma_wait3A_55, %dma_wait3A_56] : memref<80x128xf32, #tpu.memory_space<vmem>> -> memref<8x128xf32, #tpu.memory_space<vmem>>
      tpu.wait_dma2 semaphore(%run_scoped3A : memref<!tpu.dma_semaphore, #tpu.memory_space<semaphore_mem>>) src(%dma_wait3A_57 : memref<8x128xf32, #tpu.memory_space<vmem>>) dst(%dma_wait3A_54 : memref<8x128xf32, #tpu.memory_space<vmem_shared>>)
      tpu.yield
    }) : () -> ()
    "tpu.region"() ({
      %run_scoped3A = tpu.sem_alloc : memref<!tpu.dma_semaphore, #tpu.memory_space<semaphore_mem>>
      %dma_start3A = arith.constant 0 : i32
      %dma_start3A_40 = arith.constant 0 : i32
      %dma_start3A_41 = tpu.memref_slice %arg3[%arg1, %dma_start3A, %dma_start3A_40] : memref<16x250x80xi32, #tpu.memory_space<hbm>> -> memref<1x250x80xi32, #tpu.memory_space<hbm>>
      %dma_start3A_42 = tpu.memref_squeeze %dma_start3A_41 : memref<1x250x80xi32, #tpu.memory_space<hbm>> -> memref<250x80xi32, #tpu.memory_space<hbm>>
      %dma_start3A_43 = arith.constant 0 : i32
      %dma_start3A_44 = arith.constant 0 : i32
      %dma_start3A_45 = tpu.memref_slice %arg3[%arg1, %dma_start3A_43, %dma_start3A_44] : memref<16x250x80xi32, #tpu.memory_space<hbm>> -> memref<1x250x80xi32, #tpu.memory_space<hbm>>
      %dma_start3A_46 = tpu.memref_squeeze %dma_start3A_45 : memref<1x250x80xi32, #tpu.memory_space<hbm>> -> memref<250x80xi32, #tpu.memory_space<hbm>>
      tpu.enqueue_dma source(%dma_start3A_46 : memref<250x80xi32, #tpu.memory_space<hbm>>) target(%arg6 : memref<250x80xi32, #tpu.memory_space<vmem>>) target_semaphore(%run_scoped3A : memref<!tpu.dma_semaphore, #tpu.memory_space<semaphore_mem>>)
      %dma_wait3A = arith.constant 0 : i32
      %dma_wait3A_47 = arith.constant 0 : i32
      %dma_wait3A_48 = tpu.memref_slice %arg3[%arg1, %dma_wait3A, %dma_wait3A_47] : memref<16x250x80xi32, #tpu.memory_space<hbm>> -> memref<1x250x80xi32, #tpu.memory_space<hbm>>
      %dma_wait3A_49 = tpu.memref_squeeze %dma_wait3A_48 : memref<1x250x80xi32, #tpu.memory_space<hbm>> -> memref<250x80xi32, #tpu.memory_space<hbm>>
      %dma_wait3A_50 = arith.constant 0 : i32
      %dma_wait3A_51 = arith.constant 0 : i32
      %dma_wait3A_52 = tpu.memref_slice %arg3[%arg1, %dma_wait3A_50, %dma_wait3A_51] : memref<16x250x80xi32, #tpu.memory_space<hbm>> -> memref<1x250x80xi32, #tpu.memory_space<hbm>>
      %dma_wait3A_53 = tpu.memref_squeeze %dma_wait3A_52 : memref<1x250x80xi32, #tpu.memory_space<hbm>> -> memref<250x80xi32, #tpu.memory_space<hbm>>
      tpu.wait_dma2 semaphore(%run_scoped3A : memref<!tpu.dma_semaphore, #tpu.memory_space<semaphore_mem>>) src(%dma_wait3A_53 : memref<250x80xi32, #tpu.memory_space<hbm>>) dst(%arg6 : memref<250x80xi32, #tpu.memory_space<vmem>>)
      tpu.yield
    }) : () -> ()
    "tpu.region"() ({
      %run_scoped3A = tpu.sem_alloc : memref<!tpu.dma_semaphore, #tpu.memory_space<semaphore_mem>>
      %dma_start3A = arith.constant 0 : i32
      %dma_start3A_40 = arith.constant 0 : i32
      %dma_start3A_41 = tpu.memref_slice %arg4[%arg1, %dma_start3A, %dma_start3A_40] : memref<16x250x80xi32, #tpu.memory_space<hbm>> -> memref<1x250x80xi32, #tpu.memory_space<hbm>>
      %dma_start3A_42 = tpu.memref_squeeze %dma_start3A_41 : memref<1x250x80xi32, #tpu.memory_space<hbm>> -> memref<250x80xi32, #tpu.memory_space<hbm>>
      %dma_start3A_43 = arith.constant 0 : i32
      %dma_start3A_44 = arith.constant 0 : i32
      %dma_start3A_45 = tpu.memref_slice %arg4[%arg1, %dma_start3A_43, %dma_start3A_44] : memref<16x250x80xi32, #tpu.memory_space<hbm>> -> memref<1x250x80xi32, #tpu.memory_space<hbm>>
      %dma_start3A_46 = tpu.memref_squeeze %dma_start3A_45 : memref<1x250x80xi32, #tpu.memory_space<hbm>> -> memref<250x80xi32, #tpu.memory_space<hbm>>
      tpu.enqueue_dma source(%dma_start3A_46 : memref<250x80xi32, #tpu.memory_space<hbm>>) target(%arg7 : memref<250x80xi32, #tpu.memory_space<vmem>>) target_semaphore(%run_scoped3A : memref<!tpu.dma_semaphore, #tpu.memory_space<semaphore_mem>>)
      %dma_wait3A = arith.constant 0 : i32
      %dma_wait3A_47 = arith.constant 0 : i32
      %dma_wait3A_48 = tpu.memref_slice %arg4[%arg1, %dma_wait3A, %dma_wait3A_47] : memref<16x250x80xi32, #tpu.memory_space<hbm>> -> memref<1x250x80xi32, #tpu.memory_space<hbm>>
      %dma_wait3A_49 = tpu.memref_squeeze %dma_wait3A_48 : memref<1x250x80xi32, #tpu.memory_space<hbm>> -> memref<250x80xi32, #tpu.memory_space<hbm>>
      %dma_wait3A_50 = arith.constant 0 : i32
      %dma_wait3A_51 = arith.constant 0 : i32
      %dma_wait3A_52 = tpu.memref_slice %arg4[%arg1, %dma_wait3A_50, %dma_wait3A_51] : memref<16x250x80xi32, #tpu.memory_space<hbm>> -> memref<1x250x80xi32, #tpu.memory_space<hbm>>
      %dma_wait3A_53 = tpu.memref_squeeze %dma_wait3A_52 : memref<1x250x80xi32, #tpu.memory_space<hbm>> -> memref<250x80xi32, #tpu.memory_space<hbm>>
      tpu.wait_dma2 semaphore(%run_scoped3A : memref<!tpu.dma_semaphore, #tpu.memory_space<semaphore_mem>>) src(%dma_wait3A_53 : memref<250x80xi32, #tpu.memory_space<hbm>>) dst(%arg7 : memref<250x80xi32, #tpu.memory_space<vmem>>)
      tpu.yield
    }) : () -> ()
    %scan3A_18 = arith.constant 0 : i32
    %scan3A_19 = arith.constant 0 : i32
    %scan3A_20 = arith.constant 250 : i32
    %scan3A_21 = arith.addi %scan3A_19, %scan3A_20 : i32
    %scan3A_22 = arith.constant 1 : i32
    %scan3A_23 = scf.for %scan3A_40 = %scan3A_19 to %scan3A_21 step %scan3A_22 iter_args(%scan3A_41 = %scan3A_18) -> (i32)  : i32 {
      %get3A = arith.index_cast %scan3A_40 : i32 to index
      %get3A_42 = arith.constant 0 : index
      %get3A_43 = tpu.vector_load %arg6[%get3A, %get3A_42] {strides = array<i32>} : memref<250x80xi32, #tpu.memory_space<vmem>>, vector<1x16xi32>,
      %get3A_44 = vector.shape_cast %get3A_43 : vector<1x16xi32> to vector<16xi32>
      %sub3A = vector.broadcast %mul3A_0 : i32 to vector<16xi32>
      %sub3A_45 = arith.subi %get3A_44, %sub3A : vector<16xi32>
      %lt3A = arith.constant 0 : i32
      %lt3A_46 = vector.broadcast %lt3A : i32 to vector<16xi32>
      %lt3A_47 = arith.cmpi slt, %sub3A_45, %lt3A_46 : vector<16xi32>
      %ge3A = arith.constant 5120 : i32
      %ge3A_48 = vector.broadcast %ge3A : i32 to vector<16xi32>
      %ge3A_49 = arith.cmpi sge, %sub3A_45, %ge3A_48 : vector<16xi32>
      %or3A = arith.ori %lt3A_47, %ge3A_49 : vector<16xi1>
      %and3A = arith.constant 127 : i32
      %and3A_50 = vector.broadcast %and3A : i32 to vector<16xi32>
      %and3A_51 = arith.andi %get3A_44, %and3A_50 : vector<16xi32>
      %add3A_52 = arith.constant 5120 : i32
      %add3A_53 = vector.broadcast %add3A_52 : i32 to vector<16xi32>
      %add3A_54 = arith.addi %add3A_53, %and3A_51 : vector<16xi32>
      %select_n3A = arith.select %or3A, %add3A_54, %sub3A_45 : vector<16xi1>, vector<16xi32>
      %swap3A = arith.index_cast %scan3A_40 : i32 to index
      %swap3A_55 = arith.constant 0 : index
      %swap3A_56 = tpu.vector_load %arg6[%swap3A, %swap3A_55] {strides = array<i32>} : memref<250x80xi32, #tpu.memory_space<vmem>>, vector<1x16xi32>,
      %swap3A_57 = vector.shape_cast %swap3A_56 : vector<1x16xi32> to vector<16xi32>
      %swap3A_58 = vector.shape_cast %select_n3A : vector<16xi32> to vector<1x16xi32>
      tpu.vector_store %arg6[%swap3A, %swap3A_55], %swap3A_58 {strides = array<i32>} : memref<250x80xi32, #tpu.memory_space<vmem>>, vector<1x16xi32>,
      %get3A_59 = arith.index_cast %scan3A_40 : i32 to index
      %get3A_60 = arith.constant 16 : index
      %get3A_61 = tpu.vector_load %arg6[%get3A_59, %get3A_60] {strides = array<i32>} : memref<250x80xi32, #tpu.memory_space<vmem>>, vector<1x16xi32>,
      %get3A_62 = vector.shape_cast %get3A_61 : vector<1x16xi32> to vector<16xi32>
      %sub3A_63 = vector.broadcast %mul3A_0 : i32 to vector<16xi32>
      %sub3A_64 = arith.subi %get3A_62, %sub3A_63 : vector<16xi32>
      %lt3A_65 = arith.constant 0 : i32
      %lt3A_66 = vector.broadcast %lt3A_65 : i32 to vector<16xi32>
      %lt3A_67 = arith.cmpi slt, %sub3A_64, %lt3A_66 : vector<16xi32>
      %ge3A_68 = arith.constant 5120 : i32
      %ge3A_69 = vector.broadcast %ge3A_68 : i32 to vector<16xi32>
      %ge3A_70 = arith.cmpi sge, %sub3A_64, %ge3A_69 : vector<16xi32>
      %or3A_71 = arith.ori %lt3A_67, %ge3A_70 : vector<16xi1>
      %and3A_72 = arith.constant 127 : i32
      %and3A_73 = vector.broadcast %and3A_72 : i32 to vector<16xi32>
      %and3A_74 = arith.andi %get3A_62, %and3A_73 : vector<16xi32>
      %add3A_75 = arith.constant 5120 : i32
      %add3A_76 = vector.broadcast %add3A_75 : i32 to vector<16xi32>
      %add3A_77 = arith.addi %add3A_76, %and3A_74 : vector<16xi32>
      %select_n3A_78 = arith.select %or3A_71, %add3A_77, %sub3A_64 : vector<16xi1>, vector<16xi32>
      %swap3A_79 = arith.index_cast %scan3A_40 : i32 to index
      %swap3A_80 = arith.constant 16 : index
      %swap3A_81 = tpu.vector_load %arg6[%swap3A_79, %swap3A_80] {strides = array<i32>} : memref<250x80xi32, #tpu.memory_space<vmem>>, vector<1x16xi32>,
      %swap3A_82 = vector.shape_cast %swap3A_81 : vector<1x16xi32> to vector<16xi32>
      %swap3A_83 = vector.shape_cast %select_n3A_78 : vector<16xi32> to vector<1x16xi32>
      tpu.vector_store %arg6[%swap3A_79, %swap3A_80], %swap3A_83 {strides = array<i32>} : memref<250x80xi32, #tpu.memory_space<vmem>>, vector<1x16xi32>,
      %get3A_84 = arith.index_cast %scan3A_40 : i32 to index
      %get3A_85 = arith.constant 32 : index
      %get3A_86 = tpu.vector_load %arg6[%get3A_84, %get3A_85] {strides = array<i32>} : memref<250x80xi32, #tpu.memory_space<vmem>>, vector<1x16xi32>,
      %get3A_87 = vector.shape_cast %get3A_86 : vector<1x16xi32> to vector<16xi32>
      %sub3A_88 = vector.broadcast %mul3A_0 : i32 to vector<16xi32>
      %sub3A_89 = arith.subi %get3A_87, %sub3A_88 : vector<16xi32>
      %lt3A_90 = arith.constant 0 : i32
      %lt3A_91 = vector.broadcast %lt3A_90 : i32 to vector<16xi32>
      %lt3A_92 = arith.cmpi slt, %sub3A_89, %lt3A_91 : vector<16xi32>
      %ge3A_93 = arith.constant 5120 : i32
      %ge3A_94 = vector.broadcast %ge3A_93 : i32 to vector<16xi32>
      %ge3A_95 = arith.cmpi sge, %sub3A_89, %ge3A_94 : vector<16xi32>
      %or3A_96 = arith.ori %lt3A_92, %ge3A_95 : vector<16xi1>
      %and3A_97 = arith.constant 127 : i32
      %and3A_98 = vector.broadcast %and3A_97 : i32 to vector<16xi32>
      %and3A_99 = arith.andi %get3A_87, %and3A_98 : vector<16xi32>
      %add3A_100 = arith.constant 5120 : i32
      %add3A_101 = vector.broadcast %add3A_100 : i32 to vector<16xi32>
      %add3A_102 = arith.addi %add3A_101, %and3A_99 : vector<16xi32>
      %select_n3A_103 = arith.select %or3A_96, %add3A_102, %sub3A_89 : vector<16xi1>, vector<16xi32>
      %swap3A_104 = arith.index_cast %scan3A_40 : i32 to index
      %swap3A_105 = arith.constant 32 : index
      %swap3A_106 = tpu.vector_load %arg6[%swap3A_104, %swap3A_105] {strides = array<i32>} : memref<250x80xi32, #tpu.memory_space<vmem>>, vector<1x16xi32>,
      %swap3A_107 = vector.shape_cast %swap3A_106 : vector<1x16xi32> to vector<16xi32>
      %swap3A_108 = vector.shape_cast %select_n3A_103 : vector<16xi32> to vector<1x16xi32>
      tpu.vector_store %arg6[%swap3A_104, %swap3A_105], %swap3A_108 {strides = array<i32>} : memref<250x80xi32, #tpu.memory_space<vmem>>, vector<1x16xi32>,
      %get3A_109 = arith.index_cast %scan3A_40 : i32 to index
      %get3A_110 = arith.constant 48 : index
      %get3A_111 = tpu.vector_load %arg6[%get3A_109, %get3A_110] {strides = array<i32>} : memref<250x80xi32, #tpu.memory_space<vmem>>, vector<1x16xi32>,
      %get3A_112 = vector.shape_cast %get3A_111 : vector<1x16xi32> to vector<16xi32>
      %sub3A_113 = vector.broadcast %mul3A_0 : i32 to vector<16xi32>
      %sub3A_114 = arith.subi %get3A_112, %sub3A_113 : vector<16xi32>
      %lt3A_115 = arith.constant 0 : i32
      %lt3A_116 = vector.broadcast %lt3A_115 : i32 to vector<16xi32>
      %lt3A_117 = arith.cmpi slt, %sub3A_114, %lt3A_116 : vector<16xi32>
      %ge3A_118 = arith.constant 5120 : i32
      %ge3A_119 = vector.broadcast %ge3A_118 : i32 to vector<16xi32>
      %ge3A_120 = arith.cmpi sge, %sub3A_114, %ge3A_119 : vector<16xi32>
      %or3A_121 = arith.ori %lt3A_117, %ge3A_120 : vector<16xi1>
      %and3A_122 = arith.constant 127 : i32
      %and3A_123 = vector.broadcast %and3A_122 : i32 to vector<16xi32>
      %and3A_124 = arith.andi %get3A_112, %and3A_123 : vector<16xi32>
      %add3A_125 = arith.constant 5120 : i32
      %add3A_126 = vector.broadcast %add3A_125 : i32 to vector<16xi32>
      %add3A_127 = arith.addi %add3A_126, %and3A_124 : vector<16xi32>
      %select_n3A_128 = arith.select %or3A_121, %add3A_127, %sub3A_114 : vector<16xi1>, vector<16xi32>
      %swap3A_129 = arith.index_cast %scan3A_40 : i32 to index
      %swap3A_130 = arith.constant 48 : index
      %swap3A_131 = tpu.vector_load %arg6[%swap3A_129, %swap3A_130] {strides = array<i32>} : memref<250x80xi32, #tpu.memory_space<vmem>>, vector<1x16xi32>,
      %swap3A_132 = vector.shape_cast %swap3A_131 : vector<1x16xi32> to vector<16xi32>
      %swap3A_133 = vector.shape_cast %select_n3A_128 : vector<16xi32> to vector<1x16xi32>
      tpu.vector_store %arg6[%swap3A_129, %swap3A_130], %swap3A_133 {strides = array<i32>} : memref<250x80xi32, #tpu.memory_space<vmem>>, vector<1x16xi32>,
      %get3A_134 = arith.index_cast %scan3A_40 : i32 to index
      %get3A_135 = arith.constant 64 : index
      %get3A_136 = tpu.vector_load %arg6[%get3A_134, %get3A_135] {strides = array<i32>} : memref<250x80xi32, #tpu.memory_space<vmem>>, vector<1x16xi32>,
      %get3A_137 = vector.shape_cast %get3A_136 : vector<1x16xi32> to vector<16xi32>
      %sub3A_138 = vector.broadcast %mul3A_0 : i32 to vector<16xi32>
      %sub3A_139 = arith.subi %get3A_137, %sub3A_138 : vector<16xi32>
      %lt3A_140 = arith.constant 0 : i32
      %lt3A_141 = vector.broadcast %lt3A_140 : i32 to vector<16xi32>
      %lt3A_142 = arith.cmpi slt, %sub3A_139, %lt3A_141 : vector<16xi32>
      %ge3A_143 = arith.constant 5120 : i32
      %ge3A_144 = vector.broadcast %ge3A_143 : i32 to vector<16xi32>
      %ge3A_145 = arith.cmpi sge, %sub3A_139, %ge3A_144 : vector<16xi32>
      %or3A_146 = arith.ori %lt3A_142, %ge3A_145 : vector<16xi1>
      %and3A_147 = arith.constant 127 : i32
      %and3A_148 = vector.broadcast %and3A_147 : i32 to vector<16xi32>
      %and3A_149 = arith.andi %get3A_137, %and3A_148 : vector<16xi32>
      %add3A_150 = arith.constant 5120 : i32
      %add3A_151 = vector.broadcast %add3A_150 : i32 to vector<16xi32>
      %add3A_152 = arith.addi %add3A_151, %and3A_149 : vector<16xi32>
      %select_n3A_153 = arith.select %or3A_146, %add3A_152, %sub3A_139 : vector<16xi1>, vector<16xi32>
      %swap3A_154 = arith.index_cast %scan3A_40 : i32 to index
      %swap3A_155 = arith.constant 64 : index
      %swap3A_156 = tpu.vector_load %arg6[%swap3A_154, %swap3A_155] {strides = array<i32>} : memref<250x80xi32, #tpu.memory_space<vmem>>, vector<1x16xi32>,
      %swap3A_157 = vector.shape_cast %swap3A_156 : vector<1x16xi32> to vector<16xi32>
      %swap3A_158 = vector.shape_cast %select_n3A_153 : vector<16xi32> to vector<1x16xi32>
      tpu.vector_store %arg6[%swap3A_154, %swap3A_155], %swap3A_158 {strides = array<i32>} : memref<250x80xi32, #tpu.memory_space<vmem>>, vector<1x16xi32>,
      %scan3A_159 = arith.constant 0 : i32
      scf.yield %scan3A_159 : i32
    }
    %scan3A_24 = arith.constant 250 : i32
    %barrier3A = arith.constant 0 : index
    tpu.barrier barrier_id(%barrier3A)
    %scan3A_25 = arith.constant 0 : i32
    %scan3A_26 = arith.constant 0 : i32
    %scan3A_27 = arith.constant 125 : i32
    %scan3A_28 = arith.addi %scan3A_26, %scan3A_27 : i32
    %scan3A_29 = arith.constant 1 : i32
    %scan3A_30 = scf.for %scan3A_40 = %scan3A_26 to %scan3A_28 step %scan3A_29 iter_args(%scan3A_41 = %scan3A_25) -> (i32)  : i32 {
      %mul3A_42 = arith.constant 2 : i32
      %mul3A_43 = arith.muli %mul3A_42, %scan3A_40 : i32
      %dma_start3A = arith.constant 0 : i32
      %dma_start3A_44 = tpu.memref_slice %arg7[%mul3A_43, %dma_start3A] : memref<250x80xi32, #tpu.memory_space<vmem>> -> memref<1x80xi32, #tpu.memory_space<vmem>>
      %dma_start3A_45 = tpu.memref_squeeze %dma_start3A_44 : memref<1x80xi32, #tpu.memory_space<vmem>> -> memref<80xi32, #tpu.memory_space<vmem>>
      %dma_start3A_46 = arith.constant 0 : i32
      %dma_start3A_47 = arith.constant 0 : i32
      %dma_start3A_48 = tpu.memref_slice %arg2[%dma_start3A_46, %dma_start3A_47] : memref<10000x128xf32, #tpu.memory_space<hbm>> -> memref<10000x128xf32, #tpu.memory_space<hbm>>
      tpu.enqueue_indirect_dma source(%dma_start3A_48 : memref<10000x128xf32, #tpu.memory_space<hbm>>) target(%arg8 : memref<80x128xf32, #tpu.memory_space<vmem>>) offsets(%dma_start3A_45 : memref<80xi32, #tpu.memory_space<vmem>>) semaphore(%arg10 : memref<!tpu.dma_semaphore, #tpu.memory_space<semaphore_mem>>)
      %add3A_49 = arith.constant 1 : i32
      %add3A_50 = arith.addi %mul3A_43, %add3A_49 : i32
      %dma_start3A_51 = arith.constant 0 : i32
      %dma_start3A_52 = tpu.memref_slice %arg7[%add3A_50, %dma_start3A_51] : memref<250x80xi32, #tpu.memory_space<vmem>> -> memref<1x80xi32, #tpu.memory_space<vmem>>
      %dma_start3A_53 = tpu.memref_squeeze %dma_start3A_52 : memref<1x80xi32, #tpu.memory_space<vmem>> -> memref<80xi32, #tpu.memory_space<vmem>>
      %dma_start3A_54 = arith.constant 0 : i32
      %dma_start3A_55 = arith.constant 0 : i32
      %dma_start3A_56 = tpu.memref_slice %arg2[%dma_start3A_54, %dma_start3A_55] : memref<10000x128xf32, #tpu.memory_space<hbm>> -> memref<10000x128xf32, #tpu.memory_space<hbm>>
      tpu.enqueue_indirect_dma source(%dma_start3A_56 : memref<10000x128xf32, #tpu.memory_space<hbm>>) target(%arg9 : memref<80x128xf32, #tpu.memory_space<vmem>>) offsets(%dma_start3A_53 : memref<80xi32, #tpu.memory_space<vmem>>) semaphore(%arg11 : memref<!tpu.dma_semaphore, #tpu.memory_space<semaphore_mem>>)
      %dma_wait3A = arith.constant 0 : i32
      %dma_wait3A_57 = tpu.memref_slice %arg7[%mul3A_43, %dma_wait3A] : memref<250x80xi32, #tpu.memory_space<vmem>> -> memref<1x80xi32, #tpu.memory_space<vmem>>
      %dma_wait3A_58 = tpu.memref_squeeze %dma_wait3A_57 : memref<1x80xi32, #tpu.memory_space<vmem>> -> memref<80xi32, #tpu.memory_space<vmem>>
      %dma_wait3A_59 = arith.constant 0 : i32
      %dma_wait3A_60 = arith.constant 0 : i32
      %dma_wait3A_61 = tpu.memref_slice %arg2[%dma_wait3A_59, %dma_wait3A_60] : memref<10000x128xf32, #tpu.memory_space<hbm>> -> memref<10000x128xf32, #tpu.memory_space<hbm>>
      tpu.wait_indirect_dma semaphore(%arg10 : memref<!tpu.dma_semaphore, #tpu.memory_space<semaphore_mem>>) src(%dma_wait3A_61 : memref<10000x128xf32, #tpu.memory_space<hbm>>) dst(%arg8 : memref<80x128xf32, #tpu.memory_space<vmem>>)
      %dma_wait3A_62 = arith.constant 0 : i32
      %dma_wait3A_63 = tpu.memref_slice %arg7[%add3A_50, %dma_wait3A_62] : memref<250x80xi32, #tpu.memory_space<vmem>> -> memref<1x80xi32, #tpu.memory_space<vmem>>
      %dma_wait3A_64 = tpu.memref_squeeze %dma_wait3A_63 : memref<1x80xi32, #tpu.memory_space<vmem>> -> memref<80xi32, #tpu.memory_space<vmem>>
      %dma_wait3A_65 = arith.constant 0 : i32
      %dma_wait3A_66 = arith.constant 0 : i32
      %dma_wait3A_67 = tpu.memref_slice %arg2[%dma_wait3A_65, %dma_wait3A_66] : memref<10000x128xf32, #tpu.memory_space<hbm>> -> memref<10000x128xf32, #tpu.memory_space<hbm>>
      tpu.wait_indirect_dma semaphore(%arg11 : memref<!tpu.dma_semaphore, #tpu.memory_space<semaphore_mem>>) src(%dma_wait3A_67 : memref<10000x128xf32, #tpu.memory_space<hbm>>) dst(%arg9 : memref<80x128xf32, #tpu.memory_space<vmem>>)
      %dma_start3A_68 = arith.constant 0 : i32
      %dma_start3A_69 = tpu.memref_slice %arg6[%mul3A_43, %dma_start3A_68] : memref<250x80xi32, #tpu.memory_space<vmem>> -> memref<1x80xi32, #tpu.memory_space<vmem>>
      %dma_start3A_70 = tpu.memref_squeeze %dma_start3A_69 : memref<1x80xi32, #tpu.memory_space<vmem>> -> memref<80xi32, #tpu.memory_space<vmem>>
      %dma_start3A_71 = arith.constant 0 : i32
      %dma_start3A_72 = arith.constant 0 : i32
      %dma_start3A_73 = tpu.memref_slice %arg12[%dma_start3A_71, %dma_start3A_72] : memref<5248x128xf32, #tpu.memory_space<vmem_shared>> -> memref<5248x128xf32, #tpu.memory_space<vmem_shared>>
      tpu.enqueue_indirect_dma source(%arg8 : memref<80x128xf32, #tpu.memory_space<vmem>>) target(%dma_start3A_73 : memref<5248x128xf32, #tpu.memory_space<vmem_shared>>) offsets(%dma_start3A_70 : memref<80xi32, #tpu.memory_space<vmem>>) semaphore(%arg10 : memref<!tpu.dma_semaphore, #tpu.memory_space<semaphore_mem>>) {add = true}
      %add3A_74 = arith.constant 1 : i32
      %add3A_75 = arith.addi %mul3A_43, %add3A_74 : i32
      %dma_start3A_76 = arith.constant 0 : i32
      %dma_start3A_77 = tpu.memref_slice %arg6[%add3A_75, %dma_start3A_76] : memref<250x80xi32, #tpu.memory_space<vmem>> -> memref<1x80xi32, #tpu.memory_space<vmem>>
      %dma_start3A_78 = tpu.memref_squeeze %dma_start3A_77 : memref<1x80xi32, #tpu.memory_space<vmem>> -> memref<80xi32, #tpu.memory_space<vmem>>
      %dma_start3A_79 = arith.constant 0 : i32
      %dma_start3A_80 = arith.constant 0 : i32
      %dma_start3A_81 = tpu.memref_slice %arg12[%dma_start3A_79, %dma_start3A_80] : memref<5248x128xf32, #tpu.memory_space<vmem_shared>> -> memref<5248x128xf32, #tpu.memory_space<vmem_shared>>
      tpu.enqueue_indirect_dma source(%arg9 : memref<80x128xf32, #tpu.memory_space<vmem>>) target(%dma_start3A_81 : memref<5248x128xf32, #tpu.memory_space<vmem_shared>>) offsets(%dma_start3A_78 : memref<80xi32, #tpu.memory_space<vmem>>) semaphore(%arg11 : memref<!tpu.dma_semaphore, #tpu.memory_space<semaphore_mem>>) {add = true}
      %dma_wait3A_82 = arith.constant 0 : i32
      %dma_wait3A_83 = tpu.memref_slice %arg6[%mul3A_43, %dma_wait3A_82] : memref<250x80xi32, #tpu.memory_space<vmem>> -> memref<1x80xi32, #tpu.memory_space<vmem>>
      %dma_wait3A_84 = tpu.memref_squeeze %dma_wait3A_83 : memref<1x80xi32, #tpu.memory_space<vmem>> -> memref<80xi32, #tpu.memory_space<vmem>>
      %dma_wait3A_85 = arith.constant 0 : i32
      %dma_wait3A_86 = arith.constant 0 : i32
      %dma_wait3A_87 = tpu.memref_slice %arg12[%dma_wait3A_85, %dma_wait3A_86] : memref<5248x128xf32, #tpu.memory_space<vmem_shared>> -> memref<5248x128xf32, #tpu.memory_space<vmem_shared>>
      tpu.wait_indirect_dma semaphore(%arg10 : memref<!tpu.dma_semaphore, #tpu.memory_space<semaphore_mem>>) src(%arg8 : memref<80x128xf32, #tpu.memory_space<vmem>>) dst(%dma_wait3A_87 : memref<5248x128xf32, #tpu.memory_space<vmem_shared>>)
      %dma_wait3A_88 = arith.constant 0 : i32
      %dma_wait3A_89 = tpu.memref_slice %arg6[%add3A_75, %dma_wait3A_88] : memref<250x80xi32, #tpu.memory_space<vmem>> -> memref<1x80xi32, #tpu.memory_space<vmem>>
      %dma_wait3A_90 = tpu.memref_squeeze %dma_wait3A_89 : memref<1x80xi32, #tpu.memory_space<vmem>> -> memref<80xi32, #tpu.memory_space<vmem>>
      %dma_wait3A_91 = arith.constant 0 : i32
      %dma_wait3A_92 = arith.constant 0 : i32
      %dma_wait3A_93 = tpu.memref_slice %arg12[%dma_wait3A_91, %dma_wait3A_92] : memref<5248x128xf32, #tpu.memory_space<vmem_shared>> -> memref<5248x128xf32, #tpu.memory_space<vmem_shared>>
      tpu.wait_indirect_dma semaphore(%arg11 : memref<!tpu.dma_semaphore, #tpu.memory_space<semaphore_mem>>) src(%arg9 : memref<80x128xf32, #tpu.memory_space<vmem>>) dst(%dma_wait3A_93 : memref<5248x128xf32, #tpu.memory_space<vmem_shared>>)
      %scan3A_94 = arith.constant 0 : i32
      scf.yield %scan3A_94 : i32
    }
    %scan3A_31 = arith.constant 125 : i32
    %barrier3A_32 = arith.constant 0 : index
    tpu.barrier barrier_id(%barrier3A_32)
    %scan3A_33 = arith.constant 0 : i32
    %scan3A_34 = arith.constant 0 : i32
    %scan3A_35 = arith.constant 4 : i32
    %scan3A_36 = arith.addi %scan3A_34, %scan3A_35 : i32
    %scan3A_37 = arith.constant 1 : i32
    %scan3A_38 = scf.for %scan3A_40 = %scan3A_34 to %scan3A_36 step %scan3A_37 iter_args(%scan3A_41 = %scan3A_33) -> (i32)  : i32 {
      %mul3A_42 = arith.constant 328 : i32
      %mul3A_43 = arith.muli %arg1, %mul3A_42 : i32
      %mul3A_44 = arith.constant 80 : i32
      %mul3A_45 = arith.muli %scan3A_40, %mul3A_44 : i32
      %add3A_46 = arith.addi %mul3A_43, %mul3A_45 : i32
      "tpu.region"() ({
        %run_scoped3A = tpu.sem_alloc : memref<!tpu.dma_semaphore, #tpu.memory_space<semaphore_mem>>
        %dma_start3A = arith.constant 0 : i32
        %dma_start3A_53 = tpu.memref_slice %arg12[%add3A_46, %dma_start3A] : memref<5248x128xf32, #tpu.memory_space<vmem_shared>> -> memref<80x128xf32, #tpu.memory_space<vmem_shared>>
        %dma_start3A_54 = arith.constant 0 : i32
        %dma_start3A_55 = tpu.memref_slice %arg12[%add3A_46, %dma_start3A_54] : memref<5248x128xf32, #tpu.memory_space<vmem_shared>> -> memref<80x128xf32, #tpu.memory_space<vmem_shared>>
        tpu.enqueue_dma source(%dma_start3A_55 : memref<80x128xf32, #tpu.memory_space<vmem_shared>>) target(%arg8 : memref<80x128xf32, #tpu.memory_space<vmem>>) target_semaphore(%run_scoped3A : memref<!tpu.dma_semaphore, #tpu.memory_space<semaphore_mem>>)
        %dma_wait3A = arith.constant 0 : i32
        %dma_wait3A_56 = tpu.memref_slice %arg12[%add3A_46, %dma_wait3A] : memref<5248x128xf32, #tpu.memory_space<vmem_shared>> -> memref<80x128xf32, #tpu.memory_space<vmem_shared>>
        %dma_wait3A_57 = arith.constant 0 : i32
        %dma_wait3A_58 = tpu.memref_slice %arg12[%add3A_46, %dma_wait3A_57] : memref<5248x128xf32, #tpu.memory_space<vmem_shared>> -> memref<80x128xf32, #tpu.memory_space<vmem_shared>>
        tpu.wait_dma2 semaphore(%run_scoped3A : memref<!tpu.dma_semaphore, #tpu.memory_space<semaphore_mem>>) src(%dma_wait3A_58 : memref<80x128xf32, #tpu.memory_space<vmem_shared>>) dst(%arg8 : memref<80x128xf32, #tpu.memory_space<vmem>>)
        tpu.yield
      }) : () -> ()
      %mul3A_47 = arith.constant 328 : i32
      %mul3A_48 = arith.muli %arg1, %mul3A_47 : i32
      %mul3A_49 = arith.constant 80 : i32
      %mul3A_50 = arith.muli %scan3A_40, %mul3A_49 : i32
      %add3A_51 = arith.addi %mul3A_48, %mul3A_50 : i32
      "tpu.region"() ({
        %run_scoped3A = tpu.sem_alloc : memref<!tpu.dma_semaphore, #tpu.memory_space<semaphore_mem>>
        %dma_start3A = arith.constant 0 : i32
        %dma_start3A_53 = tpu.memref_slice %arg5[%arg0, %add3A_51, %dma_start3A] : memref<2x5248x128xf32, #tpu.memory_space<hbm>> -> memref<1x80x128xf32, #tpu.memory_space<hbm>>
        %dma_start3A_54 = tpu.memref_squeeze %dma_start3A_53 : memref<1x80x128xf32, #tpu.memory_space<hbm>> -> memref<80x128xf32, #tpu.memory_space<hbm>>
        %dma_start3A_55 = arith.constant 0 : i32
        %dma_start3A_56 = tpu.memref_slice %arg5[%arg0, %add3A_51, %dma_start3A_55] : memref<2x5248x128xf32, #tpu.memory_space<hbm>> -> memref<1x80x128xf32, #tpu.memory_space<hbm>>
        %dma_start3A_57 = tpu.memref_squeeze %dma_start3A_56 : memref<1x80x128xf32, #tpu.memory_space<hbm>> -> memref<80x128xf32, #tpu.memory_space<hbm>>
        tpu.enqueue_dma source(%arg8 : memref<80x128xf32, #tpu.memory_space<vmem>>) target(%dma_start3A_57 : memref<80x128xf32, #tpu.memory_space<hbm>>) target_semaphore(%run_scoped3A : memref<!tpu.dma_semaphore, #tpu.memory_space<semaphore_mem>>)
        %dma_wait3A = arith.constant 0 : i32
        %dma_wait3A_58 = tpu.memref_slice %arg5[%arg0, %add3A_51, %dma_wait3A] : memref<2x5248x128xf32, #tpu.memory_space<hbm>> -> memref<1x80x128xf32, #tpu.memory_space<hbm>>
        %dma_wait3A_59 = tpu.memref_squeeze %dma_wait3A_58 : memref<1x80x128xf32, #tpu.memory_space<hbm>> -> memref<80x128xf32, #tpu.memory_space<hbm>>
        %dma_wait3A_60 = arith.constant 0 : i32
        %dma_wait3A_61 = tpu.memref_slice %arg5[%arg0, %add3A_51, %dma_wait3A_60] : memref<2x5248x128xf32, #tpu.memory_space<hbm>> -> memref<1x80x128xf32, #tpu.memory_space<hbm>>
        %dma_wait3A_62 = tpu.memref_squeeze %dma_wait3A_61 : memref<1x80x128xf32, #tpu.memory_space<hbm>> -> memref<80x128xf32, #tpu.memory_space<hbm>>
        tpu.wait_dma2 semaphore(%run_scoped3A : memref<!tpu.dma_semaphore, #tpu.memory_space<semaphore_mem>>) src(%arg8 : memref<80x128xf32, #tpu.memory_space<vmem>>) dst(%dma_wait3A_62 : memref<80x128xf32, #tpu.memory_space<hbm>>)
        tpu.yield
      }) : () -> ()
      %scan3A_52 = arith.constant 0 : i32
      scf.yield %scan3A_52 : i32
    }
    %scan3A_39 = arith.constant 4 : i32
    "tpu.region"() ({
      %run_scoped3A = tpu.sem_alloc : memref<!tpu.dma_semaphore, #tpu.memory_space<semaphore_mem>>
      %dma_start3A = arith.constant 0 : i32
      %dma_start3A_40 = arith.constant 0 : i32
      %dma_start3A_41 = tpu.memref_slice %arg8[%dma_start3A, %dma_start3A_40] : memref<80x128xf32, #tpu.memory_space<vmem>> -> memref<8x128xf32, #tpu.memory_space<vmem>>
      %dma_start3A_42 = arith.constant 0 : i32
      %dma_start3A_43 = tpu.memref_slice %arg12[%add3A_17, %dma_start3A_42] : memref<5248x128xf32, #tpu.memory_space<vmem_shared>> -> memref<8x128xf32, #tpu.memory_space<vmem_shared>>
      %dma_start3A_44 = arith.constant 0 : i32
      %dma_start3A_45 = arith.constant 0 : i32
      %dma_start3A_46 = tpu.memref_slice %arg8[%dma_start3A_44, %dma_start3A_45] : memref<80x128xf32, #tpu.memory_space<vmem>> -> memref<8x128xf32, #tpu.memory_space<vmem>>
      %dma_start3A_47 = arith.constant 0 : i32
      %dma_start3A_48 = tpu.memref_slice %arg12[%add3A_17, %dma_start3A_47] : memref<5248x128xf32, #tpu.memory_space<vmem_shared>> -> memref<8x128xf32, #tpu.memory_space<vmem_shared>>
      tpu.enqueue_dma source(%dma_start3A_48 : memref<8x128xf32, #tpu.memory_space<vmem_shared>>) target(%dma_start3A_46 : memref<8x128xf32, #tpu.memory_space<vmem>>) target_semaphore(%run_scoped3A : memref<!tpu.dma_semaphore, #tpu.memory_space<semaphore_mem>>)
      %dma_wait3A = arith.constant 0 : i32
      %dma_wait3A_49 = arith.constant 0 : i32
      %dma_wait3A_50 = tpu.memref_slice %arg8[%dma_wait3A, %dma_wait3A_49] : memref<80x128xf32, #tpu.memory_space<vmem>> -> memref<8x128xf32, #tpu.memory_space<vmem>>
      %dma_wait3A_51 = arith.constant 0 : i32
      %dma_wait3A_52 = tpu.memref_slice %arg12[%add3A_17, %dma_wait3A_51] : memref<5248x128xf32, #tpu.memory_space<vmem_shared>> -> memref<8x128xf32, #tpu.memory_space<vmem_shared>>
      %dma_wait3A_53 = arith.constant 0 : i32
      %dma_wait3A_54 = arith.constant 0 : i32
      %dma_wait3A_55 = tpu.memref_slice %arg8[%dma_wait3A_53, %dma_wait3A_54] : memref<80x128xf32, #tpu.memory_space<vmem>> -> memref<8x128xf32, #tpu.memory_space<vmem>>
      %dma_wait3A_56 = arith.constant 0 : i32
      %dma_wait3A_57 = tpu.memref_slice %arg12[%add3A_17, %dma_wait3A_56] : memref<5248x128xf32, #tpu.memory_space<vmem_shared>> -> memref<8x128xf32, #tpu.memory_space<vmem_shared>>
      tpu.wait_dma2 semaphore(%run_scoped3A : memref<!tpu.dma_semaphore, #tpu.memory_space<semaphore_mem>>) src(%dma_wait3A_57 : memref<8x128xf32, #tpu.memory_space<vmem_shared>>) dst(%dma_wait3A_55 : memref<8x128xf32, #tpu.memory_space<vmem>>)
      tpu.yield
    }) : () -> ()
    "tpu.region"() ({
      %run_scoped3A = tpu.sem_alloc : memref<!tpu.dma_semaphore, #tpu.memory_space<semaphore_mem>>
      %dma_start3A = arith.constant 0 : i32
      %dma_start3A_40 = arith.constant 0 : i32
      %dma_start3A_41 = tpu.memref_slice %arg8[%dma_start3A, %dma_start3A_40] : memref<80x128xf32, #tpu.memory_space<vmem>> -> memref<8x128xf32, #tpu.memory_space<vmem>>
      %dma_start3A_42 = arith.constant 0 : i32
      %dma_start3A_43 = tpu.memref_slice %arg5[%arg0, %add3A_17, %dma_start3A_42] : memref<2x5248x128xf32, #tpu.memory_space<hbm>> -> memref<1x8x128xf32, #tpu.memory_space<hbm>>
      %dma_start3A_44 = tpu.memref_squeeze %dma_start3A_43 : memref<1x8x128xf32, #tpu.memory_space<hbm>> -> memref<8x128xf32, #tpu.memory_space<hbm>>
      %dma_start3A_45 = arith.constant 0 : i32
      %dma_start3A_46 = tpu.memref_slice %arg5[%arg0, %add3A_17, %dma_start3A_45] : memref<2x5248x128xf32, #tpu.memory_space<hbm>> -> memref<1x8x128xf32, #tpu.memory_space<hbm>>
      %dma_start3A_47 = tpu.memref_squeeze %dma_start3A_46 : memref<1x8x128xf32, #tpu.memory_space<hbm>> -> memref<8x128xf32, #tpu.memory_space<hbm>>
      %dma_start3A_48 = arith.constant 0 : i32
      %dma_start3A_49 = arith.constant 0 : i32
      %dma_start3A_50 = tpu.memref_slice %arg8[%dma_start3A_48, %dma_start3A_49] : memref<80x128xf32, #tpu.memory_space<vmem>> -> memref<8x128xf32, #tpu.memory_space<vmem>>
      tpu.enqueue_dma source(%dma_start3A_50 : memref<8x128xf32, #tpu.memory_space<vmem>>) target(%dma_start3A_47 : memref<8x128xf32, #tpu.memory_space<hbm>>) target_semaphore(%run_scoped3A : memref<!tpu.dma_semaphore, #tpu.memory_space<semaphore_mem>>)
      %dma_wait3A = arith.constant 0 : i32
      %dma_wait3A_51 = arith.constant 0 : i32
      %dma_wait3A_52 = tpu.memref_slice %arg8[%dma_wait3A, %dma_wait3A_51] : memref<80x128xf32, #tpu.memory_space<vmem>> -> memref<8x128xf32, #tpu.memory_space<vmem>>
      %dma_wait3A_53 = arith.constant 0 : i32
      %dma_wait3A_54 = tpu.memref_slice %arg5[%arg0, %add3A_17, %dma_wait3A_53] : memref<2x5248x128xf32, #tpu.memory_space<hbm>> -> memref<1x8x128xf32, #tpu.memory_space<hbm>>
      %dma_wait3A_55 = tpu.memref_squeeze %dma_wait3A_54 : memref<1x8x128xf32, #tpu.memory_space<hbm>> -> memref<8x128xf32, #tpu.memory_space<hbm>>
      %dma_wait3A_56 = arith.constant 0 : i32
      %dma_wait3A_57 = tpu.memref_slice %arg5[%arg0, %add3A_17, %dma_wait3A_56] : memref<2x5248x128xf32, #tpu.memory_space<hbm>> -> memref<1x8x128xf32, #tpu.memory_space<hbm>>
      %dma_wait3A_58 = tpu.memref_squeeze %dma_wait3A_57 : memref<1x8x128xf32, #tpu.memory_space<hbm>> -> memref<8x128xf32, #tpu.memory_space<hbm>>
      %dma_wait3A_59 = arith.constant 0 : i32
      %dma_wait3A_60 = arith.constant 0 : i32
      %dma_wait3A_61 = tpu.memref_slice %arg8[%dma_wait3A_59, %dma_wait3A_60] : memref<80x128xf32, #tpu.memory_space<vmem>> -> memref<8x128xf32, #tpu.memory_space<vmem>>
      tpu.wait_dma2 semaphore(%run_scoped3A : memref<!tpu.dma_semaphore, #tpu.memory_space<semaphore_mem>>) src(%dma_wait3A_61 : memref<8x128xf32, #tpu.memory_space<vmem>>) dst(%dma_wait3A_58 : memref<8x128xf32, #tpu.memory_space<hbm>>)
      tpu.yield
    }) : () -> ()
    return
  }
}

module attributes {stable_mosaic.version = 14 : i64} {
  func.func @_tc_combine_scale(%arg0: memref<5120x128xf32, #tpu.memory_space<vmem>>, %arg1: memref<5120x128xf32, #tpu.memory_space<vmem>>, %arg2: memref<5120x1xf32, #tpu.memory_space<vmem>>, %arg3: memref<5120x1xf32, #tpu.memory_space<vmem>>, %arg4: memref<128x128xf32, #tpu.memory_space<vmem>>, %arg5: memref<10240x128xf32, #tpu.memory_space<vmem>>) attributes {dimension_semantics = [], scalar_prefetch = 0 : i64, scratch_operands = 0 : i64, tpu.core_type = #tpu.core_type<tc>} {
    %get3A = arith.constant 0 : index
    %get3A_0 = arith.constant 0 : index
    %get3A_1 = vector.load %arg0[%get3A, %get3A_0] : memref<5120x128xf32, #tpu.memory_space<vmem>>, vector<5120x128xf32>
    %get3A_2 = arith.constant 0 : index
    %get3A_3 = arith.constant 0 : index
    %get3A_4 = vector.load %arg1[%get3A_2, %get3A_3] : memref<5120x128xf32, #tpu.memory_space<vmem>>, vector<5120x128xf32>
    %concatenate3A = tpu.concatenate %get3A_1, %get3A_4 in 0 : vector<5120x128xf32>, vector<5120x128xf32> -> vector<10240x128xf32>
    %get3A_5 = arith.constant 0 : index
    %get3A_6 = arith.constant 0 : index
    %get3A_7 = vector.load %arg2[%get3A_5, %get3A_6] : memref<5120x1xf32, #tpu.memory_space<vmem>>, vector<5120x1xf32>
    %get3A_8 = arith.constant 0 : index
    %get3A_9 = arith.constant 0 : index
    %get3A_10 = vector.load %arg3[%get3A_8, %get3A_9] : memref<5120x1xf32, #tpu.memory_space<vmem>>, vector<5120x1xf32>
    %concatenate3A_11 = tpu.concatenate %get3A_7, %get3A_10 in 0 : vector<5120x1xf32>, vector<5120x1xf32> -> vector<10240x1xf32>
    %gt3A = arith.constant 0.000000e+00 : f32
    %gt3A_12 = vector.broadcast %gt3A : f32 to vector<10240x1xf32>
    %gt3A_13 = arith.cmpf ogt, %concatenate3A_11, %gt3A_12 : vector<10240x1xf32>
    %max3A = arith.constant 1.000000e+00 : f32
    %max3A_14 = vector.broadcast %max3A : f32 to vector<10240x1xf32>
    %max3A_15 = arith.maximumf %concatenate3A_11, %max3A_14 : vector<10240x1xf32>
    %div3A = arith.constant 1.000000e+00 : f32
    %div3A_16 = vector.broadcast %div3A : f32 to vector<10240x1xf32>
    %div3A_17 = arith.divf %div3A_16, %max3A_15 : vector<10240x1xf32>
    %jit3A = arith.constant 0.000000e+00 : f32
    %broadcast_in_dim3A = vector.broadcast %jit3A : f32 to vector<10240x1xf32>
    %select_n3A = arith.select %gt3A_13, %div3A_17, %broadcast_in_dim3A : vector<10240x1xi1>, vector<10240x1xf32>
    %get3A_18 = arith.constant 0 : index
    %get3A_19 = arith.constant 0 : index
    %get3A_20 = vector.load %arg4[%get3A_18, %get3A_19] : memref<128x128xf32, #tpu.memory_space<vmem>>, vector<128x128xf32>
    %dot_general3A = arith.constant dense<0.000000e+00> : vector<10240x128xf32>
    %dot_general3A_21 = tpu.matmul %concatenate3A, %get3A_20, %dot_general3A {dimension_numbers = #tpu.dot_dimension_numbers<[1], [1], [0], [0], [0, 0, 1, 0], [], []>, transpose_lhs_hint = false} : vector<10240x128xf32>, vector<128x128xf32>, vector<10240x128xf32> -> vector<10240x128xf32>
    %mul3A = vector.broadcast %select_n3A : vector<10240x1xf32> to vector<10240x128xf32>
    %mul3A_22 = arith.mulf %dot_general3A_21, %mul3A : vector<10240x128xf32>
    %swap3A = arith.constant 0 : index
    %swap3A_23 = arith.constant 0 : index
    %swap3A_24 = vector.load %arg5[%swap3A, %swap3A_23] : memref<10240x128xf32, #tpu.memory_space<vmem>>, vector<10240x128xf32>
    tpu.vector_store %arg5[%swap3A, %swap3A_23], %mul3A_22 {strides = array<i32>} : memref<10240x128xf32, #tpu.memory_space<vmem>>, vector<10240x128xf32>,
    return
  }
}

module attributes {stable_mosaic.version = 14 : i64} {
  func.func @_tc_finalize(%arg0: memref<5120x128xf32, #tpu.memory_space<vmem>>, %arg1: memref<5120x128xf32, #tpu.memory_space<vmem>>, %arg2: memref<5120x1xf32, #tpu.memory_space<vmem>>, %arg3: memref<5120x1xf32, #tpu.memory_space<vmem>>, %arg4: memref<1x128xf32, #tpu.memory_space<vmem>>, %arg5: memref<1x128xf32, #tpu.memory_space<vmem>>) attributes {dimension_semantics = [], scalar_prefetch = 0 : i64, scratch_operands = 0 : i64, tpu.core_type = #tpu.core_type<tc>} {
    %get3A = arith.constant 0 : index
    %get3A_0 = arith.constant 0 : index
    %get3A_1 = vector.load %arg0[%get3A, %get3A_0] : memref<5120x128xf32, #tpu.memory_space<vmem>>, vector<5120x128xf32>
    %get3A_2 = arith.constant 0 : index
    %get3A_3 = arith.constant 0 : index
    %get3A_4 = vector.load %arg1[%get3A_2, %get3A_3] : memref<5120x128xf32, #tpu.memory_space<vmem>>, vector<5120x128xf32>
    %concatenate3A = tpu.concatenate %get3A_1, %get3A_4 in 0 : vector<5120x128xf32>, vector<5120x128xf32> -> vector<10240x128xf32>
    %get3A_5 = arith.constant 0 : index
    %get3A_6 = arith.constant 0 : index
    %get3A_7 = vector.load %arg2[%get3A_5, %get3A_6] : memref<5120x1xf32, #tpu.memory_space<vmem>>, vector<5120x1xf32>
    %get3A_8 = arith.constant 0 : index
    %get3A_9 = arith.constant 0 : index
    %get3A_10 = vector.load %arg3[%get3A_8, %get3A_9] : memref<5120x1xf32, #tpu.memory_space<vmem>>, vector<5120x1xf32>
    %concatenate3A_11 = tpu.concatenate %get3A_7, %get3A_10 in 0 : vector<5120x1xf32>, vector<5120x1xf32> -> vector<10240x1xf32>
    %gt3A = arith.constant 0.000000e+00 : f32
    %gt3A_12 = vector.broadcast %gt3A : f32 to vector<10240x1xf32>
    %gt3A_13 = arith.cmpf ogt, %concatenate3A_11, %gt3A_12 : vector<10240x1xf32>
    %max3A = arith.constant 1.000000e+00 : f32
    %max3A_14 = vector.broadcast %max3A : f32 to vector<10240x1xf32>
    %max3A_15 = arith.maximumf %concatenate3A_11, %max3A_14 : vector<10240x1xf32>
    %div3A = arith.constant 1.000000e+00 : f32
    %div3A_16 = vector.broadcast %div3A : f32 to vector<10240x1xf32>
    %div3A_17 = arith.divf %div3A_16, %max3A_15 : vector<10240x1xf32>
    %jit3A = arith.constant 0.000000e+00 : f32
    %broadcast_in_dim3A = vector.broadcast %jit3A : f32 to vector<10240x1xf32>
    %select_n3A = arith.select %gt3A_13, %div3A_17, %broadcast_in_dim3A : vector<10240x1xi1>, vector<10240x1xf32>
    %mul3A = vector.broadcast %select_n3A : vector<10240x1xf32> to vector<10240x128xf32>
    %mul3A_18 = arith.mulf %concatenate3A, %mul3A : vector<10240x128xf32>
    %get3A_19 = arith.constant 0 : index
    %get3A_20 = arith.constant 0 : index
    %get3A_21 = vector.load %arg4[%get3A_19, %get3A_20] : memref<1x128xf32, #tpu.memory_space<vmem>>, vector<1x128xf32>
    %add3A = vector.broadcast %get3A_21 : vector<1x128xf32> to vector<10240x128xf32>
    %add3A_22 = arith.addf %mul3A_18, %add3A : vector<10240x128xf32>
    %max3A_23 = arith.constant 0.000000e+00 : f32
    %max3A_24 = vector.broadcast %max3A_23 : f32 to vector<10240x128xf32>
    %max3A_25 = arith.maximumf %add3A_22, %max3A_24 : vector<10240x128xf32>
    %iota3A = tpu.iota {dimensions = array<i32: 0>} : vector<10240x128xi32>
    %lt3A = arith.constant 10000 : i32
    %lt3A_26 = vector.broadcast %lt3A : i32 to vector<10240x128xi32>
    %lt3A_27 = arith.cmpi slt, %iota3A, %lt3A_26 : vector<10240x128xi32>
    %jit3A_28 = arith.constant 0.000000e+00 : f32
    %broadcast_in_dim3A_29 = vector.broadcast %jit3A_28 : f32 to vector<10240x128xf32>
    %select_n3A_30 = arith.select %lt3A_27, %max3A_25, %broadcast_in_dim3A_29 : vector<10240x128xi1>, vector<10240x128xf32>
    %reduce_sum3A = arith.constant dense<0.000000e+00> : vector<128xf32>
    %reduce_sum3A_31 = vector.multi_reduction <add>, %select_n3A_30, %reduce_sum3A [0] : vector<10240x128xf32> to vector<128xf32>
    %broadcast_in_dim3A_32 = vector.shape_cast %reduce_sum3A_31 : vector<128xf32> to vector<1x128xf32>
    %mul3A_33 = arith.constant 9.99999974E-5 : f32
    %mul3A_34 = vector.broadcast %mul3A_33 : f32 to vector<1x128xf32>
    %mul3A_35 = arith.mulf %broadcast_in_dim3A_32, %mul3A_34 : vector<1x128xf32>
    %swap3A = arith.constant 0 : index
    %swap3A_36 = arith.constant 0 : index
    %swap3A_37 = vector.load %arg5[%swap3A, %swap3A_36] : memref<1x128xf32, #tpu.memory_space<vmem>>, vector<1x128xf32>
    tpu.vector_store %arg5[%swap3A, %swap3A_36], %mul3A_35 {strides = array<i32>} : memref<1x128xf32, #tpu.memory_space<vmem>>, vector<1x128xf32>,
    return
  }
}

</mosaic_0001>

<sc_bundles>
// kernel: kernel.11.cloned.1.call-start
scs
__scs_entry_jumppad:
0x0: {  	(pc) =	sbr.rel $0x88, $3  }
0x1: {  	(tag) =	ssettag $0x0;
	lr =	simm.s32 $0x1  }
0x2: {  	[smem:$0x3F9D] =	sst lr;
	_ =	strace $0xD0000000  }
0x3: {  	_ = 	snop  }
0x4: {  	_ = 	snop  }
0x5: {  	_ = 	snop  }
0x6: {  	_ = 	snop  }
0x7: {  	_ = 	snop  }
__scs_overlays_trampoline_lowered:
0x8: {  	[smem:$0x3FAC] =	sst s0  }
0x9: {  	[smem:$0x3FAD] =	sst s1  }
0xa: {  	[smem:$0x3FAE] =	sst s2  }
0xb: {  	[smem:$0x3FAF] =	sst s3  }
0xc: {  	[smem:$0x3FB0] =	sst s4  }
0xd: {  	[smem:$0x3FB1] =	sst s5  }
0xe: {  	[smem:$0x3FB2] =	sst s6  }
0xf: {  	[smem:$0x3FB3] =	sst s7  }
0x10: {  	[smem:$0x3FB4] =	sst s8  }
0x11: {  	[smem:$0x3FB5] =	sst s9;
	s0 =	simm.s32 @!p0 $0x0  }
0x12: {  	s1 =	sld [smem:$0x3F9B];
	s0 =	simm.s32 @p0 $0x1  }
0x13: {  	[smem:$0x3FB6] =	sst s0;
	s0 =	simm.s32 @!p1 $0x0  }
0x14: {  	s2 =	sld [smem:$0x3F9A];
	s0 =	simm.s32 @p1 $0x1  }
0x15: {  	[smem:$0x3FB7] =	sst s0;
	s0 =	simm.s32 @!p2 $0x0  }
0x16: {  	s3 =	sld [smem:$0x3FDB];
	s0 =	simm.s32 @p2 $0x1  }
0x17: {  	s4 =	simm.s32 $0x1BF5;
	[smem:$0x3FB9] =	sst s0  }
0x18: {  	s0 =	sld [smem:$0x3F9C];
	_ =	swait.ge [sflag:s4], $0x0  }
0x19: {  	s7 =	sld [smem:$0x3F9D]  }
0x1a: {  	s8 =	sadd.s32 $0xFFFFE003, lr  }
0x1b: {  	s9 =	sadd.s32 $0xFFFFFEF7, lr;
	s5 =	simm.s32 $0xFFFFFFFF;
	p2 =	slt.u32 s8, $0xFFFFF086  }
0x1c: {  	p1 =	slt.u32 s9, $0xF7A;
	s5 =	simm.s32 @!p2 $0x0  }
0x1d: {  	s5 =	simm.s32 @p1 $0x1;
	p0 =	seq.s32 s7, s2  }
0x1e: {  	s7 =	smul.u32 @!p0 $0xF7A, s2;
	p2 =	seq.s32 @!p0 s5, $0x0  }
0x1f: {  	s9 =	smul.u32 $0xF7A, s1;
	s8 =	simm.s32 @!p0 $0x1BF5;
	p2 =	por !p2, p0  }
0x20: {  	[sflag:s8] =	ssyncset.s32 @!p0 $0xFFFFF086;
	s6 =	sadd.s32 @!p0 s3, s7;
	s7 =	simm.s32 @!p0 $0x108  }
0x21: {  	s3 =	sadd.s32 s3, s9;
	s6 =	sadd.s32 @!p0 $0x88, s6;
	s7 =	simm.s32 @p2 $0x1082  }
0x22: {  	[simem:s7], [sflag:s8] =	dma.local @!p0 [hbm:s6], $0xF7A  }
0x23: {  	s9 =	sor.u32 $0xD0000000, s2;
	s6 =	simm.s32 $0x108;
	_ =	swait.ge @!p0 [sflag:s8], $0x0  }
0x24: {  	s3 =	sadd.s32 $0x88, s3;
	s6 =	simm.s32 @!p1 $0x1082;
	[sflag:s4] =	ssyncset.s32 $0xFFFFF086  }
0x25: {  	[simem:s6], [sflag:s4] =	dma.local [hbm:s3], $0xF7A  }
0x26: {  	[smem:$0x3F9D] =	sst s1;
	(tag) =	ssettag s2;
	_ =	strace s9  }
0x27: {  	s1 =	sld [smem:$0x3FAD]  }
0x28: {  	s2 =	sld [smem:$0x3FAE]  }
0x29: {  	s4 =	sld [smem:$0x3FB0]  }
0x2a: {  	p0 =	seq.s32 s5, $0x0;
	s5 =	sld [smem:$0x3FB1]  }
0x2b: {  	s6 =	sld [smem:$0x3FB2]  }
0x2c: {  	s7 =	sld [smem:$0x3FB3]  }
0x2d: {  	s3 =	simm.s32 $0x108;
	s8 =	sld [smem:$0x3FB4]  }
0x2e: {  	s3 =	simm.s32 @!p0 $0x1082;
	s9 =	sld [smem:$0x3FB5]  }
0x2f: {  	lr =	sadd.s32 s0, s3;
	s0 =	sld [smem:$0x3FAC]  }
0x30: {  	s3 =	sld [smem:$0x3FAF]  }
0x31: {  	[smem:$0x3FB8] =	sst s10  }
0x32: {  	s10 =	sld [smem:$0x3FB6];
	_ =	sdelay $0x3  }
0x33: {  	p0 =	seq.s32 s10, $0x1;
	s10 =	sld [smem:$0x3FB8];
	_ =	sdelay $0x3  }
0x34: {  	[smem:$0x3FB8] =	sst s10  }
0x35: {  	s10 =	sld [smem:$0x3FB7];
	_ =	sdelay $0x3  }
0x36: {  	p1 =	seq.s32 s10, $0x1;
	s10 =	sld [smem:$0x3FB8];
	_ =	sdelay $0x3  }
0x37: {  	[smem:$0x3FB8] =	sst s10  }
0x38: {  	s10 =	sld [smem:$0x3FB9]  }
0x39: {  	_ = 	snop;
	(pc) =	sbr.ind lr, $3  }
0x3a: {  	_ = 	snop  }
0x3b: {  	_ = 	snop  }
0x3c: {  	p2 =	seq.s32 s10, $0x1;
	s10 =	sld [smem:$0x3FB8]  }
0x3d: {  	_ =	shalt  }
0x3e: {  	_ =	shalt  }
0x3f: {  	_ =	shalt  }
0x40: {  	_ =	shalt  }
0x41: {  	_ =	shalt  }
0x42: {  	_ =	shalt  }
0x43: {  	_ =	shalt  }
0x44: {  	_ =	shalt  }
0x45: {  	_ =	shalt  }
0x46: {  	_ =	shalt  }
0x47: {  	_ =	shalt  }
0x48: {  	_ =	shalt  }
0x49: {  	_ =	shalt  }
0x4a: {  	_ =	shalt  }
0x4b: {  	_ =	shalt  }
0x4c: {  	_ =	shalt  }
0x4d: {  	_ =	shalt  }
0x4e: {  	_ =	shalt  }
0x4f: {  	_ =	shalt  }
0x50: {  	_ =	shalt  }
0x51: {  	_ =	shalt  }
0x52: {  	_ =	shalt  }
0x53: {  	_ =	shalt  }
0x54: {  	_ =	shalt  }
0x55: {  	_ =	shalt  }
0x56: {  	_ =	shalt  }
0x57: {  	_ =	shalt  }
0x58: {  	_ =	shalt  }
0x59: {  	_ =	shalt  }
0x5a: {  	_ =	shalt  }
0x5b: {  	_ =	shalt  }
0x5c: {  	_ =	shalt  }
0x5d: {  	_ =	shalt  }
0x5e: {  	_ =	shalt  }
0x5f: {  	_ =	shalt  }
0x60: {  	_ =	shalt  }
0x61: {  	_ =	shalt  }
0x62: {  	_ =	shalt  }
0x63: {  	_ =	shalt  }
0x64: {  	_ =	shalt  }
0x65: {  	_ =	shalt  }
0x66: {  	_ =	shalt  }
0x67: {  	_ =	shalt  }
0x68: {  	_ =	shalt  }
0x69: {  	_ =	shalt  }
0x6a: {  	_ =	shalt  }
0x6b: {  	_ =	shalt  }
0x6c: {  	_ =	shalt  }
0x6d: {  	_ =	shalt  }
0x6e: {  	_ =	shalt  }
0x6f: {  	_ =	shalt  }
0x70: {  	_ =	shalt  }
0x71: {  	_ =	shalt  }
0x72: {  	_ =	shalt  }
0x73: {  	_ =	shalt  }
0x74: {  	_ =	shalt  }
0x75: {  	_ =	shalt  }
0x76: {  	_ =	shalt  }
0x77: {  	_ =	shalt  }
0x78: {  	_ =	shalt  }
0x79: {  	_ =	shalt  }
0x7a: {  	_ =	shalt  }
0x7b: {  	_ =	shalt  }
0x7c: {  	_ =	shalt  }
0x7d: {  	_ =	shalt  }
0x7e: {  	_ =	shalt  }
0x7f: {  	_ =	shalt  }
0x80: {  	_ =	shalt  }
0x81: {  	_ =	shalt  }
0x82: {  	_ =	shalt  }
0x83: {  	_ =	shalt  }
0x84: {  	_ =	shalt  }
0x85: {  	_ =	shalt  }
0x86: {  	_ =	shalt  }
0x87: {  	_ =	shalt  }
.Lfunc_end0:
.L_simem_size_0:
called_computation.1_lowered:
.L_overlay_start_0:
0x88: {  	s2 =	sld [smem:$0x3FD9]  }
0x89: {  	s3 =	sld [smem:$0x3FFE];
	_ =	sdelay $0x1  }
0x8a: {  	s1 =	srdreg.scid  }
0x8b: {  	s0 =	sand.u32 $0x1, s1  }
0x8c: {  	s17 =	sshll.u32 s0, $0xA;
	s2 =	sadd.s32 s3, s2  }
0x8d: {  	s2 =	sadd.s32 s2, s17  }
0x8e: {  	[smem:$0x3FC4] =	sst s2  }
0x8f: {  	_ = 	snop  }
0x90: {  	(tm) =	ssettm $0x1  }
0x91: {  	s18 =	sld [smem:$0x3FFB];
	_ =	sdelay $0x3  }
0x92: {  	_ =	strace s18  }
0x93: {  	s2 =	sld [smem:$0x3FFC];
	_ =	sdelay $0x3  }
0x94: {  	_ =	strace s2  }
0x95: {  	s2 =	sld [smem:$0x3FFD];
	_ =	sdelay $0x3  }
0x96: {  	_ =	strace s2  }
0x97: {  	_ =	strace $0x8FFFFFFF  }
0x98: {  	s19 =	sld [smem:$0x3FDB];
	_ =	sdelay $0x1  }
0x99: {  	s20 =	simm.s32 $_scs_section_size  }
0x9a: {  	s4 =	simm.s32 $_size__tile_overlayer_lowered;
	s5 =	simm.s32 $_tile_overlayer_lowered  }
0x9b: {  	s6 =	simm.s32 $0x1BFF;
	s21 =	sshll.u32 s5, $0x1;
	s3 =	sadd.s32 s20, s19  }
0x9c: {  	s22 =	simm.s32 $0x0;
	s4 =	sshll.u32 s4, $0x1;
	s5 =	sadd.s32 s21, s3  }
0x9d: {  	[timem:s22], [sflag:s6] =	dma.local [hbm:s5], s4  }
0x9e: {  	_ =	swait.ge [sflag:s6], s4  }
0x9f: {  	s4 =	ssub.s32 $0x0, s4;
	[sflag:s6] =	ssyncset.done $0x0  }
0xa0: {  	[sflag:s6] =	ssyncadd.s32 s4;
	_ =	sdelay $0x1  }
0xa1: {  	s23 =	simm.s32 $0x1B8B  }
0xa2: {  	_ =	swait.ge [sflag:s23], $0x1  }
0xa3: {  	[sflag:s23] =	ssyncset.done $0x0  }
0xa4: {  	[sflag:s23] =	ssyncadd.s32 $0xFFFFFFFF  }
0xa5: {  	s4 =	sld [smem:$0x0]  }
0xa6: {  	s5 =	sand.u32 $0xFFFFFFFE, s1  }
0xa7: {  	p0 =	sne.s32 s1, s5  }
0xa8: {  	s5 =	sshll.u32 @p0 s5, $0xE  }
0xa9: {  	s5 =	sadd.s32 @p0 $0x11B8D, s5;
	s6 =	sshll.u32 @p0 s4, $0x11  }
0xaa: {  	s5 =	sor.u32 @p0 s6, s5  }
0xab: {  	[sflag:s5] =	ssyncadd.remote.s32 @p0 $0x1;
	_ =	sdelay $0x1  }
0xac: {  	s5 =	simm.s32 @p0 $0x1B8D  }
0xad: {  	_ =	swait.eq @p0 [sflag:s5], $0x1  }
0xae: {  	[sflag:s5] =	ssyncadd.s32 @p0 $0xFFFFFFFF  }
0xaf: {  	s6 =	sshll.u32 @!p0 s1, $0xE  }
0xb0: {  	s6 =	sor.u32 @!p0 $0x4000, s6;
	s5 =	simm.s32 @!p0 $0x1B8D  }
0xb1: {  	s4 =	sshll.u32 @!p0 s4, $0x11;
	s6 =	sadd.s32 @!p0 $0x11B8D, s6;
	_ =	swait.eq @!p0 [sflag:s5], $0x1  }
0xb2: {  	s4 =	sor.u32 @!p0 s4, s6;
	[sflag:s5] =	ssyncadd.s32 @!p0 $0xFFFFFFFF  }
0xb3: {  	s25 =	simm.s32 $0x1B8E;
	s24 =	sld [smem:$0x3FFE];
	[sflag:s4] =	ssyncadd.remote.s32 @!p0 $0x1  }
0xb4: {  	s26 =	simm.s32 $execute0_lowered;
	[smem:$0x3FD2] =	sst s25  }
0xb5: {  	s5 =	sshll.u32 s26, $0x1;
	_ =	strace $0x8000004C;
	[dreg:$0x1] =	wrdreg $0xFFFFFFFF  }
0xb6: {  	s28 =	simm.s32 $_size_execute0_lowered;
	s3 =	sadd.s32 s3, s5;
	[dreg:$0x0] =	wrdreg $0x0  }
0xb7: {  	s5 =	sshll.u32 s28, $0x1;
	[dreg:$0x2] =	wrdreg s3  }
0xb8: {  	[dreg:$0x3] =	wrdreg s5  }
0xb9: {  	[dreg:$0x4] =	wrdreg $0xC0  }
0xba: {  	_ =	task [dreg:s22], $0x5FFFF  }
0xbb: {  	[dreg:$0x1] =	wrdreg $0xFFFFFFFF  }
0xbc: {  	[dreg:$0x0] =	wrdreg $0x60  }
0xbd: {  	[dreg:$0x2] =	wrdreg s24  }
0xbe: {  	[dreg:$0x3] =	wrdreg $0x150000  }
0xbf: {  	[dreg:$0x4] =	wrdreg $0x9  }
0xc0: {  	_ =	task.clear_ibuf [dreg:s22], $0x5FFFF;
	_ =	strace $0x9000004C  }
0xc1: {  	s29 =	simm.s32 $0x9;
	_ =	strace $0x8000004E  }
0xc2: {  	_ =	swait.ge [sflag:s29], $0x1  }
0xc3: {  	[sflag:s29] =	ssyncadd.s32 $0xFFFFFFFF  }
0xc4: {  	_ =	strace $0x9000004E  }
0xc5: {  	_ =	sfence  }
0xc6: {  	s30 =	sld [smem:$0x0];
	_ =	sdelay $0x2  }
0xc7: {  	s31 =	sshll.u32 s1, $0xD;
	s1 =	sshrl.u32 s1, $0x2  }
0xc8: {  	s4 =	sand.u32 $0x4000, s31;
	s1 =	sadd.s32 s1, s30  }
0xc9: {  	s0 =	sor.u32 s4, s0;
	s1 =	sshll.u32 s1, $0x11  }
0xca: {  	s0 =	sor.u32 s1, s0  }
0xcb: {  	s0 =	sadd.s32 $0x8F2B, s0  }
0xcc: {  	[sflag:s0] =	ssyncadd.remote.s32 $0x1  }
0xcd: {  	_ =	sfence.sel $0xFFFF  }
0xce: {  	[dreg:$0x0] =	wrdreg $0xFFFFFFFF;
	(pc) =	sbr.abs _section_cstart, $3  }
0xcf: {  	[dreg:$0x1] =	wrdreg $0xFFFFFFFF  }
0xd0: {  	_ =	task.clear_ibuf [dreg:s22], $0x2FFFF;
	_ =	strace $0x9FFFFFFF  }
0xd1: {  	(tm) =	ssettm $0x7FFFFFFF  }
tec
execute0_lowered:
.L_overlay_start_1:
0x0: {  	(tag) =	ssettag $0x1  }
0x1: {  	s5 =	rddreg [dreg:$0x0]  }
0x2: {  	s1 =	rddreg [dreg:$0x1]  }
0x3: {  	s0 =	rddreg [dreg:$0x2];
	s3 =	simm.s32 $0x0;
	s2 =	stileid.u32  }
0x4: {  	s6 =	srdreg.scid;
	s20 =	simm.s32 $0x8000;
	s21 =	simm.s32 $0x50  }
0x5: {  	s22 =	simm.s32 $0x12800;
	s24 =	simm.s32 $0x2;
	s25 =	simm.s32 $0x0  }
0x6: {  	[smem:$0x7FF] =	sst s3;
	s4 =	sadd.s32 $0x21600, s5;
	s12 =	smul.u32 $0xA400, s2  }
0x7: {  	s7 =	sshll.u32 s2, $0xC;
	s6 =	sand.u32 $0x1, s6;
	s9 =	smul.u32 $0x29000, s2  }
0x8: {  	s17 =	sadd.s32 $0x9A800, s5;
	_ =	strace $0x8000004D;
	s15 =	smul.u32 $0xA4000, s6  }
0x9: {  	s7 =	sadd.s32 s7, s5;
	s8 =	ssub.s32 $0x2, s6;
	s23 =	smul.u32 $0x1400, s6  }
0xa: {  	s28 =	sshrl.u32 s8, $0x1;
	s29 =	sadd.s32 $0xA000, s12;
	s6 =	sadd.s32 $0x1600, s7  }
0xb: {  	s7 =	sadd.s32 $0x11600, s7;
	s9 =	sshrl.u32 s9, $0x2;
	s16 =	sadd.s32 $0x2800, s12  }
0xc: {  	s18 =	sadd.s32 $0x5000, s12;
	s19 =	sadd.s32 $0x7800, s12;
	s10 =	ssub.s32 s8, s28  }
0xd: {  	s5 =	sadd.s32 s29, s1;
	s30 =	sadd.s32 s15, s29;
	s9 =	sadd.s32 s9, s1  }
0xe: {  	s11 =	sadd.s32 s16, s1;
	s14 =	sadd.s32 s15, s12;
	s12 =	sadd.s32 s18, s1  }
0xf: {  	s13 =	sadd.s32 s19, s1;
	s16 =	sadd.s32 s15, s16;
	s18 =	sadd.s32 s15, s18  }
0x10: {  	s19 =	sadd.s32 s15, s19;
	v0 =	vmov s23;
	s23 =	simm.s32 $0x1;
	s8 =	sshrl.u32 s30, $0x3  }
0x11: {  	s10 =	smax.u32 s10, $0x1;
	s14 =	sshrl.u32 s14, $0x3;
	s16 =	sshrl.u32 s16, $0x3  }
0x12: {  	s18 =	sshrl.u32 s18, $0x3;
	s31 =	sshrl.u32 s19, $0x3;
	s19 =	simm.s32 $0x3  }
0x13: {  	s8 =	sadd.s32 s17, s8;
	s14 =	sadd.s32 s17, s14;
	s15 =	sadd.s32 s17, s16  }
0x14: {  	v1 =	vimm.f32 $0.0e+00;
	s16 =	sadd.s32 s17, s18;
	s17 =	sadd.s32 s17, s31;
	s18 =	simm.s32 $0x10000  }
.LBB2_1:
0x15: {  	s26 =	simm.s32 $0x0;
	s28 =	simm.s32 $0x200  }
.LBB2_2:
0x16: {  	p0 =	sne.s32 s28, $0x9E00;
	[tilespmem:s26+$0x10070] =	vst v1  }
0x17: {  	[tilespmem:s26+$0x10000] =	vst v1  }
0x18: {  	[tilespmem:s26+$0x10010] =	vst v1  }
.Ltmp0:
0x19: {  	[tilespmem:s26+$0x10020] =	vst v1;
	(pc) =	sbr.rel @p0 .LBB2_2-.Ltmp0, $4  }
0x1a: {  	[tilespmem:s26+$0x10030] =	vst v1  }
0x1b: {  	[tilespmem:s26+$0x10040] =	vst v1  }
0x1c: {  	[tilespmem:s26+$0x10050] =	vst v1  }
0x1d: {  	[tilespmem:s26+$0x10060] =	vst v1;
	s26 =	sshra.s32 s28, $0x2;
	s28 =	sadd.s32 $0x200, s28  }
0x1e: {  	[tilespmem:s26+$0x10070] =	vst v1  }
0x1f: {  	[tilespmem:s26+$0x10000] =	vst v1  }
0x20: {  	[tilespmem:s26+$0x10010] =	vst v1  }
0x21: {  	[tilespmem:s26+$0x10020] =	vst v1  }
0x22: {  	[tilespmem:s26+$0x10030] =	vst v1  }
0x23: {  	[tilespmem:s26+$0x10040] =	vst v1  }
0x24: {  	[tilespmem:s26+$0x10050] =	vst v1  }
0x25: {  	[tilespmem:s26+$0x10060] =	vst v1  }
0x26: {  	[spmem:s9] =	stream.linear.scatter [tilespmem:s18], [sflag:$0x3], $0x2800, $0x38;
	[tilespmem:$0x1F400] =	vst v63  }
0x27: {  	_ =	swait.ge [sflag:s19], $0x2800  }
0x28: {  	[sflag:s19] =	ssyncset.done $0x0  }
0x29: {  	[sflag:s19] =	ssyncadd.s32 $0xFFFFD800  }
0x2a: {  	[spmem:s11] =	stream.linear.scatter [tilespmem:s18], [sflag:$0x3], $0x2800, $0x38;
	[tilespmem:$0x1F400] =	vst v63  }
0x2b: {  	_ =	swait.ge [sflag:s19], $0x2800  }
0x2c: {  	[sflag:s19] =	ssyncset.done $0x0  }
0x2d: {  	[sflag:s19] =	ssyncadd.s32 $0xFFFFD800  }
0x2e: {  	[spmem:s12] =	stream.linear.scatter [tilespmem:s18], [sflag:$0x3], $0x2800, $0x38;
	[tilespmem:$0x1F400] =	vst v63  }
0x2f: {  	_ =	swait.ge [sflag:s19], $0x2800  }
0x30: {  	[sflag:s19] =	ssyncset.done $0x0  }
0x31: {  	[sflag:s19] =	ssyncadd.s32 $0xFFFFD800  }
0x32: {  	[spmem:s13] =	stream.linear.scatter [tilespmem:s18], [sflag:$0x3], $0x2800, $0x38;
	[tilespmem:$0x1F400] =	vst v63  }
0x33: {  	_ =	swait.ge [sflag:s19], $0x2800  }
0x34: {  	[sflag:s19] =	ssyncset.done $0x0  }
0x35: {  	[sflag:s19] =	ssyncadd.s32 $0xFFFFD800  }
0x36: {  	[spmem:s5] =	stream.linear.scatter [tilespmem:s18], [sflag:$0x3], $0x400, $0x38;
	[tilespmem:$0x1F400] =	vst v63  }
0x37: {  	_ =	swait.ge [sflag:s19], $0x400  }
0x38: {  	[sflag:s19] =	ssyncset.done $0x0  }
0x39: {  	s31 =	simm.s32 $0x0;
	[sflag:s19] =	ssyncadd.s32 $0xFFFFFC00  }
0x3a: {  	[tilespmem:s31], [sflag:$0x3] =	stream.linear.gather [hbm4b:s6+s31], $0x7D00, $0x38;
	[tilespmem:$0x1F400] =	vst v63  }
0x3b: {  	_ =	swait.ge [sflag:s19], $0x7D00  }
0x3c: {  	[sflag:s19] =	ssyncset.done $0x0  }
0x3d: {  	[sflag:s19] =	ssyncadd.s32 $0xFFFF8300  }
0x3e: {  	[tilespmem:s20], [sflag:$0x3] =	stream.linear.gather [hbm4b:s7+s31], $0x7D00, $0x38;
	[tilespmem:$0x1F400] =	vst v63  }
0x3f: {  	_ =	swait.ge [sflag:s19], $0x7D00  }
0x40: {  	[sflag:s19] =	ssyncset.done $0x0  }
0x41: {  	s28 =	simm.s32 $0x0;
	[sflag:s19] =	ssyncadd.s32 $0xFFFF8300  }
0x42: {  	v2 =	vld [tilespmem:s28+$0x30]  }
0x43: {  	v4 =	vld [tilespmem:s28+$0x20]  }
0x44: {  	v3 =	vld [tilespmem:s28+$0x0];
	_ =	sdelay $0x2  }
0x45: {  	v6 =	vld [tilespmem:s28+$0x10];
	v5 =	vsub.s32 v2, v0;
	v2 =	vand.u32 $0x7F, v2  }
0x46: {  	v8 =	vand.u32 $0x7F, v4;
	vm0 =	vgt.u32 v5, $0x13FF;
	v2 =	vor.u32 $0x1400, v2  }
0x47: {  	v2 =	vsel vm0, v2, v5;
	v5 =	vsub.s32 v3, v0;
	v3 =	vand.u32 $0x7F, v3  }
0x48: {  	s26 =	simm.s32 $0x80;
	v7 =	vld [tilespmem:s28+$0x40];
	[tilespmem:s28+$0x30] =	vst v2;
	vm13 =	vgt.u32 v5, $0x13FF;
	v2 =	vor.u32 $0x1400, v3;
	v3 =	vsub.s32 v4, v0  }
0x49: {  	v4 =	vld [tilespmem:s26+$0x30];
	v2 =	vsel vm13, v2, v5;
	vm14 =	vgt.u32 v3, $0x13FF;
	v5 =	vor.u32 $0x1400, v8  }
0x4a: {  	v8 =	vsub.s32 v6, v0;
	[tilespmem:s28+$0x0] =	vst v2;
	v2 =	vand.u32 $0x7F, v6;
	v5 =	vsel vm14, v5, v3  }
0x4b: {  	vm15 =	vgt.u32 v8, $0x13FF;
	v3 =	vld [tilespmem:s26+$0x0];
	v6 =	vor.u32 $0x1400, v2;
	[tilespmem:s28+$0x20] =	vst v5  }
0x4c: {  	v2 =	vld [tilespmem:s26+$0x20];
	v5 =	vsel vm15, v6, v8  }
0x4d: {  	s29 =	simm.s32 $0x400;
	v6 =	vand.u32 $0x7F, v7;
	[tilespmem:s28+$0x10] =	vst v5;
	v5 =	vsub.s32 v7, v0  }
.LBB2_4:
0x4e: {  	s30 =	sshra.s32 s29, $0x2;
	p0 =	sne.s32 s29, $0x1F200;
	s29 =	sadd.s32 $0x200, s29;
	v7 =	vsub.s32 v4, v0;
	v4 =	vand.u32 $0x7F, v4;
	v6 =	vor.u32 $0x1400, v6  }
0x4f: {  	vm1 =	vgt.u32 v5, $0x13FF;
	v8 =	vld [tilespmem:s26+$0x10];
	vm0 =	vgt.u32 v7, $0x13FF;
	v4 =	vor.u32 $0x1400, v4  }
0x50: {  	v5 =	vsel vm1, v6, v5;
	v9 =	vsub.s32 v3, v0;
	v4 =	vsel vm0, v4, v7  }
0x51: {  	v3 =	vand.u32 $0x7F, v3;
	vm0 =	vgt.u32 v9, $0x13FF;
	v6 =	vsub.s32 v2, v0;
	[tilespmem:s28+$0x40] =	vst v5;
	s28 =	smov.u32 s26;
	s26 =	smov.u32 s30  }
0x52: {  	v3 =	vor.u32 $0x1400, v3;
	v2 =	vand.u32 $0x7F, v2;
	vm1 =	vgt.u32 v6, $0x13FF;
	[tilespmem:s28+$0x30] =	vst v4;
	v7 =	vld [tilespmem:s28+$0x40]  }
.Ltmp1:
0x53: {  	v3 =	vsel vm0, v3, v9;
	v2 =	vor.u32 $0x1400, v2;
	v4 =	vld [tilespmem:s26+$0x30];
	(pc) =	sbr.rel @p0 .LBB2_4-.Ltmp1, $4  }
0x54: {  	v2 =	vsel vm1, v2, v6;
	[tilespmem:s28+$0x0] =	vst v3;
	v5 =	vsub.s32 v8, v0;
	v8 =	vand.u32 $0x7F, v8  }
0x55: {  	v3 =	vld [tilespmem:s26+$0x0];
	vm0 =	vgt.u32 v5, $0x13FF;
	v6 =	vor.u32 $0x1400, v8;
	[tilespmem:s28+$0x20] =	vst v2  }
0x56: {  	v2 =	vld [tilespmem:s26+$0x20];
	v5 =	vsel vm0, v6, v5  }
0x57: {  	[tilespmem:s28+$0x10] =	vst v5;
	v5 =	vsub.s32 v7, v0;
	v6 =	vand.u32 $0x7F, v7  }
0x58: {  	v6 =	vor.u32 $0x1400, v6;
	vm0 =	vgt.u32 v5, $0x13FF  }
0x59: {  	v7 =	vsub.s32 v4, v0;
	v58 =	vand.u32 $0x7F, v4;
	v8 =	vld [tilespmem:s26+$0x10];
	v5 =	vsel vm0, v6, v5  }
0x5a: {  	vm1 =	vgt.u32 v7, $0x13FF;
	v4 =	vor.u32 $0x1400, v58;
	[tilespmem:s28+$0x40] =	vst v5  }
0x5b: {  	v4 =	vsel vm1, v4, v7;
	v59 =	vsub.s32 v3, v0;
	v5 =	vld [tilespmem:s26+$0x40]  }
0x5c: {  	v3 =	vand.u32 $0x7F, v3;
	vm12 =	vgt.u32 v59, $0x13FF;
	v60 =	vsub.s32 v2, v0  }
0x5d: {  	v3 =	vor.u32 $0x1400, v3;
	v2 =	vand.u32 $0x7F, v2;
	vm13 =	vgt.u32 v60, $0x13FF  }
0x5e: {  	v3 =	vsel vm12, v3, v59;
	v2 =	vor.u32 $0x1400, v2;
	v61 =	vsub.s32 v8, v0  }
0x5f: {  	[tilespmem:s26+$0x30] =	vst v4;
	v62 =	vand.u32 $0x7F, v8;
	v2 =	vsel vm13, v2, v60;
	vm14 =	vgt.u32 v61, $0x13FF  }
0x60: {  	[tilespmem:s26+$0x0] =	vst v3;
	v3 =	vor.u32 $0x1400, v62;
	v63 =	vsub.s32 v5, v0;
	v5 =	vand.u32 $0x7F, v5  }
0x61: {  	[tilespmem:s26+$0x20] =	vst v2;
	v2 =	vsel vm14, v3, v61;
	v3 =	vor.u32 $0x1400, v5;
	vm15 =	vgt.u32 v63, $0x13FF  }
0x62: {  	[tilespmem:s26+$0x10] =	vst v2;
	v2 =	vsel vm15, v3, v63  }
0x63: {  	[tilespmem:s26+$0x40] =	vst v2  }
0x64: {  	s31 =	simm.s32 $0x8000;
	[bflag:$0x0] =	sbarrier.arrive $0xFFFF  }
0x65: {  	[tilespmem:s18], [sflag:$0x1] =	stream.indirect.gather [hbm4b:s4+s21], $0x80, s31, s21, $0xb8;
	[tilespmem:$0x1F400] =	vst v63  }
0x66: {  	s29 =	simm.s32 $0x8080  }
0x67: {  	[tilespmem:s22], [sflag:$0x2] =	stream.indirect.gather [hbm4b:s4+s21], $0x80, s29, s21, $0xb8;
	[tilespmem:$0x1F400] =	vst v63  }
0x68: {  	_ =	swait.ge [sflag:s23], $0x2800  }
0x69: {  	[sflag:s23] =	ssyncset.done $0x0  }
0x6a: {  	[sflag:s23] =	ssyncadd.s32 $0xFFFFD800  }
0x6b: {  	_ =	swait.ge [sflag:s24], $0x2800  }
0x6c: {  	[sflag:s24] =	ssyncset.done $0x0  }
0x6d: {  	s30 =	simm.s32 $0x0;
	[sflag:s24] =	ssyncadd.s32 $0xFFFFD800  }
0x6e: {  	[spmem:s1] =	stream.indirect.scatter.add.f32 [tilespmem:s18], [sflag:$0x1], $0x80, s30, s21, $0xb8;
	[tilespmem:$0x1F400] =	vst v63  }
0x6f: {  	s31 =	simm.s32 $0x80  }
0x70: {  	[spmem:s1] =	stream.indirect.scatter.add.f32 [tilespmem:s22], [sflag:$0x2], $0x80, s31, s21, $0xb8;
	[tilespmem:$0x1F400] =	vst v63  }
0x71: {  	_ =	swait.ge [sflag:s23], $0x2800  }
0x72: {  	[sflag:s23] =	ssyncset.done $0x0  }
0x73: {  	[sflag:s23] =	ssyncadd.s32 $0xFFFFD800  }
0x74: {  	_ =	swait.ge [sflag:s24], $0x2800  }
0x75: {  	s28 =	simm.s32 $0x800;
	s26 =	simm.s32 $0x100;
	[sflag:s24] =	ssyncset.done $0x0  }
.LBB2_6:
0x76: {  	s29 =	sadd.s32 $0x8000, s26  }
0x77: {  	[sflag:s24] =	ssyncadd.s32 $0xFFFFD800;
	s30 =	smov.u32 s28;
	s31 =	sadd.s32 $0x400, s28  }
0x78: {  	[tilespmem:s18], [sflag:$0x1] =	stream.indirect.gather [hbm4b:s4+s21], $0x80, s29, s21, $0xb8;
	[tilespmem:$0x1F400] =	vst v63  }
0x79: {  	p0 =	sne.s32 s28, $0x1F000;
	s28 =	sadd.s32 $0x8080, s26  }
0x7a: {  	[tilespmem:s22], [sflag:$0x2] =	stream.indirect.gather [hbm4b:s4+s21], $0x80, s28, s21, $0xb8;
	[tilespmem:$0x1F400] =	vst v63  }
0x7b: {  	_ =	swait.ge [sflag:s23], $0x2800  }
0x7c: {  	[sflag:s23] =	ssyncset.done $0x0  }
0x7d: {  	[sflag:s23] =	ssyncadd.s32 $0xFFFFD800  }
0x7e: {  	_ =	swait.ge [sflag:s24], $0x2800  }
0x7f: {  	[sflag:s24] =	ssyncset.done $0x0  }
0x80: {  	[sflag:s24] =	ssyncadd.s32 $0xFFFFD800  }
0x81: {  	[spmem:s1] =	stream.indirect.scatter.add.f32 [tilespmem:s18], [sflag:$0x1], $0x80, s26, s21, $0xb8;
	[tilespmem:$0x1F400] =	vst v63  }
0x82: {  	s26 =	sadd.s32 $0x80, s26  }
0x83: {  	[spmem:s1] =	stream.indirect.scatter.add.f32 [tilespmem:s22], [sflag:$0x2], $0x80, s26, s21, $0xb8;
	[tilespmem:$0x1F400] =	vst v63  }
.Ltmp2:
0x84: {  	_ =	swait.ge [sflag:s23], $0x2800;
	(pc) =	sbr.rel @p0 .LBB2_6-.Ltmp2, $4  }
0x85: {  	[sflag:s23] =	ssyncset.done $0x0  }
0x86: {  	[sflag:s23] =	ssyncadd.s32 $0xFFFFD800  }
0x87: {  	_ =	swait.ge [sflag:s24], $0x2800  }
0x88: {  	s28 =	smov.u32 s31;
	s26 =	sshra.s32 s30, $0x2;
	[sflag:s24] =	ssyncset.done $0x0  }
0x89: {  	s28 =	sadd.s32 $0x8000, s26;
	[sflag:s24] =	ssyncadd.s32 $0xFFFFD800  }
0x8a: {  	[tilespmem:s18], [sflag:$0x1] =	stream.indirect.gather [hbm4b:s4+s21], $0x80, s28, s21, $0xb8;
	[tilespmem:$0x1F400] =	vst v63  }
0x8b: {  	s30 =	sadd.s32 $0x8080, s26  }
0x8c: {  	[tilespmem:s22], [sflag:$0x2] =	stream.indirect.gather [hbm4b:s4+s21], $0x80, s30, s21, $0xb8;
	[tilespmem:$0x1F400] =	vst v63  }
0x8d: {  	_ =	swait.ge [sflag:s23], $0x2800  }
0x8e: {  	[sflag:s23] =	ssyncset.done $0x0  }
0x8f: {  	[sflag:s23] =	ssyncadd.s32 $0xFFFFD800  }
0x90: {  	_ =	swait.ge [sflag:s24], $0x2800  }
0x91: {  	[sflag:s24] =	ssyncset.done $0x0  }
0x92: {  	[sflag:s24] =	ssyncadd.s32 $0xFFFFD800  }
0x93: {  	[spmem:s1] =	stream.indirect.scatter.add.f32 [tilespmem:s18], [sflag:$0x1], $0x80, s26, s21, $0xb8;
	[tilespmem:$0x1F400] =	vst v63  }
0x94: {  	s31 =	sadd.s32 $0x80, s26  }
0x95: {  	[spmem:s1] =	stream.indirect.scatter.add.f32 [tilespmem:s22], [sflag:$0x2], $0x80, s31, s21, $0xb8;
	[tilespmem:$0x1F400] =	vst v63  }
0x96: {  	_ =	swait.ge [sflag:s23], $0x2800  }
0x97: {  	[sflag:s23] =	ssyncset.done $0x0  }
0x98: {  	[sflag:s23] =	ssyncadd.s32 $0xFFFFD800  }
0x99: {  	_ =	swait.ge [sflag:s24], $0x2800  }
0x9a: {  	[sflag:s24] =	ssyncset.done $0x0  }
0x9b: {  	[sflag:s24] =	ssyncadd.s32 $0xFFFFD800  }
0x9c: {  	[bflag:$0x0] =	sbarrier.arrive $0xFFFF  }
0x9d: {  	[tilespmem:s18], [sflag:$0x3] =	stream.linear.gather [spmem:s9], $0x2800, $0x38;
	[tilespmem:$0x1F400] =	vst v63  }
0x9e: {  	_ =	swait.ge [sflag:s19], $0x2800  }
0x9f: {  	[sflag:s19] =	ssyncset.done $0x0  }
0xa0: {  	[sflag:s19] =	ssyncadd.s32 $0xFFFFD800  }
0xa1: {  	[hbm4b:s14+s3] =	stream.linear.scatter [tilespmem:s18], [sflag:$0x3], $0x2800, $0x38;
	[tilespmem:$0x1F400] =	vst v63  }
0xa2: {  	_ =	swait.ge [sflag:s19], $0x2800  }
0xa3: {  	[sflag:s19] =	ssyncset.done $0x0  }
0xa4: {  	[sflag:s19] =	ssyncadd.s32 $0xFFFFD800  }
0xa5: {  	[tilespmem:s18], [sflag:$0x3] =	stream.linear.gather [spmem:s11], $0x2800, $0x38;
	[tilespmem:$0x1F400] =	vst v63  }
0xa6: {  	_ =	swait.ge [sflag:s19], $0x2800  }
0xa7: {  	[sflag:s19] =	ssyncset.done $0x0  }
0xa8: {  	[sflag:s19] =	ssyncadd.s32 $0xFFFFD800  }
0xa9: {  	[hbm4b:s15+s3] =	stream.linear.scatter [tilespmem:s18], [sflag:$0x3], $0x2800, $0x38;
	[tilespmem:$0x1F400] =	vst v63  }
0xaa: {  	_ =	swait.ge [sflag:s19], $0x2800  }
0xab: {  	[sflag:s19] =	ssyncset.done $0x0  }
0xac: {  	[sflag:s19] =	ssyncadd.s32 $0xFFFFD800  }
0xad: {  	[tilespmem:s18], [sflag:$0x3] =	stream.linear.gather [spmem:s12], $0x2800, $0x38;
	[tilespmem:$0x1F400] =	vst v63  }
0xae: {  	_ =	swait.ge [sflag:s19], $0x2800  }
0xaf: {  	[sflag:s19] =	ssyncset.done $0x0  }
0xb0: {  	[sflag:s19] =	ssyncadd.s32 $0xFFFFD800  }
0xb1: {  	[hbm4b:s16+s3] =	stream.linear.scatter [tilespmem:s18], [sflag:$0x3], $0x2800, $0x38;
	[tilespmem:$0x1F400] =	vst v63  }
0xb2: {  	_ =	swait.ge [sflag:s19], $0x2800  }
0xb3: {  	[sflag:s19] =	ssyncset.done $0x0  }
0xb4: {  	[sflag:s19] =	ssyncadd.s32 $0xFFFFD800  }
0xb5: {  	[tilespmem:s18], [sflag:$0x3] =	stream.linear.gather [spmem:s13], $0x2800, $0x38;
	[tilespmem:$0x1F400] =	vst v63  }
0xb6: {  	_ =	swait.ge [sflag:s19], $0x2800  }
0xb7: {  	[sflag:s19] =	ssyncset.done $0x0  }
0xb8: {  	[sflag:s19] =	ssyncadd.s32 $0xFFFFD800  }
0xb9: {  	[hbm4b:s17+s3] =	stream.linear.scatter [tilespmem:s18], [sflag:$0x3], $0x2800, $0x38;
	[tilespmem:$0x1F400] =	vst v63  }
0xba: {  	_ =	swait.ge [sflag:s19], $0x2800  }
0xbb: {  	[sflag:s19] =	ssyncset.done $0x0  }
0xbc: {  	[sflag:s19] =	ssyncadd.s32 $0xFFFFD800  }
0xbd: {  	[tilespmem:s18], [sflag:$0x3] =	stream.linear.gather [spmem:s5], $0x400, $0x38;
	[tilespmem:$0x1F400] =	vst v63  }
0xbe: {  	s25 =	sadd.s32 $0x1, s25;
	_ =	swait.ge [sflag:s19], $0x400  }
0xbf: {  	p0 =	sne.s32 s25, s10;
	[sflag:s19] =	ssyncset.done $0x0  }
.Ltmp3:
0xc0: {  	[sflag:s19] =	ssyncadd.s32 $0xFFFFFC00;
	(pc) =	sbr.rel @p0 .LBB2_1-.Ltmp3, $4  }
0xc1: {  	[hbm4b:s8+s3] =	stream.linear.scatter [tilespmem:s18], [sflag:$0x3], $0x400, $0x38;
	[tilespmem:$0x1F400] =	vst v63  }
0xc2: {  	_ =	swait.ge [sflag:s19], $0x400  }
0xc3: {  	[sflag:s19] =	ssyncset.done $0x0  }
0xc4: {  	[sflag:s19] =	ssyncadd.s32 $0xFFFFFC00  }
0xc5: {  	_ =	sfence.sel $0x180000  }
0xc6: {  	[bflag:$0x0] =	sbarrier.arrive $0xFFFF  }
0xc7: {  	p0 =	sne.s32 s2, $0x0;
	_ =	strace $0x9000004D  }
0xc8: {  	s0 =	sadd.s32 @!p0 $0x100000, s0;
	[bflag:$0x2] =	sbarrier.arrive $0xFFFF  }
0xc9: {  	[sflag:s0] =	ssyncadd.tile.s32 @!p0 $0x1;
	_ =	shalt  }
.Lfunc_end2:
_tile_overlayer_lowered:
.L_overlay_start_2:
0xca: {  	(tag) =	ssettag $0x2  }
0xcb: {  	s0 =	rddreg [dreg:$0x0];
	s2 =	stileid.u32  }
0xcc: {  	s1 =	rddreg [dreg:$0x1];
	p0 =	sne.s32 s2, $0x0  }
0xcd: {  	s3 =	rddreg [dreg:$0x2];
	[bflag:$0x3] =	sbarrier.arrive $0xFFFF;
	s2 =	simm.s32 @!p0 $0x1C03  }
0xce: {  	[timem:s3], [sflag:s2] =	dma.local @!p0 [hbm:s0], s1  }
0xcf: {  	s0 =	simm.s32 @!p0 $0x3  }
0xd0: {  	_ =	swait.ge @!p0 [sflag:s0], s1  }
0xd1: {  	s1 =	ssub.s32 @!p0 $0x0, s1;
	[sflag:s0] =	ssyncset.done @!p0 $0x0  }
0xd2: {  	[sflag:s0] =	ssyncadd.s32 @!p0 s1  }
0xd3: {  	[bflag:$0x3] =	sbarrier.arrive $0xFFFF  }
0xd4: {  	_ =	shalt  }

// kernel: kernel.14.cloned.1.call-start
scs
__scs_entry_jumppad:
0x0: {  	(pc) =	sbr.rel $0x88, $3  }
0x1: {  	(tag) =	ssettag $0x0;
	lr =	simm.s32 $0x1  }
0x2: {  	[smem:$0x3F9D] =	sst lr;
	_ =	strace $0xD0000000  }
0x3: {  	_ = 	snop  }
0x4: {  	_ = 	snop  }
0x5: {  	_ = 	snop  }
0x6: {  	_ = 	snop  }
0x7: {  	_ = 	snop  }
__scs_overlays_trampoline_lowered:
0x8: {  	[smem:$0x3FAC] =	sst s0  }
0x9: {  	[smem:$0x3FAD] =	sst s1  }
0xa: {  	[smem:$0x3FAE] =	sst s2  }
0xb: {  	[smem:$0x3FAF] =	sst s3  }
0xc: {  	[smem:$0x3FB0] =	sst s4  }
0xd: {  	[smem:$0x3FB1] =	sst s5  }
0xe: {  	[smem:$0x3FB2] =	sst s6  }
0xf: {  	[smem:$0x3FB3] =	sst s7  }
0x10: {  	[smem:$0x3FB4] =	sst s8  }
0x11: {  	[smem:$0x3FB5] =	sst s9;
	s0 =	simm.s32 @!p0 $0x0  }
0x12: {  	s1 =	sld [smem:$0x3F9B];
	s0 =	simm.s32 @p0 $0x1  }
0x13: {  	[smem:$0x3FB6] =	sst s0;
	s0 =	simm.s32 @!p1 $0x0  }
0x14: {  	s2 =	sld [smem:$0x3F9A];
	s0 =	simm.s32 @p1 $0x1  }
0x15: {  	[smem:$0x3FB7] =	sst s0;
	s0 =	simm.s32 @!p2 $0x0  }
0x16: {  	s3 =	sld [smem:$0x3FDB];
	s0 =	simm.s32 @p2 $0x1  }
0x17: {  	s4 =	simm.s32 $0x1BF5;
	[smem:$0x3FB9] =	sst s0  }
0x18: {  	s0 =	sld [smem:$0x3F9C];
	_ =	swait.ge [sflag:s4], $0x0  }
0x19: {  	s7 =	sld [smem:$0x3F9D]  }
0x1a: {  	s8 =	sadd.s32 $0xFFFFE003, lr  }
0x1b: {  	s9 =	sadd.s32 $0xFFFFFEF7, lr;
	s5 =	simm.s32 $0xFFFFFFFF;
	p2 =	slt.u32 s8, $0xFFFFF086  }
0x1c: {  	p1 =	slt.u32 s9, $0xF7A;
	s5 =	simm.s32 @!p2 $0x0  }
0x1d: {  	s5 =	simm.s32 @p1 $0x1;
	p0 =	seq.s32 s7, s2  }
0x1e: {  	s7 =	smul.u32 @!p0 $0xF7A, s2;
	p2 =	seq.s32 @!p0 s5, $0x0  }
0x1f: {  	s9 =	smul.u32 $0xF7A, s1;
	s8 =	simm.s32 @!p0 $0x1BF5;
	p2 =	por !p2, p0  }
0x20: {  	[sflag:s8] =	ssyncset.s32 @!p0 $0xFFFFF086;
	s6 =	sadd.s32 @!p0 s3, s7;
	s7 =	simm.s32 @!p0 $0x108  }
0x21: {  	s3 =	sadd.s32 s3, s9;
	s6 =	sadd.s32 @!p0 $0x88, s6;
	s7 =	simm.s32 @p2 $0x1082  }
0x22: {  	[simem:s7], [sflag:s8] =	dma.local @!p0 [hbm:s6], $0xF7A  }
0x23: {  	s9 =	sor.u32 $0xD0000000, s2;
	s6 =	simm.s32 $0x108;
	_ =	swait.ge @!p0 [sflag:s8], $0x0  }
0x24: {  	s3 =	sadd.s32 $0x88, s3;
	s6 =	simm.s32 @!p1 $0x1082;
	[sflag:s4] =	ssyncset.s32 $0xFFFFF086  }
0x25: {  	[simem:s6], [sflag:s4] =	dma.local [hbm:s3], $0xF7A  }
0x26: {  	[smem:$0x3F9D] =	sst s1;
	(tag) =	ssettag s2;
	_ =	strace s9  }
0x27: {  	s1 =	sld [smem:$0x3FAD]  }
0x28: {  	s2 =	sld [smem:$0x3FAE]  }
0x29: {  	s4 =	sld [smem:$0x3FB0]  }
0x2a: {  	p0 =	seq.s32 s5, $0x0;
	s5 =	sld [smem:$0x3FB1]  }
0x2b: {  	s6 =	sld [smem:$0x3FB2]  }
0x2c: {  	s7 =	sld [smem:$0x3FB3]  }
0x2d: {  	s3 =	simm.s32 $0x108;
	s8 =	sld [smem:$0x3FB4]  }
0x2e: {  	s3 =	simm.s32 @!p0 $0x1082;
	s9 =	sld [smem:$0x3FB5]  }
0x2f: {  	lr =	sadd.s32 s0, s3;
	s0 =	sld [smem:$0x3FAC]  }
0x30: {  	s3 =	sld [smem:$0x3FAF]  }
0x31: {  	[smem:$0x3FB8] =	sst s10  }
0x32: {  	s10 =	sld [smem:$0x3FB6];
	_ =	sdelay $0x3  }
0x33: {  	p0 =	seq.s32 s10, $0x1;
	s10 =	sld [smem:$0x3FB8];
	_ =	sdelay $0x3  }
0x34: {  	[smem:$0x3FB8] =	sst s10  }
0x35: {  	s10 =	sld [smem:$0x3FB7];
	_ =	sdelay $0x3  }
0x36: {  	p1 =	seq.s32 s10, $0x1;
	s10 =	sld [smem:$0x3FB8];
	_ =	sdelay $0x3  }
0x37: {  	[smem:$0x3FB8] =	sst s10  }
0x38: {  	s10 =	sld [smem:$0x3FB9]  }
0x39: {  	_ = 	snop;
	(pc) =	sbr.ind lr, $3  }
0x3a: {  	_ = 	snop  }
0x3b: {  	_ = 	snop  }
0x3c: {  	p2 =	seq.s32 s10, $0x1;
	s10 =	sld [smem:$0x3FB8]  }
0x3d: {  	_ =	shalt  }
0x3e: {  	_ =	shalt  }
0x3f: {  	_ =	shalt  }
0x40: {  	_ =	shalt  }
0x41: {  	_ =	shalt  }
0x42: {  	_ =	shalt  }
0x43: {  	_ =	shalt  }
0x44: {  	_ =	shalt  }
0x45: {  	_ =	shalt  }
0x46: {  	_ =	shalt  }
0x47: {  	_ =	shalt  }
0x48: {  	_ =	shalt  }
0x49: {  	_ =	shalt  }
0x4a: {  	_ =	shalt  }
0x4b: {  	_ =	shalt  }
0x4c: {  	_ =	shalt  }
0x4d: {  	_ =	shalt  }
0x4e: {  	_ =	shalt  }
0x4f: {  	_ =	shalt  }
0x50: {  	_ =	shalt  }
0x51: {  	_ =	shalt  }
0x52: {  	_ =	shalt  }
0x53: {  	_ =	shalt  }
0x54: {  	_ =	shalt  }
0x55: {  	_ =	shalt  }
0x56: {  	_ =	shalt  }
0x57: {  	_ =	shalt  }
0x58: {  	_ =	shalt  }
0x59: {  	_ =	shalt  }
0x5a: {  	_ =	shalt  }
0x5b: {  	_ =	shalt  }
0x5c: {  	_ =	shalt  }
0x5d: {  	_ =	shalt  }
0x5e: {  	_ =	shalt  }
0x5f: {  	_ =	shalt  }
0x60: {  	_ =	shalt  }
0x61: {  	_ =	shalt  }
0x62: {  	_ =	shalt  }
0x63: {  	_ =	shalt  }
0x64: {  	_ =	shalt  }
0x65: {  	_ =	shalt  }
0x66: {  	_ =	shalt  }
0x67: {  	_ =	shalt  }
0x68: {  	_ =	shalt  }
0x69: {  	_ =	shalt  }
0x6a: {  	_ =	shalt  }
0x6b: {  	_ =	shalt  }
0x6c: {  	_ =	shalt  }
0x6d: {  	_ =	shalt  }
0x6e: {  	_ =	shalt  }
0x6f: {  	_ =	shalt  }
0x70: {  	_ =	shalt  }
0x71: {  	_ =	shalt  }
0x72: {  	_ =	shalt  }
0x73: {  	_ =	shalt  }
0x74: {  	_ =	shalt  }
0x75: {  	_ =	shalt  }
0x76: {  	_ =	shalt  }
0x77: {  	_ =	shalt  }
0x78: {  	_ =	shalt  }
0x79: {  	_ =	shalt  }
0x7a: {  	_ =	shalt  }
0x7b: {  	_ =	shalt  }
0x7c: {  	_ =	shalt  }
0x7d: {  	_ =	shalt  }
0x7e: {  	_ =	shalt  }
0x7f: {  	_ =	shalt  }
0x80: {  	_ =	shalt  }
0x81: {  	_ =	shalt  }
0x82: {  	_ =	shalt  }
0x83: {  	_ =	shalt  }
0x84: {  	_ =	shalt  }
0x85: {  	_ =	shalt  }
0x86: {  	_ =	shalt  }
0x87: {  	_ =	shalt  }
.Lfunc_end0:
.L_simem_size_0:
called_computation.2_lowered:
.L_overlay_start_0:
0x88: {  	s2 =	sld [smem:$0x3FD9]  }
0x89: {  	s3 =	sld [smem:$0x3FFE];
	_ =	sdelay $0x1  }
0x8a: {  	s1 =	srdreg.scid  }
0x8b: {  	s0 =	sand.u32 $0x1, s1  }
0x8c: {  	s17 =	sshll.u32 s0, $0xA;
	s2 =	sadd.s32 s3, s2  }
0x8d: {  	s2 =	sadd.s32 s2, s17  }
0x8e: {  	[smem:$0x3FC4] =	sst s2  }
0x8f: {  	_ = 	snop  }
0x90: {  	s18 =	sld [smem:$0x3FC9];
	(tm) =	ssettm $0x1  }
0x91: {  	s19 =	sld [smem:$0x3FFB];
	_ =	sdelay $0x3  }
0x92: {  	_ =	strace s19  }
0x93: {  	s2 =	sld [smem:$0x3FFC];
	_ =	sdelay $0x3  }
0x94: {  	_ =	strace s2  }
0x95: {  	s2 =	sld [smem:$0x3FFD];
	_ =	sdelay $0x3  }
0x96: {  	_ =	strace s2  }
0x97: {  	_ =	strace $0x8FFFFFFF  }
0x98: {  	s20 =	sld [smem:$0x3FDB];
	_ =	sdelay $0x1  }
0x99: {  	s4 =	simm.s32 $_scs_section_size  }
0x9a: {  	s5 =	simm.s32 $_size__tile_overlayer_lowered;
	s6 =	simm.s32 $_tile_overlayer_lowered  }
0x9b: {  	s7 =	simm.s32 $0x1BFF;
	s21 =	sshll.u32 s6, $0x1;
	s4 =	sadd.s32 s4, s20  }
0x9c: {  	s22 =	simm.s32 $0x0;
	s5 =	sshll.u32 s5, $0x1;
	s6 =	sadd.s32 s21, s4  }
0x9d: {  	[timem:s22], [sflag:s7] =	dma.local [hbm:s6], s5  }
0x9e: {  	_ =	swait.ge [sflag:s7], s5  }
0x9f: {  	s5 =	ssub.s32 $0x0, s5;
	[sflag:s7] =	ssyncset.done $0x0  }
0xa0: {  	[sflag:s7] =	ssyncadd.s32 s5;
	_ =	sdelay $0x1  }
0xa1: {  	s23 =	simm.s32 $0x1B8B  }
0xa2: {  	_ =	swait.ge [sflag:s23], $0x1  }
0xa3: {  	[sflag:s23] =	ssyncset.done $0x0  }
0xa4: {  	[sflag:s23] =	ssyncadd.s32 $0xFFFFFFFF  }
0xa5: {  	s5 =	sld [smem:$0x0]  }
0xa6: {  	s6 =	sand.u32 $0xFFFFFFFE, s1  }
0xa7: {  	p0 =	sne.s32 s1, s6  }
0xa8: {  	s6 =	sshll.u32 @p0 s6, $0xE  }
0xa9: {  	s6 =	sadd.s32 @p0 $0x11B8D, s6;
	s7 =	sshll.u32 @p0 s5, $0x11  }
0xaa: {  	s6 =	sor.u32 @p0 s7, s6  }
0xab: {  	[sflag:s6] =	ssyncadd.remote.s32 @p0 $0x1;
	_ =	sdelay $0x1  }
0xac: {  	s6 =	simm.s32 @p0 $0x1B8D  }
0xad: {  	_ =	swait.eq @p0 [sflag:s6], $0x1  }
0xae: {  	[sflag:s6] =	ssyncadd.s32 @p0 $0xFFFFFFFF  }
0xaf: {  	s7 =	sshll.u32 @!p0 s1, $0xE  }
0xb0: {  	s7 =	sor.u32 @!p0 $0x4000, s7;
	s6 =	simm.s32 @!p0 $0x1B8D  }
0xb1: {  	s5 =	sshll.u32 @!p0 s5, $0x11;
	s7 =	sadd.s32 @!p0 $0x11B8D, s7;
	_ =	swait.eq @!p0 [sflag:s6], $0x1  }
0xb2: {  	s5 =	sor.u32 @!p0 s5, s7;
	[sflag:s6] =	ssyncadd.s32 @!p0 $0xFFFFFFFF  }
0xb3: {  	s25 =	simm.s32 $0x1B8E;
	s24 =	sld [smem:$0x3FFE];
	[sflag:s5] =	ssyncadd.remote.s32 @!p0 $0x1  }
0xb4: {  	s26 =	simm.s32 $execute0_lowered;
	[smem:$0x3FD2] =	sst s25  }
0xb5: {  	s6 =	sshll.u32 s26, $0x1;
	_ =	strace $0x80000049;
	[dreg:$0x1] =	wrdreg $0xFFFFFFFF  }
0xb6: {  	s28 =	simm.s32 $_size_execute0_lowered;
	s4 =	sadd.s32 s4, s6;
	[dreg:$0x0] =	wrdreg $0x0  }
0xb7: {  	s6 =	sshll.u32 s28, $0x1;
	[dreg:$0x2] =	wrdreg s4  }
0xb8: {  	[dreg:$0x3] =	wrdreg s6  }
0xb9: {  	[dreg:$0x4] =	wrdreg $0xC0  }
0xba: {  	_ =	task [dreg:s22], $0x5FFFF  }
0xbb: {  	[dreg:$0x1] =	wrdreg $0xFFFFFFFF  }
0xbc: {  	[dreg:$0x0] =	wrdreg $0x60  }
0xbd: {  	[dreg:$0x2] =	wrdreg s18  }
0xbe: {  	[dreg:$0x3] =	wrdreg s24  }
0xbf: {  	[dreg:$0x4] =	wrdreg $0x150000  }
0xc0: {  	[dreg:$0x5] =	wrdreg $0xB  }
0xc1: {  	_ =	task.clear_ibuf [dreg:s22], $0x6FFFF;
	_ =	strace $0x90000049  }
0xc2: {  	s29 =	simm.s32 $0xB;
	_ =	strace $0x8000004B  }
0xc3: {  	_ =	swait.ge [sflag:s29], $0x1  }
0xc4: {  	[sflag:s29] =	ssyncadd.s32 $0xFFFFFFFF  }
0xc5: {  	_ =	strace $0x9000004B  }
0xc6: {  	_ =	sfence  }
0xc7: {  	s30 =	sld [smem:$0x0];
	_ =	sdelay $0x2  }
0xc8: {  	s31 =	sshll.u32 s1, $0xD;
	s1 =	sshrl.u32 s1, $0x2  }
0xc9: {  	s4 =	sand.u32 $0x4000, s31;
	s1 =	sadd.s32 s1, s30  }
0xca: {  	s0 =	sor.u32 s4, s0;
	s1 =	sshll.u32 s1, $0x11  }
0xcb: {  	s0 =	sor.u32 s1, s0  }
0xcc: {  	s0 =	sadd.s32 $0x8F2B, s0  }
0xcd: {  	[sflag:s0] =	ssyncadd.remote.s32 $0x1  }
0xce: {  	_ =	sfence.sel $0xFFFF  }
0xcf: {  	[dreg:$0x0] =	wrdreg $0xFFFFFFFF;
	(pc) =	sbr.abs _section_cstart, $3  }
0xd0: {  	[dreg:$0x1] =	wrdreg $0xFFFFFFFF  }
0xd1: {  	_ =	task.clear_ibuf [dreg:s22], $0x2FFFF;
	_ =	strace $0x9FFFFFFF  }
0xd2: {  	(tm) =	ssettm $0x7FFFFFFF  }
0xd3: {  	_ =	shalt  }
tec
execute0_lowered:
.L_overlay_start_1:
0x0: {  	(tag) =	ssettag $0x1  }
0x1: {  	s1 =	rddreg [dreg:$0x0]  }
0x2: {  	s5 =	rddreg [dreg:$0x1]  }
0x3: {  	s3 =	rddreg [dreg:$0x2]  }
0x4: {  	s0 =	rddreg [dreg:$0x3];
	s4 =	simm.s32 $0x0  }
0x5: {  	s2 =	stileid.u32;
	s6 =	srdreg.scid;
	s20 =	simm.s32 $0x8000  }
0x6: {  	s21 =	simm.s32 $0x50;
	s22 =	simm.s32 $0x12800;
	s24 =	simm.s32 $0x2  }
0x7: {  	s25 =	simm.s32 $0x0;
	[smem:$0x7FF] =	sst s4;
	s12 =	smul.u32 $0xA400, s2  }
0x8: {  	s7 =	sshll.u32 s2, $0xC;
	s6 =	sand.u32 $0x1, s6;
	s9 =	smul.u32 $0x29000, s2  }
0x9: {  	s17 =	sadd.s32 $0x71800, s5;
	_ =	strace $0x8000004A;
	s15 =	smul.u32 $0xA4000, s6  }
0xa: {  	s7 =	sadd.s32 s7, s5;
	s8 =	ssub.s32 $0x2, s6;
	s23 =	smul.u32 $0x1400, s6  }
0xb: {  	s28 =	sshrl.u32 s8, $0x1;
	s29 =	sadd.s32 $0xA000, s12;
	s6 =	sadd.s32 $0x11600, s7  }
0xc: {  	s7 =	sadd.s32 $0x1600, s7;
	s9 =	sshrl.u32 s9, $0x2;
	s16 =	sadd.s32 $0x2800, s12  }
0xd: {  	s18 =	sadd.s32 $0x5000, s12;
	s19 =	sadd.s32 $0x7800, s12;
	s10 =	ssub.s32 s8, s28  }
0xe: {  	s5 =	sadd.s32 s29, s3;
	s30 =	sadd.s32 s15, s29;
	s9 =	sadd.s32 s9, s3  }
0xf: {  	s11 =	sadd.s32 s16, s3;
	s14 =	sadd.s32 s15, s12;
	s12 =	sadd.s32 s18, s3  }
0x10: {  	s13 =	sadd.s32 s19, s3;
	s16 =	sadd.s32 s15, s16;
	s18 =	sadd.s32 s15, s18  }
0x11: {  	s19 =	sadd.s32 s15, s19;
	v0 =	vmov s23;
	s23 =	simm.s32 $0x1;
	s8 =	sshrl.u32 s30, $0x3  }
0x12: {  	s10 =	smax.u32 s10, $0x1;
	s14 =	sshrl.u32 s14, $0x3;
	s16 =	sshrl.u32 s16, $0x3  }
0x13: {  	s18 =	sshrl.u32 s18, $0x3;
	s31 =	sshrl.u32 s19, $0x3;
	s19 =	simm.s32 $0x3  }
0x14: {  	s8 =	sadd.s32 s17, s8;
	s14 =	sadd.s32 s17, s14;
	s15 =	sadd.s32 s17, s16  }
0x15: {  	v1 =	vimm.f32 $0.0e+00;
	s16 =	sadd.s32 s17, s18;
	s17 =	sadd.s32 s17, s31;
	s18 =	simm.s32 $0x10000  }
.LBB2_1:
0x16: {  	s26 =	simm.s32 $0x0;
	s28 =	simm.s32 $0x200  }
.LBB2_2:
0x17: {  	p0 =	sne.s32 s28, $0x9E00;
	[tilespmem:s26+$0x10070] =	vst v1  }
0x18: {  	[tilespmem:s26+$0x10000] =	vst v1  }
0x19: {  	[tilespmem:s26+$0x10010] =	vst v1  }
.Ltmp0:
0x1a: {  	[tilespmem:s26+$0x10020] =	vst v1;
	(pc) =	sbr.rel @p0 .LBB2_2-.Ltmp0, $4  }
0x1b: {  	[tilespmem:s26+$0x10030] =	vst v1  }
0x1c: {  	[tilespmem:s26+$0x10040] =	vst v1  }
0x1d: {  	[tilespmem:s26+$0x10050] =	vst v1  }
0x1e: {  	[tilespmem:s26+$0x10060] =	vst v1;
	s26 =	sshra.s32 s28, $0x2;
	s28 =	sadd.s32 $0x200, s28  }
0x1f: {  	[tilespmem:s26+$0x10070] =	vst v1  }
0x20: {  	[tilespmem:s26+$0x10000] =	vst v1  }
0x21: {  	[tilespmem:s26+$0x10010] =	vst v1  }
0x22: {  	[tilespmem:s26+$0x10020] =	vst v1  }
0x23: {  	[tilespmem:s26+$0x10030] =	vst v1  }
0x24: {  	[tilespmem:s26+$0x10040] =	vst v1  }
0x25: {  	[tilespmem:s26+$0x10050] =	vst v1  }
0x26: {  	[tilespmem:s26+$0x10060] =	vst v1  }
0x27: {  	[spmem:s9] =	stream.linear.scatter [tilespmem:s18], [sflag:$0x3], $0x2800, $0x38;
	[tilespmem:$0x1F400] =	vst v63  }
0x28: {  	_ =	swait.ge [sflag:s19], $0x2800  }
0x29: {  	[sflag:s19] =	ssyncset.done $0x0  }
0x2a: {  	[sflag:s19] =	ssyncadd.s32 $0xFFFFD800  }
0x2b: {  	[spmem:s11] =	stream.linear.scatter [tilespmem:s18], [sflag:$0x3], $0x2800, $0x38;
	[tilespmem:$0x1F400] =	vst v63  }
0x2c: {  	_ =	swait.ge [sflag:s19], $0x2800  }
0x2d: {  	[sflag:s19] =	ssyncset.done $0x0  }
0x2e: {  	[sflag:s19] =	ssyncadd.s32 $0xFFFFD800  }
0x2f: {  	[spmem:s12] =	stream.linear.scatter [tilespmem:s18], [sflag:$0x3], $0x2800, $0x38;
	[tilespmem:$0x1F400] =	vst v63  }
0x30: {  	_ =	swait.ge [sflag:s19], $0x2800  }
0x31: {  	[sflag:s19] =	ssyncset.done $0x0  }
0x32: {  	[sflag:s19] =	ssyncadd.s32 $0xFFFFD800  }
0x33: {  	[spmem:s13] =	stream.linear.scatter [tilespmem:s18], [sflag:$0x3], $0x2800, $0x38;
	[tilespmem:$0x1F400] =	vst v63  }
0x34: {  	_ =	swait.ge [sflag:s19], $0x2800  }
0x35: {  	[sflag:s19] =	ssyncset.done $0x0  }
0x36: {  	[sflag:s19] =	ssyncadd.s32 $0xFFFFD800  }
0x37: {  	[spmem:s5] =	stream.linear.scatter [tilespmem:s18], [sflag:$0x3], $0x400, $0x38;
	[tilespmem:$0x1F400] =	vst v63  }
0x38: {  	_ =	swait.ge [sflag:s19], $0x400  }
0x39: {  	[sflag:s19] =	ssyncset.done $0x0  }
0x3a: {  	s31 =	simm.s32 $0x0;
	[sflag:s19] =	ssyncadd.s32 $0xFFFFFC00  }
0x3b: {  	[tilespmem:s31], [sflag:$0x3] =	stream.linear.gather [hbm4b:s6+s31], $0x7D00, $0x38;
	[tilespmem:$0x1F400] =	vst v63  }
0x3c: {  	_ =	swait.ge [sflag:s19], $0x7D00  }
0x3d: {  	[sflag:s19] =	ssyncset.done $0x0  }
0x3e: {  	[sflag:s19] =	ssyncadd.s32 $0xFFFF8300  }
0x3f: {  	[tilespmem:s20], [sflag:$0x3] =	stream.linear.gather [hbm4b:s7+s31], $0x7D00, $0x38;
	[tilespmem:$0x1F400] =	vst v63  }
0x40: {  	_ =	swait.ge [sflag:s19], $0x7D00  }
0x41: {  	[sflag:s19] =	ssyncset.done $0x0  }
0x42: {  	s28 =	simm.s32 $0x0;
	[sflag:s19] =	ssyncadd.s32 $0xFFFF8300  }
0x43: {  	v2 =	vld [tilespmem:s28+$0x30]  }
0x44: {  	v4 =	vld [tilespmem:s28+$0x20]  }
0x45: {  	v3 =	vld [tilespmem:s28+$0x0];
	_ =	sdelay $0x2  }
0x46: {  	v6 =	vld [tilespmem:s28+$0x10];
	v5 =	vsub.s32 v2, v0;
	v2 =	vand.u32 $0x7F, v2  }
0x47: {  	v8 =	vand.u32 $0x7F, v4;
	vm0 =	vgt.u32 v5, $0x13FF;
	v2 =	vor.u32 $0x1400, v2  }
0x48: {  	v2 =	vsel vm0, v2, v5;
	v5 =	vsub.s32 v3, v0;
	v3 =	vand.u32 $0x7F, v3  }
0x49: {  	s26 =	simm.s32 $0x80;
	v7 =	vld [tilespmem:s28+$0x40];
	[tilespmem:s28+$0x30] =	vst v2;
	vm13 =	vgt.u32 v5, $0x13FF;
	v2 =	vor.u32 $0x1400, v3;
	v3 =	vsub.s32 v4, v0  }
0x4a: {  	v4 =	vld [tilespmem:s26+$0x30];
	v2 =	vsel vm13, v2, v5;
	vm14 =	vgt.u32 v3, $0x13FF;
	v5 =	vor.u32 $0x1400, v8  }
0x4b: {  	v8 =	vsub.s32 v6, v0;
	[tilespmem:s28+$0x0] =	vst v2;
	v2 =	vand.u32 $0x7F, v6;
	v5 =	vsel vm14, v5, v3  }
0x4c: {  	vm15 =	vgt.u32 v8, $0x13FF;
	v3 =	vld [tilespmem:s26+$0x0];
	v6 =	vor.u32 $0x1400, v2;
	[tilespmem:s28+$0x20] =	vst v5  }
0x4d: {  	v2 =	vld [tilespmem:s26+$0x20];
	v5 =	vsel vm15, v6, v8  }
0x4e: {  	s29 =	simm.s32 $0x400;
	v6 =	vand.u32 $0x7F, v7;
	[tilespmem:s28+$0x10] =	vst v5;
	v5 =	vsub.s32 v7, v0  }
.LBB2_4:
0x4f: {  	s30 =	sshra.s32 s29, $0x2;
	p0 =	sne.s32 s29, $0x1F200;
	s29 =	sadd.s32 $0x200, s29;
	v7 =	vsub.s32 v4, v0;
	v4 =	vand.u32 $0x7F, v4;
	v6 =	vor.u32 $0x1400, v6  }
0x50: {  	vm1 =	vgt.u32 v5, $0x13FF;
	v8 =	vld [tilespmem:s26+$0x10];
	vm0 =	vgt.u32 v7, $0x13FF;
	v4 =	vor.u32 $0x1400, v4  }
0x51: {  	v5 =	vsel vm1, v6, v5;
	v9 =	vsub.s32 v3, v0;
	v4 =	vsel vm0, v4, v7  }
0x52: {  	v3 =	vand.u32 $0x7F, v3;
	vm0 =	vgt.u32 v9, $0x13FF;
	v6 =	vsub.s32 v2, v0;
	[tilespmem:s28+$0x40] =	vst v5;
	s28 =	smov.u32 s26;
	s26 =	smov.u32 s30  }
0x53: {  	v3 =	vor.u32 $0x1400, v3;
	v2 =	vand.u32 $0x7F, v2;
	vm1 =	vgt.u32 v6, $0x13FF;
	[tilespmem:s28+$0x30] =	vst v4;
	v7 =	vld [tilespmem:s28+$0x40]  }
.Ltmp1:
0x54: {  	v3 =	vsel vm0, v3, v9;
	v2 =	vor.u32 $0x1400, v2;
	v4 =	vld [tilespmem:s26+$0x30];
	(pc) =	sbr.rel @p0 .LBB2_4-.Ltmp1, $4  }
0x55: {  	v2 =	vsel vm1, v2, v6;
	[tilespmem:s28+$0x0] =	vst v3;
	v5 =	vsub.s32 v8, v0;
	v8 =	vand.u32 $0x7F, v8  }
0x56: {  	v3 =	vld [tilespmem:s26+$0x0];
	vm0 =	vgt.u32 v5, $0x13FF;
	v6 =	vor.u32 $0x1400, v8;
	[tilespmem:s28+$0x20] =	vst v2  }
0x57: {  	v2 =	vld [tilespmem:s26+$0x20];
	v5 =	vsel vm0, v6, v5  }
0x58: {  	[tilespmem:s28+$0x10] =	vst v5;
	v5 =	vsub.s32 v7, v0;
	v6 =	vand.u32 $0x7F, v7  }
0x59: {  	v6 =	vor.u32 $0x1400, v6;
	vm0 =	vgt.u32 v5, $0x13FF  }
0x5a: {  	v7 =	vsub.s32 v4, v0;
	v58 =	vand.u32 $0x7F, v4;
	v8 =	vld [tilespmem:s26+$0x10];
	v5 =	vsel vm0, v6, v5  }
0x5b: {  	vm1 =	vgt.u32 v7, $0x13FF;
	v4 =	vor.u32 $0x1400, v58;
	[tilespmem:s28+$0x40] =	vst v5  }
0x5c: {  	v4 =	vsel vm1, v4, v7;
	v59 =	vsub.s32 v3, v0;
	v5 =	vld [tilespmem:s26+$0x40]  }
0x5d: {  	v3 =	vand.u32 $0x7F, v3;
	vm12 =	vgt.u32 v59, $0x13FF;
	v60 =	vsub.s32 v2, v0  }
0x5e: {  	v3 =	vor.u32 $0x1400, v3;
	v2 =	vand.u32 $0x7F, v2;
	vm13 =	vgt.u32 v60, $0x13FF  }
0x5f: {  	v3 =	vsel vm12, v3, v59;
	v2 =	vor.u32 $0x1400, v2;
	v61 =	vsub.s32 v8, v0  }
0x60: {  	[tilespmem:s26+$0x30] =	vst v4;
	v62 =	vand.u32 $0x7F, v8;
	v2 =	vsel vm13, v2, v60;
	vm14 =	vgt.u32 v61, $0x13FF  }
0x61: {  	[tilespmem:s26+$0x0] =	vst v3;
	v3 =	vor.u32 $0x1400, v62;
	v63 =	vsub.s32 v5, v0;
	v5 =	vand.u32 $0x7F, v5  }
0x62: {  	[tilespmem:s26+$0x20] =	vst v2;
	v2 =	vsel vm14, v3, v61;
	v3 =	vor.u32 $0x1400, v5;
	vm15 =	vgt.u32 v63, $0x13FF  }
0x63: {  	[tilespmem:s26+$0x10] =	vst v2;
	v2 =	vsel vm15, v3, v63  }
0x64: {  	[tilespmem:s26+$0x40] =	vst v2  }
0x65: {  	s31 =	simm.s32 $0x8000;
	[bflag:$0x0] =	sbarrier.arrive $0xFFFF  }
0x66: {  	[tilespmem:s18], [sflag:$0x1] =	stream.indirect.gather [hbm4b:s1+s21], $0x80, s31, s21, $0xb8;
	[tilespmem:$0x1F400] =	vst v63  }
0x67: {  	s29 =	simm.s32 $0x8080  }
0x68: {  	[tilespmem:s22], [sflag:$0x2] =	stream.indirect.gather [hbm4b:s1+s21], $0x80, s29, s21, $0xb8;
	[tilespmem:$0x1F400] =	vst v63  }
0x69: {  	_ =	swait.ge [sflag:s23], $0x2800  }
0x6a: {  	[sflag:s23] =	ssyncset.done $0x0  }
0x6b: {  	[sflag:s23] =	ssyncadd.s32 $0xFFFFD800  }
0x6c: {  	_ =	swait.ge [sflag:s24], $0x2800  }
0x6d: {  	[sflag:s24] =	ssyncset.done $0x0  }
0x6e: {  	s30 =	simm.s32 $0x0;
	[sflag:s24] =	ssyncadd.s32 $0xFFFFD800  }
0x6f: {  	[spmem:s3] =	stream.indirect.scatter.add.f32 [tilespmem:s18], [sflag:$0x1], $0x80, s30, s21, $0xb8;
	[tilespmem:$0x1F400] =	vst v63  }
0x70: {  	s31 =	simm.s32 $0x80  }
0x71: {  	[spmem:s3] =	stream.indirect.scatter.add.f32 [tilespmem:s22], [sflag:$0x2], $0x80, s31, s21, $0xb8;
	[tilespmem:$0x1F400] =	vst v63  }
0x72: {  	_ =	swait.ge [sflag:s23], $0x2800  }
0x73: {  	[sflag:s23] =	ssyncset.done $0x0  }
0x74: {  	[sflag:s23] =	ssyncadd.s32 $0xFFFFD800  }
0x75: {  	_ =	swait.ge [sflag:s24], $0x2800  }
0x76: {  	s28 =	simm.s32 $0x800;
	s26 =	simm.s32 $0x100;
	[sflag:s24] =	ssyncset.done $0x0  }
.LBB2_6:
0x77: {  	s29 =	sadd.s32 $0x8000, s26  }
0x78: {  	[sflag:s24] =	ssyncadd.s32 $0xFFFFD800;
	s30 =	smov.u32 s28;
	s31 =	sadd.s32 $0x400, s28  }
0x79: {  	[tilespmem:s18], [sflag:$0x1] =	stream.indirect.gather [hbm4b:s1+s21], $0x80, s29, s21, $0xb8;
	[tilespmem:$0x1F400] =	vst v63  }
0x7a: {  	p0 =	sne.s32 s28, $0x1F000;
	s28 =	sadd.s32 $0x8080, s26  }
0x7b: {  	[tilespmem:s22], [sflag:$0x2] =	stream.indirect.gather [hbm4b:s1+s21], $0x80, s28, s21, $0xb8;
	[tilespmem:$0x1F400] =	vst v63  }
0x7c: {  	_ =	swait.ge [sflag:s23], $0x2800  }
0x7d: {  	[sflag:s23] =	ssyncset.done $0x0  }
0x7e: {  	[sflag:s23] =	ssyncadd.s32 $0xFFFFD800  }
0x7f: {  	_ =	swait.ge [sflag:s24], $0x2800  }
0x80: {  	[sflag:s24] =	ssyncset.done $0x0  }
0x81: {  	[sflag:s24] =	ssyncadd.s32 $0xFFFFD800  }
0x82: {  	[spmem:s3] =	stream.indirect.scatter.add.f32 [tilespmem:s18], [sflag:$0x1], $0x80, s26, s21, $0xb8;
	[tilespmem:$0x1F400] =	vst v63  }
0x83: {  	s26 =	sadd.s32 $0x80, s26  }
0x84: {  	[spmem:s3] =	stream.indirect.scatter.add.f32 [tilespmem:s22], [sflag:$0x2], $0x80, s26, s21, $0xb8;
	[tilespmem:$0x1F400] =	vst v63  }
.Ltmp2:
0x85: {  	_ =	swait.ge [sflag:s23], $0x2800;
	(pc) =	sbr.rel @p0 .LBB2_6-.Ltmp2, $4  }
0x86: {  	[sflag:s23] =	ssyncset.done $0x0  }
0x87: {  	[sflag:s23] =	ssyncadd.s32 $0xFFFFD800  }
0x88: {  	_ =	swait.ge [sflag:s24], $0x2800  }
0x89: {  	s28 =	smov.u32 s31;
	s26 =	sshra.s32 s30, $0x2;
	[sflag:s24] =	ssyncset.done $0x0  }
0x8a: {  	s28 =	sadd.s32 $0x8000, s26;
	[sflag:s24] =	ssyncadd.s32 $0xFFFFD800  }
0x8b: {  	[tilespmem:s18], [sflag:$0x1] =	stream.indirect.gather [hbm4b:s1+s21], $0x80, s28, s21, $0xb8;
	[tilespmem:$0x1F400] =	vst v63  }
0x8c: {  	s30 =	sadd.s32 $0x8080, s26  }
0x8d: {  	[tilespmem:s22], [sflag:$0x2] =	stream.indirect.gather [hbm4b:s1+s21], $0x80, s30, s21, $0xb8;
	[tilespmem:$0x1F400] =	vst v63  }
0x8e: {  	_ =	swait.ge [sflag:s23], $0x2800  }
0x8f: {  	[sflag:s23] =	ssyncset.done $0x0  }
0x90: {  	[sflag:s23] =	ssyncadd.s32 $0xFFFFD800  }
0x91: {  	_ =	swait.ge [sflag:s24], $0x2800  }
0x92: {  	[sflag:s24] =	ssyncset.done $0x0  }
0x93: {  	[sflag:s24] =	ssyncadd.s32 $0xFFFFD800  }
0x94: {  	[spmem:s3] =	stream.indirect.scatter.add.f32 [tilespmem:s18], [sflag:$0x1], $0x80, s26, s21, $0xb8;
	[tilespmem:$0x1F400] =	vst v63  }
0x95: {  	s31 =	sadd.s32 $0x80, s26  }
0x96: {  	[spmem:s3] =	stream.indirect.scatter.add.f32 [tilespmem:s22], [sflag:$0x2], $0x80, s31, s21, $0xb8;
	[tilespmem:$0x1F400] =	vst v63  }
0x97: {  	_ =	swait.ge [sflag:s23], $0x2800  }
0x98: {  	[sflag:s23] =	ssyncset.done $0x0  }
0x99: {  	[sflag:s23] =	ssyncadd.s32 $0xFFFFD800  }
0x9a: {  	_ =	swait.ge [sflag:s24], $0x2800  }
0x9b: {  	[sflag:s24] =	ssyncset.done $0x0  }
0x9c: {  	[sflag:s24] =	ssyncadd.s32 $0xFFFFD800  }
0x9d: {  	[bflag:$0x0] =	sbarrier.arrive $0xFFFF  }
0x9e: {  	[tilespmem:s18], [sflag:$0x3] =	stream.linear.gather [spmem:s9], $0x2800, $0x38;
	[tilespmem:$0x1F400] =	vst v63  }
0x9f: {  	_ =	swait.ge [sflag:s19], $0x2800  }
0xa0: {  	[sflag:s19] =	ssyncset.done $0x0  }
0xa1: {  	[sflag:s19] =	ssyncadd.s32 $0xFFFFD800  }
0xa2: {  	[hbm4b:s14+s4] =	stream.linear.scatter [tilespmem:s18], [sflag:$0x3], $0x2800, $0x38;
	[tilespmem:$0x1F400] =	vst v63  }
0xa3: {  	_ =	swait.ge [sflag:s19], $0x2800  }
0xa4: {  	[sflag:s19] =	ssyncset.done $0x0  }
0xa5: {  	[sflag:s19] =	ssyncadd.s32 $0xFFFFD800  }
0xa6: {  	[tilespmem:s18], [sflag:$0x3] =	stream.linear.gather [spmem:s11], $0x2800, $0x38;
	[tilespmem:$0x1F400] =	vst v63  }
0xa7: {  	_ =	swait.ge [sflag:s19], $0x2800  }
0xa8: {  	[sflag:s19] =	ssyncset.done $0x0  }
0xa9: {  	[sflag:s19] =	ssyncadd.s32 $0xFFFFD800  }
0xaa: {  	[hbm4b:s15+s4] =	stream.linear.scatter [tilespmem:s18], [sflag:$0x3], $0x2800, $0x38;
	[tilespmem:$0x1F400] =	vst v63  }
0xab: {  	_ =	swait.ge [sflag:s19], $0x2800  }
0xac: {  	[sflag:s19] =	ssyncset.done $0x0  }
0xad: {  	[sflag:s19] =	ssyncadd.s32 $0xFFFFD800  }
0xae: {  	[tilespmem:s18], [sflag:$0x3] =	stream.linear.gather [spmem:s12], $0x2800, $0x38;
	[tilespmem:$0x1F400] =	vst v63  }
0xaf: {  	_ =	swait.ge [sflag:s19], $0x2800  }
0xb0: {  	[sflag:s19] =	ssyncset.done $0x0  }
0xb1: {  	[sflag:s19] =	ssyncadd.s32 $0xFFFFD800  }
0xb2: {  	[hbm4b:s16+s4] =	stream.linear.scatter [tilespmem:s18], [sflag:$0x3], $0x2800, $0x38;
	[tilespmem:$0x1F400] =	vst v63  }
0xb3: {  	_ =	swait.ge [sflag:s19], $0x2800  }
0xb4: {  	[sflag:s19] =	ssyncset.done $0x0  }
0xb5: {  	[sflag:s19] =	ssyncadd.s32 $0xFFFFD800  }
0xb6: {  	[tilespmem:s18], [sflag:$0x3] =	stream.linear.gather [spmem:s13], $0x2800, $0x38;
	[tilespmem:$0x1F400] =	vst v63  }
0xb7: {  	_ =	swait.ge [sflag:s19], $0x2800  }
0xb8: {  	[sflag:s19] =	ssyncset.done $0x0  }
0xb9: {  	[sflag:s19] =	ssyncadd.s32 $0xFFFFD800  }
0xba: {  	[hbm4b:s17+s4] =	stream.linear.scatter [tilespmem:s18], [sflag:$0x3], $0x2800, $0x38;
	[tilespmem:$0x1F400] =	vst v63  }
0xbb: {  	_ =	swait.ge [sflag:s19], $0x2800  }
0xbc: {  	[sflag:s19] =	ssyncset.done $0x0  }
0xbd: {  	[sflag:s19] =	ssyncadd.s32 $0xFFFFD800  }
0xbe: {  	[tilespmem:s18], [sflag:$0x3] =	stream.linear.gather [spmem:s5], $0x400, $0x38;
	[tilespmem:$0x1F400] =	vst v63  }
0xbf: {  	s25 =	sadd.s32 $0x1, s25;
	_ =	swait.ge [sflag:s19], $0x400  }
0xc0: {  	p0 =	sne.s32 s25, s10;
	[sflag:s19] =	ssyncset.done $0x0  }
.Ltmp3:
0xc1: {  	[sflag:s19] =	ssyncadd.s32 $0xFFFFFC00;
	(pc) =	sbr.rel @p0 .LBB2_1-.Ltmp3, $4  }
0xc2: {  	[hbm4b:s8+s4] =	stream.linear.scatter [tilespmem:s18], [sflag:$0x3], $0x400, $0x38;
	[tilespmem:$0x1F400] =	vst v63  }
0xc3: {  	_ =	swait.ge [sflag:s19], $0x400  }
0xc4: {  	[sflag:s19] =	ssyncset.done $0x0  }
0xc5: {  	[sflag:s19] =	ssyncadd.s32 $0xFFFFFC00  }
0xc6: {  	_ =	sfence.sel $0x180000  }
0xc7: {  	[bflag:$0x0] =	sbarrier.arrive $0xFFFF  }
0xc8: {  	p0 =	sne.s32 s2, $0x0;
	_ =	strace $0x9000004A  }
0xc9: {  	s0 =	sadd.s32 @!p0 $0x100000, s0;
	[bflag:$0x2] =	sbarrier.arrive $0xFFFF  }
0xca: {  	[sflag:s0] =	ssyncadd.tile.s32 @!p0 $0x1;
	_ =	shalt  }
.Lfunc_end2:
_tile_overlayer_lowered:
.L_overlay_start_2:
0xcb: {  	(tag) =	ssettag $0x2  }
0xcc: {  	s0 =	rddreg [dreg:$0x0];
	s2 =	stileid.u32  }
0xcd: {  	s1 =	rddreg [dreg:$0x1];
	p0 =	sne.s32 s2, $0x0  }
0xce: {  	s3 =	rddreg [dreg:$0x2];
	[bflag:$0x3] =	sbarrier.arrive $0xFFFF;
	s2 =	simm.s32 @!p0 $0x1C03  }
0xcf: {  	[timem:s3], [sflag:s2] =	dma.local @!p0 [hbm:s0], s1  }
0xd0: {  	s0 =	simm.s32 @!p0 $0x3  }
0xd1: {  	_ =	swait.ge @!p0 [sflag:s0], s1  }
0xd2: {  	s1 =	ssub.s32 @!p0 $0x0, s1;
	[sflag:s0] =	ssyncset.done @!p0 $0x0  }
0xd3: {  	[sflag:s0] =	ssyncadd.s32 @!p0 s1  }
0xd4: {  	[bflag:$0x3] =	sbarrier.arrive $0xFFFF  }
0xd5: {  	_ =	shalt  }

// kernel: kernel.17.cloned.1.call-start
scs
__scs_entry_jumppad:
0x0: {  	(pc) =	sbr.rel $0x88, $3  }
0x1: {  	(tag) =	ssettag $0x0;
	lr =	simm.s32 $0x1  }
0x2: {  	[smem:$0x3F9D] =	sst lr;
	_ =	strace $0xD0000000  }
0x3: {  	_ = 	snop  }
0x4: {  	_ = 	snop  }
0x5: {  	_ = 	snop  }
0x6: {  	_ = 	snop  }
0x7: {  	_ = 	snop  }
__scs_overlays_trampoline_lowered:
0x8: {  	[smem:$0x3FAC] =	sst s0  }
0x9: {  	[smem:$0x3FAD] =	sst s1  }
0xa: {  	[smem:$0x3FAE] =	sst s2  }
0xb: {  	[smem:$0x3FAF] =	sst s3  }
0xc: {  	[smem:$0x3FB0] =	sst s4  }
0xd: {  	[smem:$0x3FB1] =	sst s5  }
0xe: {  	[smem:$0x3FB2] =	sst s6  }
0xf: {  	[smem:$0x3FB3] =	sst s7  }
0x10: {  	[smem:$0x3FB4] =	sst s8  }
0x11: {  	[smem:$0x3FB5] =	sst s9;
	s0 =	simm.s32 @!p0 $0x0  }
0x12: {  	s1 =	sld [smem:$0x3F9B];
	s0 =	simm.s32 @p0 $0x1  }
0x13: {  	[smem:$0x3FB6] =	sst s0;
	s0 =	simm.s32 @!p1 $0x0  }
0x14: {  	s2 =	sld [smem:$0x3F9A];
	s0 =	simm.s32 @p1 $0x1  }
0x15: {  	[smem:$0x3FB7] =	sst s0;
	s0 =	simm.s32 @!p2 $0x0  }
0x16: {  	s3 =	sld [smem:$0x3FDB];
	s0 =	simm.s32 @p2 $0x1  }
0x17: {  	s4 =	simm.s32 $0x1BF5;
	[smem:$0x3FB9] =	sst s0  }
0x18: {  	s0 =	sld [smem:$0x3F9C];
	_ =	swait.ge [sflag:s4], $0x0  }
0x19: {  	s7 =	sld [smem:$0x3F9D]  }
0x1a: {  	s8 =	sadd.s32 $0xFFFFE003, lr  }
0x1b: {  	s9 =	sadd.s32 $0xFFFFFEF7, lr;
	s5 =	simm.s32 $0xFFFFFFFF;
	p2 =	slt.u32 s8, $0xFFFFF086  }
0x1c: {  	p1 =	slt.u32 s9, $0xF7A;
	s5 =	simm.s32 @!p2 $0x0  }
0x1d: {  	s5 =	simm.s32 @p1 $0x1;
	p0 =	seq.s32 s7, s2  }
0x1e: {  	s7 =	smul.u32 @!p0 $0xF7A, s2;
	p2 =	seq.s32 @!p0 s5, $0x0  }
0x1f: {  	s9 =	smul.u32 $0xF7A, s1;
	s8 =	simm.s32 @!p0 $0x1BF5;
	p2 =	por !p2, p0  }
0x20: {  	[sflag:s8] =	ssyncset.s32 @!p0 $0xFFFFF086;
	s6 =	sadd.s32 @!p0 s3, s7;
	s7 =	simm.s32 @!p0 $0x108  }
0x21: {  	s3 =	sadd.s32 s3, s9;
	s6 =	sadd.s32 @!p0 $0x88, s6;
	s7 =	simm.s32 @p2 $0x1082  }
0x22: {  	[simem:s7], [sflag:s8] =	dma.local @!p0 [hbm:s6], $0xF7A  }
0x23: {  	s9 =	sor.u32 $0xD0000000, s2;
	s6 =	simm.s32 $0x108;
	_ =	swait.ge @!p0 [sflag:s8], $0x0  }
0x24: {  	s3 =	sadd.s32 $0x88, s3;
	s6 =	simm.s32 @!p1 $0x1082;
	[sflag:s4] =	ssyncset.s32 $0xFFFFF086  }
0x25: {  	[simem:s6], [sflag:s4] =	dma.local [hbm:s3], $0xF7A  }
0x26: {  	[smem:$0x3F9D] =	sst s1;
	(tag) =	ssettag s2;
	_ =	strace s9  }
0x27: {  	s1 =	sld [smem:$0x3FAD]  }
0x28: {  	s2 =	sld [smem:$0x3FAE]  }
0x29: {  	s4 =	sld [smem:$0x3FB0]  }
0x2a: {  	p0 =	seq.s32 s5, $0x0;
	s5 =	sld [smem:$0x3FB1]  }
0x2b: {  	s6 =	sld [smem:$0x3FB2]  }
0x2c: {  	s7 =	sld [smem:$0x3FB3]  }
0x2d: {  	s3 =	simm.s32 $0x108;
	s8 =	sld [smem:$0x3FB4]  }
0x2e: {  	s3 =	simm.s32 @!p0 $0x1082;
	s9 =	sld [smem:$0x3FB5]  }
0x2f: {  	lr =	sadd.s32 s0, s3;
	s0 =	sld [smem:$0x3FAC]  }
0x30: {  	s3 =	sld [smem:$0x3FAF]  }
0x31: {  	[smem:$0x3FB8] =	sst s10  }
0x32: {  	s10 =	sld [smem:$0x3FB6];
	_ =	sdelay $0x3  }
0x33: {  	p0 =	seq.s32 s10, $0x1;
	s10 =	sld [smem:$0x3FB8];
	_ =	sdelay $0x3  }
0x34: {  	[smem:$0x3FB8] =	sst s10  }
0x35: {  	s10 =	sld [smem:$0x3FB7];
	_ =	sdelay $0x3  }
0x36: {  	p1 =	seq.s32 s10, $0x1;
	s10 =	sld [smem:$0x3FB8];
	_ =	sdelay $0x3  }
0x37: {  	[smem:$0x3FB8] =	sst s10  }
0x38: {  	s10 =	sld [smem:$0x3FB9]  }
0x39: {  	_ = 	snop;
	(pc) =	sbr.ind lr, $3  }
0x3a: {  	_ = 	snop  }
0x3b: {  	_ = 	snop  }
0x3c: {  	p2 =	seq.s32 s10, $0x1;
	s10 =	sld [smem:$0x3FB8]  }
0x3d: {  	_ =	shalt  }
0x3e: {  	_ =	shalt  }
0x3f: {  	_ =	shalt  }
0x40: {  	_ =	shalt  }
0x41: {  	_ =	shalt  }
0x42: {  	_ =	shalt  }
0x43: {  	_ =	shalt  }
0x44: {  	_ =	shalt  }
0x45: {  	_ =	shalt  }
0x46: {  	_ =	shalt  }
0x47: {  	_ =	shalt  }
0x48: {  	_ =	shalt  }
0x49: {  	_ =	shalt  }
0x4a: {  	_ =	shalt  }
0x4b: {  	_ =	shalt  }
0x4c: {  	_ =	shalt  }
0x4d: {  	_ =	shalt  }
0x4e: {  	_ =	shalt  }
0x4f: {  	_ =	shalt  }
0x50: {  	_ =	shalt  }
0x51: {  	_ =	shalt  }
0x52: {  	_ =	shalt  }
0x53: {  	_ =	shalt  }
0x54: {  	_ =	shalt  }
0x55: {  	_ =	shalt  }
0x56: {  	_ =	shalt  }
0x57: {  	_ =	shalt  }
0x58: {  	_ =	shalt  }
0x59: {  	_ =	shalt  }
0x5a: {  	_ =	shalt  }
0x5b: {  	_ =	shalt  }
0x5c: {  	_ =	shalt  }
0x5d: {  	_ =	shalt  }
0x5e: {  	_ =	shalt  }
0x5f: {  	_ =	shalt  }
0x60: {  	_ =	shalt  }
0x61: {  	_ =	shalt  }
0x62: {  	_ =	shalt  }
0x63: {  	_ =	shalt  }
0x64: {  	_ =	shalt  }
0x65: {  	_ =	shalt  }
0x66: {  	_ =	shalt  }
0x67: {  	_ =	shalt  }
0x68: {  	_ =	shalt  }
0x69: {  	_ =	shalt  }
0x6a: {  	_ =	shalt  }
0x6b: {  	_ =	shalt  }
0x6c: {  	_ =	shalt  }
0x6d: {  	_ =	shalt  }
0x6e: {  	_ =	shalt  }
0x6f: {  	_ =	shalt  }
0x70: {  	_ =	shalt  }
0x71: {  	_ =	shalt  }
0x72: {  	_ =	shalt  }
0x73: {  	_ =	shalt  }
0x74: {  	_ =	shalt  }
0x75: {  	_ =	shalt  }
0x76: {  	_ =	shalt  }
0x77: {  	_ =	shalt  }
0x78: {  	_ =	shalt  }
0x79: {  	_ =	shalt  }
0x7a: {  	_ =	shalt  }
0x7b: {  	_ =	shalt  }
0x7c: {  	_ =	shalt  }
0x7d: {  	_ =	shalt  }
0x7e: {  	_ =	shalt  }
0x7f: {  	_ =	shalt  }
0x80: {  	_ =	shalt  }
0x81: {  	_ =	shalt  }
0x82: {  	_ =	shalt  }
0x83: {  	_ =	shalt  }
0x84: {  	_ =	shalt  }
0x85: {  	_ =	shalt  }
0x86: {  	_ =	shalt  }
0x87: {  	_ =	shalt  }
.Lfunc_end0:
.L_simem_size_0:
called_computation.3_lowered:
.L_overlay_start_0:
0x88: {  	s2 =	sld [smem:$0x3FD9]  }
0x89: {  	s3 =	sld [smem:$0x3FFE];
	_ =	sdelay $0x1  }
0x8a: {  	s1 =	srdreg.scid  }
0x8b: {  	s0 =	sand.u32 $0x1, s1  }
0x8c: {  	s17 =	sshll.u32 s0, $0xA;
	s2 =	sadd.s32 s3, s2  }
0x8d: {  	s2 =	sadd.s32 s2, s17  }
0x8e: {  	[smem:$0x3FC4] =	sst s2  }
0x8f: {  	_ = 	snop  }
0x90: {  	(tm) =	ssettm $0x1  }
0x91: {  	s18 =	sld [smem:$0x3FFB];
	_ =	sdelay $0x3  }
0x92: {  	_ =	strace s18  }
0x93: {  	s2 =	sld [smem:$0x3FFC];
	_ =	sdelay $0x3  }
0x94: {  	_ =	strace s2  }
0x95: {  	s2 =	sld [smem:$0x3FFD];
	_ =	sdelay $0x3  }
0x96: {  	_ =	strace s2  }
0x97: {  	_ =	strace $0x8FFFFFFF  }
0x98: {  	s19 =	sld [smem:$0x3FDB];
	_ =	sdelay $0x1  }
0x99: {  	s20 =	simm.s32 $_scs_section_size  }
0x9a: {  	s4 =	simm.s32 $_size__tile_overlayer_lowered;
	s5 =	simm.s32 $_tile_overlayer_lowered  }
0x9b: {  	s6 =	simm.s32 $0x1BFF;
	s21 =	sshll.u32 s5, $0x1;
	s3 =	sadd.s32 s20, s19  }
0x9c: {  	s22 =	simm.s32 $0x0;
	s4 =	sshll.u32 s4, $0x1;
	s5 =	sadd.s32 s21, s3  }
0x9d: {  	[timem:s22], [sflag:s6] =	dma.local [hbm:s5], s4  }
0x9e: {  	_ =	swait.ge [sflag:s6], s4  }
0x9f: {  	s4 =	ssub.s32 $0x0, s4;
	[sflag:s6] =	ssyncset.done $0x0  }
0xa0: {  	[sflag:s6] =	ssyncadd.s32 s4;
	_ =	sdelay $0x1  }
0xa1: {  	s23 =	simm.s32 $0x1B8B  }
0xa2: {  	_ =	swait.ge [sflag:s23], $0x1  }
0xa3: {  	[sflag:s23] =	ssyncset.done $0x0  }
0xa4: {  	[sflag:s23] =	ssyncadd.s32 $0xFFFFFFFF  }
0xa5: {  	s4 =	sld [smem:$0x0]  }
0xa6: {  	s5 =	sand.u32 $0xFFFFFFFE, s1  }
0xa7: {  	p0 =	sne.s32 s1, s5  }
0xa8: {  	s5 =	sshll.u32 @p0 s5, $0xE  }
0xa9: {  	s5 =	sadd.s32 @p0 $0x11B8D, s5;
	s6 =	sshll.u32 @p0 s4, $0x11  }
0xaa: {  	s5 =	sor.u32 @p0 s6, s5  }
0xab: {  	[sflag:s5] =	ssyncadd.remote.s32 @p0 $0x1;
	_ =	sdelay $0x1  }
0xac: {  	s5 =	simm.s32 @p0 $0x1B8D  }
0xad: {  	_ =	swait.eq @p0 [sflag:s5], $0x1  }
0xae: {  	[sflag:s5] =	ssyncadd.s32 @p0 $0xFFFFFFFF  }
0xaf: {  	s6 =	sshll.u32 @!p0 s1, $0xE  }
0xb0: {  	s6 =	sor.u32 @!p0 $0x4000, s6;
	s5 =	simm.s32 @!p0 $0x1B8D  }
0xb1: {  	s4 =	sshll.u32 @!p0 s4, $0x11;
	s6 =	sadd.s32 @!p0 $0x11B8D, s6;
	_ =	swait.eq @!p0 [sflag:s5], $0x1  }
0xb2: {  	s4 =	sor.u32 @!p0 s4, s6;
	[sflag:s5] =	ssyncadd.s32 @!p0 $0xFFFFFFFF  }
0xb3: {  	s25 =	simm.s32 $0x1B8E;
	s24 =	sld [smem:$0x3FFE];
	[sflag:s4] =	ssyncadd.remote.s32 @!p0 $0x1  }
0xb4: {  	s26 =	simm.s32 $execute0_lowered;
	[smem:$0x3FD2] =	sst s25  }
0xb5: {  	s5 =	sshll.u32 s26, $0x1;
	_ =	strace $0x8000004F;
	[dreg:$0x1] =	wrdreg $0xFFFFFFFF  }
0xb6: {  	s28 =	simm.s32 $_size_execute0_lowered;
	s3 =	sadd.s32 s3, s5;
	[dreg:$0x0] =	wrdreg $0x0  }
0xb7: {  	s5 =	sshll.u32 s28, $0x1;
	[dreg:$0x2] =	wrdreg s3  }
0xb8: {  	[dreg:$0x3] =	wrdreg s5  }
0xb9: {  	[dreg:$0x4] =	wrdreg $0xC0  }
0xba: {  	_ =	task [dreg:s22], $0x5FFFF  }
0xbb: {  	[dreg:$0x1] =	wrdreg $0xFFFFFFFF  }
0xbc: {  	[dreg:$0x0] =	wrdreg $0x60  }
0xbd: {  	[dreg:$0x2] =	wrdreg s24  }
0xbe: {  	[dreg:$0x3] =	wrdreg $0x150000  }
0xbf: {  	[dreg:$0x4] =	wrdreg $0xA  }
0xc0: {  	_ =	task.clear_ibuf [dreg:s22], $0x5FFFF;
	_ =	strace $0x9000004F  }
0xc1: {  	s29 =	simm.s32 $0xA;
	_ =	strace $0x80000051  }
0xc2: {  	_ =	swait.ge [sflag:s29], $0x1  }
0xc3: {  	[sflag:s29] =	ssyncadd.s32 $0xFFFFFFFF  }
0xc4: {  	_ =	strace $0x90000051  }
0xc5: {  	_ =	sfence  }
0xc6: {  	s30 =	sld [smem:$0x0];
	_ =	sdelay $0x2  }
0xc7: {  	s31 =	sshll.u32 s1, $0xD;
	s1 =	sshrl.u32 s1, $0x2  }
0xc8: {  	s4 =	sand.u32 $0x4000, s31;
	s1 =	sadd.s32 s1, s30  }
0xc9: {  	s0 =	sor.u32 s4, s0;
	s1 =	sshll.u32 s1, $0x11  }
0xca: {  	s0 =	sor.u32 s1, s0  }
0xcb: {  	s0 =	sadd.s32 $0x8F2B, s0  }
0xcc: {  	[sflag:s0] =	ssyncadd.remote.s32 $0x1  }
0xcd: {  	_ =	sfence.sel $0xFFFF  }
0xce: {  	[dreg:$0x0] =	wrdreg $0xFFFFFFFF;
	(pc) =	sbr.abs _section_cstart, $3  }
0xcf: {  	[dreg:$0x1] =	wrdreg $0xFFFFFFFF  }
0xd0: {  	_ =	task.clear_ibuf [dreg:s22], $0x2FFFF;
	_ =	strace $0x9FFFFFFF  }
0xd1: {  	(tm) =	ssettm $0x7FFFFFFF  }
tec
execute0_lowered:
.L_overlay_start_1:
0x0: {  	(tag) =	ssettag $0x1  }
0x1: {  	s5 =	rddreg [dreg:$0x0]  }
0x2: {  	s1 =	rddreg [dreg:$0x1]  }
0x3: {  	s0 =	rddreg [dreg:$0x2];
	s3 =	simm.s32 $0x0;
	s2 =	stileid.u32  }
0x4: {  	s6 =	srdreg.scid;
	s20 =	simm.s32 $0x8000;
	s21 =	simm.s32 $0x50  }
0x5: {  	s22 =	simm.s32 $0x12800;
	s24 =	simm.s32 $0x2;
	s25 =	simm.s32 $0x0  }
0x6: {  	[smem:$0x7FF] =	sst s3;
	s4 =	sadd.s32 $0x48800, s5;
	s12 =	smul.u32 $0xA400, s2  }
0x7: {  	s7 =	sshll.u32 s2, $0xC;
	s6 =	sand.u32 $0x1, s6;
	s9 =	smul.u32 $0x29000, s2  }
0x8: {  	s17 =	sadd.s32 $0x70800, s5;
	_ =	strace $0x80000050;
	s15 =	smul.u32 $0xA4000, s6  }
0x9: {  	s7 =	sadd.s32 s7, s5;
	s8 =	ssub.s32 $0x2, s6;
	s23 =	smul.u32 $0x1400, s6  }
0xa: {  	s28 =	sshrl.u32 s8, $0x1;
	s29 =	sadd.s32 $0xA000, s12;
	s6 =	sadd.s32 $0x1600, s7  }
0xb: {  	s7 =	sadd.s32 $0x11600, s7;
	s9 =	sshrl.u32 s9, $0x2;
	s16 =	sadd.s32 $0x2800, s12  }
0xc: {  	s18 =	sadd.s32 $0x5000, s12;
	s19 =	sadd.s32 $0x7800, s12;
	s10 =	ssub.s32 s8, s28  }
0xd: {  	s5 =	sadd.s32 s29, s1;
	s30 =	sadd.s32 s15, s29;
	s9 =	sadd.s32 s9, s1  }
0xe: {  	s11 =	sadd.s32 s16, s1;
	s14 =	sadd.s32 s15, s12;
	s12 =	sadd.s32 s18, s1  }
0xf: {  	s13 =	sadd.s32 s19, s1;
	s16 =	sadd.s32 s15, s16;
	s18 =	sadd.s32 s15, s18  }
0x10: {  	s19 =	sadd.s32 s15, s19;
	v0 =	vmov s23;
	s23 =	simm.s32 $0x1;
	s8 =	sshrl.u32 s30, $0x3  }
0x11: {  	s10 =	smax.u32 s10, $0x1;
	s14 =	sshrl.u32 s14, $0x3;
	s16 =	sshrl.u32 s16, $0x3  }
0x12: {  	s18 =	sshrl.u32 s18, $0x3;
	s31 =	sshrl.u32 s19, $0x3;
	s19 =	simm.s32 $0x3  }
0x13: {  	s8 =	sadd.s32 s17, s8;
	s14 =	sadd.s32 s17, s14;
	s15 =	sadd.s32 s17, s16  }
0x14: {  	v1 =	vimm.f32 $0.0e+00;
	s16 =	sadd.s32 s17, s18;
	s17 =	sadd.s32 s17, s31;
	s18 =	simm.s32 $0x10000  }
.LBB2_1:
0x15: {  	s26 =	simm.s32 $0x0;
	s28 =	simm.s32 $0x200  }
.LBB2_2:
0x16: {  	p0 =	sne.s32 s28, $0x9E00;
	[tilespmem:s26+$0x10070] =	vst v1  }
0x17: {  	[tilespmem:s26+$0x10000] =	vst v1  }
0x18: {  	[tilespmem:s26+$0x10010] =	vst v1  }
.Ltmp0:
0x19: {  	[tilespmem:s26+$0x10020] =	vst v1;
	(pc) =	sbr.rel @p0 .LBB2_2-.Ltmp0, $4  }
0x1a: {  	[tilespmem:s26+$0x10030] =	vst v1  }
0x1b: {  	[tilespmem:s26+$0x10040] =	vst v1  }
0x1c: {  	[tilespmem:s26+$0x10050] =	vst v1  }
0x1d: {  	[tilespmem:s26+$0x10060] =	vst v1;
	s26 =	sshra.s32 s28, $0x2;
	s28 =	sadd.s32 $0x200, s28  }
0x1e: {  	[tilespmem:s26+$0x10070] =	vst v1  }
0x1f: {  	[tilespmem:s26+$0x10000] =	vst v1  }
0x20: {  	[tilespmem:s26+$0x10010] =	vst v1  }
0x21: {  	[tilespmem:s26+$0x10020] =	vst v1  }
0x22: {  	[tilespmem:s26+$0x10030] =	vst v1  }
0x23: {  	[tilespmem:s26+$0x10040] =	vst v1  }
0x24: {  	[tilespmem:s26+$0x10050] =	vst v1  }
0x25: {  	[tilespmem:s26+$0x10060] =	vst v1  }
0x26: {  	[spmem:s9] =	stream.linear.scatter [tilespmem:s18], [sflag:$0x3], $0x2800, $0x38;
	[tilespmem:$0x1F400] =	vst v63  }
0x27: {  	_ =	swait.ge [sflag:s19], $0x2800  }
0x28: {  	[sflag:s19] =	ssyncset.done $0x0  }
0x29: {  	[sflag:s19] =	ssyncadd.s32 $0xFFFFD800  }
0x2a: {  	[spmem:s11] =	stream.linear.scatter [tilespmem:s18], [sflag:$0x3], $0x2800, $0x38;
	[tilespmem:$0x1F400] =	vst v63  }
0x2b: {  	_ =	swait.ge [sflag:s19], $0x2800  }
0x2c: {  	[sflag:s19] =	ssyncset.done $0x0  }
0x2d: {  	[sflag:s19] =	ssyncadd.s32 $0xFFFFD800  }
0x2e: {  	[spmem:s12] =	stream.linear.scatter [tilespmem:s18], [sflag:$0x3], $0x2800, $0x38;
	[tilespmem:$0x1F400] =	vst v63  }
0x2f: {  	_ =	swait.ge [sflag:s19], $0x2800  }
0x30: {  	[sflag:s19] =	ssyncset.done $0x0  }
0x31: {  	[sflag:s19] =	ssyncadd.s32 $0xFFFFD800  }
0x32: {  	[spmem:s13] =	stream.linear.scatter [tilespmem:s18], [sflag:$0x3], $0x2800, $0x38;
	[tilespmem:$0x1F400] =	vst v63  }
0x33: {  	_ =	swait.ge [sflag:s19], $0x2800  }
0x34: {  	[sflag:s19] =	ssyncset.done $0x0  }
0x35: {  	[sflag:s19] =	ssyncadd.s32 $0xFFFFD800  }
0x36: {  	[spmem:s5] =	stream.linear.scatter [tilespmem:s18], [sflag:$0x3], $0x400, $0x38;
	[tilespmem:$0x1F400] =	vst v63  }
0x37: {  	_ =	swait.ge [sflag:s19], $0x400  }
0x38: {  	[sflag:s19] =	ssyncset.done $0x0  }
0x39: {  	s31 =	simm.s32 $0x0;
	[sflag:s19] =	ssyncadd.s32 $0xFFFFFC00  }
0x3a: {  	[tilespmem:s31], [sflag:$0x3] =	stream.linear.gather [hbm4b:s6+s31], $0x7D00, $0x38;
	[tilespmem:$0x1F400] =	vst v63  }
0x3b: {  	_ =	swait.ge [sflag:s19], $0x7D00  }
0x3c: {  	[sflag:s19] =	ssyncset.done $0x0  }
0x3d: {  	[sflag:s19] =	ssyncadd.s32 $0xFFFF8300  }
0x3e: {  	[tilespmem:s20], [sflag:$0x3] =	stream.linear.gather [hbm4b:s7+s31], $0x7D00, $0x38;
	[tilespmem:$0x1F400] =	vst v63  }
0x3f: {  	_ =	swait.ge [sflag:s19], $0x7D00  }
0x40: {  	[sflag:s19] =	ssyncset.done $0x0  }
0x41: {  	s28 =	simm.s32 $0x0;
	[sflag:s19] =	ssyncadd.s32 $0xFFFF8300  }
0x42: {  	v2 =	vld [tilespmem:s28+$0x30]  }
0x43: {  	v4 =	vld [tilespmem:s28+$0x20]  }
0x44: {  	v3 =	vld [tilespmem:s28+$0x0];
	_ =	sdelay $0x2  }
0x45: {  	v6 =	vld [tilespmem:s28+$0x10];
	v5 =	vsub.s32 v2, v0;
	v2 =	vand.u32 $0x7F, v2  }
0x46: {  	v8 =	vand.u32 $0x7F, v4;
	vm0 =	vgt.u32 v5, $0x13FF;
	v2 =	vor.u32 $0x1400, v2  }
0x47: {  	v2 =	vsel vm0, v2, v5;
	v5 =	vsub.s32 v3, v0;
	v3 =	vand.u32 $0x7F, v3  }
0x48: {  	s26 =	simm.s32 $0x80;
	v7 =	vld [tilespmem:s28+$0x40];
	[tilespmem:s28+$0x30] =	vst v2;
	vm13 =	vgt.u32 v5, $0x13FF;
	v2 =	vor.u32 $0x1400, v3;
	v3 =	vsub.s32 v4, v0  }
0x49: {  	v4 =	vld [tilespmem:s26+$0x30];
	v2 =	vsel vm13, v2, v5;
	vm14 =	vgt.u32 v3, $0x13FF;
	v5 =	vor.u32 $0x1400, v8  }
0x4a: {  	v8 =	vsub.s32 v6, v0;
	[tilespmem:s28+$0x0] =	vst v2;
	v2 =	vand.u32 $0x7F, v6;
	v5 =	vsel vm14, v5, v3  }
0x4b: {  	vm15 =	vgt.u32 v8, $0x13FF;
	v3 =	vld [tilespmem:s26+$0x0];
	v6 =	vor.u32 $0x1400, v2;
	[tilespmem:s28+$0x20] =	vst v5  }
0x4c: {  	v2 =	vld [tilespmem:s26+$0x20];
	v5 =	vsel vm15, v6, v8  }
0x4d: {  	s29 =	simm.s32 $0x400;
	v6 =	vand.u32 $0x7F, v7;
	[tilespmem:s28+$0x10] =	vst v5;
	v5 =	vsub.s32 v7, v0  }
.LBB2_4:
0x4e: {  	s30 =	sshra.s32 s29, $0x2;
	p0 =	sne.s32 s29, $0x1F200;
	s29 =	sadd.s32 $0x200, s29;
	v7 =	vsub.s32 v4, v0;
	v4 =	vand.u32 $0x7F, v4;
	v6 =	vor.u32 $0x1400, v6  }
0x4f: {  	vm1 =	vgt.u32 v5, $0x13FF;
	v8 =	vld [tilespmem:s26+$0x10];
	vm0 =	vgt.u32 v7, $0x13FF;
	v4 =	vor.u32 $0x1400, v4  }
0x50: {  	v5 =	vsel vm1, v6, v5;
	v9 =	vsub.s32 v3, v0;
	v4 =	vsel vm0, v4, v7  }
0x51: {  	v3 =	vand.u32 $0x7F, v3;
	vm0 =	vgt.u32 v9, $0x13FF;
	v6 =	vsub.s32 v2, v0;
	[tilespmem:s28+$0x40] =	vst v5;
	s28 =	smov.u32 s26;
	s26 =	smov.u32 s30  }
0x52: {  	v3 =	vor.u32 $0x1400, v3;
	v2 =	vand.u32 $0x7F, v2;
	vm1 =	vgt.u32 v6, $0x13FF;
	[tilespmem:s28+$0x30] =	vst v4;
	v7 =	vld [tilespmem:s28+$0x40]  }
.Ltmp1:
0x53: {  	v3 =	vsel vm0, v3, v9;
	v2 =	vor.u32 $0x1400, v2;
	v4 =	vld [tilespmem:s26+$0x30];
	(pc) =	sbr.rel @p0 .LBB2_4-.Ltmp1, $4  }
0x54: {  	v2 =	vsel vm1, v2, v6;
	[tilespmem:s28+$0x0] =	vst v3;
	v5 =	vsub.s32 v8, v0;
	v8 =	vand.u32 $0x7F, v8  }
0x55: {  	v3 =	vld [tilespmem:s26+$0x0];
	vm0 =	vgt.u32 v5, $0x13FF;
	v6 =	vor.u32 $0x1400, v8;
	[tilespmem:s28+$0x20] =	vst v2  }
0x56: {  	v2 =	vld [tilespmem:s26+$0x20];
	v5 =	vsel vm0, v6, v5  }
0x57: {  	[tilespmem:s28+$0x10] =	vst v5;
	v5 =	vsub.s32 v7, v0;
	v6 =	vand.u32 $0x7F, v7  }
0x58: {  	v6 =	vor.u32 $0x1400, v6;
	vm0 =	vgt.u32 v5, $0x13FF  }
0x59: {  	v7 =	vsub.s32 v4, v0;
	v58 =	vand.u32 $0x7F, v4;
	v8 =	vld [tilespmem:s26+$0x10];
	v5 =	vsel vm0, v6, v5  }
0x5a: {  	vm1 =	vgt.u32 v7, $0x13FF;
	v4 =	vor.u32 $0x1400, v58;
	[tilespmem:s28+$0x40] =	vst v5  }
0x5b: {  	v4 =	vsel vm1, v4, v7;
	v59 =	vsub.s32 v3, v0;
	v5 =	vld [tilespmem:s26+$0x40]  }
0x5c: {  	v3 =	vand.u32 $0x7F, v3;
	vm12 =	vgt.u32 v59, $0x13FF;
	v60 =	vsub.s32 v2, v0  }
0x5d: {  	v3 =	vor.u32 $0x1400, v3;
	v2 =	vand.u32 $0x7F, v2;
	vm13 =	vgt.u32 v60, $0x13FF  }
0x5e: {  	v3 =	vsel vm12, v3, v59;
	v2 =	vor.u32 $0x1400, v2;
	v61 =	vsub.s32 v8, v0  }
0x5f: {  	[tilespmem:s26+$0x30] =	vst v4;
	v62 =	vand.u32 $0x7F, v8;
	v2 =	vsel vm13, v2, v60;
	vm14 =	vgt.u32 v61, $0x13FF  }
0x60: {  	[tilespmem:s26+$0x0] =	vst v3;
	v3 =	vor.u32 $0x1400, v62;
	v63 =	vsub.s32 v5, v0;
	v5 =	vand.u32 $0x7F, v5  }
0x61: {  	[tilespmem:s26+$0x20] =	vst v2;
	v2 =	vsel vm14, v3, v61;
	v3 =	vor.u32 $0x1400, v5;
	vm15 =	vgt.u32 v63, $0x13FF  }
0x62: {  	[tilespmem:s26+$0x10] =	vst v2;
	v2 =	vsel vm15, v3, v63  }
0x63: {  	[tilespmem:s26+$0x40] =	vst v2  }
0x64: {  	s31 =	simm.s32 $0x8000;
	[bflag:$0x0] =	sbarrier.arrive $0xFFFF  }
0x65: {  	[tilespmem:s18], [sflag:$0x1] =	stream.indirect.gather [hbm4b:s4+s21], $0x80, s31, s21, $0xb8;
	[tilespmem:$0x1F400] =	vst v63  }
0x66: {  	s29 =	simm.s32 $0x8080  }
0x67: {  	[tilespmem:s22], [sflag:$0x2] =	stream.indirect.gather [hbm4b:s4+s21], $0x80, s29, s21, $0xb8;
	[tilespmem:$0x1F400] =	vst v63  }
0x68: {  	_ =	swait.ge [sflag:s23], $0x2800  }
0x69: {  	[sflag:s23] =	ssyncset.done $0x0  }
0x6a: {  	[sflag:s23] =	ssyncadd.s32 $0xFFFFD800  }
0x6b: {  	_ =	swait.ge [sflag:s24], $0x2800  }
0x6c: {  	[sflag:s24] =	ssyncset.done $0x0  }
0x6d: {  	s30 =	simm.s32 $0x0;
	[sflag:s24] =	ssyncadd.s32 $0xFFFFD800  }
0x6e: {  	[spmem:s1] =	stream.indirect.scatter.add.f32 [tilespmem:s18], [sflag:$0x1], $0x80, s30, s21, $0xb8;
	[tilespmem:$0x1F400] =	vst v63  }
0x6f: {  	s31 =	simm.s32 $0x80  }
0x70: {  	[spmem:s1] =	stream.indirect.scatter.add.f32 [tilespmem:s22], [sflag:$0x2], $0x80, s31, s21, $0xb8;
	[tilespmem:$0x1F400] =	vst v63  }
0x71: {  	_ =	swait.ge [sflag:s23], $0x2800  }
0x72: {  	[sflag:s23] =	ssyncset.done $0x0  }
0x73: {  	[sflag:s23] =	ssyncadd.s32 $0xFFFFD800  }
0x74: {  	_ =	swait.ge [sflag:s24], $0x2800  }
0x75: {  	s28 =	simm.s32 $0x800;
	s26 =	simm.s32 $0x100;
	[sflag:s24] =	ssyncset.done $0x0  }
.LBB2_6:
0x76: {  	s29 =	sadd.s32 $0x8000, s26  }
0x77: {  	[sflag:s24] =	ssyncadd.s32 $0xFFFFD800;
	s30 =	smov.u32 s28;
	s31 =	sadd.s32 $0x400, s28  }
0x78: {  	[tilespmem:s18], [sflag:$0x1] =	stream.indirect.gather [hbm4b:s4+s21], $0x80, s29, s21, $0xb8;
	[tilespmem:$0x1F400] =	vst v63  }
0x79: {  	p0 =	sne.s32 s28, $0x1F000;
	s28 =	sadd.s32 $0x8080, s26  }
0x7a: {  	[tilespmem:s22], [sflag:$0x2] =	stream.indirect.gather [hbm4b:s4+s21], $0x80, s28, s21, $0xb8;
	[tilespmem:$0x1F400] =	vst v63  }
0x7b: {  	_ =	swait.ge [sflag:s23], $0x2800  }
0x7c: {  	[sflag:s23] =	ssyncset.done $0x0  }
0x7d: {  	[sflag:s23] =	ssyncadd.s32 $0xFFFFD800  }
0x7e: {  	_ =	swait.ge [sflag:s24], $0x2800  }
0x7f: {  	[sflag:s24] =	ssyncset.done $0x0  }
0x80: {  	[sflag:s24] =	ssyncadd.s32 $0xFFFFD800  }
0x81: {  	[spmem:s1] =	stream.indirect.scatter.add.f32 [tilespmem:s18], [sflag:$0x1], $0x80, s26, s21, $0xb8;
	[tilespmem:$0x1F400] =	vst v63  }
0x82: {  	s26 =	sadd.s32 $0x80, s26  }
0x83: {  	[spmem:s1] =	stream.indirect.scatter.add.f32 [tilespmem:s22], [sflag:$0x2], $0x80, s26, s21, $0xb8;
	[tilespmem:$0x1F400] =	vst v63  }
.Ltmp2:
0x84: {  	_ =	swait.ge [sflag:s23], $0x2800;
	(pc) =	sbr.rel @p0 .LBB2_6-.Ltmp2, $4  }
0x85: {  	[sflag:s23] =	ssyncset.done $0x0  }
0x86: {  	[sflag:s23] =	ssyncadd.s32 $0xFFFFD800  }
0x87: {  	_ =	swait.ge [sflag:s24], $0x2800  }
0x88: {  	s28 =	smov.u32 s31;
	s26 =	sshra.s32 s30, $0x2;
	[sflag:s24] =	ssyncset.done $0x0  }
0x89: {  	s28 =	sadd.s32 $0x8000, s26;
	[sflag:s24] =	ssyncadd.s32 $0xFFFFD800  }
0x8a: {  	[tilespmem:s18], [sflag:$0x1] =	stream.indirect.gather [hbm4b:s4+s21], $0x80, s28, s21, $0xb8;
	[tilespmem:$0x1F400] =	vst v63  }
0x8b: {  	s30 =	sadd.s32 $0x8080, s26  }
0x8c: {  	[tilespmem:s22], [sflag:$0x2] =	stream.indirect.gather [hbm4b:s4+s21], $0x80, s30, s21, $0xb8;
	[tilespmem:$0x1F400] =	vst v63  }
0x8d: {  	_ =	swait.ge [sflag:s23], $0x2800  }
0x8e: {  	[sflag:s23] =	ssyncset.done $0x0  }
0x8f: {  	[sflag:s23] =	ssyncadd.s32 $0xFFFFD800  }
0x90: {  	_ =	swait.ge [sflag:s24], $0x2800  }
0x91: {  	[sflag:s24] =	ssyncset.done $0x0  }
0x92: {  	[sflag:s24] =	ssyncadd.s32 $0xFFFFD800  }
0x93: {  	[spmem:s1] =	stream.indirect.scatter.add.f32 [tilespmem:s18], [sflag:$0x1], $0x80, s26, s21, $0xb8;
	[tilespmem:$0x1F400] =	vst v63  }
0x94: {  	s31 =	sadd.s32 $0x80, s26  }
0x95: {  	[spmem:s1] =	stream.indirect.scatter.add.f32 [tilespmem:s22], [sflag:$0x2], $0x80, s31, s21, $0xb8;
	[tilespmem:$0x1F400] =	vst v63  }
0x96: {  	_ =	swait.ge [sflag:s23], $0x2800  }
0x97: {  	[sflag:s23] =	ssyncset.done $0x0  }
0x98: {  	[sflag:s23] =	ssyncadd.s32 $0xFFFFD800  }
0x99: {  	_ =	swait.ge [sflag:s24], $0x2800  }
0x9a: {  	[sflag:s24] =	ssyncset.done $0x0  }
0x9b: {  	[sflag:s24] =	ssyncadd.s32 $0xFFFFD800  }
0x9c: {  	[bflag:$0x0] =	sbarrier.arrive $0xFFFF  }
0x9d: {  	[tilespmem:s18], [sflag:$0x3] =	stream.linear.gather [spmem:s9], $0x2800, $0x38;
	[tilespmem:$0x1F400] =	vst v63  }
0x9e: {  	_ =	swait.ge [sflag:s19], $0x2800  }
0x9f: {  	[sflag:s19] =	ssyncset.done $0x0  }
0xa0: {  	[sflag:s19] =	ssyncadd.s32 $0xFFFFD800  }
0xa1: {  	[hbm4b:s14+s3] =	stream.linear.scatter [tilespmem:s18], [sflag:$0x3], $0x2800, $0x38;
	[tilespmem:$0x1F400] =	vst v63  }
0xa2: {  	_ =	swait.ge [sflag:s19], $0x2800  }
0xa3: {  	[sflag:s19] =	ssyncset.done $0x0  }
0xa4: {  	[sflag:s19] =	ssyncadd.s32 $0xFFFFD800  }
0xa5: {  	[tilespmem:s18], [sflag:$0x3] =	stream.linear.gather [spmem:s11], $0x2800, $0x38;
	[tilespmem:$0x1F400] =	vst v63  }
0xa6: {  	_ =	swait.ge [sflag:s19], $0x2800  }
0xa7: {  	[sflag:s19] =	ssyncset.done $0x0  }
0xa8: {  	[sflag:s19] =	ssyncadd.s32 $0xFFFFD800  }
0xa9: {  	[hbm4b:s15+s3] =	stream.linear.scatter [tilespmem:s18], [sflag:$0x3], $0x2800, $0x38;
	[tilespmem:$0x1F400] =	vst v63  }
0xaa: {  	_ =	swait.ge [sflag:s19], $0x2800  }
0xab: {  	[sflag:s19] =	ssyncset.done $0x0  }
0xac: {  	[sflag:s19] =	ssyncadd.s32 $0xFFFFD800  }
0xad: {  	[tilespmem:s18], [sflag:$0x3] =	stream.linear.gather [spmem:s12], $0x2800, $0x38;
	[tilespmem:$0x1F400] =	vst v63  }
0xae: {  	_ =	swait.ge [sflag:s19], $0x2800  }
0xaf: {  	[sflag:s19] =	ssyncset.done $0x0  }
0xb0: {  	[sflag:s19] =	ssyncadd.s32 $0xFFFFD800  }
0xb1: {  	[hbm4b:s16+s3] =	stream.linear.scatter [tilespmem:s18], [sflag:$0x3], $0x2800, $0x38;
	[tilespmem:$0x1F400] =	vst v63  }
0xb2: {  	_ =	swait.ge [sflag:s19], $0x2800  }
0xb3: {  	[sflag:s19] =	ssyncset.done $0x0  }
0xb4: {  	[sflag:s19] =	ssyncadd.s32 $0xFFFFD800  }
0xb5: {  	[tilespmem:s18], [sflag:$0x3] =	stream.linear.gather [spmem:s13], $0x2800, $0x38;
	[tilespmem:$0x1F400] =	vst v63  }
0xb6: {  	_ =	swait.ge [sflag:s19], $0x2800  }
0xb7: {  	[sflag:s19] =	ssyncset.done $0x0  }
0xb8: {  	[sflag:s19] =	ssyncadd.s32 $0xFFFFD800  }
0xb9: {  	[hbm4b:s17+s3] =	stream.linear.scatter [tilespmem:s18], [sflag:$0x3], $0x2800, $0x38;
	[tilespmem:$0x1F400] =	vst v63  }
0xba: {  	_ =	swait.ge [sflag:s19], $0x2800  }
0xbb: {  	[sflag:s19] =	ssyncset.done $0x0  }
0xbc: {  	[sflag:s19] =	ssyncadd.s32 $0xFFFFD800  }
0xbd: {  	[tilespmem:s18], [sflag:$0x3] =	stream.linear.gather [spmem:s5], $0x400, $0x38;
	[tilespmem:$0x1F400] =	vst v63  }
0xbe: {  	s25 =	sadd.s32 $0x1, s25;
	_ =	swait.ge [sflag:s19], $0x400  }
0xbf: {  	p0 =	sne.s32 s25, s10;
	[sflag:s19] =	ssyncset.done $0x0  }
.Ltmp3:
0xc0: {  	[sflag:s19] =	ssyncadd.s32 $0xFFFFFC00;
	(pc) =	sbr.rel @p0 .LBB2_1-.Ltmp3, $4  }
0xc1: {  	[hbm4b:s8+s3] =	stream.linear.scatter [tilespmem:s18], [sflag:$0x3], $0x400, $0x38;
	[tilespmem:$0x1F400] =	vst v63  }
0xc2: {  	_ =	swait.ge [sflag:s19], $0x400  }
0xc3: {  	[sflag:s19] =	ssyncset.done $0x0  }
0xc4: {  	[sflag:s19] =	ssyncadd.s32 $0xFFFFFC00  }
0xc5: {  	_ =	sfence.sel $0x180000  }
0xc6: {  	[bflag:$0x0] =	sbarrier.arrive $0xFFFF  }
0xc7: {  	p0 =	sne.s32 s2, $0x0;
	_ =	strace $0x90000050  }
0xc8: {  	s0 =	sadd.s32 @!p0 $0x100000, s0;
	[bflag:$0x2] =	sbarrier.arrive $0xFFFF  }
0xc9: {  	[sflag:s0] =	ssyncadd.tile.s32 @!p0 $0x1;
	_ =	shalt  }
.Lfunc_end2:
_tile_overlayer_lowered:
.L_overlay_start_2:
0xca: {  	(tag) =	ssettag $0x2  }
0xcb: {  	s0 =	rddreg [dreg:$0x0];
	s2 =	stileid.u32  }
0xcc: {  	s1 =	rddreg [dreg:$0x1];
	p0 =	sne.s32 s2, $0x0  }
0xcd: {  	s3 =	rddreg [dreg:$0x2];
	[bflag:$0x3] =	sbarrier.arrive $0xFFFF;
	s2 =	simm.s32 @!p0 $0x1C03  }
0xce: {  	[timem:s3], [sflag:s2] =	dma.local @!p0 [hbm:s0], s1  }
0xcf: {  	s0 =	simm.s32 @!p0 $0x3  }
0xd0: {  	_ =	swait.ge @!p0 [sflag:s0], s1  }
0xd1: {  	s1 =	ssub.s32 @!p0 $0x0, s1;
	[sflag:s0] =	ssyncset.done @!p0 $0x0  }
0xd2: {  	[sflag:s0] =	ssyncadd.s32 @!p0 s1  }
0xd3: {  	[bflag:$0x3] =	sbarrier.arrive $0xFFFF  }
0xd4: {  	_ =	shalt  }

// kernel: kernel.8.cloned.1.call-start
scs
__scs_entry_jumppad:
0x0: {  	(pc) =	sbr.rel $0x88, $3  }
0x1: {  	(tag) =	ssettag $0x0;
	lr =	simm.s32 $0x1  }
0x2: {  	[smem:$0x3F9D] =	sst lr;
	_ =	strace $0xD0000000  }
0x3: {  	_ = 	snop  }
0x4: {  	_ = 	snop  }
0x5: {  	_ = 	snop  }
0x6: {  	_ = 	snop  }
0x7: {  	_ = 	snop  }
__scs_overlays_trampoline_lowered:
0x8: {  	[smem:$0x3FAC] =	sst s0  }
0x9: {  	[smem:$0x3FAD] =	sst s1  }
0xa: {  	[smem:$0x3FAE] =	sst s2  }
0xb: {  	[smem:$0x3FAF] =	sst s3  }
0xc: {  	[smem:$0x3FB0] =	sst s4  }
0xd: {  	[smem:$0x3FB1] =	sst s5  }
0xe: {  	[smem:$0x3FB2] =	sst s6  }
0xf: {  	[smem:$0x3FB3] =	sst s7  }
0x10: {  	[smem:$0x3FB4] =	sst s8  }
0x11: {  	[smem:$0x3FB5] =	sst s9;
	s0 =	simm.s32 @!p0 $0x0  }
0x12: {  	s1 =	sld [smem:$0x3F9B];
	s0 =	simm.s32 @p0 $0x1  }
0x13: {  	[smem:$0x3FB6] =	sst s0;
	s0 =	simm.s32 @!p1 $0x0  }
0x14: {  	s2 =	sld [smem:$0x3F9A];
	s0 =	simm.s32 @p1 $0x1  }
0x15: {  	[smem:$0x3FB7] =	sst s0;
	s0 =	simm.s32 @!p2 $0x0  }
0x16: {  	s3 =	sld [smem:$0x3FDB];
	s0 =	simm.s32 @p2 $0x1  }
0x17: {  	s4 =	simm.s32 $0x1BF5;
	[smem:$0x3FB9] =	sst s0  }
0x18: {  	s0 =	sld [smem:$0x3F9C];
	_ =	swait.ge [sflag:s4], $0x0  }
0x19: {  	s7 =	sld [smem:$0x3F9D]  }
0x1a: {  	s8 =	sadd.s32 $0xFFFFE003, lr  }
0x1b: {  	s9 =	sadd.s32 $0xFFFFFEF7, lr;
	s5 =	simm.s32 $0xFFFFFFFF;
	p2 =	slt.u32 s8, $0xFFFFF086  }
0x1c: {  	p1 =	slt.u32 s9, $0xF7A;
	s5 =	simm.s32 @!p2 $0x0  }
0x1d: {  	s5 =	simm.s32 @p1 $0x1;
	p0 =	seq.s32 s7, s2  }
0x1e: {  	s7 =	smul.u32 @!p0 $0xF7A, s2;
	p2 =	seq.s32 @!p0 s5, $0x0  }
0x1f: {  	s9 =	smul.u32 $0xF7A, s1;
	s8 =	simm.s32 @!p0 $0x1BF5;
	p2 =	por !p2, p0  }
0x20: {  	[sflag:s8] =	ssyncset.s32 @!p0 $0xFFFFF086;
	s6 =	sadd.s32 @!p0 s3, s7;
	s7 =	simm.s32 @!p0 $0x108  }
0x21: {  	s3 =	sadd.s32 s3, s9;
	s6 =	sadd.s32 @!p0 $0x88, s6;
	s7 =	simm.s32 @p2 $0x1082  }
0x22: {  	[simem:s7], [sflag:s8] =	dma.local @!p0 [hbm:s6], $0xF7A  }
0x23: {  	s9 =	sor.u32 $0xD0000000, s2;
	s6 =	simm.s32 $0x108;
	_ =	swait.ge @!p0 [sflag:s8], $0x0  }
0x24: {  	s3 =	sadd.s32 $0x88, s3;
	s6 =	simm.s32 @!p1 $0x1082;
	[sflag:s4] =	ssyncset.s32 $0xFFFFF086  }
0x25: {  	[simem:s6], [sflag:s4] =	dma.local [hbm:s3], $0xF7A  }
0x26: {  	[smem:$0x3F9D] =	sst s1;
	(tag) =	ssettag s2;
	_ =	strace s9  }
0x27: {  	s1 =	sld [smem:$0x3FAD]  }
0x28: {  	s2 =	sld [smem:$0x3FAE]  }
0x29: {  	s4 =	sld [smem:$0x3FB0]  }
0x2a: {  	p0 =	seq.s32 s5, $0x0;
	s5 =	sld [smem:$0x3FB1]  }
0x2b: {  	s6 =	sld [smem:$0x3FB2]  }
0x2c: {  	s7 =	sld [smem:$0x3FB3]  }
0x2d: {  	s3 =	simm.s32 $0x108;
	s8 =	sld [smem:$0x3FB4]  }
0x2e: {  	s3 =	simm.s32 @!p0 $0x1082;
	s9 =	sld [smem:$0x3FB5]  }
0x2f: {  	lr =	sadd.s32 s0, s3;
	s0 =	sld [smem:$0x3FAC]  }
0x30: {  	s3 =	sld [smem:$0x3FAF]  }
0x31: {  	[smem:$0x3FB8] =	sst s10  }
0x32: {  	s10 =	sld [smem:$0x3FB6];
	_ =	sdelay $0x3  }
0x33: {  	p0 =	seq.s32 s10, $0x1;
	s10 =	sld [smem:$0x3FB8];
	_ =	sdelay $0x3  }
0x34: {  	[smem:$0x3FB8] =	sst s10  }
0x35: {  	s10 =	sld [smem:$0x3FB7];
	_ =	sdelay $0x3  }
0x36: {  	p1 =	seq.s32 s10, $0x1;
	s10 =	sld [smem:$0x3FB8];
	_ =	sdelay $0x3  }
0x37: {  	[smem:$0x3FB8] =	sst s10  }
0x38: {  	s10 =	sld [smem:$0x3FB9]  }
0x39: {  	_ = 	snop;
	(pc) =	sbr.ind lr, $3  }
0x3a: {  	_ = 	snop  }
0x3b: {  	_ = 	snop  }
0x3c: {  	p2 =	seq.s32 s10, $0x1;
	s10 =	sld [smem:$0x3FB8]  }
0x3d: {  	_ =	shalt  }
0x3e: {  	_ =	shalt  }
0x3f: {  	_ =	shalt  }
0x40: {  	_ =	shalt  }
0x41: {  	_ =	shalt  }
0x42: {  	_ =	shalt  }
0x43: {  	_ =	shalt  }
0x44: {  	_ =	shalt  }
0x45: {  	_ =	shalt  }
0x46: {  	_ =	shalt  }
0x47: {  	_ =	shalt  }
0x48: {  	_ =	shalt  }
0x49: {  	_ =	shalt  }
0x4a: {  	_ =	shalt  }
0x4b: {  	_ =	shalt  }
0x4c: {  	_ =	shalt  }
0x4d: {  	_ =	shalt  }
0x4e: {  	_ =	shalt  }
0x4f: {  	_ =	shalt  }
0x50: {  	_ =	shalt  }
0x51: {  	_ =	shalt  }
0x52: {  	_ =	shalt  }
0x53: {  	_ =	shalt  }
0x54: {  	_ =	shalt  }
0x55: {  	_ =	shalt  }
0x56: {  	_ =	shalt  }
0x57: {  	_ =	shalt  }
0x58: {  	_ =	shalt  }
0x59: {  	_ =	shalt  }
0x5a: {  	_ =	shalt  }
0x5b: {  	_ =	shalt  }
0x5c: {  	_ =	shalt  }
0x5d: {  	_ =	shalt  }
0x5e: {  	_ =	shalt  }
0x5f: {  	_ =	shalt  }
0x60: {  	_ =	shalt  }
0x61: {  	_ =	shalt  }
0x62: {  	_ =	shalt  }
0x63: {  	_ =	shalt  }
0x64: {  	_ =	shalt  }
0x65: {  	_ =	shalt  }
0x66: {  	_ =	shalt  }
0x67: {  	_ =	shalt  }
0x68: {  	_ =	shalt  }
0x69: {  	_ =	shalt  }
0x6a: {  	_ =	shalt  }
0x6b: {  	_ =	shalt  }
0x6c: {  	_ =	shalt  }
0x6d: {  	_ =	shalt  }
0x6e: {  	_ =	shalt  }
0x6f: {  	_ =	shalt  }
0x70: {  	_ =	shalt  }
0x71: {  	_ =	shalt  }
0x72: {  	_ =	shalt  }
0x73: {  	_ =	shalt  }
0x74: {  	_ =	shalt  }
0x75: {  	_ =	shalt  }
0x76: {  	_ =	shalt  }
0x77: {  	_ =	shalt  }
0x78: {  	_ =	shalt  }
0x79: {  	_ =	shalt  }
0x7a: {  	_ =	shalt  }
0x7b: {  	_ =	shalt  }
0x7c: {  	_ =	shalt  }
0x7d: {  	_ =	shalt  }
0x7e: {  	_ =	shalt  }
0x7f: {  	_ =	shalt  }
0x80: {  	_ =	shalt  }
0x81: {  	_ =	shalt  }
0x82: {  	_ =	shalt  }
0x83: {  	_ =	shalt  }
0x84: {  	_ =	shalt  }
0x85: {  	_ =	shalt  }
0x86: {  	_ =	shalt  }
0x87: {  	_ =	shalt  }
.Lfunc_end0:
.L_simem_size_0:
called_computation_lowered:
.L_overlay_start_0:
0x88: {  	s2 =	sld [smem:$0x3FD9]  }
0x89: {  	s3 =	sld [smem:$0x3FFE];
	_ =	sdelay $0x1  }
0x8a: {  	s1 =	srdreg.scid  }
0x8b: {  	s0 =	sand.u32 $0x1, s1  }
0x8c: {  	s16 =	sshll.u32 s0, $0xA;
	s2 =	sadd.s32 s3, s2  }
0x8d: {  	s2 =	sadd.s32 s2, s16  }
0x8e: {  	[smem:$0x3FC4] =	sst s2  }
0x8f: {  	_ = 	snop  }
0x90: {  	(tm) =	ssettm $0x1  }
0x91: {  	s17 =	sld [smem:$0x3FFB];
	_ =	sdelay $0x3  }
0x92: {  	_ =	strace s17  }
0x93: {  	s2 =	sld [smem:$0x3FFC];
	_ =	sdelay $0x3  }
0x94: {  	_ =	strace s2  }
0x95: {  	s2 =	sld [smem:$0x3FFD];
	_ =	sdelay $0x3  }
0x96: {  	_ =	strace s2  }
0x97: {  	_ =	strace $0x8FFFFFFF  }
0x98: {  	s18 =	sld [smem:$0x3FDB];
	_ =	sdelay $0x1  }
0x99: {  	s19 =	simm.s32 $_scs_section_size  }
0x9a: {  	s4 =	simm.s32 $_size__tile_overlayer_lowered;
	s5 =	simm.s32 $_tile_overlayer_lowered  }
0x9b: {  	s22 =	simm.s32 $0x1BFF;
	s21 =	sshll.u32 s5, $0x1;
	s2 =	sadd.s32 s19, s18  }
0x9c: {  	s6 =	simm.s32 $0x0;
	s20 =	sshll.u32 s4, $0x1;
	s4 =	sadd.s32 s21, s2  }
0x9d: {  	[timem:s6], [sflag:s22] =	dma.local [hbm:s4], s20  }
0x9e: {  	_ =	swait.ge [sflag:s22], s20  }
0x9f: {  	s3 =	ssub.s32 $0x0, s20;
	[sflag:s22] =	ssyncset.done $0x0  }
0xa0: {  	[sflag:s22] =	ssyncadd.s32 s3;
	_ =	sdelay $0x1  }
0xa1: {  	s23 =	simm.s32 $0x1B8B  }
0xa2: {  	_ =	swait.ge [sflag:s23], $0x1  }
0xa3: {  	[sflag:s23] =	ssyncset.done $0x0  }
0xa4: {  	s25 =	simm.s32 $0x1B8E;
	s24 =	sld [smem:$0x3FFE];
	[sflag:s23] =	ssyncadd.s32 $0xFFFFFFFF  }
0xa5: {  	s26 =	simm.s32 $execute0_lowered;
	[smem:$0x3FD2] =	sst s25  }
0xa6: {  	s4 =	sshll.u32 s26, $0x1;
	_ =	strace $0x80000046;
	[dreg:$0x1] =	wrdreg $0xFFFFFFFF  }
0xa7: {  	s28 =	simm.s32 $_size_execute0_lowered;
	s2 =	sadd.s32 s2, s4;
	[dreg:$0x0] =	wrdreg $0x0  }
0xa8: {  	s4 =	sshll.u32 s28, $0x1;
	[dreg:$0x2] =	wrdreg s2  }
0xa9: {  	[dreg:$0x3] =	wrdreg s4  }
0xaa: {  	[dreg:$0x4] =	wrdreg $0xC0  }
0xab: {  	_ =	task [dreg:s6], $0x5FFFF  }
0xac: {  	[dreg:$0x1] =	wrdreg $0xFFFFFFFF  }
0xad: {  	[dreg:$0x0] =	wrdreg $0x60  }
0xae: {  	[dreg:$0x2] =	wrdreg s24  }
0xaf: {  	[dreg:$0x3] =	wrdreg $0x150000  }
0xb0: {  	[dreg:$0x4] =	wrdreg $0xA  }
0xb1: {  	_ =	task.clear_ibuf [dreg:s6], $0x5FFFF;
	_ =	strace $0x90000046  }
0xb2: {  	s29 =	simm.s32 $0xA;
	_ =	strace $0x80000048  }
0xb3: {  	_ =	swait.ge [sflag:s29], $0x1  }
0xb4: {  	[sflag:s29] =	ssyncadd.s32 $0xFFFFFFFF  }
0xb5: {  	_ =	strace $0x90000048  }
0xb6: {  	_ =	sfence  }
0xb7: {  	s30 =	sld [smem:$0x0];
	_ =	sdelay $0x2  }
0xb8: {  	s31 =	sshll.u32 s1, $0xD;
	s1 =	sshrl.u32 s1, $0x2  }
0xb9: {  	s3 =	sand.u32 $0x4000, s31;
	s1 =	sadd.s32 s1, s30  }
0xba: {  	s0 =	sor.u32 s3, s0;
	s1 =	sshll.u32 s1, $0x11  }
0xbb: {  	s0 =	sor.u32 s1, s0  }
0xbc: {  	s0 =	sadd.s32 $0x8F2B, s0  }
0xbd: {  	[sflag:s0] =	ssyncadd.remote.s32 $0x1  }
0xbe: {  	_ =	sfence.sel $0xFFFF  }
0xbf: {  	[dreg:$0x0] =	wrdreg $0xFFFFFFFF;
	(pc) =	sbr.abs _section_cstart, $3  }
0xc0: {  	[dreg:$0x1] =	wrdreg $0xFFFFFFFF  }
0xc1: {  	_ =	task.clear_ibuf [dreg:s6], $0x2FFFF;
	_ =	strace $0x9FFFFFFF  }
0xc2: {  	(tm) =	ssettm $0x7FFFFFFF  }
0xc3: {  	_ =	shalt  }
tec
execute0_lowered:
.L_overlay_start_1:
0x0: {  	(tag) =	ssettag $0x1  }
0x1: {  	s5 =	rddreg [dreg:$0x0]  }
0x2: {  	s1 =	rddreg [dreg:$0x1]  }
0x3: {  	s0 =	rddreg [dreg:$0x2];
	s3 =	simm.s32 $0x0;
	s2 =	stileid.u32  }
0x4: {  	s6 =	srdreg.scid;
	s20 =	simm.s32 $0x8000;
	s21 =	simm.s32 $0x50  }
0x5: {  	s22 =	simm.s32 $0x12800;
	s24 =	simm.s32 $0x2;
	s25 =	simm.s32 $0x0  }
0x6: {  	[smem:$0x7FF] =	sst s3;
	s4 =	sadd.s32 $0x21600, s5;
	s12 =	smul.u32 $0xA400, s2  }
0x7: {  	s7 =	sshll.u32 s2, $0xC;
	s6 =	sand.u32 $0x1, s6;
	s9 =	smul.u32 $0x29000, s2  }
0x8: {  	s17 =	sadd.s32 $0x48800, s5;
	_ =	strace $0x80000047;
	s15 =	smul.u32 $0xA4000, s6  }
0x9: {  	s7 =	sadd.s32 s7, s5;
	s8 =	ssub.s32 $0x2, s6;
	s23 =	smul.u32 $0x1400, s6  }
0xa: {  	s28 =	sshrl.u32 s8, $0x1;
	s29 =	sadd.s32 $0xA000, s12;
	s6 =	sadd.s32 $0x11600, s7  }
0xb: {  	s7 =	sadd.s32 $0x1600, s7;
	s9 =	sshrl.u32 s9, $0x2;
	s16 =	sadd.s32 $0x2800, s12  }
0xc: {  	s18 =	sadd.s32 $0x5000, s12;
	s19 =	sadd.s32 $0x7800, s12;
	s10 =	ssub.s32 s8, s28  }
0xd: {  	s5 =	sadd.s32 s29, s1;
	s30 =	sadd.s32 s15, s29;
	s9 =	sadd.s32 s9, s1  }
0xe: {  	s11 =	sadd.s32 s16, s1;
	s14 =	sadd.s32 s15, s12;
	s12 =	sadd.s32 s18, s1  }
0xf: {  	s13 =	sadd.s32 s19, s1;
	s16 =	sadd.s32 s15, s16;
	s18 =	sadd.s32 s15, s18  }
0x10: {  	s19 =	sadd.s32 s15, s19;
	v0 =	vmov s23;
	s23 =	simm.s32 $0x1;
	s8 =	sshrl.u32 s30, $0x3  }
0x11: {  	s10 =	smax.u32 s10, $0x1;
	s14 =	sshrl.u32 s14, $0x3;
	s16 =	sshrl.u32 s16, $0x3  }
0x12: {  	s18 =	sshrl.u32 s18, $0x3;
	s31 =	sshrl.u32 s19, $0x3;
	s19 =	simm.s32 $0x3  }
0x13: {  	s8 =	sadd.s32 s17, s8;
	s14 =	sadd.s32 s17, s14;
	s15 =	sadd.s32 s17, s16  }
0x14: {  	v1 =	vimm.f32 $0.0e+00;
	s16 =	sadd.s32 s17, s18;
	s17 =	sadd.s32 s17, s31;
	s18 =	simm.s32 $0x10000  }
.LBB2_1:
0x15: {  	s26 =	simm.s32 $0x0;
	s28 =	simm.s32 $0x200  }
.LBB2_2:
0x16: {  	p0 =	sne.s32 s28, $0x9E00;
	[tilespmem:s26+$0x10070] =	vst v1  }
0x17: {  	[tilespmem:s26+$0x10000] =	vst v1  }
0x18: {  	[tilespmem:s26+$0x10010] =	vst v1  }
.Ltmp0:
0x19: {  	[tilespmem:s26+$0x10020] =	vst v1;
	(pc) =	sbr.rel @p0 .LBB2_2-.Ltmp0, $4  }
0x1a: {  	[tilespmem:s26+$0x10030] =	vst v1  }
0x1b: {  	[tilespmem:s26+$0x10040] =	vst v1  }
0x1c: {  	[tilespmem:s26+$0x10050] =	vst v1  }
0x1d: {  	[tilespmem:s26+$0x10060] =	vst v1;
	s26 =	sshra.s32 s28, $0x2;
	s28 =	sadd.s32 $0x200, s28  }
0x1e: {  	[tilespmem:s26+$0x10070] =	vst v1  }
0x1f: {  	[tilespmem:s26+$0x10000] =	vst v1  }
0x20: {  	[tilespmem:s26+$0x10010] =	vst v1  }
0x21: {  	[tilespmem:s26+$0x10020] =	vst v1  }
0x22: {  	[tilespmem:s26+$0x10030] =	vst v1  }
0x23: {  	[tilespmem:s26+$0x10040] =	vst v1  }
0x24: {  	[tilespmem:s26+$0x10050] =	vst v1  }
0x25: {  	[tilespmem:s26+$0x10060] =	vst v1  }
0x26: {  	[spmem:s9] =	stream.linear.scatter [tilespmem:s18], [sflag:$0x3], $0x2800, $0x38;
	[tilespmem:$0x1F400] =	vst v63  }
0x27: {  	_ =	swait.ge [sflag:s19], $0x2800  }
0x28: {  	[sflag:s19] =	ssyncset.done $0x0  }
0x29: {  	[sflag:s19] =	ssyncadd.s32 $0xFFFFD800  }
0x2a: {  	[spmem:s11] =	stream.linear.scatter [tilespmem:s18], [sflag:$0x3], $0x2800, $0x38;
	[tilespmem:$0x1F400] =	vst v63  }
0x2b: {  	_ =	swait.ge [sflag:s19], $0x2800  }
0x2c: {  	[sflag:s19] =	ssyncset.done $0x0  }
0x2d: {  	[sflag:s19] =	ssyncadd.s32 $0xFFFFD800  }
0x2e: {  	[spmem:s12] =	stream.linear.scatter [tilespmem:s18], [sflag:$0x3], $0x2800, $0x38;
	[tilespmem:$0x1F400] =	vst v63  }
0x2f: {  	_ =	swait.ge [sflag:s19], $0x2800  }
0x30: {  	[sflag:s19] =	ssyncset.done $0x0  }
0x31: {  	[sflag:s19] =	ssyncadd.s32 $0xFFFFD800  }
0x32: {  	[spmem:s13] =	stream.linear.scatter [tilespmem:s18], [sflag:$0x3], $0x2800, $0x38;
	[tilespmem:$0x1F400] =	vst v63  }
0x33: {  	_ =	swait.ge [sflag:s19], $0x2800  }
0x34: {  	[sflag:s19] =	ssyncset.done $0x0  }
0x35: {  	[sflag:s19] =	ssyncadd.s32 $0xFFFFD800  }
0x36: {  	[spmem:s5] =	stream.linear.scatter [tilespmem:s18], [sflag:$0x3], $0x400, $0x38;
	[tilespmem:$0x1F400] =	vst v63  }
0x37: {  	_ =	swait.ge [sflag:s19], $0x400  }
0x38: {  	[sflag:s19] =	ssyncset.done $0x0  }
0x39: {  	s31 =	simm.s32 $0x0;
	[sflag:s19] =	ssyncadd.s32 $0xFFFFFC00  }
0x3a: {  	[tilespmem:s31], [sflag:$0x3] =	stream.linear.gather [hbm4b:s6+s31], $0x7D00, $0x38;
	[tilespmem:$0x1F400] =	vst v63  }
0x3b: {  	_ =	swait.ge [sflag:s19], $0x7D00  }
0x3c: {  	[sflag:s19] =	ssyncset.done $0x0  }
0x3d: {  	[sflag:s19] =	ssyncadd.s32 $0xFFFF8300  }
0x3e: {  	[tilespmem:s20], [sflag:$0x3] =	stream.linear.gather [hbm4b:s7+s31], $0x7D00, $0x38;
	[tilespmem:$0x1F400] =	vst v63  }
0x3f: {  	_ =	swait.ge [sflag:s19], $0x7D00  }
0x40: {  	[sflag:s19] =	ssyncset.done $0x0  }
0x41: {  	s28 =	simm.s32 $0x0;
	[sflag:s19] =	ssyncadd.s32 $0xFFFF8300  }
0x42: {  	v2 =	vld [tilespmem:s28+$0x30]  }
0x43: {  	v4 =	vld [tilespmem:s28+$0x20]  }
0x44: {  	v3 =	vld [tilespmem:s28+$0x0];
	_ =	sdelay $0x2  }
0x45: {  	v6 =	vld [tilespmem:s28+$0x10];
	v5 =	vsub.s32 v2, v0;
	v2 =	vand.u32 $0x7F, v2  }
0x46: {  	v8 =	vand.u32 $0x7F, v4;
	vm0 =	vgt.u32 v5, $0x13FF;
	v2 =	vor.u32 $0x1400, v2  }
0x47: {  	v2 =	vsel vm0, v2, v5;
	v5 =	vsub.s32 v3, v0;
	v3 =	vand.u32 $0x7F, v3  }
0x48: {  	s26 =	simm.s32 $0x80;
	v7 =	vld [tilespmem:s28+$0x40];
	[tilespmem:s28+$0x30] =	vst v2;
	vm13 =	vgt.u32 v5, $0x13FF;
	v2 =	vor.u32 $0x1400, v3;
	v3 =	vsub.s32 v4, v0  }
0x49: {  	v4 =	vld [tilespmem:s26+$0x30];
	v2 =	vsel vm13, v2, v5;
	vm14 =	vgt.u32 v3, $0x13FF;
	v5 =	vor.u32 $0x1400, v8  }
0x4a: {  	v8 =	vsub.s32 v6, v0;
	[tilespmem:s28+$0x0] =	vst v2;
	v2 =	vand.u32 $0x7F, v6;
	v5 =	vsel vm14, v5, v3  }
0x4b: {  	vm15 =	vgt.u32 v8, $0x13FF;
	v3 =	vld [tilespmem:s26+$0x0];
	v6 =	vor.u32 $0x1400, v2;
	[tilespmem:s28+$0x20] =	vst v5  }
0x4c: {  	v2 =	vld [tilespmem:s26+$0x20];
	v5 =	vsel vm15, v6, v8  }
0x4d: {  	s29 =	simm.s32 $0x400;
	v6 =	vand.u32 $0x7F, v7;
	[tilespmem:s28+$0x10] =	vst v5;
	v5 =	vsub.s32 v7, v0  }
.LBB2_4:
0x4e: {  	s30 =	sshra.s32 s29, $0x2;
	p0 =	sne.s32 s29, $0x1F200;
	s29 =	sadd.s32 $0x200, s29;
	v7 =	vsub.s32 v4, v0;
	v4 =	vand.u32 $0x7F, v4;
	v6 =	vor.u32 $0x1400, v6  }
0x4f: {  	vm1 =	vgt.u32 v5, $0x13FF;
	v8 =	vld [tilespmem:s26+$0x10];
	vm0 =	vgt.u32 v7, $0x13FF;
	v4 =	vor.u32 $0x1400, v4  }
0x50: {  	v5 =	vsel vm1, v6, v5;
	v9 =	vsub.s32 v3, v0;
	v4 =	vsel vm0, v4, v7  }
0x51: {  	v3 =	vand.u32 $0x7F, v3;
	vm0 =	vgt.u32 v9, $0x13FF;
	v6 =	vsub.s32 v2, v0;
	[tilespmem:s28+$0x40] =	vst v5;
	s28 =	smov.u32 s26;
	s26 =	smov.u32 s30  }
0x52: {  	v3 =	vor.u32 $0x1400, v3;
	v2 =	vand.u32 $0x7F, v2;
	vm1 =	vgt.u32 v6, $0x13FF;
	[tilespmem:s28+$0x30] =	vst v4;
	v7 =	vld [tilespmem:s28+$0x40]  }
.Ltmp1:
0x53: {  	v3 =	vsel vm0, v3, v9;
	v2 =	vor.u32 $0x1400, v2;
	v4 =	vld [tilespmem:s26+$0x30];
	(pc) =	sbr.rel @p0 .LBB2_4-.Ltmp1, $4  }
0x54: {  	v2 =	vsel vm1, v2, v6;
	[tilespmem:s28+$0x0] =	vst v3;
	v5 =	vsub.s32 v8, v0;
	v8 =	vand.u32 $0x7F, v8  }
0x55: {  	v3 =	vld [tilespmem:s26+$0x0];
	vm0 =	vgt.u32 v5, $0x13FF;
	v6 =	vor.u32 $0x1400, v8;
	[tilespmem:s28+$0x20] =	vst v2  }
0x56: {  	v2 =	vld [tilespmem:s26+$0x20];
	v5 =	vsel vm0, v6, v5  }
0x57: {  	[tilespmem:s28+$0x10] =	vst v5;
	v5 =	vsub.s32 v7, v0;
	v6 =	vand.u32 $0x7F, v7  }
0x58: {  	v6 =	vor.u32 $0x1400, v6;
	vm0 =	vgt.u32 v5, $0x13FF  }
0x59: {  	v7 =	vsub.s32 v4, v0;
	v58 =	vand.u32 $0x7F, v4;
	v8 =	vld [tilespmem:s26+$0x10];
	v5 =	vsel vm0, v6, v5  }
0x5a: {  	vm1 =	vgt.u32 v7, $0x13FF;
	v4 =	vor.u32 $0x1400, v58;
	[tilespmem:s28+$0x40] =	vst v5  }
0x5b: {  	v4 =	vsel vm1, v4, v7;
	v59 =	vsub.s32 v3, v0;
	v5 =	vld [tilespmem:s26+$0x40]  }
0x5c: {  	v3 =	vand.u32 $0x7F, v3;
	vm12 =	vgt.u32 v59, $0x13FF;
	v60 =	vsub.s32 v2, v0  }
0x5d: {  	v3 =	vor.u32 $0x1400, v3;
	v2 =	vand.u32 $0x7F, v2;
	vm13 =	vgt.u32 v60, $0x13FF  }
0x5e: {  	v3 =	vsel vm12, v3, v59;
	v2 =	vor.u32 $0x1400, v2;
	v61 =	vsub.s32 v8, v0  }
0x5f: {  	[tilespmem:s26+$0x30] =	vst v4;
	v62 =	vand.u32 $0x7F, v8;
	v2 =	vsel vm13, v2, v60;
	vm14 =	vgt.u32 v61, $0x13FF  }
0x60: {  	[tilespmem:s26+$0x0] =	vst v3;
	v3 =	vor.u32 $0x1400, v62;
	v63 =	vsub.s32 v5, v0;
	v5 =	vand.u32 $0x7F, v5  }
0x61: {  	[tilespmem:s26+$0x20] =	vst v2;
	v2 =	vsel vm14, v3, v61;
	v3 =	vor.u32 $0x1400, v5;
	vm15 =	vgt.u32 v63, $0x13FF  }
0x62: {  	[tilespmem:s26+$0x10] =	vst v2;
	v2 =	vsel vm15, v3, v63  }
0x63: {  	[tilespmem:s26+$0x40] =	vst v2  }
0x64: {  	s31 =	simm.s32 $0x8000;
	[bflag:$0x0] =	sbarrier.arrive $0xFFFF  }
0x65: {  	[tilespmem:s18], [sflag:$0x1] =	stream.indirect.gather [hbm4b:s4+s21], $0x80, s31, s21, $0xb8;
	[tilespmem:$0x1F400] =	vst v63  }
0x66: {  	s29 =	simm.s32 $0x8080  }
0x67: {  	[tilespmem:s22], [sflag:$0x2] =	stream.indirect.gather [hbm4b:s4+s21], $0x80, s29, s21, $0xb8;
	[tilespmem:$0x1F400] =	vst v63  }
0x68: {  	_ =	swait.ge [sflag:s23], $0x2800  }
0x69: {  	[sflag:s23] =	ssyncset.done $0x0  }
0x6a: {  	[sflag:s23] =	ssyncadd.s32 $0xFFFFD800  }
0x6b: {  	_ =	swait.ge [sflag:s24], $0x2800  }
0x6c: {  	[sflag:s24] =	ssyncset.done $0x0  }
0x6d: {  	s30 =	simm.s32 $0x0;
	[sflag:s24] =	ssyncadd.s32 $0xFFFFD800  }
0x6e: {  	[spmem:s1] =	stream.indirect.scatter.add.f32 [tilespmem:s18], [sflag:$0x1], $0x80, s30, s21, $0xb8;
	[tilespmem:$0x1F400] =	vst v63  }
0x6f: {  	s31 =	simm.s32 $0x80  }
0x70: {  	[spmem:s1] =	stream.indirect.scatter.add.f32 [tilespmem:s22], [sflag:$0x2], $0x80, s31, s21, $0xb8;
	[tilespmem:$0x1F400] =	vst v63  }
0x71: {  	_ =	swait.ge [sflag:s23], $0x2800  }
0x72: {  	[sflag:s23] =	ssyncset.done $0x0  }
0x73: {  	[sflag:s23] =	ssyncadd.s32 $0xFFFFD800  }
0x74: {  	_ =	swait.ge [sflag:s24], $0x2800  }
0x75: {  	s28 =	simm.s32 $0x800;
	s26 =	simm.s32 $0x100;
	[sflag:s24] =	ssyncset.done $0x0  }
.LBB2_6:
0x76: {  	s29 =	sadd.s32 $0x8000, s26  }
0x77: {  	[sflag:s24] =	ssyncadd.s32 $0xFFFFD800;
	s30 =	smov.u32 s28;
	s31 =	sadd.s32 $0x400, s28  }
0x78: {  	[tilespmem:s18], [sflag:$0x1] =	stream.indirect.gather [hbm4b:s4+s21], $0x80, s29, s21, $0xb8;
	[tilespmem:$0x1F400] =	vst v63  }
0x79: {  	p0 =	sne.s32 s28, $0x1F000;
	s28 =	sadd.s32 $0x8080, s26  }
0x7a: {  	[tilespmem:s22], [sflag:$0x2] =	stream.indirect.gather [hbm4b:s4+s21], $0x80, s28, s21, $0xb8;
	[tilespmem:$0x1F400] =	vst v63  }
0x7b: {  	_ =	swait.ge [sflag:s23], $0x2800  }
0x7c: {  	[sflag:s23] =	ssyncset.done $0x0  }
0x7d: {  	[sflag:s23] =	ssyncadd.s32 $0xFFFFD800  }
0x7e: {  	_ =	swait.ge [sflag:s24], $0x2800  }
0x7f: {  	[sflag:s24] =	ssyncset.done $0x0  }
0x80: {  	[sflag:s24] =	ssyncadd.s32 $0xFFFFD800  }
0x81: {  	[spmem:s1] =	stream.indirect.scatter.add.f32 [tilespmem:s18], [sflag:$0x1], $0x80, s26, s21, $0xb8;
	[tilespmem:$0x1F400] =	vst v63  }
0x82: {  	s26 =	sadd.s32 $0x80, s26  }
0x83: {  	[spmem:s1] =	stream.indirect.scatter.add.f32 [tilespmem:s22], [sflag:$0x2], $0x80, s26, s21, $0xb8;
	[tilespmem:$0x1F400] =	vst v63  }
.Ltmp2:
0x84: {  	_ =	swait.ge [sflag:s23], $0x2800;
	(pc) =	sbr.rel @p0 .LBB2_6-.Ltmp2, $4  }
0x85: {  	[sflag:s23] =	ssyncset.done $0x0  }
0x86: {  	[sflag:s23] =	ssyncadd.s32 $0xFFFFD800  }
0x87: {  	_ =	swait.ge [sflag:s24], $0x2800  }
0x88: {  	s28 =	smov.u32 s31;
	s26 =	sshra.s32 s30, $0x2;
	[sflag:s24] =	ssyncset.done $0x0  }
0x89: {  	s28 =	sadd.s32 $0x8000, s26;
	[sflag:s24] =	ssyncadd.s32 $0xFFFFD800  }
0x8a: {  	[tilespmem:s18], [sflag:$0x1] =	stream.indirect.gather [hbm4b:s4+s21], $0x80, s28, s21, $0xb8;
	[tilespmem:$0x1F400] =	vst v63  }
0x8b: {  	s30 =	sadd.s32 $0x8080, s26  }
0x8c: {  	[tilespmem:s22], [sflag:$0x2] =	stream.indirect.gather [hbm4b:s4+s21], $0x80, s30, s21, $0xb8;
	[tilespmem:$0x1F400] =	vst v63  }
0x8d: {  	_ =	swait.ge [sflag:s23], $0x2800  }
0x8e: {  	[sflag:s23] =	ssyncset.done $0x0  }
0x8f: {  	[sflag:s23] =	ssyncadd.s32 $0xFFFFD800  }
0x90: {  	_ =	swait.ge [sflag:s24], $0x2800  }
0x91: {  	[sflag:s24] =	ssyncset.done $0x0  }
0x92: {  	[sflag:s24] =	ssyncadd.s32 $0xFFFFD800  }
0x93: {  	[spmem:s1] =	stream.indirect.scatter.add.f32 [tilespmem:s18], [sflag:$0x1], $0x80, s26, s21, $0xb8;
	[tilespmem:$0x1F400] =	vst v63  }
0x94: {  	s31 =	sadd.s32 $0x80, s26  }
0x95: {  	[spmem:s1] =	stream.indirect.scatter.add.f32 [tilespmem:s22], [sflag:$0x2], $0x80, s31, s21, $0xb8;
	[tilespmem:$0x1F400] =	vst v63  }
0x96: {  	_ =	swait.ge [sflag:s23], $0x2800  }
0x97: {  	[sflag:s23] =	ssyncset.done $0x0  }
0x98: {  	[sflag:s23] =	ssyncadd.s32 $0xFFFFD800  }
0x99: {  	_ =	swait.ge [sflag:s24], $0x2800  }
0x9a: {  	[sflag:s24] =	ssyncset.done $0x0  }
0x9b: {  	[sflag:s24] =	ssyncadd.s32 $0xFFFFD800  }
0x9c: {  	[bflag:$0x0] =	sbarrier.arrive $0xFFFF  }
0x9d: {  	[tilespmem:s18], [sflag:$0x3] =	stream.linear.gather [spmem:s9], $0x2800, $0x38;
	[tilespmem:$0x1F400] =	vst v63  }
0x9e: {  	_ =	swait.ge [sflag:s19], $0x2800  }
0x9f: {  	[sflag:s19] =	ssyncset.done $0x0  }
0xa0: {  	[sflag:s19] =	ssyncadd.s32 $0xFFFFD800  }
0xa1: {  	[hbm4b:s14+s3] =	stream.linear.scatter [tilespmem:s18], [sflag:$0x3], $0x2800, $0x38;
	[tilespmem:$0x1F400] =	vst v63  }
0xa2: {  	_ =	swait.ge [sflag:s19], $0x2800  }
0xa3: {  	[sflag:s19] =	ssyncset.done $0x0  }
0xa4: {  	[sflag:s19] =	ssyncadd.s32 $0xFFFFD800  }
0xa5: {  	[tilespmem:s18], [sflag:$0x3] =	stream.linear.gather [spmem:s11], $0x2800, $0x38;
	[tilespmem:$0x1F400] =	vst v63  }
0xa6: {  	_ =	swait.ge [sflag:s19], $0x2800  }
0xa7: {  	[sflag:s19] =	ssyncset.done $0x0  }
0xa8: {  	[sflag:s19] =	ssyncadd.s32 $0xFFFFD800  }
0xa9: {  	[hbm4b:s15+s3] =	stream.linear.scatter [tilespmem:s18], [sflag:$0x3], $0x2800, $0x38;
	[tilespmem:$0x1F400] =	vst v63  }
0xaa: {  	_ =	swait.ge [sflag:s19], $0x2800  }
0xab: {  	[sflag:s19] =	ssyncset.done $0x0  }
0xac: {  	[sflag:s19] =	ssyncadd.s32 $0xFFFFD800  }
0xad: {  	[tilespmem:s18], [sflag:$0x3] =	stream.linear.gather [spmem:s12], $0x2800, $0x38;
	[tilespmem:$0x1F400] =	vst v63  }
0xae: {  	_ =	swait.ge [sflag:s19], $0x2800  }
0xaf: {  	[sflag:s19] =	ssyncset.done $0x0  }
0xb0: {  	[sflag:s19] =	ssyncadd.s32 $0xFFFFD800  }
0xb1: {  	[hbm4b:s16+s3] =	stream.linear.scatter [tilespmem:s18], [sflag:$0x3], $0x2800, $0x38;
	[tilespmem:$0x1F400] =	vst v63  }
0xb2: {  	_ =	swait.ge [sflag:s19], $0x2800  }
0xb3: {  	[sflag:s19] =	ssyncset.done $0x0  }
0xb4: {  	[sflag:s19] =	ssyncadd.s32 $0xFFFFD800  }
0xb5: {  	[tilespmem:s18], [sflag:$0x3] =	stream.linear.gather [spmem:s13], $0x2800, $0x38;
	[tilespmem:$0x1F400] =	vst v63  }
0xb6: {  	_ =	swait.ge [sflag:s19], $0x2800  }
0xb7: {  	[sflag:s19] =	ssyncset.done $0x0  }
0xb8: {  	[sflag:s19] =	ssyncadd.s32 $0xFFFFD800  }
0xb9: {  	[hbm4b:s17+s3] =	stream.linear.scatter [tilespmem:s18], [sflag:$0x3], $0x2800, $0x38;
	[tilespmem:$0x1F400] =	vst v63  }
0xba: {  	_ =	swait.ge [sflag:s19], $0x2800  }
0xbb: {  	[sflag:s19] =	ssyncset.done $0x0  }
0xbc: {  	[sflag:s19] =	ssyncadd.s32 $0xFFFFD800  }
0xbd: {  	[tilespmem:s18], [sflag:$0x3] =	stream.linear.gather [spmem:s5], $0x400, $0x38;
	[tilespmem:$0x1F400] =	vst v63  }
0xbe: {  	s25 =	sadd.s32 $0x1, s25;
	_ =	swait.ge [sflag:s19], $0x400  }
0xbf: {  	p0 =	sne.s32 s25, s10;
	[sflag:s19] =	ssyncset.done $0x0  }
.Ltmp3:
0xc0: {  	[sflag:s19] =	ssyncadd.s32 $0xFFFFFC00;
	(pc) =	sbr.rel @p0 .LBB2_1-.Ltmp3, $4  }
0xc1: {  	[hbm4b:s8+s3] =	stream.linear.scatter [tilespmem:s18], [sflag:$0x3], $0x400, $0x38;
	[tilespmem:$0x1F400] =	vst v63  }
0xc2: {  	_ =	swait.ge [sflag:s19], $0x400  }
0xc3: {  	[sflag:s19] =	ssyncset.done $0x0  }
0xc4: {  	[sflag:s19] =	ssyncadd.s32 $0xFFFFFC00  }
0xc5: {  	_ =	sfence.sel $0x180000  }
0xc6: {  	[bflag:$0x0] =	sbarrier.arrive $0xFFFF  }
0xc7: {  	p0 =	sne.s32 s2, $0x0;
	_ =	strace $0x90000047  }
0xc8: {  	s0 =	sadd.s32 @!p0 $0x100000, s0;
	[bflag:$0x2] =	sbarrier.arrive $0xFFFF  }
0xc9: {  	[sflag:s0] =	ssyncadd.tile.s32 @!p0 $0x1;
	_ =	shalt  }
.Lfunc_end2:
_tile_overlayer_lowered:
.L_overlay_start_2:
0xca: {  	(tag) =	ssettag $0x2  }
0xcb: {  	s0 =	rddreg [dreg:$0x0];
	s2 =	stileid.u32  }
0xcc: {  	s1 =	rddreg [dreg:$0x1];
	p0 =	sne.s32 s2, $0x0  }
0xcd: {  	s3 =	rddreg [dreg:$0x2];
	[bflag:$0x3] =	sbarrier.arrive $0xFFFF;
	s2 =	simm.s32 @!p0 $0x1C03  }
0xce: {  	[timem:s3], [sflag:s2] =	dma.local @!p0 [hbm:s0], s1  }
0xcf: {  	s0 =	simm.s32 @!p0 $0x3  }
0xd0: {  	_ =	swait.ge @!p0 [sflag:s0], s1  }
0xd1: {  	s1 =	ssub.s32 @!p0 $0x0, s1;
	[sflag:s0] =	ssyncset.done @!p0 $0x0  }
0xd2: {  	[sflag:s0] =	ssyncadd.s32 @!p0 s1  }
0xd3: {  	[bflag:$0x3] =	sbarrier.arrive $0xFFFF  }
0xd4: {  	_ =	shalt  }

</sc_bundles>
